<compile_context>
chip_gen: v7x
topology: tpu7x:2x2x1
jax: 0.10.2.dev20260603
libtpu: 0.0.44.dev20260713+nightly
codegen_flags: <defaults>
</compile_context>

<pallas_src>
import functools

import jax
import jax.numpy as jnp
from jax import lax
from jax.experimental import pallas as pl
from jax.experimental.pallas import tpu as pltpu
from jax.experimental.pallas import tpu_sc as plsc

N = 10000
E = 160000
G = 16
NPAD = 10240
EPAD = 163840
EB = 128
NB2 = EPAD // 16 // EB
NBH = NB2 // 2
STRIPE = NPAD // 16
RB = 2048
NRB = NPAD // RB
F32 = jnp.float32
HI = jax.lax.Precision.HIGHEST
_DN = (((1,), (0,)), ((), ()))


def _dot_x3(a, b):
    ah = a.astype(jnp.bfloat16)
    al = (a - ah.astype(F32)).astype(jnp.bfloat16)
    bh = b.astype(jnp.bfloat16)
    bl = (b - bh.astype(F32)).astype(jnp.bfloat16)

    def d(x, y):
        return lax.dot_general(x, y, _DN, preferred_element_type=F32)

    return d(ah, bl) + d(al, bh) + d(ah, bh)



def _sc_mesh():
    return plsc.VectorSubcoreMesh(core_axis_name="c", subcore_axis_name="s")


def _make_sc_deg():
    scratch = [
        pltpu.VMEM((NBH, EB), jnp.int32),
        pltpu.VMEM((EB, 128), F32),
        pltpu.VMEM_SHARED((NPAD, 128), F32),
    ]
    out_t = [jax.ShapeDtypeStruct((NPAD, 128), F32)] * 2

    @functools.partial(pl.kernel, mesh=_sc_mesh(), out_type=out_t,
                       scratch_types=scratch)
    def k(dst_hbm, ones_hbm, zero_hbm, d0_hbm, d1_hbm, dst_all, ones_v, acc):
        core = lax.axis_index("c")
        sub = lax.axis_index("s")
        wid = sub * 2 + core
        b0 = wid * NBH
        stripe0 = sub * STRIPE
        pltpu.sync_copy(ones_hbm, ones_v)
        pltpu.sync_copy(dst_hbm.at[pl.ds(b0, NBH), :], dst_all)
        pltpu.sync_copy(zero_hbm, acc.at[pl.ds(stripe0, STRIPE), :])
        plsc.subcore_barrier()

        def step(i, carry):
            pltpu.sync_copy(ones_v, acc.at[dst_all.at[i]], add=True)
            return carry

        lax.fori_loop(0, NBH, step, 0)
        plsc.subcore_barrier()

        @pl.when(core == 0)
        def _():
            pltpu.sync_copy(acc.at[pl.ds(stripe0, STRIPE), :],
                            d0_hbm.at[pl.ds(stripe0, STRIPE), :])

        @pl.when(core == 1)
        def _():
            pltpu.sync_copy(acc.at[pl.ds(stripe0, STRIPE), :],
                            d1_hbm.at[pl.ds(stripe0, STRIPE), :])

    return k


def _make_sc_scatter(n_chunks):
    cpc = (n_chunks + 1) // 2
    scratch = [
        pltpu.VMEM((NBH, EB), jnp.int32),
        pltpu.VMEM((NBH, EB), jnp.int32),
        pltpu.VMEM((2, EB, 128), F32),
        pltpu.VMEM_SHARED((NPAD, 128), F32),
        pltpu.SemaphoreType.DMA((2,)),
    ]
    out_t = [jax.ShapeDtypeStruct((NPAD, 128), F32)] * n_chunks

    @functools.partial(pl.kernel, mesh=_sc_mesh(), out_type=out_t,
                       scratch_types=scratch)
    def k(src_hbm, dst_hbm, zero_hbm, *rest):
        p_refs = rest[:n_chunks]
        s_refs = rest[n_chunks:2 * n_chunks]
        src_all, dst_all, rows, acc, sem = rest[2 * n_chunks:]
        core = lax.axis_index("c")
        sub = lax.axis_index("s")
        b0 = sub * NB2
        stripe0 = sub * STRIPE

        def process(p_ref, s_ref):
            pltpu.sync_copy(zero_hbm, acc.at[pl.ds(stripe0, STRIPE), :])
            plsc.subcore_barrier()

            for h in range(2):
                pltpu.sync_copy(src_hbm.at[pl.ds(b0 + h * NBH, NBH), :],
                                src_all)
                pltpu.sync_copy(dst_hbm.at[pl.ds(b0 + h * NBH, NBH), :],
                                dst_all)

                pltpu.async_copy(p_ref.at[src_all.at[0]], rows.at[0],
                                 sem.at[0])

                def step(i, carry):
                    par = lax.rem(i, 2)
                    nxt = lax.rem(i + 1, 2)

                    @pl.when(i + 1 < NBH)
                    def _():
                        pltpu.async_copy(p_ref.at[src_all.at[i + 1]],
                                         rows.at[nxt], sem.at[nxt])

                    pltpu.make_async_copy(p_ref.at[src_all.at[i]],
                                          rows.at[par], sem.at[par]).wait()
                    pltpu.sync_copy(rows.at[par], acc.at[dst_all.at[i]],
                                    add=True)
                    return carry

                lax.fori_loop(0, NBH, step, 0)
            plsc.subcore_barrier()
            pltpu.sync_copy(acc.at[pl.ds(stripe0, STRIPE), :],
                            s_ref.at[pl.ds(stripe0, STRIPE), :])

        for li in range(cpc):
            c0 = li
            c1 = cpc + li

            @pl.when(core == 0)
            def _(c0=c0):
                process(p_refs[c0], s_refs[c0])

            if c1 < n_chunks:
                @pl.when(core == 1)
                def _(c1=c1):
                    process(p_refs[c1], s_refs[c1])

    return k



def _t1_body(x_ref, w_ref, dega_ref, degb_ref, dinv_ref, *p_refs):
    c = pl.program_id(1)
    deg = dega_ref[:, 0:1] + degb_ref[:, 0:1] + 1.0
    dinv = jax.lax.rsqrt(deg)
    dinv_ref[...] = jnp.broadcast_to(dinv, (RB, 128))
    h = _dot_x3(x_ref[...], w_ref[...])
    pch = dinv * h
    for j, pr in enumerate(p_refs):
        @pl.when(c == j)
        def _(pr=pr):
            pr[...] = pch


def _t1(xp, w1, dega, degb):
    grid = (NRB, 4)
    return pl.pallas_call(
        _t1_body,
        grid=grid,
        in_specs=[
            pl.BlockSpec((RB, 256), lambda r, c: (r, 0)),
            pl.BlockSpec((256, 128), lambda r, c: (0, c)),
            pl.BlockSpec((RB, 128), lambda r, c: (r, 0)),
            pl.BlockSpec((RB, 128), lambda r, c: (r, 0)),
        ],
        out_specs=[pl.BlockSpec((RB, 128), lambda r, c: (r, 0))] * 5,
        out_shape=[jax.ShapeDtypeStruct((NPAD, 128), F32)] * 5,
    )(xp, w1, dega, degb)


def _make_t_mid(d_in, nc_out):
    nc_in = d_in // 128

    def body(*refs):
        s = refs[:nc_in]
        p = refs[nc_in:2 * nc_in]
        dinv_ref, b_ref, w_ref = refs[2 * nc_in:2 * nc_in + 3]
        out_refs = refs[2 * nc_in + 3:2 * nc_in + 3 + nc_out]
        (u_ref,) = refs[2 * nc_in + 3 + nc_out:]
        c = pl.program_id(1)
        dinv = dinv_ref[:, 0:1]

        @pl.when(c == 0)
        def _():
            parts = [s[j][...] + p[j][...] for j in range(nc_in)]
            sp = jnp.concatenate(parts, axis=1)
            u_ref[...] = jnp.maximum(dinv * sp + b_ref[...], 0.0)

        h = _dot_x3(u_ref[...], w_ref[...])
        pch = dinv * h
        for j, pr in enumerate(out_refs):
            @pl.when(c == j)
            def _(pr=pr):
                pr[...] = pch

    def call(s_parts, p_parts, dinv, b_row, w):
        grid = (NRB, nc_out)
        in_specs = (
            [pl.BlockSpec((RB, 128), lambda r, c: (r, 0))] * nc_in
            + [pl.BlockSpec((RB, 128), lambda r, c: (r, 0))] * nc_in
            + [
                pl.BlockSpec((RB, 128), lambda r, c: (r, 0)),
                pl.BlockSpec((1, d_in), lambda r, c: (0, 0)),
                pl.BlockSpec((d_in, 128), lambda r, c: (0, c)),
            ]
        )
        return pl.pallas_call(
            body,
            grid=grid,
            in_specs=in_specs,
            out_specs=[pl.BlockSpec((RB, 128), lambda r, c: (r, 0))] * nc_out,
            out_shape=[jax.ShapeDtypeStruct((NPAD, 128), F32)] * nc_out,
            scratch_shapes=[pltpu.VMEM((RB, d_in), F32)],
        )(*s_parts, *p_parts, dinv, b_row, w)

    return call


def _t4_body(s0_ref, s1_ref, p0_ref, p1_ref, dinv_ref, b_ref, bat_ref,
             lw1_ref, lb1_ref, lw2_ref, lb2_ref, lw3_ref, lb3_ref, out_ref):
    dinv = dinv_ref[:, 0:1]
    u0 = s0_ref[...] + p0_ref[...]
    u1 = s1_ref[...] + p1_ref[...]
    u = jnp.concatenate([u0, u1], axis=1)
    u = jnp.maximum(dinv * u + b_ref[...], 0.0)
    bat = bat_ref[...]
    onehot = (bat == lax.broadcasted_iota(jnp.int32, (G, NPAD), 0)).astype(F32)
    gsum = jnp.dot(onehot, u, preferred_element_type=F32, precision=HI)
    counts = jnp.sum(onehot, axis=1, keepdims=True)
    g = gsum / jnp.maximum(counts, 1.0)
    g = jnp.maximum(_dot_x3(g, lw1_ref[...]) + lb1_ref[...], 0.0)
    g = jnp.maximum(_dot_x3(g, lw2_ref[...]) + lb2_ref[...], 0.0)
    g = jnp.maximum(_dot_x3(g, lw3_ref[...]) + lb3_ref[...], 0.0)
    out_ref[...] = g


def _t4(s_parts, p_parts, dinv, b_row, bat_row, lw1, lb1, lw2, lb2, lw3, lb3):
    return pl.pallas_call(
        _t4_body,
        out_shape=jax.ShapeDtypeStruct((G, 8), F32),
    )(*s_parts, *p_parts, dinv, b_row, bat_row,
      lw1, lb1, lw2, lb2, lw3, lb3)



_sc_scatter = functools.lru_cache(maxsize=None)(_make_sc_scatter)
_sc_deg = functools.lru_cache(maxsize=None)(_make_sc_deg)
_t2 = _make_t_mid(512, 4)
_t3 = _make_t_mid(512, 2)


def kernel(x, edge_index, batch, W1, b1, W2, b2, W3, b3,
           LW1, Lb1, LW2, Lb2, LW3, Lb3):
    src = jnp.concatenate(
        [edge_index[0].astype(jnp.int32),
         jnp.zeros((EPAD - E,), jnp.int32)]).reshape(EPAD // EB, EB)
    dst = jnp.concatenate(
        [edge_index[1].astype(jnp.int32),
         jnp.full((EPAD - E,), N, jnp.int32)]).reshape(EPAD // EB, EB)
    bat_row = jnp.concatenate(
        [batch.astype(jnp.int32),
         jnp.full((NPAD - N,), G, jnp.int32)]).reshape(1, NPAD)
    xp = jnp.pad(x, ((0, NPAD - N), (0, 0)))
    zeros128 = jnp.zeros((STRIPE, 128), F32)
    ones128 = jnp.ones((EB, 128), F32)

    dega, degb = _sc_deg()(dst, ones128, zeros128)
    dinv, *p1 = _t1(xp, W1, dega, degb)
    s1 = _sc_scatter(4)(src, dst, zeros128, *p1)
    p2 = _t2(s1, p1, dinv, b1.reshape(1, -1), W2)
    s2 = _sc_scatter(4)(src, dst, zeros128, *p2)
    p3 = _t3(s2, p2, dinv, b2.reshape(1, -1), W3)
    s3 = _sc_scatter(2)(src, dst, zeros128, *p3)
    return _t4(s3, p3, dinv, b3.reshape(1, -1), bat_row,
               LW1, Lb1.reshape(1, -1), LW2, Lb2.reshape(1, -1),
               LW3, Lb3.reshape(1, -1))

# --- scband reference (transcript-rebuilt; emitter-appended) ---
"""Pipeline reference for scband-gcn-62749472194606 (READ-ONLY COPY).

The authoritative reference and input builder live on the scoring server;
editing this copy changes nothing except your own understanding.
"""

import jax, jax.numpy as jnp
import numpy as np

N_NODES = 10000
N_EDGES = 160000
N_GRAPHS = 16
DIMS = [256, 512, 512, 256]
LIN_DIMS = [256, 128, 64, 8]


def setup_inputs(seed: int = 0) -> dict:
    key = jax.random.key(seed)
    ks = [jax.random.fold_in(key, i) for i in range(32)]
    inp = {}
    inp['x'] = jax.random.normal(ks[0], (N_NODES, DIMS[0]), dtype=jnp.float32)
    inp['edge_index'] = jax.random.randint(ks[1], (2, N_EDGES), 0, N_NODES, dtype=jnp.int64)
    inp['batch'] = jnp.sort(jax.random.randint(ks[2], (N_NODES,), 0, N_GRAPHS, dtype=jnp.int64))
    # GCNConv weights (lin has no bias in PyG GCNConv; conv bias is separate)
    for li in range(3):
        fan_in = DIMS[li]
        inp[f'W{li+1}'] = jax.random.normal(ks[3 + li], (DIMS[li], DIMS[li + 1]), dtype=jnp.float32) * (1.0 / np.sqrt(fan_in))
        inp[f'b{li+1}'] = jnp.zeros((DIMS[li + 1],), dtype=jnp.float32)
    # final linear stack 256 -> 128 -> 64 -> 8
    for li in range(3):
        fan_in = LIN_DIMS[li]
        inp[f'LW{li+1}'] = jax.random.normal(ks[10 + li], (LIN_DIMS[li], LIN_DIMS[li + 1]), dtype=jnp.float32) * (1.0 / np.sqrt(fan_in))
        inp[f'Lb{li+1}'] = jax.random.normal(ks[14 + li], (LIN_DIMS[li + 1],), dtype=jnp.float32) * 0.01
    return inp


def _gcn_conv(x, src, dst, W, b, n_nodes):
    # add self loops
    loop = jnp.arange(n_nodes, dtype=src.dtype)
    src2 = jnp.concatenate([src, loop])
    dst2 = jnp.concatenate([dst, loop])
    # symmetric normalization (degree over target index, PyG default)
    deg = jax.ops.segment_sum(jnp.ones_like(dst2, dtype=x.dtype), dst2, num_segments=n_nodes)
    dinv = jnp.where(deg > 0, jax.lax.rsqrt(deg), 0.0)
    norm = dinv[src2] * dinv[dst2]
    h = x @ W
    msg = norm[:, None] * jnp.take(h, src2, axis=0)
    out = jax.ops.segment_sum(msg, dst2, num_segments=n_nodes)
    return out + b


def reference(x, edge_index, batch, W1, b1, W2, b2, W3, b3, LW1, Lb1, LW2, Lb2, LW3, Lb3):
    src = edge_index[0]
    dst = edge_index[1]
    # n_layers_gcn: convs[:-1] with ReLU, last conv with last_act_func (ReLU)
    h = _gcn_conv(x, src, dst, W1, b1, N_NODES)
    h = jax.nn.relu(h)
    h = _gcn_conv(h, src, dst, W2, b2, N_NODES)
    h = jax.nn.relu(h)
    h = _gcn_conv(h, src, dst, W3, b3, N_NODES)
    h = jax.nn.relu(h)
    # MeanAggregation over batch ids
    counts = jax.ops.segment_sum(jnp.ones((N_NODES,), dtype=h.dtype), batch, num_segments=N_GRAPHS)
    summed = jax.ops.segment_sum(h, batch, num_segments=N_GRAPHS)
    g = summed / jnp.maximum(counts, 1.0)[:, None]
    # n_layers_linear: Linear -> ReLU each
    g = jax.nn.relu(g @ LW1 + Lb1)
    g = jax.nn.relu(g @ LW2 + Lb2)
    g = jax.nn.relu(g @ LW3 + Lb3)
    return g

if __name__ == "__main__":
    import jax
    _d = setup_inputs()
    print(jax.jit(kernel)(*tuple(_d.values())))

</pallas_src>

<mosaic_0001>
#map = affine_map<(d0, d1) -> (0, 0)>
module attributes {stable_mosaic.version = 14 : i64} {
  func.func @k(%arg0: i32, %arg1: i32, %arg2: memref<1280x128xi32, #tpu.memory_space<hbm>>, %arg3: memref<128x128xf32, #tpu.memory_space<hbm>>, %arg4: memref<640x128xf32, #tpu.memory_space<hbm>>, %arg5: memref<10240x128xf32, #tpu.memory_space<hbm>>, %arg6: memref<10240x128xf32, #tpu.memory_space<hbm>>, %arg7: memref<40x128xi32, #tpu.memory_space<vmem>>, %arg8: memref<128x128xf32, #tpu.memory_space<vmem>>, %arg9: memref<10240x128xf32, #tpu.memory_space<vmem_shared>>) attributes {dimension_semantics = [#tpu.dimension_semantics<core_parallel>, #tpu.dimension_semantics<subcore_parallel>], iteration_bounds = array<i64: 2, 16>, scalar_prefetch = 0 : i64, scratch_operands = 3 : i64, tpu.core_type = #tpu.core_type<sc_vector_subcore>, window_params = [{transform_indices = #map}, {transform_indices = #map}, {transform_indices = #map}, {transform_indices = #map}, {transform_indices = #map}]} {
    %mul3A = arith.constant 2 : i32
    %mul3A_0 = arith.muli %arg1, %mul3A : i32
    %add3A = arith.addi %mul3A_0, %arg0 : i32
    %mul3A_1 = arith.constant 40 : i32
    %mul3A_2 = arith.muli %add3A, %mul3A_1 : i32
    %mul3A_3 = arith.constant 640 : i32
    %mul3A_4 = arith.muli %arg1, %mul3A_3 : i32
    "tpu.region"() ({
      %run_scoped3A = tpu.sem_alloc : memref<!tpu.dma_semaphore, #tpu.memory_space<semaphore_mem>>
      tpu.enqueue_dma source(%arg3 : memref<128x128xf32, #tpu.memory_space<hbm>>) target(%arg8 : memref<128x128xf32, #tpu.memory_space<vmem>>) target_semaphore(%run_scoped3A : memref<!tpu.dma_semaphore, #tpu.memory_space<semaphore_mem>>)
      tpu.wait_dma2 semaphore(%run_scoped3A : memref<!tpu.dma_semaphore, #tpu.memory_space<semaphore_mem>>) src(%arg3 : memref<128x128xf32, #tpu.memory_space<hbm>>) dst(%arg8 : memref<128x128xf32, #tpu.memory_space<vmem>>)
      tpu.yield
    }) : () -> ()
    "tpu.region"() ({
      %run_scoped3A = tpu.sem_alloc : memref<!tpu.dma_semaphore, #tpu.memory_space<semaphore_mem>>
      %dma_start3A = arith.constant 0 : i32
      %dma_start3A_18 = tpu.memref_slice %arg2[%mul3A_2, %dma_start3A] : memref<1280x128xi32, #tpu.memory_space<hbm>> -> memref<40x128xi32, #tpu.memory_space<hbm>>
      %dma_start3A_19 = arith.constant 0 : i32
      %dma_start3A_20 = tpu.memref_slice %arg2[%mul3A_2, %dma_start3A_19] : memref<1280x128xi32, #tpu.memory_space<hbm>> -> memref<40x128xi32, #tpu.memory_space<hbm>>
      tpu.enqueue_dma source(%dma_start3A_20 : memref<40x128xi32, #tpu.memory_space<hbm>>) target(%arg7 : memref<40x128xi32, #tpu.memory_space<vmem>>) target_semaphore(%run_scoped3A : memref<!tpu.dma_semaphore, #tpu.memory_space<semaphore_mem>>)
      %dma_wait3A = arith.constant 0 : i32
      %dma_wait3A_21 = tpu.memref_slice %arg2[%mul3A_2, %dma_wait3A] : memref<1280x128xi32, #tpu.memory_space<hbm>> -> memref<40x128xi32, #tpu.memory_space<hbm>>
      %dma_wait3A_22 = arith.constant 0 : i32
      %dma_wait3A_23 = tpu.memref_slice %arg2[%mul3A_2, %dma_wait3A_22] : memref<1280x128xi32, #tpu.memory_space<hbm>> -> memref<40x128xi32, #tpu.memory_space<hbm>>
      tpu.wait_dma2 semaphore(%run_scoped3A : memref<!tpu.dma_semaphore, #tpu.memory_space<semaphore_mem>>) src(%dma_wait3A_23 : memref<40x128xi32, #tpu.memory_space<hbm>>) dst(%arg7 : memref<40x128xi32, #tpu.memory_space<vmem>>)
      tpu.yield
    }) : () -> ()
    "tpu.region"() ({
      %run_scoped3A = tpu.sem_alloc : memref<!tpu.dma_semaphore, #tpu.memory_space<semaphore_mem>>
      %dma_start3A = arith.constant 0 : i32
      %dma_start3A_18 = tpu.memref_slice %arg9[%mul3A_4, %dma_start3A] : memref<10240x128xf32, #tpu.memory_space<vmem_shared>> -> memref<640x128xf32, #tpu.memory_space<vmem_shared>>
      tpu.enqueue_dma source(%arg4 : memref<640x128xf32, #tpu.memory_space<hbm>>) target(%dma_start3A_18 : memref<640x128xf32, #tpu.memory_space<vmem_shared>>) target_semaphore(%run_scoped3A : memref<!tpu.dma_semaphore, #tpu.memory_space<semaphore_mem>>)
      %dma_wait3A = arith.constant 0 : i32
      %dma_wait3A_19 = tpu.memref_slice %arg9[%mul3A_4, %dma_wait3A] : memref<10240x128xf32, #tpu.memory_space<vmem_shared>> -> memref<640x128xf32, #tpu.memory_space<vmem_shared>>
      tpu.wait_dma2 semaphore(%run_scoped3A : memref<!tpu.dma_semaphore, #tpu.memory_space<semaphore_mem>>) src(%arg4 : memref<640x128xf32, #tpu.memory_space<hbm>>) dst(%dma_wait3A_19 : memref<640x128xf32, #tpu.memory_space<vmem_shared>>)
      tpu.yield
    }) : () -> ()
    %barrier3A = arith.constant 0 : index
    tpu.barrier barrier_id(%barrier3A)
    %scan3A = arith.constant 0 : i32
    %scan3A_5 = arith.constant 0 : i32
    %scan3A_6 = arith.constant 40 : i32
    %scan3A_7 = arith.addi %scan3A_5, %scan3A_6 : i32
    %scan3A_8 = arith.constant 1 : i32
    scf.for %scan3A_18 = %scan3A_5 to %scan3A_7 step %scan3A_8  : i32 {
      "tpu.region"() ({
        %run_scoped3A = tpu.sem_alloc : memref<!tpu.dma_semaphore, #tpu.memory_space<semaphore_mem>>
        %dma_start3A = arith.constant 0 : i32
        %dma_start3A_19 = tpu.memref_slice %arg7[%scan3A_18, %dma_start3A] : memref<40x128xi32, #tpu.memory_space<vmem>> -> memref<1x128xi32, #tpu.memory_space<vmem>>
        %dma_start3A_20 = tpu.memref_squeeze %dma_start3A_19 : memref<1x128xi32, #tpu.memory_space<vmem>> -> memref<128xi32, #tpu.memory_space<vmem>>
        %dma_start3A_21 = arith.constant 0 : i32
        %dma_start3A_22 = arith.constant 0 : i32
        %dma_start3A_23 = tpu.memref_slice %arg9[%dma_start3A_21, %dma_start3A_22] : memref<10240x128xf32, #tpu.memory_space<vmem_shared>> -> memref<10240x128xf32, #tpu.memory_space<vmem_shared>>
        tpu.enqueue_indirect_dma source(%arg8 : memref<128x128xf32, #tpu.memory_space<vmem>>) target(%dma_start3A_23 : memref<10240x128xf32, #tpu.memory_space<vmem_shared>>) offsets(%dma_start3A_20 : memref<128xi32, #tpu.memory_space<vmem>>) semaphore(%run_scoped3A : memref<!tpu.dma_semaphore, #tpu.memory_space<semaphore_mem>>) {add = true}
        %dma_wait3A = arith.constant 0 : i32
        %dma_wait3A_24 = tpu.memref_slice %arg7[%scan3A_18, %dma_wait3A] : memref<40x128xi32, #tpu.memory_space<vmem>> -> memref<1x128xi32, #tpu.memory_space<vmem>>
        %dma_wait3A_25 = tpu.memref_squeeze %dma_wait3A_24 : memref<1x128xi32, #tpu.memory_space<vmem>> -> memref<128xi32, #tpu.memory_space<vmem>>
        %dma_wait3A_26 = arith.constant 0 : i32
        %dma_wait3A_27 = arith.constant 0 : i32
        %dma_wait3A_28 = tpu.memref_slice %arg9[%dma_wait3A_26, %dma_wait3A_27] : memref<10240x128xf32, #tpu.memory_space<vmem_shared>> -> memref<10240x128xf32, #tpu.memory_space<vmem_shared>>
        tpu.wait_indirect_dma semaphore(%run_scoped3A : memref<!tpu.dma_semaphore, #tpu.memory_space<semaphore_mem>>) src(%arg8 : memref<128x128xf32, #tpu.memory_space<vmem>>) dst(%dma_wait3A_28 : memref<10240x128xf32, #tpu.memory_space<vmem_shared>>)
        tpu.yield
      }) : () -> ()
    }
    %scan3A_9 = arith.constant 40 : i32
    %barrier3A_10 = arith.constant 0 : index
    tpu.barrier barrier_id(%barrier3A_10)
    %eq3A = arith.constant 0 : i32
    %eq3A_11 = arith.cmpi eq, %arg0, %eq3A : i32
    %convert_element_type3A = arith.extui %eq3A_11 : i1 to i32
    %cond3A = arith.constant 0 : i32
    %cond3A_12 = arith.cmpi ne, %convert_element_type3A, %cond3A : i32
    scf.if %cond3A_12 {
      "tpu.region"() ({
        %run_scoped3A = tpu.sem_alloc : memref<!tpu.dma_semaphore, #tpu.memory_space<semaphore_mem>>
        %dma_start3A = arith.constant 0 : i32
        %dma_start3A_18 = tpu.memref_slice %arg5[%mul3A_4, %dma_start3A] : memref<10240x128xf32, #tpu.memory_space<hbm>> -> memref<640x128xf32, #tpu.memory_space<hbm>>
        %dma_start3A_19 = arith.constant 0 : i32
        %dma_start3A_20 = tpu.memref_slice %arg9[%mul3A_4, %dma_start3A_19] : memref<10240x128xf32, #tpu.memory_space<vmem_shared>> -> memref<640x128xf32, #tpu.memory_space<vmem_shared>>
        tpu.enqueue_dma source(%dma_start3A_20 : memref<640x128xf32, #tpu.memory_space<vmem_shared>>) target(%dma_start3A_18 : memref<640x128xf32, #tpu.memory_space<hbm>>) target_semaphore(%run_scoped3A : memref<!tpu.dma_semaphore, #tpu.memory_space<semaphore_mem>>)
        %dma_wait3A = arith.constant 0 : i32
        %dma_wait3A_21 = tpu.memref_slice %arg5[%mul3A_4, %dma_wait3A] : memref<10240x128xf32, #tpu.memory_space<hbm>> -> memref<640x128xf32, #tpu.memory_space<hbm>>
        %dma_wait3A_22 = arith.constant 0 : i32
        %dma_wait3A_23 = tpu.memref_slice %arg9[%mul3A_4, %dma_wait3A_22] : memref<10240x128xf32, #tpu.memory_space<vmem_shared>> -> memref<640x128xf32, #tpu.memory_space<vmem_shared>>
        tpu.wait_dma2 semaphore(%run_scoped3A : memref<!tpu.dma_semaphore, #tpu.memory_space<semaphore_mem>>) src(%dma_wait3A_23 : memref<640x128xf32, #tpu.memory_space<vmem_shared>>) dst(%dma_wait3A_21 : memref<640x128xf32, #tpu.memory_space<hbm>>)
        tpu.yield
      }) : () -> ()
    } else {
    }
    %eq3A_13 = arith.constant 1 : i32
    %eq3A_14 = arith.cmpi eq, %arg0, %eq3A_13 : i32
    %convert_element_type3A_15 = arith.extui %eq3A_14 : i1 to i32
    %cond3A_16 = arith.constant 0 : i32
    %cond3A_17 = arith.cmpi ne, %convert_element_type3A_15, %cond3A_16 : i32
    scf.if %cond3A_17 {
      "tpu.region"() ({
        %run_scoped3A = tpu.sem_alloc : memref<!tpu.dma_semaphore, #tpu.memory_space<semaphore_mem>>
        %dma_start3A = arith.constant 0 : i32
        %dma_start3A_18 = tpu.memref_slice %arg6[%mul3A_4, %dma_start3A] : memref<10240x128xf32, #tpu.memory_space<hbm>> -> memref<640x128xf32, #tpu.memory_space<hbm>>
        %dma_start3A_19 = arith.constant 0 : i32
        %dma_start3A_20 = tpu.memref_slice %arg9[%mul3A_4, %dma_start3A_19] : memref<10240x128xf32, #tpu.memory_space<vmem_shared>> -> memref<640x128xf32, #tpu.memory_space<vmem_shared>>
        tpu.enqueue_dma source(%dma_start3A_20 : memref<640x128xf32, #tpu.memory_space<vmem_shared>>) target(%dma_start3A_18 : memref<640x128xf32, #tpu.memory_space<hbm>>) target_semaphore(%run_scoped3A : memref<!tpu.dma_semaphore, #tpu.memory_space<semaphore_mem>>)
        %dma_wait3A = arith.constant 0 : i32
        %dma_wait3A_21 = tpu.memref_slice %arg6[%mul3A_4, %dma_wait3A] : memref<10240x128xf32, #tpu.memory_space<hbm>> -> memref<640x128xf32, #tpu.memory_space<hbm>>
        %dma_wait3A_22 = arith.constant 0 : i32
        %dma_wait3A_23 = tpu.memref_slice %arg9[%mul3A_4, %dma_wait3A_22] : memref<10240x128xf32, #tpu.memory_space<vmem_shared>> -> memref<640x128xf32, #tpu.memory_space<vmem_shared>>
        tpu.wait_dma2 semaphore(%run_scoped3A : memref<!tpu.dma_semaphore, #tpu.memory_space<semaphore_mem>>) src(%dma_wait3A_23 : memref<640x128xf32, #tpu.memory_space<vmem_shared>>) dst(%dma_wait3A_21 : memref<640x128xf32, #tpu.memory_space<hbm>>)
        tpu.yield
      }) : () -> ()
    } else {
    }
    return
  }
}

#map = affine_map<(d0, d1) -> (0, 0)>
module attributes {stable_mosaic.version = 14 : i64} {
  func.func @k(%arg0: i32, %arg1: i32, %arg2: memref<1280x128xi32, #tpu.memory_space<hbm>>, %arg3: memref<1280x128xi32, #tpu.memory_space<hbm>>, %arg4: memref<640x128xf32, #tpu.memory_space<hbm>>, %arg5: memref<10240x128xf32, #tpu.memory_space<hbm>>, %arg6: memref<10240x128xf32, #tpu.memory_space<hbm>>, %arg7: memref<10240x128xf32, #tpu.memory_space<hbm>>, %arg8: memref<10240x128xf32, #tpu.memory_space<hbm>>, %arg9: memref<10240x128xf32, #tpu.memory_space<hbm>>, %arg10: memref<10240x128xf32, #tpu.memory_space<hbm>>, %arg11: memref<10240x128xf32, #tpu.memory_space<hbm>>, %arg12: memref<10240x128xf32, #tpu.memory_space<hbm>>, %arg13: memref<40x128xi32, #tpu.memory_space<vmem>>, %arg14: memref<40x128xi32, #tpu.memory_space<vmem>>, %arg15: memref<2x128x128xf32, #tpu.memory_space<vmem>>, %arg16: memref<10240x128xf32, #tpu.memory_space<vmem_shared>>, %arg17: memref<2x!tpu.dma_semaphore, #tpu.memory_space<semaphore_mem>>) attributes {dimension_semantics = [#tpu.dimension_semantics<core_parallel>, #tpu.dimension_semantics<subcore_parallel>], iteration_bounds = array<i64: 2, 16>, scalar_prefetch = 0 : i64, scratch_operands = 5 : i64, tpu.core_type = #tpu.core_type<sc_vector_subcore>, window_params = [{transform_indices = #map}, {transform_indices = #map}, {transform_indices = #map}, {transform_indices = #map}, {transform_indices = #map}, {transform_indices = #map}, {transform_indices = #map}, {transform_indices = #map}, {transform_indices = #map}, {transform_indices = #map}, {transform_indices = #map}]} {
    %mul3A = arith.constant 80 : i32
    %mul3A_0 = arith.muli %arg1, %mul3A : i32
    %mul3A_1 = arith.constant 640 : i32
    %mul3A_2 = arith.muli %arg1, %mul3A_1 : i32
    %eq3A = arith.constant 0 : i32
    %eq3A_3 = arith.cmpi eq, %arg0, %eq3A : i32
    %convert_element_type3A = arith.extui %eq3A_3 : i1 to i32
    %cond3A = arith.constant 0 : i32
    %cond3A_4 = arith.cmpi ne, %convert_element_type3A, %cond3A : i32
    scf.if %cond3A_4 {
      "tpu.region"() ({
        %run_scoped3A = tpu.sem_alloc : memref<!tpu.dma_semaphore, #tpu.memory_space<semaphore_mem>>
        %dma_start3A_68 = arith.constant 0 : i32
        %dma_start3A_69 = tpu.memref_slice %arg16[%mul3A_2, %dma_start3A_68] : memref<10240x128xf32, #tpu.memory_space<vmem_shared>> -> memref<640x128xf32, #tpu.memory_space<vmem_shared>>
        tpu.enqueue_dma source(%arg4 : memref<640x128xf32, #tpu.memory_space<hbm>>) target(%dma_start3A_69 : memref<640x128xf32, #tpu.memory_space<vmem_shared>>) target_semaphore(%run_scoped3A : memref<!tpu.dma_semaphore, #tpu.memory_space<semaphore_mem>>)
        %dma_wait3A = arith.constant 0 : i32
        %dma_wait3A_70 = tpu.memref_slice %arg16[%mul3A_2, %dma_wait3A] : memref<10240x128xf32, #tpu.memory_space<vmem_shared>> -> memref<640x128xf32, #tpu.memory_space<vmem_shared>>
        tpu.wait_dma2 semaphore(%run_scoped3A : memref<!tpu.dma_semaphore, #tpu.memory_space<semaphore_mem>>) src(%arg4 : memref<640x128xf32, #tpu.memory_space<hbm>>) dst(%dma_wait3A_70 : memref<640x128xf32, #tpu.memory_space<vmem_shared>>)
        tpu.yield
      }) : () -> ()
      %barrier3A = arith.constant 0 : index
      tpu.barrier barrier_id(%barrier3A)
      %add3A = arith.constant 0 : i32
      %add3A_20 = arith.addi %mul3A_0, %add3A : i32
      "tpu.region"() ({
        %run_scoped3A = tpu.sem_alloc : memref<!tpu.dma_semaphore, #tpu.memory_space<semaphore_mem>>
        %dma_start3A_68 = arith.constant 0 : i32
        %dma_start3A_69 = tpu.memref_slice %arg2[%add3A_20, %dma_start3A_68] : memref<1280x128xi32, #tpu.memory_space<hbm>> -> memref<40x128xi32, #tpu.memory_space<hbm>>
        %dma_start3A_70 = arith.constant 0 : i32
        %dma_start3A_71 = tpu.memref_slice %arg2[%add3A_20, %dma_start3A_70] : memref<1280x128xi32, #tpu.memory_space<hbm>> -> memref<40x128xi32, #tpu.memory_space<hbm>>
        tpu.enqueue_dma source(%dma_start3A_71 : memref<40x128xi32, #tpu.memory_space<hbm>>) target(%arg13 : memref<40x128xi32, #tpu.memory_space<vmem>>) target_semaphore(%run_scoped3A : memref<!tpu.dma_semaphore, #tpu.memory_space<semaphore_mem>>)
        %dma_wait3A = arith.constant 0 : i32
        %dma_wait3A_72 = tpu.memref_slice %arg2[%add3A_20, %dma_wait3A] : memref<1280x128xi32, #tpu.memory_space<hbm>> -> memref<40x128xi32, #tpu.memory_space<hbm>>
        %dma_wait3A_73 = arith.constant 0 : i32
        %dma_wait3A_74 = tpu.memref_slice %arg2[%add3A_20, %dma_wait3A_73] : memref<1280x128xi32, #tpu.memory_space<hbm>> -> memref<40x128xi32, #tpu.memory_space<hbm>>
        tpu.wait_dma2 semaphore(%run_scoped3A : memref<!tpu.dma_semaphore, #tpu.memory_space<semaphore_mem>>) src(%dma_wait3A_74 : memref<40x128xi32, #tpu.memory_space<hbm>>) dst(%arg13 : memref<40x128xi32, #tpu.memory_space<vmem>>)
        tpu.yield
      }) : () -> ()
      %add3A_21 = arith.constant 0 : i32
      %add3A_22 = arith.addi %mul3A_0, %add3A_21 : i32
      "tpu.region"() ({
        %run_scoped3A = tpu.sem_alloc : memref<!tpu.dma_semaphore, #tpu.memory_space<semaphore_mem>>
        %dma_start3A_68 = arith.constant 0 : i32
        %dma_start3A_69 = tpu.memref_slice %arg3[%add3A_22, %dma_start3A_68] : memref<1280x128xi32, #tpu.memory_space<hbm>> -> memref<40x128xi32, #tpu.memory_space<hbm>>
        %dma_start3A_70 = arith.constant 0 : i32
        %dma_start3A_71 = tpu.memref_slice %arg3[%add3A_22, %dma_start3A_70] : memref<1280x128xi32, #tpu.memory_space<hbm>> -> memref<40x128xi32, #tpu.memory_space<hbm>>
        tpu.enqueue_dma source(%dma_start3A_71 : memref<40x128xi32, #tpu.memory_space<hbm>>) target(%arg14 : memref<40x128xi32, #tpu.memory_space<vmem>>) target_semaphore(%run_scoped3A : memref<!tpu.dma_semaphore, #tpu.memory_space<semaphore_mem>>)
        %dma_wait3A = arith.constant 0 : i32
        %dma_wait3A_72 = tpu.memref_slice %arg3[%add3A_22, %dma_wait3A] : memref<1280x128xi32, #tpu.memory_space<hbm>> -> memref<40x128xi32, #tpu.memory_space<hbm>>
        %dma_wait3A_73 = arith.constant 0 : i32
        %dma_wait3A_74 = tpu.memref_slice %arg3[%add3A_22, %dma_wait3A_73] : memref<1280x128xi32, #tpu.memory_space<hbm>> -> memref<40x128xi32, #tpu.memory_space<hbm>>
        tpu.wait_dma2 semaphore(%run_scoped3A : memref<!tpu.dma_semaphore, #tpu.memory_space<semaphore_mem>>) src(%dma_wait3A_74 : memref<40x128xi32, #tpu.memory_space<hbm>>) dst(%arg14 : memref<40x128xi32, #tpu.memory_space<vmem>>)
        tpu.yield
      }) : () -> ()
      %dma_start3A = arith.constant 0 : i32
      %dma_start3A_23 = arith.constant 0 : i32
      %dma_start3A_24 = arith.constant 0 : i32
      %dma_start3A_25 = arith.constant 0 : i32
      %dma_start3A_26 = arith.constant 0 : i32
      %dma_start3A_27 = tpu.memref_slice %arg15[%dma_start3A_23, %dma_start3A_25, %dma_start3A_26] : memref<2x128x128xf32, #tpu.memory_space<vmem>> -> memref<1x128x128xf32, #tpu.memory_space<vmem>>
      %dma_start3A_28 = tpu.memref_squeeze %dma_start3A_27 : memref<1x128x128xf32, #tpu.memory_space<vmem>> -> memref<128x128xf32, #tpu.memory_space<vmem>>
      %dma_start3A_29 = arith.constant 0 : i32
      %dma_start3A_30 = tpu.memref_slice %arg13[%dma_start3A, %dma_start3A_29] : memref<40x128xi32, #tpu.memory_space<vmem>> -> memref<1x128xi32, #tpu.memory_space<vmem>>
      %dma_start3A_31 = tpu.memref_squeeze %dma_start3A_30 : memref<1x128xi32, #tpu.memory_space<vmem>> -> memref<128xi32, #tpu.memory_space<vmem>>
      %dma_start3A_32 = arith.constant 0 : i32
      %dma_start3A_33 = arith.constant 0 : i32
      %dma_start3A_34 = tpu.memref_slice %arg5[%dma_start3A_32, %dma_start3A_33] : memref<10240x128xf32, #tpu.memory_space<hbm>> -> memref<10240x128xf32, #tpu.memory_space<hbm>>
      %dma_start3A_35 = tpu.memref_slice %arg17[%dma_start3A_24] : memref<2x!tpu.dma_semaphore, #tpu.memory_space<semaphore_mem>> -> memref<1x!tpu.dma_semaphore, #tpu.memory_space<semaphore_mem>>
      %dma_start3A_36 = tpu.memref_squeeze %dma_start3A_35 : memref<1x!tpu.dma_semaphore, #tpu.memory_space<semaphore_mem>> -> memref<!tpu.dma_semaphore, #tpu.memory_space<semaphore_mem>>
      tpu.enqueue_indirect_dma source(%dma_start3A_34 : memref<10240x128xf32, #tpu.memory_space<hbm>>) target(%dma_start3A_28 : memref<128x128xf32, #tpu.memory_space<vmem>>) offsets(%dma_start3A_31 : memref<128xi32, #tpu.memory_space<vmem>>) semaphore(%dma_start3A_36 : memref<!tpu.dma_semaphore, #tpu.memory_space<semaphore_mem>>)
      %scan3A = arith.constant 0 : i32
      %scan3A_37 = arith.constant 0 : i32
      %scan3A_38 = arith.constant 40 : i32
      %scan3A_39 = arith.addi %scan3A_37, %scan3A_38 : i32
      %scan3A_40 = arith.constant 1 : i32
      scf.for %scan3A_68 = %scan3A_37 to %scan3A_39 step %scan3A_40  : i32 {
        %rem3A = arith.constant 2 : i32
        %rem3A_69 = arith.remsi %scan3A_68, %rem3A : i32
        %add3A_70 = arith.constant 1 : i32
        %add3A_71 = arith.addi %scan3A_68, %add3A_70 : i32
        %rem3A_72 = arith.constant 2 : i32
        %rem3A_73 = arith.remsi %add3A_71, %rem3A_72 : i32
        %add3A_74 = arith.constant 1 : i32
        %add3A_75 = arith.addi %scan3A_68, %add3A_74 : i32
        %lt3A = arith.constant 40 : i32
        %lt3A_76 = arith.cmpi slt, %add3A_75, %lt3A : i32
        %convert_element_type3A_77 = arith.extui %lt3A_76 : i1 to i32
        %cond3A_78 = arith.constant 0 : i32
        %cond3A_79 = arith.cmpi ne, %convert_element_type3A_77, %cond3A_78 : i32
        scf.if %cond3A_79 {
          %add3A_91 = arith.constant 1 : i32
          %add3A_92 = arith.addi %scan3A_68, %add3A_91 : i32
          %dma_start3A_93 = arith.constant 0 : i32
          %dma_start3A_94 = arith.constant 0 : i32
          %dma_start3A_95 = tpu.memref_slice %arg15[%rem3A_73, %dma_start3A_93, %dma_start3A_94] : memref<2x128x128xf32, #tpu.memory_space<vmem>> -> memref<1x128x128xf32, #tpu.memory_space<vmem>>
          %dma_start3A_96 = tpu.memref_squeeze %dma_start3A_95 : memref<1x128x128xf32, #tpu.memory_space<vmem>> -> memref<128x128xf32, #tpu.memory_space<vmem>>
          %dma_start3A_97 = arith.constant 0 : i32
          %dma_start3A_98 = tpu.memref_slice %arg13[%add3A_92, %dma_start3A_97] : memref<40x128xi32, #tpu.memory_space<vmem>> -> memref<1x128xi32, #tpu.memory_space<vmem>>
          %dma_start3A_99 = tpu.memref_squeeze %dma_start3A_98 : memref<1x128xi32, #tpu.memory_space<vmem>> -> memref<128xi32, #tpu.memory_space<vmem>>
          %dma_start3A_100 = arith.constant 0 : i32
          %dma_start3A_101 = arith.constant 0 : i32
          %dma_start3A_102 = tpu.memref_slice %arg5[%dma_start3A_100, %dma_start3A_101] : memref<10240x128xf32, #tpu.memory_space<hbm>> -> memref<10240x128xf32, #tpu.memory_space<hbm>>
          %dma_start3A_103 = tpu.memref_slice %arg17[%rem3A_73] : memref<2x!tpu.dma_semaphore, #tpu.memory_space<semaphore_mem>> -> memref<1x!tpu.dma_semaphore, #tpu.memory_space<semaphore_mem>>
          %dma_start3A_104 = tpu.memref_squeeze %dma_start3A_103 : memref<1x!tpu.dma_semaphore, #tpu.memory_space<semaphore_mem>> -> memref<!tpu.dma_semaphore, #tpu.memory_space<semaphore_mem>>
          tpu.enqueue_indirect_dma source(%dma_start3A_102 : memref<10240x128xf32, #tpu.memory_space<hbm>>) target(%dma_start3A_96 : memref<128x128xf32, #tpu.memory_space<vmem>>) offsets(%dma_start3A_99 : memref<128xi32, #tpu.memory_space<vmem>>) semaphore(%dma_start3A_104 : memref<!tpu.dma_semaphore, #tpu.memory_space<semaphore_mem>>)
        } else {
        }
        %dma_wait3A = arith.constant 0 : i32
        %dma_wait3A_80 = arith.constant 0 : i32
        %dma_wait3A_81 = tpu.memref_slice %arg15[%rem3A_69, %dma_wait3A, %dma_wait3A_80] : memref<2x128x128xf32, #tpu.memory_space<vmem>> -> memref<1x128x128xf32, #tpu.memory_space<vmem>>
        %dma_wait3A_82 = tpu.memref_squeeze %dma_wait3A_81 : memref<1x128x128xf32, #tpu.memory_space<vmem>> -> memref<128x128xf32, #tpu.memory_space<vmem>>
        %dma_wait3A_83 = arith.constant 0 : i32
        %dma_wait3A_84 = tpu.memref_slice %arg13[%scan3A_68, %dma_wait3A_83] : memref<40x128xi32, #tpu.memory_space<vmem>> -> memref<1x128xi32, #tpu.memory_space<vmem>>
        %dma_wait3A_85 = tpu.memref_squeeze %dma_wait3A_84 : memref<1x128xi32, #tpu.memory_space<vmem>> -> memref<128xi32, #tpu.memory_space<vmem>>
        %dma_wait3A_86 = arith.constant 0 : i32
        %dma_wait3A_87 = arith.constant 0 : i32
        %dma_wait3A_88 = tpu.memref_slice %arg5[%dma_wait3A_86, %dma_wait3A_87] : memref<10240x128xf32, #tpu.memory_space<hbm>> -> memref<10240x128xf32, #tpu.memory_space<hbm>>
        %dma_wait3A_89 = tpu.memref_slice %arg17[%rem3A_69] : memref<2x!tpu.dma_semaphore, #tpu.memory_space<semaphore_mem>> -> memref<1x!tpu.dma_semaphore, #tpu.memory_space<semaphore_mem>>
        %dma_wait3A_90 = tpu.memref_squeeze %dma_wait3A_89 : memref<1x!tpu.dma_semaphore, #tpu.memory_space<semaphore_mem>> -> memref<!tpu.dma_semaphore, #tpu.memory_space<semaphore_mem>>
        tpu.wait_indirect_dma semaphore(%dma_wait3A_90 : memref<!tpu.dma_semaphore, #tpu.memory_space<semaphore_mem>>) src(%dma_wait3A_88 : memref<10240x128xf32, #tpu.memory_space<hbm>>) dst(%dma_wait3A_82 : memref<128x128xf32, #tpu.memory_space<vmem>>)
        "tpu.region"() ({
          %run_scoped3A = tpu.sem_alloc : memref<!tpu.dma_semaphore, #tpu.memory_space<semaphore_mem>>
          %dma_start3A_91 = arith.constant 0 : i32
          %dma_start3A_92 = arith.constant 0 : i32
          %dma_start3A_93 = tpu.memref_slice %arg15[%rem3A_69, %dma_start3A_91, %dma_start3A_92] : memref<2x128x128xf32, #tpu.memory_space<vmem>> -> memref<1x128x128xf32, #tpu.memory_space<vmem>>
          %dma_start3A_94 = tpu.memref_squeeze %dma_start3A_93 : memref<1x128x128xf32, #tpu.memory_space<vmem>> -> memref<128x128xf32, #tpu.memory_space<vmem>>
          %dma_start3A_95 = arith.constant 0 : i32
          %dma_start3A_96 = tpu.memref_slice %arg14[%scan3A_68, %dma_start3A_95] : memref<40x128xi32, #tpu.memory_space<vmem>> -> memref<1x128xi32, #tpu.memory_space<vmem>>
          %dma_start3A_97 = tpu.memref_squeeze %dma_start3A_96 : memref<1x128xi32, #tpu.memory_space<vmem>> -> memref<128xi32, #tpu.memory_space<vmem>>
          %dma_start3A_98 = arith.constant 0 : i32
          %dma_start3A_99 = arith.constant 0 : i32
          %dma_start3A_100 = tpu.memref_slice %arg16[%dma_start3A_98, %dma_start3A_99] : memref<10240x128xf32, #tpu.memory_space<vmem_shared>> -> memref<10240x128xf32, #tpu.memory_space<vmem_shared>>
          tpu.enqueue_indirect_dma source(%dma_start3A_94 : memref<128x128xf32, #tpu.memory_space<vmem>>) target(%dma_start3A_100 : memref<10240x128xf32, #tpu.memory_space<vmem_shared>>) offsets(%dma_start3A_97 : memref<128xi32, #tpu.memory_space<vmem>>) semaphore(%run_scoped3A : memref<!tpu.dma_semaphore, #tpu.memory_space<semaphore_mem>>) {add = true}
          %dma_wait3A_101 = arith.constant 0 : i32
          %dma_wait3A_102 = arith.constant 0 : i32
          %dma_wait3A_103 = tpu.memref_slice %arg15[%rem3A_69, %dma_wait3A_101, %dma_wait3A_102] : memref<2x128x128xf32, #tpu.memory_space<vmem>> -> memref<1x128x128xf32, #tpu.memory_space<vmem>>
          %dma_wait3A_104 = tpu.memref_squeeze %dma_wait3A_103 : memref<1x128x128xf32, #tpu.memory_space<vmem>> -> memref<128x128xf32, #tpu.memory_space<vmem>>
          %dma_wait3A_105 = arith.constant 0 : i32
          %dma_wait3A_106 = tpu.memref_slice %arg14[%scan3A_68, %dma_wait3A_105] : memref<40x128xi32, #tpu.memory_space<vmem>> -> memref<1x128xi32, #tpu.memory_space<vmem>>
          %dma_wait3A_107 = tpu.memref_squeeze %dma_wait3A_106 : memref<1x128xi32, #tpu.memory_space<vmem>> -> memref<128xi32, #tpu.memory_space<vmem>>
          %dma_wait3A_108 = arith.constant 0 : i32
          %dma_wait3A_109 = arith.constant 0 : i32
          %dma_wait3A_110 = tpu.memref_slice %arg16[%dma_wait3A_108, %dma_wait3A_109] : memref<10240x128xf32, #tpu.memory_space<vmem_shared>> -> memref<10240x128xf32, #tpu.memory_space<vmem_shared>>
          tpu.wait_indirect_dma semaphore(%run_scoped3A : memref<!tpu.dma_semaphore, #tpu.memory_space<semaphore_mem>>) src(%dma_wait3A_104 : memref<128x128xf32, #tpu.memory_space<vmem>>) dst(%dma_wait3A_110 : memref<10240x128xf32, #tpu.memory_space<vmem_shared>>)
          tpu.yield
        }) : () -> ()
      }
      %scan3A_41 = arith.constant 40 : i32
      %add3A_42 = arith.constant 40 : i32
      %add3A_43 = arith.addi %mul3A_0, %add3A_42 : i32
      "tpu.region"() ({
        %run_scoped3A = tpu.sem_alloc : memref<!tpu.dma_semaphore, #tpu.memory_space<semaphore_mem>>
        %dma_start3A_68 = arith.constant 0 : i32
        %dma_start3A_69 = tpu.memref_slice %arg2[%add3A_43, %dma_start3A_68] : memref<1280x128xi32, #tpu.memory_space<hbm>> -> memref<40x128xi32, #tpu.memory_space<hbm>>
        %dma_start3A_70 = arith.constant 0 : i32
        %dma_start3A_71 = tpu.memref_slice %arg2[%add3A_43, %dma_start3A_70] : memref<1280x128xi32, #tpu.memory_space<hbm>> -> memref<40x128xi32, #tpu.memory_space<hbm>>
        tpu.enqueue_dma source(%dma_start3A_71 : memref<40x128xi32, #tpu.memory_space<hbm>>) target(%arg13 : memref<40x128xi32, #tpu.memory_space<vmem>>) target_semaphore(%run_scoped3A : memref<!tpu.dma_semaphore, #tpu.memory_space<semaphore_mem>>)
        %dma_wait3A = arith.constant 0 : i32
        %dma_wait3A_72 = tpu.memref_slice %arg2[%add3A_43, %dma_wait3A] : memref<1280x128xi32, #tpu.memory_space<hbm>> -> memref<40x128xi32, #tpu.memory_space<hbm>>
        %dma_wait3A_73 = arith.constant 0 : i32
        %dma_wait3A_74 = tpu.memref_slice %arg2[%add3A_43, %dma_wait3A_73] : memref<1280x128xi32, #tpu.memory_space<hbm>> -> memref<40x128xi32, #tpu.memory_space<hbm>>
        tpu.wait_dma2 semaphore(%run_scoped3A : memref<!tpu.dma_semaphore, #tpu.memory_space<semaphore_mem>>) src(%dma_wait3A_74 : memref<40x128xi32, #tpu.memory_space<hbm>>) dst(%arg13 : memref<40x128xi32, #tpu.memory_space<vmem>>)
        tpu.yield
      }) : () -> ()
      %add3A_44 = arith.constant 40 : i32
      %add3A_45 = arith.addi %mul3A_0, %add3A_44 : i32
      "tpu.region"() ({
        %run_scoped3A = tpu.sem_alloc : memref<!tpu.dma_semaphore, #tpu.memory_space<semaphore_mem>>
        %dma_start3A_68 = arith.constant 0 : i32
        %dma_start3A_69 = tpu.memref_slice %arg3[%add3A_45, %dma_start3A_68] : memref<1280x128xi32, #tpu.memory_space<hbm>> -> memref<40x128xi32, #tpu.memory_space<hbm>>
        %dma_start3A_70 = arith.constant 0 : i32
        %dma_start3A_71 = tpu.memref_slice %arg3[%add3A_45, %dma_start3A_70] : memref<1280x128xi32, #tpu.memory_space<hbm>> -> memref<40x128xi32, #tpu.memory_space<hbm>>
        tpu.enqueue_dma source(%dma_start3A_71 : memref<40x128xi32, #tpu.memory_space<hbm>>) target(%arg14 : memref<40x128xi32, #tpu.memory_space<vmem>>) target_semaphore(%run_scoped3A : memref<!tpu.dma_semaphore, #tpu.memory_space<semaphore_mem>>)
        %dma_wait3A = arith.constant 0 : i32
        %dma_wait3A_72 = tpu.memref_slice %arg3[%add3A_45, %dma_wait3A] : memref<1280x128xi32, #tpu.memory_space<hbm>> -> memref<40x128xi32, #tpu.memory_space<hbm>>
        %dma_wait3A_73 = arith.constant 0 : i32
        %dma_wait3A_74 = tpu.memref_slice %arg3[%add3A_45, %dma_wait3A_73] : memref<1280x128xi32, #tpu.memory_space<hbm>> -> memref<40x128xi32, #tpu.memory_space<hbm>>
        tpu.wait_dma2 semaphore(%run_scoped3A : memref<!tpu.dma_semaphore, #tpu.memory_space<semaphore_mem>>) src(%dma_wait3A_74 : memref<40x128xi32, #tpu.memory_space<hbm>>) dst(%arg14 : memref<40x128xi32, #tpu.memory_space<vmem>>)
        tpu.yield
      }) : () -> ()
      %dma_start3A_46 = arith.constant 0 : i32
      %dma_start3A_47 = arith.constant 0 : i32
      %dma_start3A_48 = arith.constant 0 : i32
      %dma_start3A_49 = arith.constant 0 : i32
      %dma_start3A_50 = arith.constant 0 : i32
      %dma_start3A_51 = tpu.memref_slice %arg15[%dma_start3A_47, %dma_start3A_49, %dma_start3A_50] : memref<2x128x128xf32, #tpu.memory_space<vmem>> -> memref<1x128x128xf32, #tpu.memory_space<vmem>>
      %dma_start3A_52 = tpu.memref_squeeze %dma_start3A_51 : memref<1x128x128xf32, #tpu.memory_space<vmem>> -> memref<128x128xf32, #tpu.memory_space<vmem>>
      %dma_start3A_53 = arith.constant 0 : i32
      %dma_start3A_54 = tpu.memref_slice %arg13[%dma_start3A_46, %dma_start3A_53] : memref<40x128xi32, #tpu.memory_space<vmem>> -> memref<1x128xi32, #tpu.memory_space<vmem>>
      %dma_start3A_55 = tpu.memref_squeeze %dma_start3A_54 : memref<1x128xi32, #tpu.memory_space<vmem>> -> memref<128xi32, #tpu.memory_space<vmem>>
      %dma_start3A_56 = arith.constant 0 : i32
      %dma_start3A_57 = arith.constant 0 : i32
      %dma_start3A_58 = tpu.memref_slice %arg5[%dma_start3A_56, %dma_start3A_57] : memref<10240x128xf32, #tpu.memory_space<hbm>> -> memref<10240x128xf32, #tpu.memory_space<hbm>>
      %dma_start3A_59 = tpu.memref_slice %arg17[%dma_start3A_48] : memref<2x!tpu.dma_semaphore, #tpu.memory_space<semaphore_mem>> -> memref<1x!tpu.dma_semaphore, #tpu.memory_space<semaphore_mem>>
      %dma_start3A_60 = tpu.memref_squeeze %dma_start3A_59 : memref<1x!tpu.dma_semaphore, #tpu.memory_space<semaphore_mem>> -> memref<!tpu.dma_semaphore, #tpu.memory_space<semaphore_mem>>
      tpu.enqueue_indirect_dma source(%dma_start3A_58 : memref<10240x128xf32, #tpu.memory_space<hbm>>) target(%dma_start3A_52 : memref<128x128xf32, #tpu.memory_space<vmem>>) offsets(%dma_start3A_55 : memref<128xi32, #tpu.memory_space<vmem>>) semaphore(%dma_start3A_60 : memref<!tpu.dma_semaphore, #tpu.memory_space<semaphore_mem>>)
      %scan3A_61 = arith.constant 0 : i32
      %scan3A_62 = arith.constant 0 : i32
      %scan3A_63 = arith.constant 40 : i32
      %scan3A_64 = arith.addi %scan3A_62, %scan3A_63 : i32
      %scan3A_65 = arith.constant 1 : i32
      scf.for %scan3A_68 = %scan3A_62 to %scan3A_64 step %scan3A_65  : i32 {
        %rem3A = arith.constant 2 : i32
        %rem3A_69 = arith.remsi %scan3A_68, %rem3A : i32
        %add3A_70 = arith.constant 1 : i32
        %add3A_71 = arith.addi %scan3A_68, %add3A_70 : i32
        %rem3A_72 = arith.constant 2 : i32
        %rem3A_73 = arith.remsi %add3A_71, %rem3A_72 : i32
        %add3A_74 = arith.constant 1 : i32
        %add3A_75 = arith.addi %scan3A_68, %add3A_74 : i32
        %lt3A = arith.constant 40 : i32
        %lt3A_76 = arith.cmpi slt, %add3A_75, %lt3A : i32
        %convert_element_type3A_77 = arith.extui %lt3A_76 : i1 to i32
        %cond3A_78 = arith.constant 0 : i32
        %cond3A_79 = arith.cmpi ne, %convert_element_type3A_77, %cond3A_78 : i32
        scf.if %cond3A_79 {
          %add3A_91 = arith.constant 1 : i32
          %add3A_92 = arith.addi %scan3A_68, %add3A_91 : i32
          %dma_start3A_93 = arith.constant 0 : i32
          %dma_start3A_94 = arith.constant 0 : i32
          %dma_start3A_95 = tpu.memref_slice %arg15[%rem3A_73, %dma_start3A_93, %dma_start3A_94] : memref<2x128x128xf32, #tpu.memory_space<vmem>> -> memref<1x128x128xf32, #tpu.memory_space<vmem>>
          %dma_start3A_96 = tpu.memref_squeeze %dma_start3A_95 : memref<1x128x128xf32, #tpu.memory_space<vmem>> -> memref<128x128xf32, #tpu.memory_space<vmem>>
          %dma_start3A_97 = arith.constant 0 : i32
          %dma_start3A_98 = tpu.memref_slice %arg13[%add3A_92, %dma_start3A_97] : memref<40x128xi32, #tpu.memory_space<vmem>> -> memref<1x128xi32, #tpu.memory_space<vmem>>
          %dma_start3A_99 = tpu.memref_squeeze %dma_start3A_98 : memref<1x128xi32, #tpu.memory_space<vmem>> -> memref<128xi32, #tpu.memory_space<vmem>>
          %dma_start3A_100 = arith.constant 0 : i32
          %dma_start3A_101 = arith.constant 0 : i32
          %dma_start3A_102 = tpu.memref_slice %arg5[%dma_start3A_100, %dma_start3A_101] : memref<10240x128xf32, #tpu.memory_space<hbm>> -> memref<10240x128xf32, #tpu.memory_space<hbm>>
          %dma_start3A_103 = tpu.memref_slice %arg17[%rem3A_73] : memref<2x!tpu.dma_semaphore, #tpu.memory_space<semaphore_mem>> -> memref<1x!tpu.dma_semaphore, #tpu.memory_space<semaphore_mem>>
          %dma_start3A_104 = tpu.memref_squeeze %dma_start3A_103 : memref<1x!tpu.dma_semaphore, #tpu.memory_space<semaphore_mem>> -> memref<!tpu.dma_semaphore, #tpu.memory_space<semaphore_mem>>
          tpu.enqueue_indirect_dma source(%dma_start3A_102 : memref<10240x128xf32, #tpu.memory_space<hbm>>) target(%dma_start3A_96 : memref<128x128xf32, #tpu.memory_space<vmem>>) offsets(%dma_start3A_99 : memref<128xi32, #tpu.memory_space<vmem>>) semaphore(%dma_start3A_104 : memref<!tpu.dma_semaphore, #tpu.memory_space<semaphore_mem>>)
        } else {
        }
        %dma_wait3A = arith.constant 0 : i32
        %dma_wait3A_80 = arith.constant 0 : i32
        %dma_wait3A_81 = tpu.memref_slice %arg15[%rem3A_69, %dma_wait3A, %dma_wait3A_80] : memref<2x128x128xf32, #tpu.memory_space<vmem>> -> memref<1x128x128xf32, #tpu.memory_space<vmem>>
        %dma_wait3A_82 = tpu.memref_squeeze %dma_wait3A_81 : memref<1x128x128xf32, #tpu.memory_space<vmem>> -> memref<128x128xf32, #tpu.memory_space<vmem>>
        %dma_wait3A_83 = arith.constant 0 : i32
        %dma_wait3A_84 = tpu.memref_slice %arg13[%scan3A_68, %dma_wait3A_83] : memref<40x128xi32, #tpu.memory_space<vmem>> -> memref<1x128xi32, #tpu.memory_space<vmem>>
        %dma_wait3A_85 = tpu.memref_squeeze %dma_wait3A_84 : memref<1x128xi32, #tpu.memory_space<vmem>> -> memref<128xi32, #tpu.memory_space<vmem>>
        %dma_wait3A_86 = arith.constant 0 : i32
        %dma_wait3A_87 = arith.constant 0 : i32
        %dma_wait3A_88 = tpu.memref_slice %arg5[%dma_wait3A_86, %dma_wait3A_87] : memref<10240x128xf32, #tpu.memory_space<hbm>> -> memref<10240x128xf32, #tpu.memory_space<hbm>>
        %dma_wait3A_89 = tpu.memref_slice %arg17[%rem3A_69] : memref<2x!tpu.dma_semaphore, #tpu.memory_space<semaphore_mem>> -> memref<1x!tpu.dma_semaphore, #tpu.memory_space<semaphore_mem>>
        %dma_wait3A_90 = tpu.memref_squeeze %dma_wait3A_89 : memref<1x!tpu.dma_semaphore, #tpu.memory_space<semaphore_mem>> -> memref<!tpu.dma_semaphore, #tpu.memory_space<semaphore_mem>>
        tpu.wait_indirect_dma semaphore(%dma_wait3A_90 : memref<!tpu.dma_semaphore, #tpu.memory_space<semaphore_mem>>) src(%dma_wait3A_88 : memref<10240x128xf32, #tpu.memory_space<hbm>>) dst(%dma_wait3A_82 : memref<128x128xf32, #tpu.memory_space<vmem>>)
        "tpu.region"() ({
          %run_scoped3A = tpu.sem_alloc : memref<!tpu.dma_semaphore, #tpu.memory_space<semaphore_mem>>
          %dma_start3A_91 = arith.constant 0 : i32
          %dma_start3A_92 = arith.constant 0 : i32
          %dma_start3A_93 = tpu.memref_slice %arg15[%rem3A_69, %dma_start3A_91, %dma_start3A_92] : memref<2x128x128xf32, #tpu.memory_space<vmem>> -> memref<1x128x128xf32, #tpu.memory_space<vmem>>
          %dma_start3A_94 = tpu.memref_squeeze %dma_start3A_93 : memref<1x128x128xf32, #tpu.memory_space<vmem>> -> memref<128x128xf32, #tpu.memory_space<vmem>>
          %dma_start3A_95 = arith.constant 0 : i32
          %dma_start3A_96 = tpu.memref_slice %arg14[%scan3A_68, %dma_start3A_95] : memref<40x128xi32, #tpu.memory_space<vmem>> -> memref<1x128xi32, #tpu.memory_space<vmem>>
          %dma_start3A_97 = tpu.memref_squeeze %dma_start3A_96 : memref<1x128xi32, #tpu.memory_space<vmem>> -> memref<128xi32, #tpu.memory_space<vmem>>
          %dma_start3A_98 = arith.constant 0 : i32
          %dma_start3A_99 = arith.constant 0 : i32
          %dma_start3A_100 = tpu.memref_slice %arg16[%dma_start3A_98, %dma_start3A_99] : memref<10240x128xf32, #tpu.memory_space<vmem_shared>> -> memref<10240x128xf32, #tpu.memory_space<vmem_shared>>
          tpu.enqueue_indirect_dma source(%dma_start3A_94 : memref<128x128xf32, #tpu.memory_space<vmem>>) target(%dma_start3A_100 : memref<10240x128xf32, #tpu.memory_space<vmem_shared>>) offsets(%dma_start3A_97 : memref<128xi32, #tpu.memory_space<vmem>>) semaphore(%run_scoped3A : memref<!tpu.dma_semaphore, #tpu.memory_space<semaphore_mem>>) {add = true}
          %dma_wait3A_101 = arith.constant 0 : i32
          %dma_wait3A_102 = arith.constant 0 : i32
          %dma_wait3A_103 = tpu.memref_slice %arg15[%rem3A_69, %dma_wait3A_101, %dma_wait3A_102] : memref<2x128x128xf32, #tpu.memory_space<vmem>> -> memref<1x128x128xf32, #tpu.memory_space<vmem>>
          %dma_wait3A_104 = tpu.memref_squeeze %dma_wait3A_103 : memref<1x128x128xf32, #tpu.memory_space<vmem>> -> memref<128x128xf32, #tpu.memory_space<vmem>>
          %dma_wait3A_105 = arith.constant 0 : i32
          %dma_wait3A_106 = tpu.memref_slice %arg14[%scan3A_68, %dma_wait3A_105] : memref<40x128xi32, #tpu.memory_space<vmem>> -> memref<1x128xi32, #tpu.memory_space<vmem>>
          %dma_wait3A_107 = tpu.memref_squeeze %dma_wait3A_106 : memref<1x128xi32, #tpu.memory_space<vmem>> -> memref<128xi32, #tpu.memory_space<vmem>>
          %dma_wait3A_108 = arith.constant 0 : i32
          %dma_wait3A_109 = arith.constant 0 : i32
          %dma_wait3A_110 = tpu.memref_slice %arg16[%dma_wait3A_108, %dma_wait3A_109] : memref<10240x128xf32, #tpu.memory_space<vmem_shared>> -> memref<10240x128xf32, #tpu.memory_space<vmem_shared>>
          tpu.wait_indirect_dma semaphore(%run_scoped3A : memref<!tpu.dma_semaphore, #tpu.memory_space<semaphore_mem>>) src(%dma_wait3A_104 : memref<128x128xf32, #tpu.memory_space<vmem>>) dst(%dma_wait3A_110 : memref<10240x128xf32, #tpu.memory_space<vmem_shared>>)
          tpu.yield
        }) : () -> ()
      }
      %scan3A_66 = arith.constant 40 : i32
      %barrier3A_67 = arith.constant 0 : index
      tpu.barrier barrier_id(%barrier3A_67)
      "tpu.region"() ({
        %run_scoped3A = tpu.sem_alloc : memref<!tpu.dma_semaphore, #tpu.memory_space<semaphore_mem>>
        %dma_start3A_68 = arith.constant 0 : i32
        %dma_start3A_69 = tpu.memref_slice %arg9[%mul3A_2, %dma_start3A_68] : memref<10240x128xf32, #tpu.memory_space<hbm>> -> memref<640x128xf32, #tpu.memory_space<hbm>>
        %dma_start3A_70 = arith.constant 0 : i32
        %dma_start3A_71 = tpu.memref_slice %arg16[%mul3A_2, %dma_start3A_70] : memref<10240x128xf32, #tpu.memory_space<vmem_shared>> -> memref<640x128xf32, #tpu.memory_space<vmem_shared>>
        tpu.enqueue_dma source(%dma_start3A_71 : memref<640x128xf32, #tpu.memory_space<vmem_shared>>) target(%dma_start3A_69 : memref<640x128xf32, #tpu.memory_space<hbm>>) target_semaphore(%run_scoped3A : memref<!tpu.dma_semaphore, #tpu.memory_space<semaphore_mem>>)
        %dma_wait3A = arith.constant 0 : i32
        %dma_wait3A_72 = tpu.memref_slice %arg9[%mul3A_2, %dma_wait3A] : memref<10240x128xf32, #tpu.memory_space<hbm>> -> memref<640x128xf32, #tpu.memory_space<hbm>>
        %dma_wait3A_73 = arith.constant 0 : i32
        %dma_wait3A_74 = tpu.memref_slice %arg16[%mul3A_2, %dma_wait3A_73] : memref<10240x128xf32, #tpu.memory_space<vmem_shared>> -> memref<640x128xf32, #tpu.memory_space<vmem_shared>>
        tpu.wait_dma2 semaphore(%run_scoped3A : memref<!tpu.dma_semaphore, #tpu.memory_space<semaphore_mem>>) src(%dma_wait3A_74 : memref<640x128xf32, #tpu.memory_space<vmem_shared>>) dst(%dma_wait3A_72 : memref<640x128xf32, #tpu.memory_space<hbm>>)
        tpu.yield
      }) : () -> ()
    } else {
    }
    %eq3A_5 = arith.constant 1 : i32
    %eq3A_6 = arith.cmpi eq, %arg0, %eq3A_5 : i32
    %convert_element_type3A_7 = arith.extui %eq3A_6 : i1 to i32
    %cond3A_8 = arith.constant 0 : i32
    %cond3A_9 = arith.cmpi ne, %convert_element_type3A_7, %cond3A_8 : i32
    scf.if %cond3A_9 {
      "tpu.region"() ({
        %run_scoped3A = tpu.sem_alloc : memref<!tpu.dma_semaphore, #tpu.memory_space<semaphore_mem>>
        %dma_start3A_68 = arith.constant 0 : i32
        %dma_start3A_69 = tpu.memref_slice %arg16[%mul3A_2, %dma_start3A_68] : memref<10240x128xf32, #tpu.memory_space<vmem_shared>> -> memref<640x128xf32, #tpu.memory_space<vmem_shared>>
        tpu.enqueue_dma source(%arg4 : memref<640x128xf32, #tpu.memory_space<hbm>>) target(%dma_start3A_69 : memref<640x128xf32, #tpu.memory_space<vmem_shared>>) target_semaphore(%run_scoped3A : memref<!tpu.dma_semaphore, #tpu.memory_space<semaphore_mem>>)
        %dma_wait3A = arith.constant 0 : i32
        %dma_wait3A_70 = tpu.memref_slice %arg16[%mul3A_2, %dma_wait3A] : memref<10240x128xf32, #tpu.memory_space<vmem_shared>> -> memref<640x128xf32, #tpu.memory_space<vmem_shared>>
        tpu.wait_dma2 semaphore(%run_scoped3A : memref<!tpu.dma_semaphore, #tpu.memory_space<semaphore_mem>>) src(%arg4 : memref<640x128xf32, #tpu.memory_space<hbm>>) dst(%dma_wait3A_70 : memref<640x128xf32, #tpu.memory_space<vmem_shared>>)
        tpu.yield
      }) : () -> ()
      %barrier3A = arith.constant 0 : index
      tpu.barrier barrier_id(%barrier3A)
      %add3A = arith.constant 0 : i32
      %add3A_20 = arith.addi %mul3A_0, %add3A : i32
      "tpu.region"() ({
        %run_scoped3A = tpu.sem_alloc : memref<!tpu.dma_semaphore, #tpu.memory_space<semaphore_mem>>
        %dma_start3A_68 = arith.constant 0 : i32
        %dma_start3A_69 = tpu.memref_slice %arg2[%add3A_20, %dma_start3A_68] : memref<1280x128xi32, #tpu.memory_space<hbm>> -> memref<40x128xi32, #tpu.memory_space<hbm>>
        %dma_start3A_70 = arith.constant 0 : i32
        %dma_start3A_71 = tpu.memref_slice %arg2[%add3A_20, %dma_start3A_70] : memref<1280x128xi32, #tpu.memory_space<hbm>> -> memref<40x128xi32, #tpu.memory_space<hbm>>
        tpu.enqueue_dma source(%dma_start3A_71 : memref<40x128xi32, #tpu.memory_space<hbm>>) target(%arg13 : memref<40x128xi32, #tpu.memory_space<vmem>>) target_semaphore(%run_scoped3A : memref<!tpu.dma_semaphore, #tpu.memory_space<semaphore_mem>>)
        %dma_wait3A = arith.constant 0 : i32
        %dma_wait3A_72 = tpu.memref_slice %arg2[%add3A_20, %dma_wait3A] : memref<1280x128xi32, #tpu.memory_space<hbm>> -> memref<40x128xi32, #tpu.memory_space<hbm>>
        %dma_wait3A_73 = arith.constant 0 : i32
        %dma_wait3A_74 = tpu.memref_slice %arg2[%add3A_20, %dma_wait3A_73] : memref<1280x128xi32, #tpu.memory_space<hbm>> -> memref<40x128xi32, #tpu.memory_space<hbm>>
        tpu.wait_dma2 semaphore(%run_scoped3A : memref<!tpu.dma_semaphore, #tpu.memory_space<semaphore_mem>>) src(%dma_wait3A_74 : memref<40x128xi32, #tpu.memory_space<hbm>>) dst(%arg13 : memref<40x128xi32, #tpu.memory_space<vmem>>)
        tpu.yield
      }) : () -> ()
      %add3A_21 = arith.constant 0 : i32
      %add3A_22 = arith.addi %mul3A_0, %add3A_21 : i32
      "tpu.region"() ({
        %run_scoped3A = tpu.sem_alloc : memref<!tpu.dma_semaphore, #tpu.memory_space<semaphore_mem>>
        %dma_start3A_68 = arith.constant 0 : i32
        %dma_start3A_69 = tpu.memref_slice %arg3[%add3A_22, %dma_start3A_68] : memref<1280x128xi32, #tpu.memory_space<hbm>> -> memref<40x128xi32, #tpu.memory_space<hbm>>
        %dma_start3A_70 = arith.constant 0 : i32
        %dma_start3A_71 = tpu.memref_slice %arg3[%add3A_22, %dma_start3A_70] : memref<1280x128xi32, #tpu.memory_space<hbm>> -> memref<40x128xi32, #tpu.memory_space<hbm>>
        tpu.enqueue_dma source(%dma_start3A_71 : memref<40x128xi32, #tpu.memory_space<hbm>>) target(%arg14 : memref<40x128xi32, #tpu.memory_space<vmem>>) target_semaphore(%run_scoped3A : memref<!tpu.dma_semaphore, #tpu.memory_space<semaphore_mem>>)
        %dma_wait3A = arith.constant 0 : i32
        %dma_wait3A_72 = tpu.memref_slice %arg3[%add3A_22, %dma_wait3A] : memref<1280x128xi32, #tpu.memory_space<hbm>> -> memref<40x128xi32, #tpu.memory_space<hbm>>
        %dma_wait3A_73 = arith.constant 0 : i32
        %dma_wait3A_74 = tpu.memref_slice %arg3[%add3A_22, %dma_wait3A_73] : memref<1280x128xi32, #tpu.memory_space<hbm>> -> memref<40x128xi32, #tpu.memory_space<hbm>>
        tpu.wait_dma2 semaphore(%run_scoped3A : memref<!tpu.dma_semaphore, #tpu.memory_space<semaphore_mem>>) src(%dma_wait3A_74 : memref<40x128xi32, #tpu.memory_space<hbm>>) dst(%arg14 : memref<40x128xi32, #tpu.memory_space<vmem>>)
        tpu.yield
      }) : () -> ()
      %dma_start3A = arith.constant 0 : i32
      %dma_start3A_23 = arith.constant 0 : i32
      %dma_start3A_24 = arith.constant 0 : i32
      %dma_start3A_25 = arith.constant 0 : i32
      %dma_start3A_26 = arith.constant 0 : i32
      %dma_start3A_27 = tpu.memref_slice %arg15[%dma_start3A_23, %dma_start3A_25, %dma_start3A_26] : memref<2x128x128xf32, #tpu.memory_space<vmem>> -> memref<1x128x128xf32, #tpu.memory_space<vmem>>
      %dma_start3A_28 = tpu.memref_squeeze %dma_start3A_27 : memref<1x128x128xf32, #tpu.memory_space<vmem>> -> memref<128x128xf32, #tpu.memory_space<vmem>>
      %dma_start3A_29 = arith.constant 0 : i32
      %dma_start3A_30 = tpu.memref_slice %arg13[%dma_start3A, %dma_start3A_29] : memref<40x128xi32, #tpu.memory_space<vmem>> -> memref<1x128xi32, #tpu.memory_space<vmem>>
      %dma_start3A_31 = tpu.memref_squeeze %dma_start3A_30 : memref<1x128xi32, #tpu.memory_space<vmem>> -> memref<128xi32, #tpu.memory_space<vmem>>
      %dma_start3A_32 = arith.constant 0 : i32
      %dma_start3A_33 = arith.constant 0 : i32
      %dma_start3A_34 = tpu.memref_slice %arg7[%dma_start3A_32, %dma_start3A_33] : memref<10240x128xf32, #tpu.memory_space<hbm>> -> memref<10240x128xf32, #tpu.memory_space<hbm>>
      %dma_start3A_35 = tpu.memref_slice %arg17[%dma_start3A_24] : memref<2x!tpu.dma_semaphore, #tpu.memory_space<semaphore_mem>> -> memref<1x!tpu.dma_semaphore, #tpu.memory_space<semaphore_mem>>
      %dma_start3A_36 = tpu.memref_squeeze %dma_start3A_35 : memref<1x!tpu.dma_semaphore, #tpu.memory_space<semaphore_mem>> -> memref<!tpu.dma_semaphore, #tpu.memory_space<semaphore_mem>>
      tpu.enqueue_indirect_dma source(%dma_start3A_34 : memref<10240x128xf32, #tpu.memory_space<hbm>>) target(%dma_start3A_28 : memref<128x128xf32, #tpu.memory_space<vmem>>) offsets(%dma_start3A_31 : memref<128xi32, #tpu.memory_space<vmem>>) semaphore(%dma_start3A_36 : memref<!tpu.dma_semaphore, #tpu.memory_space<semaphore_mem>>)
      %scan3A = arith.constant 0 : i32
      %scan3A_37 = arith.constant 0 : i32
      %scan3A_38 = arith.constant 40 : i32
      %scan3A_39 = arith.addi %scan3A_37, %scan3A_38 : i32
      %scan3A_40 = arith.constant 1 : i32
      scf.for %scan3A_68 = %scan3A_37 to %scan3A_39 step %scan3A_40  : i32 {
        %rem3A = arith.constant 2 : i32
        %rem3A_69 = arith.remsi %scan3A_68, %rem3A : i32
        %add3A_70 = arith.constant 1 : i32
        %add3A_71 = arith.addi %scan3A_68, %add3A_70 : i32
        %rem3A_72 = arith.constant 2 : i32
        %rem3A_73 = arith.remsi %add3A_71, %rem3A_72 : i32
        %add3A_74 = arith.constant 1 : i32
        %add3A_75 = arith.addi %scan3A_68, %add3A_74 : i32
        %lt3A = arith.constant 40 : i32
        %lt3A_76 = arith.cmpi slt, %add3A_75, %lt3A : i32
        %convert_element_type3A_77 = arith.extui %lt3A_76 : i1 to i32
        %cond3A_78 = arith.constant 0 : i32
        %cond3A_79 = arith.cmpi ne, %convert_element_type3A_77, %cond3A_78 : i32
        scf.if %cond3A_79 {
          %add3A_91 = arith.constant 1 : i32
          %add3A_92 = arith.addi %scan3A_68, %add3A_91 : i32
          %dma_start3A_93 = arith.constant 0 : i32
          %dma_start3A_94 = arith.constant 0 : i32
          %dma_start3A_95 = tpu.memref_slice %arg15[%rem3A_73, %dma_start3A_93, %dma_start3A_94] : memref<2x128x128xf32, #tpu.memory_space<vmem>> -> memref<1x128x128xf32, #tpu.memory_space<vmem>>
          %dma_start3A_96 = tpu.memref_squeeze %dma_start3A_95 : memref<1x128x128xf32, #tpu.memory_space<vmem>> -> memref<128x128xf32, #tpu.memory_space<vmem>>
          %dma_start3A_97 = arith.constant 0 : i32
          %dma_start3A_98 = tpu.memref_slice %arg13[%add3A_92, %dma_start3A_97] : memref<40x128xi32, #tpu.memory_space<vmem>> -> memref<1x128xi32, #tpu.memory_space<vmem>>
          %dma_start3A_99 = tpu.memref_squeeze %dma_start3A_98 : memref<1x128xi32, #tpu.memory_space<vmem>> -> memref<128xi32, #tpu.memory_space<vmem>>
          %dma_start3A_100 = arith.constant 0 : i32
          %dma_start3A_101 = arith.constant 0 : i32
          %dma_start3A_102 = tpu.memref_slice %arg7[%dma_start3A_100, %dma_start3A_101] : memref<10240x128xf32, #tpu.memory_space<hbm>> -> memref<10240x128xf32, #tpu.memory_space<hbm>>
          %dma_start3A_103 = tpu.memref_slice %arg17[%rem3A_73] : memref<2x!tpu.dma_semaphore, #tpu.memory_space<semaphore_mem>> -> memref<1x!tpu.dma_semaphore, #tpu.memory_space<semaphore_mem>>
          %dma_start3A_104 = tpu.memref_squeeze %dma_start3A_103 : memref<1x!tpu.dma_semaphore, #tpu.memory_space<semaphore_mem>> -> memref<!tpu.dma_semaphore, #tpu.memory_space<semaphore_mem>>
          tpu.enqueue_indirect_dma source(%dma_start3A_102 : memref<10240x128xf32, #tpu.memory_space<hbm>>) target(%dma_start3A_96 : memref<128x128xf32, #tpu.memory_space<vmem>>) offsets(%dma_start3A_99 : memref<128xi32, #tpu.memory_space<vmem>>) semaphore(%dma_start3A_104 : memref<!tpu.dma_semaphore, #tpu.memory_space<semaphore_mem>>)
        } else {
        }
        %dma_wait3A = arith.constant 0 : i32
        %dma_wait3A_80 = arith.constant 0 : i32
        %dma_wait3A_81 = tpu.memref_slice %arg15[%rem3A_69, %dma_wait3A, %dma_wait3A_80] : memref<2x128x128xf32, #tpu.memory_space<vmem>> -> memref<1x128x128xf32, #tpu.memory_space<vmem>>
        %dma_wait3A_82 = tpu.memref_squeeze %dma_wait3A_81 : memref<1x128x128xf32, #tpu.memory_space<vmem>> -> memref<128x128xf32, #tpu.memory_space<vmem>>
        %dma_wait3A_83 = arith.constant 0 : i32
        %dma_wait3A_84 = tpu.memref_slice %arg13[%scan3A_68, %dma_wait3A_83] : memref<40x128xi32, #tpu.memory_space<vmem>> -> memref<1x128xi32, #tpu.memory_space<vmem>>
        %dma_wait3A_85 = tpu.memref_squeeze %dma_wait3A_84 : memref<1x128xi32, #tpu.memory_space<vmem>> -> memref<128xi32, #tpu.memory_space<vmem>>
        %dma_wait3A_86 = arith.constant 0 : i32
        %dma_wait3A_87 = arith.constant 0 : i32
        %dma_wait3A_88 = tpu.memref_slice %arg7[%dma_wait3A_86, %dma_wait3A_87] : memref<10240x128xf32, #tpu.memory_space<hbm>> -> memref<10240x128xf32, #tpu.memory_space<hbm>>
        %dma_wait3A_89 = tpu.memref_slice %arg17[%rem3A_69] : memref<2x!tpu.dma_semaphore, #tpu.memory_space<semaphore_mem>> -> memref<1x!tpu.dma_semaphore, #tpu.memory_space<semaphore_mem>>
        %dma_wait3A_90 = tpu.memref_squeeze %dma_wait3A_89 : memref<1x!tpu.dma_semaphore, #tpu.memory_space<semaphore_mem>> -> memref<!tpu.dma_semaphore, #tpu.memory_space<semaphore_mem>>
        tpu.wait_indirect_dma semaphore(%dma_wait3A_90 : memref<!tpu.dma_semaphore, #tpu.memory_space<semaphore_mem>>) src(%dma_wait3A_88 : memref<10240x128xf32, #tpu.memory_space<hbm>>) dst(%dma_wait3A_82 : memref<128x128xf32, #tpu.memory_space<vmem>>)
        "tpu.region"() ({
          %run_scoped3A = tpu.sem_alloc : memref<!tpu.dma_semaphore, #tpu.memory_space<semaphore_mem>>
          %dma_start3A_91 = arith.constant 0 : i32
          %dma_start3A_92 = arith.constant 0 : i32
          %dma_start3A_93 = tpu.memref_slice %arg15[%rem3A_69, %dma_start3A_91, %dma_start3A_92] : memref<2x128x128xf32, #tpu.memory_space<vmem>> -> memref<1x128x128xf32, #tpu.memory_space<vmem>>
          %dma_start3A_94 = tpu.memref_squeeze %dma_start3A_93 : memref<1x128x128xf32, #tpu.memory_space<vmem>> -> memref<128x128xf32, #tpu.memory_space<vmem>>
          %dma_start3A_95 = arith.constant 0 : i32
          %dma_start3A_96 = tpu.memref_slice %arg14[%scan3A_68, %dma_start3A_95] : memref<40x128xi32, #tpu.memory_space<vmem>> -> memref<1x128xi32, #tpu.memory_space<vmem>>
          %dma_start3A_97 = tpu.memref_squeeze %dma_start3A_96 : memref<1x128xi32, #tpu.memory_space<vmem>> -> memref<128xi32, #tpu.memory_space<vmem>>
          %dma_start3A_98 = arith.constant 0 : i32
          %dma_start3A_99 = arith.constant 0 : i32
          %dma_start3A_100 = tpu.memref_slice %arg16[%dma_start3A_98, %dma_start3A_99] : memref<10240x128xf32, #tpu.memory_space<vmem_shared>> -> memref<10240x128xf32, #tpu.memory_space<vmem_shared>>
          tpu.enqueue_indirect_dma source(%dma_start3A_94 : memref<128x128xf32, #tpu.memory_space<vmem>>) target(%dma_start3A_100 : memref<10240x128xf32, #tpu.memory_space<vmem_shared>>) offsets(%dma_start3A_97 : memref<128xi32, #tpu.memory_space<vmem>>) semaphore(%run_scoped3A : memref<!tpu.dma_semaphore, #tpu.memory_space<semaphore_mem>>) {add = true}
          %dma_wait3A_101 = arith.constant 0 : i32
          %dma_wait3A_102 = arith.constant 0 : i32
          %dma_wait3A_103 = tpu.memref_slice %arg15[%rem3A_69, %dma_wait3A_101, %dma_wait3A_102] : memref<2x128x128xf32, #tpu.memory_space<vmem>> -> memref<1x128x128xf32, #tpu.memory_space<vmem>>
          %dma_wait3A_104 = tpu.memref_squeeze %dma_wait3A_103 : memref<1x128x128xf32, #tpu.memory_space<vmem>> -> memref<128x128xf32, #tpu.memory_space<vmem>>
          %dma_wait3A_105 = arith.constant 0 : i32
          %dma_wait3A_106 = tpu.memref_slice %arg14[%scan3A_68, %dma_wait3A_105] : memref<40x128xi32, #tpu.memory_space<vmem>> -> memref<1x128xi32, #tpu.memory_space<vmem>>
          %dma_wait3A_107 = tpu.memref_squeeze %dma_wait3A_106 : memref<1x128xi32, #tpu.memory_space<vmem>> -> memref<128xi32, #tpu.memory_space<vmem>>
          %dma_wait3A_108 = arith.constant 0 : i32
          %dma_wait3A_109 = arith.constant 0 : i32
          %dma_wait3A_110 = tpu.memref_slice %arg16[%dma_wait3A_108, %dma_wait3A_109] : memref<10240x128xf32, #tpu.memory_space<vmem_shared>> -> memref<10240x128xf32, #tpu.memory_space<vmem_shared>>
          tpu.wait_indirect_dma semaphore(%run_scoped3A : memref<!tpu.dma_semaphore, #tpu.memory_space<semaphore_mem>>) src(%dma_wait3A_104 : memref<128x128xf32, #tpu.memory_space<vmem>>) dst(%dma_wait3A_110 : memref<10240x128xf32, #tpu.memory_space<vmem_shared>>)
          tpu.yield
        }) : () -> ()
      }
      %scan3A_41 = arith.constant 40 : i32
      %add3A_42 = arith.constant 40 : i32
      %add3A_43 = arith.addi %mul3A_0, %add3A_42 : i32
      "tpu.region"() ({
        %run_scoped3A = tpu.sem_alloc : memref<!tpu.dma_semaphore, #tpu.memory_space<semaphore_mem>>
        %dma_start3A_68 = arith.constant 0 : i32
        %dma_start3A_69 = tpu.memref_slice %arg2[%add3A_43, %dma_start3A_68] : memref<1280x128xi32, #tpu.memory_space<hbm>> -> memref<40x128xi32, #tpu.memory_space<hbm>>
        %dma_start3A_70 = arith.constant 0 : i32
        %dma_start3A_71 = tpu.memref_slice %arg2[%add3A_43, %dma_start3A_70] : memref<1280x128xi32, #tpu.memory_space<hbm>> -> memref<40x128xi32, #tpu.memory_space<hbm>>
        tpu.enqueue_dma source(%dma_start3A_71 : memref<40x128xi32, #tpu.memory_space<hbm>>) target(%arg13 : memref<40x128xi32, #tpu.memory_space<vmem>>) target_semaphore(%run_scoped3A : memref<!tpu.dma_semaphore, #tpu.memory_space<semaphore_mem>>)
        %dma_wait3A = arith.constant 0 : i32
        %dma_wait3A_72 = tpu.memref_slice %arg2[%add3A_43, %dma_wait3A] : memref<1280x128xi32, #tpu.memory_space<hbm>> -> memref<40x128xi32, #tpu.memory_space<hbm>>
        %dma_wait3A_73 = arith.constant 0 : i32
        %dma_wait3A_74 = tpu.memref_slice %arg2[%add3A_43, %dma_wait3A_73] : memref<1280x128xi32, #tpu.memory_space<hbm>> -> memref<40x128xi32, #tpu.memory_space<hbm>>
        tpu.wait_dma2 semaphore(%run_scoped3A : memref<!tpu.dma_semaphore, #tpu.memory_space<semaphore_mem>>) src(%dma_wait3A_74 : memref<40x128xi32, #tpu.memory_space<hbm>>) dst(%arg13 : memref<40x128xi32, #tpu.memory_space<vmem>>)
        tpu.yield
      }) : () -> ()
      %add3A_44 = arith.constant 40 : i32
      %add3A_45 = arith.addi %mul3A_0, %add3A_44 : i32
      "tpu.region"() ({
        %run_scoped3A = tpu.sem_alloc : memref<!tpu.dma_semaphore, #tpu.memory_space<semaphore_mem>>
        %dma_start3A_68 = arith.constant 0 : i32
        %dma_start3A_69 = tpu.memref_slice %arg3[%add3A_45, %dma_start3A_68] : memref<1280x128xi32, #tpu.memory_space<hbm>> -> memref<40x128xi32, #tpu.memory_space<hbm>>
        %dma_start3A_70 = arith.constant 0 : i32
        %dma_start3A_71 = tpu.memref_slice %arg3[%add3A_45, %dma_start3A_70] : memref<1280x128xi32, #tpu.memory_space<hbm>> -> memref<40x128xi32, #tpu.memory_space<hbm>>
        tpu.enqueue_dma source(%dma_start3A_71 : memref<40x128xi32, #tpu.memory_space<hbm>>) target(%arg14 : memref<40x128xi32, #tpu.memory_space<vmem>>) target_semaphore(%run_scoped3A : memref<!tpu.dma_semaphore, #tpu.memory_space<semaphore_mem>>)
        %dma_wait3A = arith.constant 0 : i32
        %dma_wait3A_72 = tpu.memref_slice %arg3[%add3A_45, %dma_wait3A] : memref<1280x128xi32, #tpu.memory_space<hbm>> -> memref<40x128xi32, #tpu.memory_space<hbm>>
        %dma_wait3A_73 = arith.constant 0 : i32
        %dma_wait3A_74 = tpu.memref_slice %arg3[%add3A_45, %dma_wait3A_73] : memref<1280x128xi32, #tpu.memory_space<hbm>> -> memref<40x128xi32, #tpu.memory_space<hbm>>
        tpu.wait_dma2 semaphore(%run_scoped3A : memref<!tpu.dma_semaphore, #tpu.memory_space<semaphore_mem>>) src(%dma_wait3A_74 : memref<40x128xi32, #tpu.memory_space<hbm>>) dst(%arg14 : memref<40x128xi32, #tpu.memory_space<vmem>>)
        tpu.yield
      }) : () -> ()
      %dma_start3A_46 = arith.constant 0 : i32
      %dma_start3A_47 = arith.constant 0 : i32
      %dma_start3A_48 = arith.constant 0 : i32
      %dma_start3A_49 = arith.constant 0 : i32
      %dma_start3A_50 = arith.constant 0 : i32
      %dma_start3A_51 = tpu.memref_slice %arg15[%dma_start3A_47, %dma_start3A_49, %dma_start3A_50] : memref<2x128x128xf32, #tpu.memory_space<vmem>> -> memref<1x128x128xf32, #tpu.memory_space<vmem>>
      %dma_start3A_52 = tpu.memref_squeeze %dma_start3A_51 : memref<1x128x128xf32, #tpu.memory_space<vmem>> -> memref<128x128xf32, #tpu.memory_space<vmem>>
      %dma_start3A_53 = arith.constant 0 : i32
      %dma_start3A_54 = tpu.memref_slice %arg13[%dma_start3A_46, %dma_start3A_53] : memref<40x128xi32, #tpu.memory_space<vmem>> -> memref<1x128xi32, #tpu.memory_space<vmem>>
      %dma_start3A_55 = tpu.memref_squeeze %dma_start3A_54 : memref<1x128xi32, #tpu.memory_space<vmem>> -> memref<128xi32, #tpu.memory_space<vmem>>
      %dma_start3A_56 = arith.constant 0 : i32
      %dma_start3A_57 = arith.constant 0 : i32
      %dma_start3A_58 = tpu.memref_slice %arg7[%dma_start3A_56, %dma_start3A_57] : memref<10240x128xf32, #tpu.memory_space<hbm>> -> memref<10240x128xf32, #tpu.memory_space<hbm>>
      %dma_start3A_59 = tpu.memref_slice %arg17[%dma_start3A_48] : memref<2x!tpu.dma_semaphore, #tpu.memory_space<semaphore_mem>> -> memref<1x!tpu.dma_semaphore, #tpu.memory_space<semaphore_mem>>
      %dma_start3A_60 = tpu.memref_squeeze %dma_start3A_59 : memref<1x!tpu.dma_semaphore, #tpu.memory_space<semaphore_mem>> -> memref<!tpu.dma_semaphore, #tpu.memory_space<semaphore_mem>>
      tpu.enqueue_indirect_dma source(%dma_start3A_58 : memref<10240x128xf32, #tpu.memory_space<hbm>>) target(%dma_start3A_52 : memref<128x128xf32, #tpu.memory_space<vmem>>) offsets(%dma_start3A_55 : memref<128xi32, #tpu.memory_space<vmem>>) semaphore(%dma_start3A_60 : memref<!tpu.dma_semaphore, #tpu.memory_space<semaphore_mem>>)
      %scan3A_61 = arith.constant 0 : i32
      %scan3A_62 = arith.constant 0 : i32
      %scan3A_63 = arith.constant 40 : i32
      %scan3A_64 = arith.addi %scan3A_62, %scan3A_63 : i32
      %scan3A_65 = arith.constant 1 : i32
      scf.for %scan3A_68 = %scan3A_62 to %scan3A_64 step %scan3A_65  : i32 {
        %rem3A = arith.constant 2 : i32
        %rem3A_69 = arith.remsi %scan3A_68, %rem3A : i32
        %add3A_70 = arith.constant 1 : i32
        %add3A_71 = arith.addi %scan3A_68, %add3A_70 : i32
        %rem3A_72 = arith.constant 2 : i32
        %rem3A_73 = arith.remsi %add3A_71, %rem3A_72 : i32
        %add3A_74 = arith.constant 1 : i32
        %add3A_75 = arith.addi %scan3A_68, %add3A_74 : i32
        %lt3A = arith.constant 40 : i32
        %lt3A_76 = arith.cmpi slt, %add3A_75, %lt3A : i32
        %convert_element_type3A_77 = arith.extui %lt3A_76 : i1 to i32
        %cond3A_78 = arith.constant 0 : i32
        %cond3A_79 = arith.cmpi ne, %convert_element_type3A_77, %cond3A_78 : i32
        scf.if %cond3A_79 {
          %add3A_91 = arith.constant 1 : i32
          %add3A_92 = arith.addi %scan3A_68, %add3A_91 : i32
          %dma_start3A_93 = arith.constant 0 : i32
          %dma_start3A_94 = arith.constant 0 : i32
          %dma_start3A_95 = tpu.memref_slice %arg15[%rem3A_73, %dma_start3A_93, %dma_start3A_94] : memref<2x128x128xf32, #tpu.memory_space<vmem>> -> memref<1x128x128xf32, #tpu.memory_space<vmem>>
          %dma_start3A_96 = tpu.memref_squeeze %dma_start3A_95 : memref<1x128x128xf32, #tpu.memory_space<vmem>> -> memref<128x128xf32, #tpu.memory_space<vmem>>
          %dma_start3A_97 = arith.constant 0 : i32
          %dma_start3A_98 = tpu.memref_slice %arg13[%add3A_92, %dma_start3A_97] : memref<40x128xi32, #tpu.memory_space<vmem>> -> memref<1x128xi32, #tpu.memory_space<vmem>>
          %dma_start3A_99 = tpu.memref_squeeze %dma_start3A_98 : memref<1x128xi32, #tpu.memory_space<vmem>> -> memref<128xi32, #tpu.memory_space<vmem>>
          %dma_start3A_100 = arith.constant 0 : i32
          %dma_start3A_101 = arith.constant 0 : i32
          %dma_start3A_102 = tpu.memref_slice %arg7[%dma_start3A_100, %dma_start3A_101] : memref<10240x128xf32, #tpu.memory_space<hbm>> -> memref<10240x128xf32, #tpu.memory_space<hbm>>
          %dma_start3A_103 = tpu.memref_slice %arg17[%rem3A_73] : memref<2x!tpu.dma_semaphore, #tpu.memory_space<semaphore_mem>> -> memref<1x!tpu.dma_semaphore, #tpu.memory_space<semaphore_mem>>
          %dma_start3A_104 = tpu.memref_squeeze %dma_start3A_103 : memref<1x!tpu.dma_semaphore, #tpu.memory_space<semaphore_mem>> -> memref<!tpu.dma_semaphore, #tpu.memory_space<semaphore_mem>>
          tpu.enqueue_indirect_dma source(%dma_start3A_102 : memref<10240x128xf32, #tpu.memory_space<hbm>>) target(%dma_start3A_96 : memref<128x128xf32, #tpu.memory_space<vmem>>) offsets(%dma_start3A_99 : memref<128xi32, #tpu.memory_space<vmem>>) semaphore(%dma_start3A_104 : memref<!tpu.dma_semaphore, #tpu.memory_space<semaphore_mem>>)
        } else {
        }
        %dma_wait3A = arith.constant 0 : i32
        %dma_wait3A_80 = arith.constant 0 : i32
        %dma_wait3A_81 = tpu.memref_slice %arg15[%rem3A_69, %dma_wait3A, %dma_wait3A_80] : memref<2x128x128xf32, #tpu.memory_space<vmem>> -> memref<1x128x128xf32, #tpu.memory_space<vmem>>
        %dma_wait3A_82 = tpu.memref_squeeze %dma_wait3A_81 : memref<1x128x128xf32, #tpu.memory_space<vmem>> -> memref<128x128xf32, #tpu.memory_space<vmem>>
        %dma_wait3A_83 = arith.constant 0 : i32
        %dma_wait3A_84 = tpu.memref_slice %arg13[%scan3A_68, %dma_wait3A_83] : memref<40x128xi32, #tpu.memory_space<vmem>> -> memref<1x128xi32, #tpu.memory_space<vmem>>
        %dma_wait3A_85 = tpu.memref_squeeze %dma_wait3A_84 : memref<1x128xi32, #tpu.memory_space<vmem>> -> memref<128xi32, #tpu.memory_space<vmem>>
        %dma_wait3A_86 = arith.constant 0 : i32
        %dma_wait3A_87 = arith.constant 0 : i32
        %dma_wait3A_88 = tpu.memref_slice %arg7[%dma_wait3A_86, %dma_wait3A_87] : memref<10240x128xf32, #tpu.memory_space<hbm>> -> memref<10240x128xf32, #tpu.memory_space<hbm>>
        %dma_wait3A_89 = tpu.memref_slice %arg17[%rem3A_69] : memref<2x!tpu.dma_semaphore, #tpu.memory_space<semaphore_mem>> -> memref<1x!tpu.dma_semaphore, #tpu.memory_space<semaphore_mem>>
        %dma_wait3A_90 = tpu.memref_squeeze %dma_wait3A_89 : memref<1x!tpu.dma_semaphore, #tpu.memory_space<semaphore_mem>> -> memref<!tpu.dma_semaphore, #tpu.memory_space<semaphore_mem>>
        tpu.wait_indirect_dma semaphore(%dma_wait3A_90 : memref<!tpu.dma_semaphore, #tpu.memory_space<semaphore_mem>>) src(%dma_wait3A_88 : memref<10240x128xf32, #tpu.memory_space<hbm>>) dst(%dma_wait3A_82 : memref<128x128xf32, #tpu.memory_space<vmem>>)
        "tpu.region"() ({
          %run_scoped3A = tpu.sem_alloc : memref<!tpu.dma_semaphore, #tpu.memory_space<semaphore_mem>>
          %dma_start3A_91 = arith.constant 0 : i32
          %dma_start3A_92 = arith.constant 0 : i32
          %dma_start3A_93 = tpu.memref_slice %arg15[%rem3A_69, %dma_start3A_91, %dma_start3A_92] : memref<2x128x128xf32, #tpu.memory_space<vmem>> -> memref<1x128x128xf32, #tpu.memory_space<vmem>>
          %dma_start3A_94 = tpu.memref_squeeze %dma_start3A_93 : memref<1x128x128xf32, #tpu.memory_space<vmem>> -> memref<128x128xf32, #tpu.memory_space<vmem>>
          %dma_start3A_95 = arith.constant 0 : i32
          %dma_start3A_96 = tpu.memref_slice %arg14[%scan3A_68, %dma_start3A_95] : memref<40x128xi32, #tpu.memory_space<vmem>> -> memref<1x128xi32, #tpu.memory_space<vmem>>
          %dma_start3A_97 = tpu.memref_squeeze %dma_start3A_96 : memref<1x128xi32, #tpu.memory_space<vmem>> -> memref<128xi32, #tpu.memory_space<vmem>>
          %dma_start3A_98 = arith.constant 0 : i32
          %dma_start3A_99 = arith.constant 0 : i32
          %dma_start3A_100 = tpu.memref_slice %arg16[%dma_start3A_98, %dma_start3A_99] : memref<10240x128xf32, #tpu.memory_space<vmem_shared>> -> memref<10240x128xf32, #tpu.memory_space<vmem_shared>>
          tpu.enqueue_indirect_dma source(%dma_start3A_94 : memref<128x128xf32, #tpu.memory_space<vmem>>) target(%dma_start3A_100 : memref<10240x128xf32, #tpu.memory_space<vmem_shared>>) offsets(%dma_start3A_97 : memref<128xi32, #tpu.memory_space<vmem>>) semaphore(%run_scoped3A : memref<!tpu.dma_semaphore, #tpu.memory_space<semaphore_mem>>) {add = true}
          %dma_wait3A_101 = arith.constant 0 : i32
          %dma_wait3A_102 = arith.constant 0 : i32
          %dma_wait3A_103 = tpu.memref_slice %arg15[%rem3A_69, %dma_wait3A_101, %dma_wait3A_102] : memref<2x128x128xf32, #tpu.memory_space<vmem>> -> memref<1x128x128xf32, #tpu.memory_space<vmem>>
          %dma_wait3A_104 = tpu.memref_squeeze %dma_wait3A_103 : memref<1x128x128xf32, #tpu.memory_space<vmem>> -> memref<128x128xf32, #tpu.memory_space<vmem>>
          %dma_wait3A_105 = arith.constant 0 : i32
          %dma_wait3A_106 = tpu.memref_slice %arg14[%scan3A_68, %dma_wait3A_105] : memref<40x128xi32, #tpu.memory_space<vmem>> -> memref<1x128xi32, #tpu.memory_space<vmem>>
          %dma_wait3A_107 = tpu.memref_squeeze %dma_wait3A_106 : memref<1x128xi32, #tpu.memory_space<vmem>> -> memref<128xi32, #tpu.memory_space<vmem>>
          %dma_wait3A_108 = arith.constant 0 : i32
          %dma_wait3A_109 = arith.constant 0 : i32
          %dma_wait3A_110 = tpu.memref_slice %arg16[%dma_wait3A_108, %dma_wait3A_109] : memref<10240x128xf32, #tpu.memory_space<vmem_shared>> -> memref<10240x128xf32, #tpu.memory_space<vmem_shared>>
          tpu.wait_indirect_dma semaphore(%run_scoped3A : memref<!tpu.dma_semaphore, #tpu.memory_space<semaphore_mem>>) src(%dma_wait3A_104 : memref<128x128xf32, #tpu.memory_space<vmem>>) dst(%dma_wait3A_110 : memref<10240x128xf32, #tpu.memory_space<vmem_shared>>)
          tpu.yield
        }) : () -> ()
      }
      %scan3A_66 = arith.constant 40 : i32
      %barrier3A_67 = arith.constant 0 : index
      tpu.barrier barrier_id(%barrier3A_67)
      "tpu.region"() ({
        %run_scoped3A = tpu.sem_alloc : memref<!tpu.dma_semaphore, #tpu.memory_space<semaphore_mem>>
        %dma_start3A_68 = arith.constant 0 : i32
        %dma_start3A_69 = tpu.memref_slice %arg11[%mul3A_2, %dma_start3A_68] : memref<10240x128xf32, #tpu.memory_space<hbm>> -> memref<640x128xf32, #tpu.memory_space<hbm>>
        %dma_start3A_70 = arith.constant 0 : i32
        %dma_start3A_71 = tpu.memref_slice %arg16[%mul3A_2, %dma_start3A_70] : memref<10240x128xf32, #tpu.memory_space<vmem_shared>> -> memref<640x128xf32, #tpu.memory_space<vmem_shared>>
        tpu.enqueue_dma source(%dma_start3A_71 : memref<640x128xf32, #tpu.memory_space<vmem_shared>>) target(%dma_start3A_69 : memref<640x128xf32, #tpu.memory_space<hbm>>) target_semaphore(%run_scoped3A : memref<!tpu.dma_semaphore, #tpu.memory_space<semaphore_mem>>)
        %dma_wait3A = arith.constant 0 : i32
        %dma_wait3A_72 = tpu.memref_slice %arg11[%mul3A_2, %dma_wait3A] : memref<10240x128xf32, #tpu.memory_space<hbm>> -> memref<640x128xf32, #tpu.memory_space<hbm>>
        %dma_wait3A_73 = arith.constant 0 : i32
        %dma_wait3A_74 = tpu.memref_slice %arg16[%mul3A_2, %dma_wait3A_73] : memref<10240x128xf32, #tpu.memory_space<vmem_shared>> -> memref<640x128xf32, #tpu.memory_space<vmem_shared>>
        tpu.wait_dma2 semaphore(%run_scoped3A : memref<!tpu.dma_semaphore, #tpu.memory_space<semaphore_mem>>) src(%dma_wait3A_74 : memref<640x128xf32, #tpu.memory_space<vmem_shared>>) dst(%dma_wait3A_72 : memref<640x128xf32, #tpu.memory_space<hbm>>)
        tpu.yield
      }) : () -> ()
    } else {
    }
    %eq3A_10 = arith.constant 0 : i32
    %eq3A_11 = arith.cmpi eq, %arg0, %eq3A_10 : i32
    %convert_element_type3A_12 = arith.extui %eq3A_11 : i1 to i32
    %cond3A_13 = arith.constant 0 : i32
    %cond3A_14 = arith.cmpi ne, %convert_element_type3A_12, %cond3A_13 : i32
    scf.if %cond3A_14 {
      "tpu.region"() ({
        %run_scoped3A = tpu.sem_alloc : memref<!tpu.dma_semaphore, #tpu.memory_space<semaphore_mem>>
        %dma_start3A_68 = arith.constant 0 : i32
        %dma_start3A_69 = tpu.memref_slice %arg16[%mul3A_2, %dma_start3A_68] : memref<10240x128xf32, #tpu.memory_space<vmem_shared>> -> memref<640x128xf32, #tpu.memory_space<vmem_shared>>
        tpu.enqueue_dma source(%arg4 : memref<640x128xf32, #tpu.memory_space<hbm>>) target(%dma_start3A_69 : memref<640x128xf32, #tpu.memory_space<vmem_shared>>) target_semaphore(%run_scoped3A : memref<!tpu.dma_semaphore, #tpu.memory_space<semaphore_mem>>)
        %dma_wait3A = arith.constant 0 : i32
        %dma_wait3A_70 = tpu.memref_slice %arg16[%mul3A_2, %dma_wait3A] : memref<10240x128xf32, #tpu.memory_space<vmem_shared>> -> memref<640x128xf32, #tpu.memory_space<vmem_shared>>
        tpu.wait_dma2 semaphore(%run_scoped3A : memref<!tpu.dma_semaphore, #tpu.memory_space<semaphore_mem>>) src(%arg4 : memref<640x128xf32, #tpu.memory_space<hbm>>) dst(%dma_wait3A_70 : memref<640x128xf32, #tpu.memory_space<vmem_shared>>)
        tpu.yield
      }) : () -> ()
      %barrier3A = arith.constant 0 : index
      tpu.barrier barrier_id(%barrier3A)
      %add3A = arith.constant 0 : i32
      %add3A_20 = arith.addi %mul3A_0, %add3A : i32
      "tpu.region"() ({
        %run_scoped3A = tpu.sem_alloc : memref<!tpu.dma_semaphore, #tpu.memory_space<semaphore_mem>>
        %dma_start3A_68 = arith.constant 0 : i32
        %dma_start3A_69 = tpu.memref_slice %arg2[%add3A_20, %dma_start3A_68] : memref<1280x128xi32, #tpu.memory_space<hbm>> -> memref<40x128xi32, #tpu.memory_space<hbm>>
        %dma_start3A_70 = arith.constant 0 : i32
        %dma_start3A_71 = tpu.memref_slice %arg2[%add3A_20, %dma_start3A_70] : memref<1280x128xi32, #tpu.memory_space<hbm>> -> memref<40x128xi32, #tpu.memory_space<hbm>>
        tpu.enqueue_dma source(%dma_start3A_71 : memref<40x128xi32, #tpu.memory_space<hbm>>) target(%arg13 : memref<40x128xi32, #tpu.memory_space<vmem>>) target_semaphore(%run_scoped3A : memref<!tpu.dma_semaphore, #tpu.memory_space<semaphore_mem>>)
        %dma_wait3A = arith.constant 0 : i32
        %dma_wait3A_72 = tpu.memref_slice %arg2[%add3A_20, %dma_wait3A] : memref<1280x128xi32, #tpu.memory_space<hbm>> -> memref<40x128xi32, #tpu.memory_space<hbm>>
        %dma_wait3A_73 = arith.constant 0 : i32
        %dma_wait3A_74 = tpu.memref_slice %arg2[%add3A_20, %dma_wait3A_73] : memref<1280x128xi32, #tpu.memory_space<hbm>> -> memref<40x128xi32, #tpu.memory_space<hbm>>
        tpu.wait_dma2 semaphore(%run_scoped3A : memref<!tpu.dma_semaphore, #tpu.memory_space<semaphore_mem>>) src(%dma_wait3A_74 : memref<40x128xi32, #tpu.memory_space<hbm>>) dst(%arg13 : memref<40x128xi32, #tpu.memory_space<vmem>>)
        tpu.yield
      }) : () -> ()
      %add3A_21 = arith.constant 0 : i32
      %add3A_22 = arith.addi %mul3A_0, %add3A_21 : i32
      "tpu.region"() ({
        %run_scoped3A = tpu.sem_alloc : memref<!tpu.dma_semaphore, #tpu.memory_space<semaphore_mem>>
        %dma_start3A_68 = arith.constant 0 : i32
        %dma_start3A_69 = tpu.memref_slice %arg3[%add3A_22, %dma_start3A_68] : memref<1280x128xi32, #tpu.memory_space<hbm>> -> memref<40x128xi32, #tpu.memory_space<hbm>>
        %dma_start3A_70 = arith.constant 0 : i32
        %dma_start3A_71 = tpu.memref_slice %arg3[%add3A_22, %dma_start3A_70] : memref<1280x128xi32, #tpu.memory_space<hbm>> -> memref<40x128xi32, #tpu.memory_space<hbm>>
        tpu.enqueue_dma source(%dma_start3A_71 : memref<40x128xi32, #tpu.memory_space<hbm>>) target(%arg14 : memref<40x128xi32, #tpu.memory_space<vmem>>) target_semaphore(%run_scoped3A : memref<!tpu.dma_semaphore, #tpu.memory_space<semaphore_mem>>)
        %dma_wait3A = arith.constant 0 : i32
        %dma_wait3A_72 = tpu.memref_slice %arg3[%add3A_22, %dma_wait3A] : memref<1280x128xi32, #tpu.memory_space<hbm>> -> memref<40x128xi32, #tpu.memory_space<hbm>>
        %dma_wait3A_73 = arith.constant 0 : i32
        %dma_wait3A_74 = tpu.memref_slice %arg3[%add3A_22, %dma_wait3A_73] : memref<1280x128xi32, #tpu.memory_space<hbm>> -> memref<40x128xi32, #tpu.memory_space<hbm>>
        tpu.wait_dma2 semaphore(%run_scoped3A : memref<!tpu.dma_semaphore, #tpu.memory_space<semaphore_mem>>) src(%dma_wait3A_74 : memref<40x128xi32, #tpu.memory_space<hbm>>) dst(%arg14 : memref<40x128xi32, #tpu.memory_space<vmem>>)
        tpu.yield
      }) : () -> ()
      %dma_start3A = arith.constant 0 : i32
      %dma_start3A_23 = arith.constant 0 : i32
      %dma_start3A_24 = arith.constant 0 : i32
      %dma_start3A_25 = arith.constant 0 : i32
      %dma_start3A_26 = arith.constant 0 : i32
      %dma_start3A_27 = tpu.memref_slice %arg15[%dma_start3A_23, %dma_start3A_25, %dma_start3A_26] : memref<2x128x128xf32, #tpu.memory_space<vmem>> -> memref<1x128x128xf32, #tpu.memory_space<vmem>>
      %dma_start3A_28 = tpu.memref_squeeze %dma_start3A_27 : memref<1x128x128xf32, #tpu.memory_space<vmem>> -> memref<128x128xf32, #tpu.memory_space<vmem>>
      %dma_start3A_29 = arith.constant 0 : i32
      %dma_start3A_30 = tpu.memref_slice %arg13[%dma_start3A, %dma_start3A_29] : memref<40x128xi32, #tpu.memory_space<vmem>> -> memref<1x128xi32, #tpu.memory_space<vmem>>
      %dma_start3A_31 = tpu.memref_squeeze %dma_start3A_30 : memref<1x128xi32, #tpu.memory_space<vmem>> -> memref<128xi32, #tpu.memory_space<vmem>>
      %dma_start3A_32 = arith.constant 0 : i32
      %dma_start3A_33 = arith.constant 0 : i32
      %dma_start3A_34 = tpu.memref_slice %arg6[%dma_start3A_32, %dma_start3A_33] : memref<10240x128xf32, #tpu.memory_space<hbm>> -> memref<10240x128xf32, #tpu.memory_space<hbm>>
      %dma_start3A_35 = tpu.memref_slice %arg17[%dma_start3A_24] : memref<2x!tpu.dma_semaphore, #tpu.memory_space<semaphore_mem>> -> memref<1x!tpu.dma_semaphore, #tpu.memory_space<semaphore_mem>>
      %dma_start3A_36 = tpu.memref_squeeze %dma_start3A_35 : memref<1x!tpu.dma_semaphore, #tpu.memory_space<semaphore_mem>> -> memref<!tpu.dma_semaphore, #tpu.memory_space<semaphore_mem>>
      tpu.enqueue_indirect_dma source(%dma_start3A_34 : memref<10240x128xf32, #tpu.memory_space<hbm>>) target(%dma_start3A_28 : memref<128x128xf32, #tpu.memory_space<vmem>>) offsets(%dma_start3A_31 : memref<128xi32, #tpu.memory_space<vmem>>) semaphore(%dma_start3A_36 : memref<!tpu.dma_semaphore, #tpu.memory_space<semaphore_mem>>)
      %scan3A = arith.constant 0 : i32
      %scan3A_37 = arith.constant 0 : i32
      %scan3A_38 = arith.constant 40 : i32
      %scan3A_39 = arith.addi %scan3A_37, %scan3A_38 : i32
      %scan3A_40 = arith.constant 1 : i32
      scf.for %scan3A_68 = %scan3A_37 to %scan3A_39 step %scan3A_40  : i32 {
        %rem3A = arith.constant 2 : i32
        %rem3A_69 = arith.remsi %scan3A_68, %rem3A : i32
        %add3A_70 = arith.constant 1 : i32
        %add3A_71 = arith.addi %scan3A_68, %add3A_70 : i32
        %rem3A_72 = arith.constant 2 : i32
        %rem3A_73 = arith.remsi %add3A_71, %rem3A_72 : i32
        %add3A_74 = arith.constant 1 : i32
        %add3A_75 = arith.addi %scan3A_68, %add3A_74 : i32
        %lt3A = arith.constant 40 : i32
        %lt3A_76 = arith.cmpi slt, %add3A_75, %lt3A : i32
        %convert_element_type3A_77 = arith.extui %lt3A_76 : i1 to i32
        %cond3A_78 = arith.constant 0 : i32
        %cond3A_79 = arith.cmpi ne, %convert_element_type3A_77, %cond3A_78 : i32
        scf.if %cond3A_79 {
          %add3A_91 = arith.constant 1 : i32
          %add3A_92 = arith.addi %scan3A_68, %add3A_91 : i32
          %dma_start3A_93 = arith.constant 0 : i32
          %dma_start3A_94 = arith.constant 0 : i32
          %dma_start3A_95 = tpu.memref_slice %arg15[%rem3A_73, %dma_start3A_93, %dma_start3A_94] : memref<2x128x128xf32, #tpu.memory_space<vmem>> -> memref<1x128x128xf32, #tpu.memory_space<vmem>>
          %dma_start3A_96 = tpu.memref_squeeze %dma_start3A_95 : memref<1x128x128xf32, #tpu.memory_space<vmem>> -> memref<128x128xf32, #tpu.memory_space<vmem>>
          %dma_start3A_97 = arith.constant 0 : i32
          %dma_start3A_98 = tpu.memref_slice %arg13[%add3A_92, %dma_start3A_97] : memref<40x128xi32, #tpu.memory_space<vmem>> -> memref<1x128xi32, #tpu.memory_space<vmem>>
          %dma_start3A_99 = tpu.memref_squeeze %dma_start3A_98 : memref<1x128xi32, #tpu.memory_space<vmem>> -> memref<128xi32, #tpu.memory_space<vmem>>
          %dma_start3A_100 = arith.constant 0 : i32
          %dma_start3A_101 = arith.constant 0 : i32
          %dma_start3A_102 = tpu.memref_slice %arg6[%dma_start3A_100, %dma_start3A_101] : memref<10240x128xf32, #tpu.memory_space<hbm>> -> memref<10240x128xf32, #tpu.memory_space<hbm>>
          %dma_start3A_103 = tpu.memref_slice %arg17[%rem3A_73] : memref<2x!tpu.dma_semaphore, #tpu.memory_space<semaphore_mem>> -> memref<1x!tpu.dma_semaphore, #tpu.memory_space<semaphore_mem>>
          %dma_start3A_104 = tpu.memref_squeeze %dma_start3A_103 : memref<1x!tpu.dma_semaphore, #tpu.memory_space<semaphore_mem>> -> memref<!tpu.dma_semaphore, #tpu.memory_space<semaphore_mem>>
          tpu.enqueue_indirect_dma source(%dma_start3A_102 : memref<10240x128xf32, #tpu.memory_space<hbm>>) target(%dma_start3A_96 : memref<128x128xf32, #tpu.memory_space<vmem>>) offsets(%dma_start3A_99 : memref<128xi32, #tpu.memory_space<vmem>>) semaphore(%dma_start3A_104 : memref<!tpu.dma_semaphore, #tpu.memory_space<semaphore_mem>>)
        } else {
        }
        %dma_wait3A = arith.constant 0 : i32
        %dma_wait3A_80 = arith.constant 0 : i32
        %dma_wait3A_81 = tpu.memref_slice %arg15[%rem3A_69, %dma_wait3A, %dma_wait3A_80] : memref<2x128x128xf32, #tpu.memory_space<vmem>> -> memref<1x128x128xf32, #tpu.memory_space<vmem>>
        %dma_wait3A_82 = tpu.memref_squeeze %dma_wait3A_81 : memref<1x128x128xf32, #tpu.memory_space<vmem>> -> memref<128x128xf32, #tpu.memory_space<vmem>>
        %dma_wait3A_83 = arith.constant 0 : i32
        %dma_wait3A_84 = tpu.memref_slice %arg13[%scan3A_68, %dma_wait3A_83] : memref<40x128xi32, #tpu.memory_space<vmem>> -> memref<1x128xi32, #tpu.memory_space<vmem>>
        %dma_wait3A_85 = tpu.memref_squeeze %dma_wait3A_84 : memref<1x128xi32, #tpu.memory_space<vmem>> -> memref<128xi32, #tpu.memory_space<vmem>>
        %dma_wait3A_86 = arith.constant 0 : i32
        %dma_wait3A_87 = arith.constant 0 : i32
        %dma_wait3A_88 = tpu.memref_slice %arg6[%dma_wait3A_86, %dma_wait3A_87] : memref<10240x128xf32, #tpu.memory_space<hbm>> -> memref<10240x128xf32, #tpu.memory_space<hbm>>
        %dma_wait3A_89 = tpu.memref_slice %arg17[%rem3A_69] : memref<2x!tpu.dma_semaphore, #tpu.memory_space<semaphore_mem>> -> memref<1x!tpu.dma_semaphore, #tpu.memory_space<semaphore_mem>>
        %dma_wait3A_90 = tpu.memref_squeeze %dma_wait3A_89 : memref<1x!tpu.dma_semaphore, #tpu.memory_space<semaphore_mem>> -> memref<!tpu.dma_semaphore, #tpu.memory_space<semaphore_mem>>
        tpu.wait_indirect_dma semaphore(%dma_wait3A_90 : memref<!tpu.dma_semaphore, #tpu.memory_space<semaphore_mem>>) src(%dma_wait3A_88 : memref<10240x128xf32, #tpu.memory_space<hbm>>) dst(%dma_wait3A_82 : memref<128x128xf32, #tpu.memory_space<vmem>>)
        "tpu.region"() ({
          %run_scoped3A = tpu.sem_alloc : memref<!tpu.dma_semaphore, #tpu.memory_space<semaphore_mem>>
          %dma_start3A_91 = arith.constant 0 : i32
          %dma_start3A_92 = arith.constant 0 : i32
          %dma_start3A_93 = tpu.memref_slice %arg15[%rem3A_69, %dma_start3A_91, %dma_start3A_92] : memref<2x128x128xf32, #tpu.memory_space<vmem>> -> memref<1x128x128xf32, #tpu.memory_space<vmem>>
          %dma_start3A_94 = tpu.memref_squeeze %dma_start3A_93 : memref<1x128x128xf32, #tpu.memory_space<vmem>> -> memref<128x128xf32, #tpu.memory_space<vmem>>
          %dma_start3A_95 = arith.constant 0 : i32
          %dma_start3A_96 = tpu.memref_slice %arg14[%scan3A_68, %dma_start3A_95] : memref<40x128xi32, #tpu.memory_space<vmem>> -> memref<1x128xi32, #tpu.memory_space<vmem>>
          %dma_start3A_97 = tpu.memref_squeeze %dma_start3A_96 : memref<1x128xi32, #tpu.memory_space<vmem>> -> memref<128xi32, #tpu.memory_space<vmem>>
          %dma_start3A_98 = arith.constant 0 : i32
          %dma_start3A_99 = arith.constant 0 : i32
          %dma_start3A_100 = tpu.memref_slice %arg16[%dma_start3A_98, %dma_start3A_99] : memref<10240x128xf32, #tpu.memory_space<vmem_shared>> -> memref<10240x128xf32, #tpu.memory_space<vmem_shared>>
          tpu.enqueue_indirect_dma source(%dma_start3A_94 : memref<128x128xf32, #tpu.memory_space<vmem>>) target(%dma_start3A_100 : memref<10240x128xf32, #tpu.memory_space<vmem_shared>>) offsets(%dma_start3A_97 : memref<128xi32, #tpu.memory_space<vmem>>) semaphore(%run_scoped3A : memref<!tpu.dma_semaphore, #tpu.memory_space<semaphore_mem>>) {add = true}
          %dma_wait3A_101 = arith.constant 0 : i32
          %dma_wait3A_102 = arith.constant 0 : i32
          %dma_wait3A_103 = tpu.memref_slice %arg15[%rem3A_69, %dma_wait3A_101, %dma_wait3A_102] : memref<2x128x128xf32, #tpu.memory_space<vmem>> -> memref<1x128x128xf32, #tpu.memory_space<vmem>>
          %dma_wait3A_104 = tpu.memref_squeeze %dma_wait3A_103 : memref<1x128x128xf32, #tpu.memory_space<vmem>> -> memref<128x128xf32, #tpu.memory_space<vmem>>
          %dma_wait3A_105 = arith.constant 0 : i32
          %dma_wait3A_106 = tpu.memref_slice %arg14[%scan3A_68, %dma_wait3A_105] : memref<40x128xi32, #tpu.memory_space<vmem>> -> memref<1x128xi32, #tpu.memory_space<vmem>>
          %dma_wait3A_107 = tpu.memref_squeeze %dma_wait3A_106 : memref<1x128xi32, #tpu.memory_space<vmem>> -> memref<128xi32, #tpu.memory_space<vmem>>
          %dma_wait3A_108 = arith.constant 0 : i32
          %dma_wait3A_109 = arith.constant 0 : i32
          %dma_wait3A_110 = tpu.memref_slice %arg16[%dma_wait3A_108, %dma_wait3A_109] : memref<10240x128xf32, #tpu.memory_space<vmem_shared>> -> memref<10240x128xf32, #tpu.memory_space<vmem_shared>>
          tpu.wait_indirect_dma semaphore(%run_scoped3A : memref<!tpu.dma_semaphore, #tpu.memory_space<semaphore_mem>>) src(%dma_wait3A_104 : memref<128x128xf32, #tpu.memory_space<vmem>>) dst(%dma_wait3A_110 : memref<10240x128xf32, #tpu.memory_space<vmem_shared>>)
          tpu.yield
        }) : () -> ()
      }
      %scan3A_41 = arith.constant 40 : i32
      %add3A_42 = arith.constant 40 : i32
      %add3A_43 = arith.addi %mul3A_0, %add3A_42 : i32
      "tpu.region"() ({
        %run_scoped3A = tpu.sem_alloc : memref<!tpu.dma_semaphore, #tpu.memory_space<semaphore_mem>>
        %dma_start3A_68 = arith.constant 0 : i32
        %dma_start3A_69 = tpu.memref_slice %arg2[%add3A_43, %dma_start3A_68] : memref<1280x128xi32, #tpu.memory_space<hbm>> -> memref<40x128xi32, #tpu.memory_space<hbm>>
        %dma_start3A_70 = arith.constant 0 : i32
        %dma_start3A_71 = tpu.memref_slice %arg2[%add3A_43, %dma_start3A_70] : memref<1280x128xi32, #tpu.memory_space<hbm>> -> memref<40x128xi32, #tpu.memory_space<hbm>>
        tpu.enqueue_dma source(%dma_start3A_71 : memref<40x128xi32, #tpu.memory_space<hbm>>) target(%arg13 : memref<40x128xi32, #tpu.memory_space<vmem>>) target_semaphore(%run_scoped3A : memref<!tpu.dma_semaphore, #tpu.memory_space<semaphore_mem>>)
        %dma_wait3A = arith.constant 0 : i32
        %dma_wait3A_72 = tpu.memref_slice %arg2[%add3A_43, %dma_wait3A] : memref<1280x128xi32, #tpu.memory_space<hbm>> -> memref<40x128xi32, #tpu.memory_space<hbm>>
        %dma_wait3A_73 = arith.constant 0 : i32
        %dma_wait3A_74 = tpu.memref_slice %arg2[%add3A_43, %dma_wait3A_73] : memref<1280x128xi32, #tpu.memory_space<hbm>> -> memref<40x128xi32, #tpu.memory_space<hbm>>
        tpu.wait_dma2 semaphore(%run_scoped3A : memref<!tpu.dma_semaphore, #tpu.memory_space<semaphore_mem>>) src(%dma_wait3A_74 : memref<40x128xi32, #tpu.memory_space<hbm>>) dst(%arg13 : memref<40x128xi32, #tpu.memory_space<vmem>>)
        tpu.yield
      }) : () -> ()
      %add3A_44 = arith.constant 40 : i32
      %add3A_45 = arith.addi %mul3A_0, %add3A_44 : i32
      "tpu.region"() ({
        %run_scoped3A = tpu.sem_alloc : memref<!tpu.dma_semaphore, #tpu.memory_space<semaphore_mem>>
        %dma_start3A_68 = arith.constant 0 : i32
        %dma_start3A_69 = tpu.memref_slice %arg3[%add3A_45, %dma_start3A_68] : memref<1280x128xi32, #tpu.memory_space<hbm>> -> memref<40x128xi32, #tpu.memory_space<hbm>>
        %dma_start3A_70 = arith.constant 0 : i32
        %dma_start3A_71 = tpu.memref_slice %arg3[%add3A_45, %dma_start3A_70] : memref<1280x128xi32, #tpu.memory_space<hbm>> -> memref<40x128xi32, #tpu.memory_space<hbm>>
        tpu.enqueue_dma source(%dma_start3A_71 : memref<40x128xi32, #tpu.memory_space<hbm>>) target(%arg14 : memref<40x128xi32, #tpu.memory_space<vmem>>) target_semaphore(%run_scoped3A : memref<!tpu.dma_semaphore, #tpu.memory_space<semaphore_mem>>)
        %dma_wait3A = arith.constant 0 : i32
        %dma_wait3A_72 = tpu.memref_slice %arg3[%add3A_45, %dma_wait3A] : memref<1280x128xi32, #tpu.memory_space<hbm>> -> memref<40x128xi32, #tpu.memory_space<hbm>>
        %dma_wait3A_73 = arith.constant 0 : i32
        %dma_wait3A_74 = tpu.memref_slice %arg3[%add3A_45, %dma_wait3A_73] : memref<1280x128xi32, #tpu.memory_space<hbm>> -> memref<40x128xi32, #tpu.memory_space<hbm>>
        tpu.wait_dma2 semaphore(%run_scoped3A : memref<!tpu.dma_semaphore, #tpu.memory_space<semaphore_mem>>) src(%dma_wait3A_74 : memref<40x128xi32, #tpu.memory_space<hbm>>) dst(%arg14 : memref<40x128xi32, #tpu.memory_space<vmem>>)
        tpu.yield
      }) : () -> ()
      %dma_start3A_46 = arith.constant 0 : i32
      %dma_start3A_47 = arith.constant 0 : i32
      %dma_start3A_48 = arith.constant 0 : i32
      %dma_start3A_49 = arith.constant 0 : i32
      %dma_start3A_50 = arith.constant 0 : i32
      %dma_start3A_51 = tpu.memref_slice %arg15[%dma_start3A_47, %dma_start3A_49, %dma_start3A_50] : memref<2x128x128xf32, #tpu.memory_space<vmem>> -> memref<1x128x128xf32, #tpu.memory_space<vmem>>
      %dma_start3A_52 = tpu.memref_squeeze %dma_start3A_51 : memref<1x128x128xf32, #tpu.memory_space<vmem>> -> memref<128x128xf32, #tpu.memory_space<vmem>>
      %dma_start3A_53 = arith.constant 0 : i32
      %dma_start3A_54 = tpu.memref_slice %arg13[%dma_start3A_46, %dma_start3A_53] : memref<40x128xi32, #tpu.memory_space<vmem>> -> memref<1x128xi32, #tpu.memory_space<vmem>>
      %dma_start3A_55 = tpu.memref_squeeze %dma_start3A_54 : memref<1x128xi32, #tpu.memory_space<vmem>> -> memref<128xi32, #tpu.memory_space<vmem>>
      %dma_start3A_56 = arith.constant 0 : i32
      %dma_start3A_57 = arith.constant 0 : i32
      %dma_start3A_58 = tpu.memref_slice %arg6[%dma_start3A_56, %dma_start3A_57] : memref<10240x128xf32, #tpu.memory_space<hbm>> -> memref<10240x128xf32, #tpu.memory_space<hbm>>
      %dma_start3A_59 = tpu.memref_slice %arg17[%dma_start3A_48] : memref<2x!tpu.dma_semaphore, #tpu.memory_space<semaphore_mem>> -> memref<1x!tpu.dma_semaphore, #tpu.memory_space<semaphore_mem>>
      %dma_start3A_60 = tpu.memref_squeeze %dma_start3A_59 : memref<1x!tpu.dma_semaphore, #tpu.memory_space<semaphore_mem>> -> memref<!tpu.dma_semaphore, #tpu.memory_space<semaphore_mem>>
      tpu.enqueue_indirect_dma source(%dma_start3A_58 : memref<10240x128xf32, #tpu.memory_space<hbm>>) target(%dma_start3A_52 : memref<128x128xf32, #tpu.memory_space<vmem>>) offsets(%dma_start3A_55 : memref<128xi32, #tpu.memory_space<vmem>>) semaphore(%dma_start3A_60 : memref<!tpu.dma_semaphore, #tpu.memory_space<semaphore_mem>>)
      %scan3A_61 = arith.constant 0 : i32
      %scan3A_62 = arith.constant 0 : i32
      %scan3A_63 = arith.constant 40 : i32
      %scan3A_64 = arith.addi %scan3A_62, %scan3A_63 : i32
      %scan3A_65 = arith.constant 1 : i32
      scf.for %scan3A_68 = %scan3A_62 to %scan3A_64 step %scan3A_65  : i32 {
        %rem3A = arith.constant 2 : i32
        %rem3A_69 = arith.remsi %scan3A_68, %rem3A : i32
        %add3A_70 = arith.constant 1 : i32
        %add3A_71 = arith.addi %scan3A_68, %add3A_70 : i32
        %rem3A_72 = arith.constant 2 : i32
        %rem3A_73 = arith.remsi %add3A_71, %rem3A_72 : i32
        %add3A_74 = arith.constant 1 : i32
        %add3A_75 = arith.addi %scan3A_68, %add3A_74 : i32
        %lt3A = arith.constant 40 : i32
        %lt3A_76 = arith.cmpi slt, %add3A_75, %lt3A : i32
        %convert_element_type3A_77 = arith.extui %lt3A_76 : i1 to i32
        %cond3A_78 = arith.constant 0 : i32
        %cond3A_79 = arith.cmpi ne, %convert_element_type3A_77, %cond3A_78 : i32
        scf.if %cond3A_79 {
          %add3A_91 = arith.constant 1 : i32
          %add3A_92 = arith.addi %scan3A_68, %add3A_91 : i32
          %dma_start3A_93 = arith.constant 0 : i32
          %dma_start3A_94 = arith.constant 0 : i32
          %dma_start3A_95 = tpu.memref_slice %arg15[%rem3A_73, %dma_start3A_93, %dma_start3A_94] : memref<2x128x128xf32, #tpu.memory_space<vmem>> -> memref<1x128x128xf32, #tpu.memory_space<vmem>>
          %dma_start3A_96 = tpu.memref_squeeze %dma_start3A_95 : memref<1x128x128xf32, #tpu.memory_space<vmem>> -> memref<128x128xf32, #tpu.memory_space<vmem>>
          %dma_start3A_97 = arith.constant 0 : i32
          %dma_start3A_98 = tpu.memref_slice %arg13[%add3A_92, %dma_start3A_97] : memref<40x128xi32, #tpu.memory_space<vmem>> -> memref<1x128xi32, #tpu.memory_space<vmem>>
          %dma_start3A_99 = tpu.memref_squeeze %dma_start3A_98 : memref<1x128xi32, #tpu.memory_space<vmem>> -> memref<128xi32, #tpu.memory_space<vmem>>
          %dma_start3A_100 = arith.constant 0 : i32
          %dma_start3A_101 = arith.constant 0 : i32
          %dma_start3A_102 = tpu.memref_slice %arg6[%dma_start3A_100, %dma_start3A_101] : memref<10240x128xf32, #tpu.memory_space<hbm>> -> memref<10240x128xf32, #tpu.memory_space<hbm>>
          %dma_start3A_103 = tpu.memref_slice %arg17[%rem3A_73] : memref<2x!tpu.dma_semaphore, #tpu.memory_space<semaphore_mem>> -> memref<1x!tpu.dma_semaphore, #tpu.memory_space<semaphore_mem>>
          %dma_start3A_104 = tpu.memref_squeeze %dma_start3A_103 : memref<1x!tpu.dma_semaphore, #tpu.memory_space<semaphore_mem>> -> memref<!tpu.dma_semaphore, #tpu.memory_space<semaphore_mem>>
          tpu.enqueue_indirect_dma source(%dma_start3A_102 : memref<10240x128xf32, #tpu.memory_space<hbm>>) target(%dma_start3A_96 : memref<128x128xf32, #tpu.memory_space<vmem>>) offsets(%dma_start3A_99 : memref<128xi32, #tpu.memory_space<vmem>>) semaphore(%dma_start3A_104 : memref<!tpu.dma_semaphore, #tpu.memory_space<semaphore_mem>>)
        } else {
        }
        %dma_wait3A = arith.constant 0 : i32
        %dma_wait3A_80 = arith.constant 0 : i32
        %dma_wait3A_81 = tpu.memref_slice %arg15[%rem3A_69, %dma_wait3A, %dma_wait3A_80] : memref<2x128x128xf32, #tpu.memory_space<vmem>> -> memref<1x128x128xf32, #tpu.memory_space<vmem>>
        %dma_wait3A_82 = tpu.memref_squeeze %dma_wait3A_81 : memref<1x128x128xf32, #tpu.memory_space<vmem>> -> memref<128x128xf32, #tpu.memory_space<vmem>>
        %dma_wait3A_83 = arith.constant 0 : i32
        %dma_wait3A_84 = tpu.memref_slice %arg13[%scan3A_68, %dma_wait3A_83] : memref<40x128xi32, #tpu.memory_space<vmem>> -> memref<1x128xi32, #tpu.memory_space<vmem>>
        %dma_wait3A_85 = tpu.memref_squeeze %dma_wait3A_84 : memref<1x128xi32, #tpu.memory_space<vmem>> -> memref<128xi32, #tpu.memory_space<vmem>>
        %dma_wait3A_86 = arith.constant 0 : i32
        %dma_wait3A_87 = arith.constant 0 : i32
        %dma_wait3A_88 = tpu.memref_slice %arg6[%dma_wait3A_86, %dma_wait3A_87] : memref<10240x128xf32, #tpu.memory_space<hbm>> -> memref<10240x128xf32, #tpu.memory_space<hbm>>
        %dma_wait3A_89 = tpu.memref_slice %arg17[%rem3A_69] : memref<2x!tpu.dma_semaphore, #tpu.memory_space<semaphore_mem>> -> memref<1x!tpu.dma_semaphore, #tpu.memory_space<semaphore_mem>>
        %dma_wait3A_90 = tpu.memref_squeeze %dma_wait3A_89 : memref<1x!tpu.dma_semaphore, #tpu.memory_space<semaphore_mem>> -> memref<!tpu.dma_semaphore, #tpu.memory_space<semaphore_mem>>
        tpu.wait_indirect_dma semaphore(%dma_wait3A_90 : memref<!tpu.dma_semaphore, #tpu.memory_space<semaphore_mem>>) src(%dma_wait3A_88 : memref<10240x128xf32, #tpu.memory_space<hbm>>) dst(%dma_wait3A_82 : memref<128x128xf32, #tpu.memory_space<vmem>>)
        "tpu.region"() ({
          %run_scoped3A = tpu.sem_alloc : memref<!tpu.dma_semaphore, #tpu.memory_space<semaphore_mem>>
          %dma_start3A_91 = arith.constant 0 : i32
          %dma_start3A_92 = arith.constant 0 : i32
          %dma_start3A_93 = tpu.memref_slice %arg15[%rem3A_69, %dma_start3A_91, %dma_start3A_92] : memref<2x128x128xf32, #tpu.memory_space<vmem>> -> memref<1x128x128xf32, #tpu.memory_space<vmem>>
          %dma_start3A_94 = tpu.memref_squeeze %dma_start3A_93 : memref<1x128x128xf32, #tpu.memory_space<vmem>> -> memref<128x128xf32, #tpu.memory_space<vmem>>
          %dma_start3A_95 = arith.constant 0 : i32
          %dma_start3A_96 = tpu.memref_slice %arg14[%scan3A_68, %dma_start3A_95] : memref<40x128xi32, #tpu.memory_space<vmem>> -> memref<1x128xi32, #tpu.memory_space<vmem>>
          %dma_start3A_97 = tpu.memref_squeeze %dma_start3A_96 : memref<1x128xi32, #tpu.memory_space<vmem>> -> memref<128xi32, #tpu.memory_space<vmem>>
          %dma_start3A_98 = arith.constant 0 : i32
          %dma_start3A_99 = arith.constant 0 : i32
          %dma_start3A_100 = tpu.memref_slice %arg16[%dma_start3A_98, %dma_start3A_99] : memref<10240x128xf32, #tpu.memory_space<vmem_shared>> -> memref<10240x128xf32, #tpu.memory_space<vmem_shared>>
          tpu.enqueue_indirect_dma source(%dma_start3A_94 : memref<128x128xf32, #tpu.memory_space<vmem>>) target(%dma_start3A_100 : memref<10240x128xf32, #tpu.memory_space<vmem_shared>>) offsets(%dma_start3A_97 : memref<128xi32, #tpu.memory_space<vmem>>) semaphore(%run_scoped3A : memref<!tpu.dma_semaphore, #tpu.memory_space<semaphore_mem>>) {add = true}
          %dma_wait3A_101 = arith.constant 0 : i32
          %dma_wait3A_102 = arith.constant 0 : i32
          %dma_wait3A_103 = tpu.memref_slice %arg15[%rem3A_69, %dma_wait3A_101, %dma_wait3A_102] : memref<2x128x128xf32, #tpu.memory_space<vmem>> -> memref<1x128x128xf32, #tpu.memory_space<vmem>>
          %dma_wait3A_104 = tpu.memref_squeeze %dma_wait3A_103 : memref<1x128x128xf32, #tpu.memory_space<vmem>> -> memref<128x128xf32, #tpu.memory_space<vmem>>
          %dma_wait3A_105 = arith.constant 0 : i32
          %dma_wait3A_106 = tpu.memref_slice %arg14[%scan3A_68, %dma_wait3A_105] : memref<40x128xi32, #tpu.memory_space<vmem>> -> memref<1x128xi32, #tpu.memory_space<vmem>>
          %dma_wait3A_107 = tpu.memref_squeeze %dma_wait3A_106 : memref<1x128xi32, #tpu.memory_space<vmem>> -> memref<128xi32, #tpu.memory_space<vmem>>
          %dma_wait3A_108 = arith.constant 0 : i32
          %dma_wait3A_109 = arith.constant 0 : i32
          %dma_wait3A_110 = tpu.memref_slice %arg16[%dma_wait3A_108, %dma_wait3A_109] : memref<10240x128xf32, #tpu.memory_space<vmem_shared>> -> memref<10240x128xf32, #tpu.memory_space<vmem_shared>>
          tpu.wait_indirect_dma semaphore(%run_scoped3A : memref<!tpu.dma_semaphore, #tpu.memory_space<semaphore_mem>>) src(%dma_wait3A_104 : memref<128x128xf32, #tpu.memory_space<vmem>>) dst(%dma_wait3A_110 : memref<10240x128xf32, #tpu.memory_space<vmem_shared>>)
          tpu.yield
        }) : () -> ()
      }
      %scan3A_66 = arith.constant 40 : i32
      %barrier3A_67 = arith.constant 0 : index
      tpu.barrier barrier_id(%barrier3A_67)
      "tpu.region"() ({
        %run_scoped3A = tpu.sem_alloc : memref<!tpu.dma_semaphore, #tpu.memory_space<semaphore_mem>>
        %dma_start3A_68 = arith.constant 0 : i32
        %dma_start3A_69 = tpu.memref_slice %arg10[%mul3A_2, %dma_start3A_68] : memref<10240x128xf32, #tpu.memory_space<hbm>> -> memref<640x128xf32, #tpu.memory_space<hbm>>
        %dma_start3A_70 = arith.constant 0 : i32
        %dma_start3A_71 = tpu.memref_slice %arg16[%mul3A_2, %dma_start3A_70] : memref<10240x128xf32, #tpu.memory_space<vmem_shared>> -> memref<640x128xf32, #tpu.memory_space<vmem_shared>>
        tpu.enqueue_dma source(%dma_start3A_71 : memref<640x128xf32, #tpu.memory_space<vmem_shared>>) target(%dma_start3A_69 : memref<640x128xf32, #tpu.memory_space<hbm>>) target_semaphore(%run_scoped3A : memref<!tpu.dma_semaphore, #tpu.memory_space<semaphore_mem>>)
        %dma_wait3A = arith.constant 0 : i32
        %dma_wait3A_72 = tpu.memref_slice %arg10[%mul3A_2, %dma_wait3A] : memref<10240x128xf32, #tpu.memory_space<hbm>> -> memref<640x128xf32, #tpu.memory_space<hbm>>
        %dma_wait3A_73 = arith.constant 0 : i32
        %dma_wait3A_74 = tpu.memref_slice %arg16[%mul3A_2, %dma_wait3A_73] : memref<10240x128xf32, #tpu.memory_space<vmem_shared>> -> memref<640x128xf32, #tpu.memory_space<vmem_shared>>
        tpu.wait_dma2 semaphore(%run_scoped3A : memref<!tpu.dma_semaphore, #tpu.memory_space<semaphore_mem>>) src(%dma_wait3A_74 : memref<640x128xf32, #tpu.memory_space<vmem_shared>>) dst(%dma_wait3A_72 : memref<640x128xf32, #tpu.memory_space<hbm>>)
        tpu.yield
      }) : () -> ()
    } else {
    }
    %eq3A_15 = arith.constant 1 : i32
    %eq3A_16 = arith.cmpi eq, %arg0, %eq3A_15 : i32
    %convert_element_type3A_17 = arith.extui %eq3A_16 : i1 to i32
    %cond3A_18 = arith.constant 0 : i32
    %cond3A_19 = arith.cmpi ne, %convert_element_type3A_17, %cond3A_18 : i32
    scf.if %cond3A_19 {
      "tpu.region"() ({
        %run_scoped3A = tpu.sem_alloc : memref<!tpu.dma_semaphore, #tpu.memory_space<semaphore_mem>>
        %dma_start3A_68 = arith.constant 0 : i32
        %dma_start3A_69 = tpu.memref_slice %arg16[%mul3A_2, %dma_start3A_68] : memref<10240x128xf32, #tpu.memory_space<vmem_shared>> -> memref<640x128xf32, #tpu.memory_space<vmem_shared>>
        tpu.enqueue_dma source(%arg4 : memref<640x128xf32, #tpu.memory_space<hbm>>) target(%dma_start3A_69 : memref<640x128xf32, #tpu.memory_space<vmem_shared>>) target_semaphore(%run_scoped3A : memref<!tpu.dma_semaphore, #tpu.memory_space<semaphore_mem>>)
        %dma_wait3A = arith.constant 0 : i32
        %dma_wait3A_70 = tpu.memref_slice %arg16[%mul3A_2, %dma_wait3A] : memref<10240x128xf32, #tpu.memory_space<vmem_shared>> -> memref<640x128xf32, #tpu.memory_space<vmem_shared>>
        tpu.wait_dma2 semaphore(%run_scoped3A : memref<!tpu.dma_semaphore, #tpu.memory_space<semaphore_mem>>) src(%arg4 : memref<640x128xf32, #tpu.memory_space<hbm>>) dst(%dma_wait3A_70 : memref<640x128xf32, #tpu.memory_space<vmem_shared>>)
        tpu.yield
      }) : () -> ()
      %barrier3A = arith.constant 0 : index
      tpu.barrier barrier_id(%barrier3A)
      %add3A = arith.constant 0 : i32
      %add3A_20 = arith.addi %mul3A_0, %add3A : i32
      "tpu.region"() ({
        %run_scoped3A = tpu.sem_alloc : memref<!tpu.dma_semaphore, #tpu.memory_space<semaphore_mem>>
        %dma_start3A_68 = arith.constant 0 : i32
        %dma_start3A_69 = tpu.memref_slice %arg2[%add3A_20, %dma_start3A_68] : memref<1280x128xi32, #tpu.memory_space<hbm>> -> memref<40x128xi32, #tpu.memory_space<hbm>>
        %dma_start3A_70 = arith.constant 0 : i32
        %dma_start3A_71 = tpu.memref_slice %arg2[%add3A_20, %dma_start3A_70] : memref<1280x128xi32, #tpu.memory_space<hbm>> -> memref<40x128xi32, #tpu.memory_space<hbm>>
        tpu.enqueue_dma source(%dma_start3A_71 : memref<40x128xi32, #tpu.memory_space<hbm>>) target(%arg13 : memref<40x128xi32, #tpu.memory_space<vmem>>) target_semaphore(%run_scoped3A : memref<!tpu.dma_semaphore, #tpu.memory_space<semaphore_mem>>)
        %dma_wait3A = arith.constant 0 : i32
        %dma_wait3A_72 = tpu.memref_slice %arg2[%add3A_20, %dma_wait3A] : memref<1280x128xi32, #tpu.memory_space<hbm>> -> memref<40x128xi32, #tpu.memory_space<hbm>>
        %dma_wait3A_73 = arith.constant 0 : i32
        %dma_wait3A_74 = tpu.memref_slice %arg2[%add3A_20, %dma_wait3A_73] : memref<1280x128xi32, #tpu.memory_space<hbm>> -> memref<40x128xi32, #tpu.memory_space<hbm>>
        tpu.wait_dma2 semaphore(%run_scoped3A : memref<!tpu.dma_semaphore, #tpu.memory_space<semaphore_mem>>) src(%dma_wait3A_74 : memref<40x128xi32, #tpu.memory_space<hbm>>) dst(%arg13 : memref<40x128xi32, #tpu.memory_space<vmem>>)
        tpu.yield
      }) : () -> ()
      %add3A_21 = arith.constant 0 : i32
      %add3A_22 = arith.addi %mul3A_0, %add3A_21 : i32
      "tpu.region"() ({
        %run_scoped3A = tpu.sem_alloc : memref<!tpu.dma_semaphore, #tpu.memory_space<semaphore_mem>>
        %dma_start3A_68 = arith.constant 0 : i32
        %dma_start3A_69 = tpu.memref_slice %arg3[%add3A_22, %dma_start3A_68] : memref<1280x128xi32, #tpu.memory_space<hbm>> -> memref<40x128xi32, #tpu.memory_space<hbm>>
        %dma_start3A_70 = arith.constant 0 : i32
        %dma_start3A_71 = tpu.memref_slice %arg3[%add3A_22, %dma_start3A_70] : memref<1280x128xi32, #tpu.memory_space<hbm>> -> memref<40x128xi32, #tpu.memory_space<hbm>>
        tpu.enqueue_dma source(%dma_start3A_71 : memref<40x128xi32, #tpu.memory_space<hbm>>) target(%arg14 : memref<40x128xi32, #tpu.memory_space<vmem>>) target_semaphore(%run_scoped3A : memref<!tpu.dma_semaphore, #tpu.memory_space<semaphore_mem>>)
        %dma_wait3A = arith.constant 0 : i32
        %dma_wait3A_72 = tpu.memref_slice %arg3[%add3A_22, %dma_wait3A] : memref<1280x128xi32, #tpu.memory_space<hbm>> -> memref<40x128xi32, #tpu.memory_space<hbm>>
        %dma_wait3A_73 = arith.constant 0 : i32
        %dma_wait3A_74 = tpu.memref_slice %arg3[%add3A_22, %dma_wait3A_73] : memref<1280x128xi32, #tpu.memory_space<hbm>> -> memref<40x128xi32, #tpu.memory_space<hbm>>
        tpu.wait_dma2 semaphore(%run_scoped3A : memref<!tpu.dma_semaphore, #tpu.memory_space<semaphore_mem>>) src(%dma_wait3A_74 : memref<40x128xi32, #tpu.memory_space<hbm>>) dst(%arg14 : memref<40x128xi32, #tpu.memory_space<vmem>>)
        tpu.yield
      }) : () -> ()
      %dma_start3A = arith.constant 0 : i32
      %dma_start3A_23 = arith.constant 0 : i32
      %dma_start3A_24 = arith.constant 0 : i32
      %dma_start3A_25 = arith.constant 0 : i32
      %dma_start3A_26 = arith.constant 0 : i32
      %dma_start3A_27 = tpu.memref_slice %arg15[%dma_start3A_23, %dma_start3A_25, %dma_start3A_26] : memref<2x128x128xf32, #tpu.memory_space<vmem>> -> memref<1x128x128xf32, #tpu.memory_space<vmem>>
      %dma_start3A_28 = tpu.memref_squeeze %dma_start3A_27 : memref<1x128x128xf32, #tpu.memory_space<vmem>> -> memref<128x128xf32, #tpu.memory_space<vmem>>
      %dma_start3A_29 = arith.constant 0 : i32
      %dma_start3A_30 = tpu.memref_slice %arg13[%dma_start3A, %dma_start3A_29] : memref<40x128xi32, #tpu.memory_space<vmem>> -> memref<1x128xi32, #tpu.memory_space<vmem>>
      %dma_start3A_31 = tpu.memref_squeeze %dma_start3A_30 : memref<1x128xi32, #tpu.memory_space<vmem>> -> memref<128xi32, #tpu.memory_space<vmem>>
      %dma_start3A_32 = arith.constant 0 : i32
      %dma_start3A_33 = arith.constant 0 : i32
      %dma_start3A_34 = tpu.memref_slice %arg8[%dma_start3A_32, %dma_start3A_33] : memref<10240x128xf32, #tpu.memory_space<hbm>> -> memref<10240x128xf32, #tpu.memory_space<hbm>>
      %dma_start3A_35 = tpu.memref_slice %arg17[%dma_start3A_24] : memref<2x!tpu.dma_semaphore, #tpu.memory_space<semaphore_mem>> -> memref<1x!tpu.dma_semaphore, #tpu.memory_space<semaphore_mem>>
      %dma_start3A_36 = tpu.memref_squeeze %dma_start3A_35 : memref<1x!tpu.dma_semaphore, #tpu.memory_space<semaphore_mem>> -> memref<!tpu.dma_semaphore, #tpu.memory_space<semaphore_mem>>
      tpu.enqueue_indirect_dma source(%dma_start3A_34 : memref<10240x128xf32, #tpu.memory_space<hbm>>) target(%dma_start3A_28 : memref<128x128xf32, #tpu.memory_space<vmem>>) offsets(%dma_start3A_31 : memref<128xi32, #tpu.memory_space<vmem>>) semaphore(%dma_start3A_36 : memref<!tpu.dma_semaphore, #tpu.memory_space<semaphore_mem>>)
      %scan3A = arith.constant 0 : i32
      %scan3A_37 = arith.constant 0 : i32
      %scan3A_38 = arith.constant 40 : i32
      %scan3A_39 = arith.addi %scan3A_37, %scan3A_38 : i32
      %scan3A_40 = arith.constant 1 : i32
      scf.for %scan3A_68 = %scan3A_37 to %scan3A_39 step %scan3A_40  : i32 {
        %rem3A = arith.constant 2 : i32
        %rem3A_69 = arith.remsi %scan3A_68, %rem3A : i32
        %add3A_70 = arith.constant 1 : i32
        %add3A_71 = arith.addi %scan3A_68, %add3A_70 : i32
        %rem3A_72 = arith.constant 2 : i32
        %rem3A_73 = arith.remsi %add3A_71, %rem3A_72 : i32
        %add3A_74 = arith.constant 1 : i32
        %add3A_75 = arith.addi %scan3A_68, %add3A_74 : i32
        %lt3A = arith.constant 40 : i32
        %lt3A_76 = arith.cmpi slt, %add3A_75, %lt3A : i32
        %convert_element_type3A_77 = arith.extui %lt3A_76 : i1 to i32
        %cond3A_78 = arith.constant 0 : i32
        %cond3A_79 = arith.cmpi ne, %convert_element_type3A_77, %cond3A_78 : i32
        scf.if %cond3A_79 {
          %add3A_91 = arith.constant 1 : i32
          %add3A_92 = arith.addi %scan3A_68, %add3A_91 : i32
          %dma_start3A_93 = arith.constant 0 : i32
          %dma_start3A_94 = arith.constant 0 : i32
          %dma_start3A_95 = tpu.memref_slice %arg15[%rem3A_73, %dma_start3A_93, %dma_start3A_94] : memref<2x128x128xf32, #tpu.memory_space<vmem>> -> memref<1x128x128xf32, #tpu.memory_space<vmem>>
          %dma_start3A_96 = tpu.memref_squeeze %dma_start3A_95 : memref<1x128x128xf32, #tpu.memory_space<vmem>> -> memref<128x128xf32, #tpu.memory_space<vmem>>
          %dma_start3A_97 = arith.constant 0 : i32
          %dma_start3A_98 = tpu.memref_slice %arg13[%add3A_92, %dma_start3A_97] : memref<40x128xi32, #tpu.memory_space<vmem>> -> memref<1x128xi32, #tpu.memory_space<vmem>>
          %dma_start3A_99 = tpu.memref_squeeze %dma_start3A_98 : memref<1x128xi32, #tpu.memory_space<vmem>> -> memref<128xi32, #tpu.memory_space<vmem>>
          %dma_start3A_100 = arith.constant 0 : i32
          %dma_start3A_101 = arith.constant 0 : i32
          %dma_start3A_102 = tpu.memref_slice %arg8[%dma_start3A_100, %dma_start3A_101] : memref<10240x128xf32, #tpu.memory_space<hbm>> -> memref<10240x128xf32, #tpu.memory_space<hbm>>
          %dma_start3A_103 = tpu.memref_slice %arg17[%rem3A_73] : memref<2x!tpu.dma_semaphore, #tpu.memory_space<semaphore_mem>> -> memref<1x!tpu.dma_semaphore, #tpu.memory_space<semaphore_mem>>
          %dma_start3A_104 = tpu.memref_squeeze %dma_start3A_103 : memref<1x!tpu.dma_semaphore, #tpu.memory_space<semaphore_mem>> -> memref<!tpu.dma_semaphore, #tpu.memory_space<semaphore_mem>>
          tpu.enqueue_indirect_dma source(%dma_start3A_102 : memref<10240x128xf32, #tpu.memory_space<hbm>>) target(%dma_start3A_96 : memref<128x128xf32, #tpu.memory_space<vmem>>) offsets(%dma_start3A_99 : memref<128xi32, #tpu.memory_space<vmem>>) semaphore(%dma_start3A_104 : memref<!tpu.dma_semaphore, #tpu.memory_space<semaphore_mem>>)
        } else {
        }
        %dma_wait3A = arith.constant 0 : i32
        %dma_wait3A_80 = arith.constant 0 : i32
        %dma_wait3A_81 = tpu.memref_slice %arg15[%rem3A_69, %dma_wait3A, %dma_wait3A_80] : memref<2x128x128xf32, #tpu.memory_space<vmem>> -> memref<1x128x128xf32, #tpu.memory_space<vmem>>
        %dma_wait3A_82 = tpu.memref_squeeze %dma_wait3A_81 : memref<1x128x128xf32, #tpu.memory_space<vmem>> -> memref<128x128xf32, #tpu.memory_space<vmem>>
        %dma_wait3A_83 = arith.constant 0 : i32
        %dma_wait3A_84 = tpu.memref_slice %arg13[%scan3A_68, %dma_wait3A_83] : memref<40x128xi32, #tpu.memory_space<vmem>> -> memref<1x128xi32, #tpu.memory_space<vmem>>
        %dma_wait3A_85 = tpu.memref_squeeze %dma_wait3A_84 : memref<1x128xi32, #tpu.memory_space<vmem>> -> memref<128xi32, #tpu.memory_space<vmem>>
        %dma_wait3A_86 = arith.constant 0 : i32
        %dma_wait3A_87 = arith.constant 0 : i32
        %dma_wait3A_88 = tpu.memref_slice %arg8[%dma_wait3A_86, %dma_wait3A_87] : memref<10240x128xf32, #tpu.memory_space<hbm>> -> memref<10240x128xf32, #tpu.memory_space<hbm>>
        %dma_wait3A_89 = tpu.memref_slice %arg17[%rem3A_69] : memref<2x!tpu.dma_semaphore, #tpu.memory_space<semaphore_mem>> -> memref<1x!tpu.dma_semaphore, #tpu.memory_space<semaphore_mem>>
        %dma_wait3A_90 = tpu.memref_squeeze %dma_wait3A_89 : memref<1x!tpu.dma_semaphore, #tpu.memory_space<semaphore_mem>> -> memref<!tpu.dma_semaphore, #tpu.memory_space<semaphore_mem>>
        tpu.wait_indirect_dma semaphore(%dma_wait3A_90 : memref<!tpu.dma_semaphore, #tpu.memory_space<semaphore_mem>>) src(%dma_wait3A_88 : memref<10240x128xf32, #tpu.memory_space<hbm>>) dst(%dma_wait3A_82 : memref<128x128xf32, #tpu.memory_space<vmem>>)
        "tpu.region"() ({
          %run_scoped3A = tpu.sem_alloc : memref<!tpu.dma_semaphore, #tpu.memory_space<semaphore_mem>>
          %dma_start3A_91 = arith.constant 0 : i32
          %dma_start3A_92 = arith.constant 0 : i32
          %dma_start3A_93 = tpu.memref_slice %arg15[%rem3A_69, %dma_start3A_91, %dma_start3A_92] : memref<2x128x128xf32, #tpu.memory_space<vmem>> -> memref<1x128x128xf32, #tpu.memory_space<vmem>>
          %dma_start3A_94 = tpu.memref_squeeze %dma_start3A_93 : memref<1x128x128xf32, #tpu.memory_space<vmem>> -> memref<128x128xf32, #tpu.memory_space<vmem>>
          %dma_start3A_95 = arith.constant 0 : i32
          %dma_start3A_96 = tpu.memref_slice %arg14[%scan3A_68, %dma_start3A_95] : memref<40x128xi32, #tpu.memory_space<vmem>> -> memref<1x128xi32, #tpu.memory_space<vmem>>
          %dma_start3A_97 = tpu.memref_squeeze %dma_start3A_96 : memref<1x128xi32, #tpu.memory_space<vmem>> -> memref<128xi32, #tpu.memory_space<vmem>>
          %dma_start3A_98 = arith.constant 0 : i32
          %dma_start3A_99 = arith.constant 0 : i32
          %dma_start3A_100 = tpu.memref_slice %arg16[%dma_start3A_98, %dma_start3A_99] : memref<10240x128xf32, #tpu.memory_space<vmem_shared>> -> memref<10240x128xf32, #tpu.memory_space<vmem_shared>>
          tpu.enqueue_indirect_dma source(%dma_start3A_94 : memref<128x128xf32, #tpu.memory_space<vmem>>) target(%dma_start3A_100 : memref<10240x128xf32, #tpu.memory_space<vmem_shared>>) offsets(%dma_start3A_97 : memref<128xi32, #tpu.memory_space<vmem>>) semaphore(%run_scoped3A : memref<!tpu.dma_semaphore, #tpu.memory_space<semaphore_mem>>) {add = true}
          %dma_wait3A_101 = arith.constant 0 : i32
          %dma_wait3A_102 = arith.constant 0 : i32
          %dma_wait3A_103 = tpu.memref_slice %arg15[%rem3A_69, %dma_wait3A_101, %dma_wait3A_102] : memref<2x128x128xf32, #tpu.memory_space<vmem>> -> memref<1x128x128xf32, #tpu.memory_space<vmem>>
          %dma_wait3A_104 = tpu.memref_squeeze %dma_wait3A_103 : memref<1x128x128xf32, #tpu.memory_space<vmem>> -> memref<128x128xf32, #tpu.memory_space<vmem>>
          %dma_wait3A_105 = arith.constant 0 : i32
          %dma_wait3A_106 = tpu.memref_slice %arg14[%scan3A_68, %dma_wait3A_105] : memref<40x128xi32, #tpu.memory_space<vmem>> -> memref<1x128xi32, #tpu.memory_space<vmem>>
          %dma_wait3A_107 = tpu.memref_squeeze %dma_wait3A_106 : memref<1x128xi32, #tpu.memory_space<vmem>> -> memref<128xi32, #tpu.memory_space<vmem>>
          %dma_wait3A_108 = arith.constant 0 : i32
          %dma_wait3A_109 = arith.constant 0 : i32
          %dma_wait3A_110 = tpu.memref_slice %arg16[%dma_wait3A_108, %dma_wait3A_109] : memref<10240x128xf32, #tpu.memory_space<vmem_shared>> -> memref<10240x128xf32, #tpu.memory_space<vmem_shared>>
          tpu.wait_indirect_dma semaphore(%run_scoped3A : memref<!tpu.dma_semaphore, #tpu.memory_space<semaphore_mem>>) src(%dma_wait3A_104 : memref<128x128xf32, #tpu.memory_space<vmem>>) dst(%dma_wait3A_110 : memref<10240x128xf32, #tpu.memory_space<vmem_shared>>)
          tpu.yield
        }) : () -> ()
      }
      %scan3A_41 = arith.constant 40 : i32
      %add3A_42 = arith.constant 40 : i32
      %add3A_43 = arith.addi %mul3A_0, %add3A_42 : i32
      "tpu.region"() ({
        %run_scoped3A = tpu.sem_alloc : memref<!tpu.dma_semaphore, #tpu.memory_space<semaphore_mem>>
        %dma_start3A_68 = arith.constant 0 : i32
        %dma_start3A_69 = tpu.memref_slice %arg2[%add3A_43, %dma_start3A_68] : memref<1280x128xi32, #tpu.memory_space<hbm>> -> memref<40x128xi32, #tpu.memory_space<hbm>>
        %dma_start3A_70 = arith.constant 0 : i32
        %dma_start3A_71 = tpu.memref_slice %arg2[%add3A_43, %dma_start3A_70] : memref<1280x128xi32, #tpu.memory_space<hbm>> -> memref<40x128xi32, #tpu.memory_space<hbm>>
        tpu.enqueue_dma source(%dma_start3A_71 : memref<40x128xi32, #tpu.memory_space<hbm>>) target(%arg13 : memref<40x128xi32, #tpu.memory_space<vmem>>) target_semaphore(%run_scoped3A : memref<!tpu.dma_semaphore, #tpu.memory_space<semaphore_mem>>)
        %dma_wait3A = arith.constant 0 : i32
        %dma_wait3A_72 = tpu.memref_slice %arg2[%add3A_43, %dma_wait3A] : memref<1280x128xi32, #tpu.memory_space<hbm>> -> memref<40x128xi32, #tpu.memory_space<hbm>>
        %dma_wait3A_73 = arith.constant 0 : i32
        %dma_wait3A_74 = tpu.memref_slice %arg2[%add3A_43, %dma_wait3A_73] : memref<1280x128xi32, #tpu.memory_space<hbm>> -> memref<40x128xi32, #tpu.memory_space<hbm>>
        tpu.wait_dma2 semaphore(%run_scoped3A : memref<!tpu.dma_semaphore, #tpu.memory_space<semaphore_mem>>) src(%dma_wait3A_74 : memref<40x128xi32, #tpu.memory_space<hbm>>) dst(%arg13 : memref<40x128xi32, #tpu.memory_space<vmem>>)
        tpu.yield
      }) : () -> ()
      %add3A_44 = arith.constant 40 : i32
      %add3A_45 = arith.addi %mul3A_0, %add3A_44 : i32
      "tpu.region"() ({
        %run_scoped3A = tpu.sem_alloc : memref<!tpu.dma_semaphore, #tpu.memory_space<semaphore_mem>>
        %dma_start3A_68 = arith.constant 0 : i32
        %dma_start3A_69 = tpu.memref_slice %arg3[%add3A_45, %dma_start3A_68] : memref<1280x128xi32, #tpu.memory_space<hbm>> -> memref<40x128xi32, #tpu.memory_space<hbm>>
        %dma_start3A_70 = arith.constant 0 : i32
        %dma_start3A_71 = tpu.memref_slice %arg3[%add3A_45, %dma_start3A_70] : memref<1280x128xi32, #tpu.memory_space<hbm>> -> memref<40x128xi32, #tpu.memory_space<hbm>>
        tpu.enqueue_dma source(%dma_start3A_71 : memref<40x128xi32, #tpu.memory_space<hbm>>) target(%arg14 : memref<40x128xi32, #tpu.memory_space<vmem>>) target_semaphore(%run_scoped3A : memref<!tpu.dma_semaphore, #tpu.memory_space<semaphore_mem>>)
        %dma_wait3A = arith.constant 0 : i32
        %dma_wait3A_72 = tpu.memref_slice %arg3[%add3A_45, %dma_wait3A] : memref<1280x128xi32, #tpu.memory_space<hbm>> -> memref<40x128xi32, #tpu.memory_space<hbm>>
        %dma_wait3A_73 = arith.constant 0 : i32
        %dma_wait3A_74 = tpu.memref_slice %arg3[%add3A_45, %dma_wait3A_73] : memref<1280x128xi32, #tpu.memory_space<hbm>> -> memref<40x128xi32, #tpu.memory_space<hbm>>
        tpu.wait_dma2 semaphore(%run_scoped3A : memref<!tpu.dma_semaphore, #tpu.memory_space<semaphore_mem>>) src(%dma_wait3A_74 : memref<40x128xi32, #tpu.memory_space<hbm>>) dst(%arg14 : memref<40x128xi32, #tpu.memory_space<vmem>>)
        tpu.yield
      }) : () -> ()
      %dma_start3A_46 = arith.constant 0 : i32
      %dma_start3A_47 = arith.constant 0 : i32
      %dma_start3A_48 = arith.constant 0 : i32
      %dma_start3A_49 = arith.constant 0 : i32
      %dma_start3A_50 = arith.constant 0 : i32
      %dma_start3A_51 = tpu.memref_slice %arg15[%dma_start3A_47, %dma_start3A_49, %dma_start3A_50] : memref<2x128x128xf32, #tpu.memory_space<vmem>> -> memref<1x128x128xf32, #tpu.memory_space<vmem>>
      %dma_start3A_52 = tpu.memref_squeeze %dma_start3A_51 : memref<1x128x128xf32, #tpu.memory_space<vmem>> -> memref<128x128xf32, #tpu.memory_space<vmem>>
      %dma_start3A_53 = arith.constant 0 : i32
      %dma_start3A_54 = tpu.memref_slice %arg13[%dma_start3A_46, %dma_start3A_53] : memref<40x128xi32, #tpu.memory_space<vmem>> -> memref<1x128xi32, #tpu.memory_space<vmem>>
      %dma_start3A_55 = tpu.memref_squeeze %dma_start3A_54 : memref<1x128xi32, #tpu.memory_space<vmem>> -> memref<128xi32, #tpu.memory_space<vmem>>
      %dma_start3A_56 = arith.constant 0 : i32
      %dma_start3A_57 = arith.constant 0 : i32
      %dma_start3A_58 = tpu.memref_slice %arg8[%dma_start3A_56, %dma_start3A_57] : memref<10240x128xf32, #tpu.memory_space<hbm>> -> memref<10240x128xf32, #tpu.memory_space<hbm>>
      %dma_start3A_59 = tpu.memref_slice %arg17[%dma_start3A_48] : memref<2x!tpu.dma_semaphore, #tpu.memory_space<semaphore_mem>> -> memref<1x!tpu.dma_semaphore, #tpu.memory_space<semaphore_mem>>
      %dma_start3A_60 = tpu.memref_squeeze %dma_start3A_59 : memref<1x!tpu.dma_semaphore, #tpu.memory_space<semaphore_mem>> -> memref<!tpu.dma_semaphore, #tpu.memory_space<semaphore_mem>>
      tpu.enqueue_indirect_dma source(%dma_start3A_58 : memref<10240x128xf32, #tpu.memory_space<hbm>>) target(%dma_start3A_52 : memref<128x128xf32, #tpu.memory_space<vmem>>) offsets(%dma_start3A_55 : memref<128xi32, #tpu.memory_space<vmem>>) semaphore(%dma_start3A_60 : memref<!tpu.dma_semaphore, #tpu.memory_space<semaphore_mem>>)
      %scan3A_61 = arith.constant 0 : i32
      %scan3A_62 = arith.constant 0 : i32
      %scan3A_63 = arith.constant 40 : i32
      %scan3A_64 = arith.addi %scan3A_62, %scan3A_63 : i32
      %scan3A_65 = arith.constant 1 : i32
      scf.for %scan3A_68 = %scan3A_62 to %scan3A_64 step %scan3A_65  : i32 {
        %rem3A = arith.constant 2 : i32
        %rem3A_69 = arith.remsi %scan3A_68, %rem3A : i32
        %add3A_70 = arith.constant 1 : i32
        %add3A_71 = arith.addi %scan3A_68, %add3A_70 : i32
        %rem3A_72 = arith.constant 2 : i32
        %rem3A_73 = arith.remsi %add3A_71, %rem3A_72 : i32
        %add3A_74 = arith.constant 1 : i32
        %add3A_75 = arith.addi %scan3A_68, %add3A_74 : i32
        %lt3A = arith.constant 40 : i32
        %lt3A_76 = arith.cmpi slt, %add3A_75, %lt3A : i32
        %convert_element_type3A_77 = arith.extui %lt3A_76 : i1 to i32
        %cond3A_78 = arith.constant 0 : i32
        %cond3A_79 = arith.cmpi ne, %convert_element_type3A_77, %cond3A_78 : i32
        scf.if %cond3A_79 {
          %add3A_91 = arith.constant 1 : i32
          %add3A_92 = arith.addi %scan3A_68, %add3A_91 : i32
          %dma_start3A_93 = arith.constant 0 : i32
          %dma_start3A_94 = arith.constant 0 : i32
          %dma_start3A_95 = tpu.memref_slice %arg15[%rem3A_73, %dma_start3A_93, %dma_start3A_94] : memref<2x128x128xf32, #tpu.memory_space<vmem>> -> memref<1x128x128xf32, #tpu.memory_space<vmem>>
          %dma_start3A_96 = tpu.memref_squeeze %dma_start3A_95 : memref<1x128x128xf32, #tpu.memory_space<vmem>> -> memref<128x128xf32, #tpu.memory_space<vmem>>
          %dma_start3A_97 = arith.constant 0 : i32
          %dma_start3A_98 = tpu.memref_slice %arg13[%add3A_92, %dma_start3A_97] : memref<40x128xi32, #tpu.memory_space<vmem>> -> memref<1x128xi32, #tpu.memory_space<vmem>>
          %dma_start3A_99 = tpu.memref_squeeze %dma_start3A_98 : memref<1x128xi32, #tpu.memory_space<vmem>> -> memref<128xi32, #tpu.memory_space<vmem>>
          %dma_start3A_100 = arith.constant 0 : i32
          %dma_start3A_101 = arith.constant 0 : i32
          %dma_start3A_102 = tpu.memref_slice %arg8[%dma_start3A_100, %dma_start3A_101] : memref<10240x128xf32, #tpu.memory_space<hbm>> -> memref<10240x128xf32, #tpu.memory_space<hbm>>
          %dma_start3A_103 = tpu.memref_slice %arg17[%rem3A_73] : memref<2x!tpu.dma_semaphore, #tpu.memory_space<semaphore_mem>> -> memref<1x!tpu.dma_semaphore, #tpu.memory_space<semaphore_mem>>
          %dma_start3A_104 = tpu.memref_squeeze %dma_start3A_103 : memref<1x!tpu.dma_semaphore, #tpu.memory_space<semaphore_mem>> -> memref<!tpu.dma_semaphore, #tpu.memory_space<semaphore_mem>>
          tpu.enqueue_indirect_dma source(%dma_start3A_102 : memref<10240x128xf32, #tpu.memory_space<hbm>>) target(%dma_start3A_96 : memref<128x128xf32, #tpu.memory_space<vmem>>) offsets(%dma_start3A_99 : memref<128xi32, #tpu.memory_space<vmem>>) semaphore(%dma_start3A_104 : memref<!tpu.dma_semaphore, #tpu.memory_space<semaphore_mem>>)
        } else {
        }
        %dma_wait3A = arith.constant 0 : i32
        %dma_wait3A_80 = arith.constant 0 : i32
        %dma_wait3A_81 = tpu.memref_slice %arg15[%rem3A_69, %dma_wait3A, %dma_wait3A_80] : memref<2x128x128xf32, #tpu.memory_space<vmem>> -> memref<1x128x128xf32, #tpu.memory_space<vmem>>
        %dma_wait3A_82 = tpu.memref_squeeze %dma_wait3A_81 : memref<1x128x128xf32, #tpu.memory_space<vmem>> -> memref<128x128xf32, #tpu.memory_space<vmem>>
        %dma_wait3A_83 = arith.constant 0 : i32
        %dma_wait3A_84 = tpu.memref_slice %arg13[%scan3A_68, %dma_wait3A_83] : memref<40x128xi32, #tpu.memory_space<vmem>> -> memref<1x128xi32, #tpu.memory_space<vmem>>
        %dma_wait3A_85 = tpu.memref_squeeze %dma_wait3A_84 : memref<1x128xi32, #tpu.memory_space<vmem>> -> memref<128xi32, #tpu.memory_space<vmem>>
        %dma_wait3A_86 = arith.constant 0 : i32
        %dma_wait3A_87 = arith.constant 0 : i32
        %dma_wait3A_88 = tpu.memref_slice %arg8[%dma_wait3A_86, %dma_wait3A_87] : memref<10240x128xf32, #tpu.memory_space<hbm>> -> memref<10240x128xf32, #tpu.memory_space<hbm>>
        %dma_wait3A_89 = tpu.memref_slice %arg17[%rem3A_69] : memref<2x!tpu.dma_semaphore, #tpu.memory_space<semaphore_mem>> -> memref<1x!tpu.dma_semaphore, #tpu.memory_space<semaphore_mem>>
        %dma_wait3A_90 = tpu.memref_squeeze %dma_wait3A_89 : memref<1x!tpu.dma_semaphore, #tpu.memory_space<semaphore_mem>> -> memref<!tpu.dma_semaphore, #tpu.memory_space<semaphore_mem>>
        tpu.wait_indirect_dma semaphore(%dma_wait3A_90 : memref<!tpu.dma_semaphore, #tpu.memory_space<semaphore_mem>>) src(%dma_wait3A_88 : memref<10240x128xf32, #tpu.memory_space<hbm>>) dst(%dma_wait3A_82 : memref<128x128xf32, #tpu.memory_space<vmem>>)
        "tpu.region"() ({
          %run_scoped3A = tpu.sem_alloc : memref<!tpu.dma_semaphore, #tpu.memory_space<semaphore_mem>>
          %dma_start3A_91 = arith.constant 0 : i32
          %dma_start3A_92 = arith.constant 0 : i32
          %dma_start3A_93 = tpu.memref_slice %arg15[%rem3A_69, %dma_start3A_91, %dma_start3A_92] : memref<2x128x128xf32, #tpu.memory_space<vmem>> -> memref<1x128x128xf32, #tpu.memory_space<vmem>>
          %dma_start3A_94 = tpu.memref_squeeze %dma_start3A_93 : memref<1x128x128xf32, #tpu.memory_space<vmem>> -> memref<128x128xf32, #tpu.memory_space<vmem>>
          %dma_start3A_95 = arith.constant 0 : i32
          %dma_start3A_96 = tpu.memref_slice %arg14[%scan3A_68, %dma_start3A_95] : memref<40x128xi32, #tpu.memory_space<vmem>> -> memref<1x128xi32, #tpu.memory_space<vmem>>
          %dma_start3A_97 = tpu.memref_squeeze %dma_start3A_96 : memref<1x128xi32, #tpu.memory_space<vmem>> -> memref<128xi32, #tpu.memory_space<vmem>>
          %dma_start3A_98 = arith.constant 0 : i32
          %dma_start3A_99 = arith.constant 0 : i32
          %dma_start3A_100 = tpu.memref_slice %arg16[%dma_start3A_98, %dma_start3A_99] : memref<10240x128xf32, #tpu.memory_space<vmem_shared>> -> memref<10240x128xf32, #tpu.memory_space<vmem_shared>>
          tpu.enqueue_indirect_dma source(%dma_start3A_94 : memref<128x128xf32, #tpu.memory_space<vmem>>) target(%dma_start3A_100 : memref<10240x128xf32, #tpu.memory_space<vmem_shared>>) offsets(%dma_start3A_97 : memref<128xi32, #tpu.memory_space<vmem>>) semaphore(%run_scoped3A : memref<!tpu.dma_semaphore, #tpu.memory_space<semaphore_mem>>) {add = true}
          %dma_wait3A_101 = arith.constant 0 : i32
          %dma_wait3A_102 = arith.constant 0 : i32
          %dma_wait3A_103 = tpu.memref_slice %arg15[%rem3A_69, %dma_wait3A_101, %dma_wait3A_102] : memref<2x128x128xf32, #tpu.memory_space<vmem>> -> memref<1x128x128xf32, #tpu.memory_space<vmem>>
          %dma_wait3A_104 = tpu.memref_squeeze %dma_wait3A_103 : memref<1x128x128xf32, #tpu.memory_space<vmem>> -> memref<128x128xf32, #tpu.memory_space<vmem>>
          %dma_wait3A_105 = arith.constant 0 : i32
          %dma_wait3A_106 = tpu.memref_slice %arg14[%scan3A_68, %dma_wait3A_105] : memref<40x128xi32, #tpu.memory_space<vmem>> -> memref<1x128xi32, #tpu.memory_space<vmem>>
          %dma_wait3A_107 = tpu.memref_squeeze %dma_wait3A_106 : memref<1x128xi32, #tpu.memory_space<vmem>> -> memref<128xi32, #tpu.memory_space<vmem>>
          %dma_wait3A_108 = arith.constant 0 : i32
          %dma_wait3A_109 = arith.constant 0 : i32
          %dma_wait3A_110 = tpu.memref_slice %arg16[%dma_wait3A_108, %dma_wait3A_109] : memref<10240x128xf32, #tpu.memory_space<vmem_shared>> -> memref<10240x128xf32, #tpu.memory_space<vmem_shared>>
          tpu.wait_indirect_dma semaphore(%run_scoped3A : memref<!tpu.dma_semaphore, #tpu.memory_space<semaphore_mem>>) src(%dma_wait3A_104 : memref<128x128xf32, #tpu.memory_space<vmem>>) dst(%dma_wait3A_110 : memref<10240x128xf32, #tpu.memory_space<vmem_shared>>)
          tpu.yield
        }) : () -> ()
      }
      %scan3A_66 = arith.constant 40 : i32
      %barrier3A_67 = arith.constant 0 : index
      tpu.barrier barrier_id(%barrier3A_67)
      "tpu.region"() ({
        %run_scoped3A = tpu.sem_alloc : memref<!tpu.dma_semaphore, #tpu.memory_space<semaphore_mem>>
        %dma_start3A_68 = arith.constant 0 : i32
        %dma_start3A_69 = tpu.memref_slice %arg12[%mul3A_2, %dma_start3A_68] : memref<10240x128xf32, #tpu.memory_space<hbm>> -> memref<640x128xf32, #tpu.memory_space<hbm>>
        %dma_start3A_70 = arith.constant 0 : i32
        %dma_start3A_71 = tpu.memref_slice %arg16[%mul3A_2, %dma_start3A_70] : memref<10240x128xf32, #tpu.memory_space<vmem_shared>> -> memref<640x128xf32, #tpu.memory_space<vmem_shared>>
        tpu.enqueue_dma source(%dma_start3A_71 : memref<640x128xf32, #tpu.memory_space<vmem_shared>>) target(%dma_start3A_69 : memref<640x128xf32, #tpu.memory_space<hbm>>) target_semaphore(%run_scoped3A : memref<!tpu.dma_semaphore, #tpu.memory_space<semaphore_mem>>)
        %dma_wait3A = arith.constant 0 : i32
        %dma_wait3A_72 = tpu.memref_slice %arg12[%mul3A_2, %dma_wait3A] : memref<10240x128xf32, #tpu.memory_space<hbm>> -> memref<640x128xf32, #tpu.memory_space<hbm>>
        %dma_wait3A_73 = arith.constant 0 : i32
        %dma_wait3A_74 = tpu.memref_slice %arg16[%mul3A_2, %dma_wait3A_73] : memref<10240x128xf32, #tpu.memory_space<vmem_shared>> -> memref<640x128xf32, #tpu.memory_space<vmem_shared>>
        tpu.wait_dma2 semaphore(%run_scoped3A : memref<!tpu.dma_semaphore, #tpu.memory_space<semaphore_mem>>) src(%dma_wait3A_74 : memref<640x128xf32, #tpu.memory_space<vmem_shared>>) dst(%dma_wait3A_72 : memref<640x128xf32, #tpu.memory_space<hbm>>)
        tpu.yield
      }) : () -> ()
    } else {
    }
    return
  }
}

#map = affine_map<(d0, d1) -> (0, 0)>
module attributes {stable_mosaic.version = 14 : i64} {
  func.func @k(%arg0: i32, %arg1: i32, %arg2: memref<1280x128xi32, #tpu.memory_space<hbm>>, %arg3: memref<1280x128xi32, #tpu.memory_space<hbm>>, %arg4: memref<640x128xf32, #tpu.memory_space<hbm>>, %arg5: memref<10240x128xf32, #tpu.memory_space<hbm>>, %arg6: memref<10240x128xf32, #tpu.memory_space<hbm>>, %arg7: memref<10240x128xf32, #tpu.memory_space<hbm>>, %arg8: memref<10240x128xf32, #tpu.memory_space<hbm>>, %arg9: memref<10240x128xf32, #tpu.memory_space<hbm>>, %arg10: memref<10240x128xf32, #tpu.memory_space<hbm>>, %arg11: memref<10240x128xf32, #tpu.memory_space<hbm>>, %arg12: memref<10240x128xf32, #tpu.memory_space<hbm>>, %arg13: memref<40x128xi32, #tpu.memory_space<vmem>>, %arg14: memref<40x128xi32, #tpu.memory_space<vmem>>, %arg15: memref<2x128x128xf32, #tpu.memory_space<vmem>>, %arg16: memref<10240x128xf32, #tpu.memory_space<vmem_shared>>, %arg17: memref<2x!tpu.dma_semaphore, #tpu.memory_space<semaphore_mem>>) attributes {dimension_semantics = [#tpu.dimension_semantics<core_parallel>, #tpu.dimension_semantics<subcore_parallel>], iteration_bounds = array<i64: 2, 16>, scalar_prefetch = 0 : i64, scratch_operands = 5 : i64, tpu.core_type = #tpu.core_type<sc_vector_subcore>, window_params = [{transform_indices = #map}, {transform_indices = #map}, {transform_indices = #map}, {transform_indices = #map}, {transform_indices = #map}, {transform_indices = #map}, {transform_indices = #map}, {transform_indices = #map}, {transform_indices = #map}, {transform_indices = #map}, {transform_indices = #map}]} {
    %mul3A = arith.constant 80 : i32
    %mul3A_0 = arith.muli %arg1, %mul3A : i32
    %mul3A_1 = arith.constant 640 : i32
    %mul3A_2 = arith.muli %arg1, %mul3A_1 : i32
    %eq3A = arith.constant 0 : i32
    %eq3A_3 = arith.cmpi eq, %arg0, %eq3A : i32
    %convert_element_type3A = arith.extui %eq3A_3 : i1 to i32
    %cond3A = arith.constant 0 : i32
    %cond3A_4 = arith.cmpi ne, %convert_element_type3A, %cond3A : i32
    scf.if %cond3A_4 {
      "tpu.region"() ({
        %run_scoped3A = tpu.sem_alloc : memref<!tpu.dma_semaphore, #tpu.memory_space<semaphore_mem>>
        %dma_start3A_68 = arith.constant 0 : i32
        %dma_start3A_69 = tpu.memref_slice %arg16[%mul3A_2, %dma_start3A_68] : memref<10240x128xf32, #tpu.memory_space<vmem_shared>> -> memref<640x128xf32, #tpu.memory_space<vmem_shared>>
        tpu.enqueue_dma source(%arg4 : memref<640x128xf32, #tpu.memory_space<hbm>>) target(%dma_start3A_69 : memref<640x128xf32, #tpu.memory_space<vmem_shared>>) target_semaphore(%run_scoped3A : memref<!tpu.dma_semaphore, #tpu.memory_space<semaphore_mem>>)
        %dma_wait3A = arith.constant 0 : i32
        %dma_wait3A_70 = tpu.memref_slice %arg16[%mul3A_2, %dma_wait3A] : memref<10240x128xf32, #tpu.memory_space<vmem_shared>> -> memref<640x128xf32, #tpu.memory_space<vmem_shared>>
        tpu.wait_dma2 semaphore(%run_scoped3A : memref<!tpu.dma_semaphore, #tpu.memory_space<semaphore_mem>>) src(%arg4 : memref<640x128xf32, #tpu.memory_space<hbm>>) dst(%dma_wait3A_70 : memref<640x128xf32, #tpu.memory_space<vmem_shared>>)
        tpu.yield
      }) : () -> ()
      %barrier3A = arith.constant 0 : index
      tpu.barrier barrier_id(%barrier3A)
      %add3A = arith.constant 0 : i32
      %add3A_20 = arith.addi %mul3A_0, %add3A : i32
      "tpu.region"() ({
        %run_scoped3A = tpu.sem_alloc : memref<!tpu.dma_semaphore, #tpu.memory_space<semaphore_mem>>
        %dma_start3A_68 = arith.constant 0 : i32
        %dma_start3A_69 = tpu.memref_slice %arg2[%add3A_20, %dma_start3A_68] : memref<1280x128xi32, #tpu.memory_space<hbm>> -> memref<40x128xi32, #tpu.memory_space<hbm>>
        %dma_start3A_70 = arith.constant 0 : i32
        %dma_start3A_71 = tpu.memref_slice %arg2[%add3A_20, %dma_start3A_70] : memref<1280x128xi32, #tpu.memory_space<hbm>> -> memref<40x128xi32, #tpu.memory_space<hbm>>
        tpu.enqueue_dma source(%dma_start3A_71 : memref<40x128xi32, #tpu.memory_space<hbm>>) target(%arg13 : memref<40x128xi32, #tpu.memory_space<vmem>>) target_semaphore(%run_scoped3A : memref<!tpu.dma_semaphore, #tpu.memory_space<semaphore_mem>>)
        %dma_wait3A = arith.constant 0 : i32
        %dma_wait3A_72 = tpu.memref_slice %arg2[%add3A_20, %dma_wait3A] : memref<1280x128xi32, #tpu.memory_space<hbm>> -> memref<40x128xi32, #tpu.memory_space<hbm>>
        %dma_wait3A_73 = arith.constant 0 : i32
        %dma_wait3A_74 = tpu.memref_slice %arg2[%add3A_20, %dma_wait3A_73] : memref<1280x128xi32, #tpu.memory_space<hbm>> -> memref<40x128xi32, #tpu.memory_space<hbm>>
        tpu.wait_dma2 semaphore(%run_scoped3A : memref<!tpu.dma_semaphore, #tpu.memory_space<semaphore_mem>>) src(%dma_wait3A_74 : memref<40x128xi32, #tpu.memory_space<hbm>>) dst(%arg13 : memref<40x128xi32, #tpu.memory_space<vmem>>)
        tpu.yield
      }) : () -> ()
      %add3A_21 = arith.constant 0 : i32
      %add3A_22 = arith.addi %mul3A_0, %add3A_21 : i32
      "tpu.region"() ({
        %run_scoped3A = tpu.sem_alloc : memref<!tpu.dma_semaphore, #tpu.memory_space<semaphore_mem>>
        %dma_start3A_68 = arith.constant 0 : i32
        %dma_start3A_69 = tpu.memref_slice %arg3[%add3A_22, %dma_start3A_68] : memref<1280x128xi32, #tpu.memory_space<hbm>> -> memref<40x128xi32, #tpu.memory_space<hbm>>
        %dma_start3A_70 = arith.constant 0 : i32
        %dma_start3A_71 = tpu.memref_slice %arg3[%add3A_22, %dma_start3A_70] : memref<1280x128xi32, #tpu.memory_space<hbm>> -> memref<40x128xi32, #tpu.memory_space<hbm>>
        tpu.enqueue_dma source(%dma_start3A_71 : memref<40x128xi32, #tpu.memory_space<hbm>>) target(%arg14 : memref<40x128xi32, #tpu.memory_space<vmem>>) target_semaphore(%run_scoped3A : memref<!tpu.dma_semaphore, #tpu.memory_space<semaphore_mem>>)
        %dma_wait3A = arith.constant 0 : i32
        %dma_wait3A_72 = tpu.memref_slice %arg3[%add3A_22, %dma_wait3A] : memref<1280x128xi32, #tpu.memory_space<hbm>> -> memref<40x128xi32, #tpu.memory_space<hbm>>
        %dma_wait3A_73 = arith.constant 0 : i32
        %dma_wait3A_74 = tpu.memref_slice %arg3[%add3A_22, %dma_wait3A_73] : memref<1280x128xi32, #tpu.memory_space<hbm>> -> memref<40x128xi32, #tpu.memory_space<hbm>>
        tpu.wait_dma2 semaphore(%run_scoped3A : memref<!tpu.dma_semaphore, #tpu.memory_space<semaphore_mem>>) src(%dma_wait3A_74 : memref<40x128xi32, #tpu.memory_space<hbm>>) dst(%arg14 : memref<40x128xi32, #tpu.memory_space<vmem>>)
        tpu.yield
      }) : () -> ()
      %dma_start3A = arith.constant 0 : i32
      %dma_start3A_23 = arith.constant 0 : i32
      %dma_start3A_24 = arith.constant 0 : i32
      %dma_start3A_25 = arith.constant 0 : i32
      %dma_start3A_26 = arith.constant 0 : i32
      %dma_start3A_27 = tpu.memref_slice %arg15[%dma_start3A_23, %dma_start3A_25, %dma_start3A_26] : memref<2x128x128xf32, #tpu.memory_space<vmem>> -> memref<1x128x128xf32, #tpu.memory_space<vmem>>
      %dma_start3A_28 = tpu.memref_squeeze %dma_start3A_27 : memref<1x128x128xf32, #tpu.memory_space<vmem>> -> memref<128x128xf32, #tpu.memory_space<vmem>>
      %dma_start3A_29 = arith.constant 0 : i32
      %dma_start3A_30 = tpu.memref_slice %arg13[%dma_start3A, %dma_start3A_29] : memref<40x128xi32, #tpu.memory_space<vmem>> -> memref<1x128xi32, #tpu.memory_space<vmem>>
      %dma_start3A_31 = tpu.memref_squeeze %dma_start3A_30 : memref<1x128xi32, #tpu.memory_space<vmem>> -> memref<128xi32, #tpu.memory_space<vmem>>
      %dma_start3A_32 = arith.constant 0 : i32
      %dma_start3A_33 = arith.constant 0 : i32
      %dma_start3A_34 = tpu.memref_slice %arg5[%dma_start3A_32, %dma_start3A_33] : memref<10240x128xf32, #tpu.memory_space<hbm>> -> memref<10240x128xf32, #tpu.memory_space<hbm>>
      %dma_start3A_35 = tpu.memref_slice %arg17[%dma_start3A_24] : memref<2x!tpu.dma_semaphore, #tpu.memory_space<semaphore_mem>> -> memref<1x!tpu.dma_semaphore, #tpu.memory_space<semaphore_mem>>
      %dma_start3A_36 = tpu.memref_squeeze %dma_start3A_35 : memref<1x!tpu.dma_semaphore, #tpu.memory_space<semaphore_mem>> -> memref<!tpu.dma_semaphore, #tpu.memory_space<semaphore_mem>>
      tpu.enqueue_indirect_dma source(%dma_start3A_34 : memref<10240x128xf32, #tpu.memory_space<hbm>>) target(%dma_start3A_28 : memref<128x128xf32, #tpu.memory_space<vmem>>) offsets(%dma_start3A_31 : memref<128xi32, #tpu.memory_space<vmem>>) semaphore(%dma_start3A_36 : memref<!tpu.dma_semaphore, #tpu.memory_space<semaphore_mem>>)
      %scan3A = arith.constant 0 : i32
      %scan3A_37 = arith.constant 0 : i32
      %scan3A_38 = arith.constant 40 : i32
      %scan3A_39 = arith.addi %scan3A_37, %scan3A_38 : i32
      %scan3A_40 = arith.constant 1 : i32
      scf.for %scan3A_68 = %scan3A_37 to %scan3A_39 step %scan3A_40  : i32 {
        %rem3A = arith.constant 2 : i32
        %rem3A_69 = arith.remsi %scan3A_68, %rem3A : i32
        %add3A_70 = arith.constant 1 : i32
        %add3A_71 = arith.addi %scan3A_68, %add3A_70 : i32
        %rem3A_72 = arith.constant 2 : i32
        %rem3A_73 = arith.remsi %add3A_71, %rem3A_72 : i32
        %add3A_74 = arith.constant 1 : i32
        %add3A_75 = arith.addi %scan3A_68, %add3A_74 : i32
        %lt3A = arith.constant 40 : i32
        %lt3A_76 = arith.cmpi slt, %add3A_75, %lt3A : i32
        %convert_element_type3A_77 = arith.extui %lt3A_76 : i1 to i32
        %cond3A_78 = arith.constant 0 : i32
        %cond3A_79 = arith.cmpi ne, %convert_element_type3A_77, %cond3A_78 : i32
        scf.if %cond3A_79 {
          %add3A_91 = arith.constant 1 : i32
          %add3A_92 = arith.addi %scan3A_68, %add3A_91 : i32
          %dma_start3A_93 = arith.constant 0 : i32
          %dma_start3A_94 = arith.constant 0 : i32
          %dma_start3A_95 = tpu.memref_slice %arg15[%rem3A_73, %dma_start3A_93, %dma_start3A_94] : memref<2x128x128xf32, #tpu.memory_space<vmem>> -> memref<1x128x128xf32, #tpu.memory_space<vmem>>
          %dma_start3A_96 = tpu.memref_squeeze %dma_start3A_95 : memref<1x128x128xf32, #tpu.memory_space<vmem>> -> memref<128x128xf32, #tpu.memory_space<vmem>>
          %dma_start3A_97 = arith.constant 0 : i32
          %dma_start3A_98 = tpu.memref_slice %arg13[%add3A_92, %dma_start3A_97] : memref<40x128xi32, #tpu.memory_space<vmem>> -> memref<1x128xi32, #tpu.memory_space<vmem>>
          %dma_start3A_99 = tpu.memref_squeeze %dma_start3A_98 : memref<1x128xi32, #tpu.memory_space<vmem>> -> memref<128xi32, #tpu.memory_space<vmem>>
          %dma_start3A_100 = arith.constant 0 : i32
          %dma_start3A_101 = arith.constant 0 : i32
          %dma_start3A_102 = tpu.memref_slice %arg5[%dma_start3A_100, %dma_start3A_101] : memref<10240x128xf32, #tpu.memory_space<hbm>> -> memref<10240x128xf32, #tpu.memory_space<hbm>>
          %dma_start3A_103 = tpu.memref_slice %arg17[%rem3A_73] : memref<2x!tpu.dma_semaphore, #tpu.memory_space<semaphore_mem>> -> memref<1x!tpu.dma_semaphore, #tpu.memory_space<semaphore_mem>>
          %dma_start3A_104 = tpu.memref_squeeze %dma_start3A_103 : memref<1x!tpu.dma_semaphore, #tpu.memory_space<semaphore_mem>> -> memref<!tpu.dma_semaphore, #tpu.memory_space<semaphore_mem>>
          tpu.enqueue_indirect_dma source(%dma_start3A_102 : memref<10240x128xf32, #tpu.memory_space<hbm>>) target(%dma_start3A_96 : memref<128x128xf32, #tpu.memory_space<vmem>>) offsets(%dma_start3A_99 : memref<128xi32, #tpu.memory_space<vmem>>) semaphore(%dma_start3A_104 : memref<!tpu.dma_semaphore, #tpu.memory_space<semaphore_mem>>)
        } else {
        }
        %dma_wait3A = arith.constant 0 : i32
        %dma_wait3A_80 = arith.constant 0 : i32
        %dma_wait3A_81 = tpu.memref_slice %arg15[%rem3A_69, %dma_wait3A, %dma_wait3A_80] : memref<2x128x128xf32, #tpu.memory_space<vmem>> -> memref<1x128x128xf32, #tpu.memory_space<vmem>>
        %dma_wait3A_82 = tpu.memref_squeeze %dma_wait3A_81 : memref<1x128x128xf32, #tpu.memory_space<vmem>> -> memref<128x128xf32, #tpu.memory_space<vmem>>
        %dma_wait3A_83 = arith.constant 0 : i32
        %dma_wait3A_84 = tpu.memref_slice %arg13[%scan3A_68, %dma_wait3A_83] : memref<40x128xi32, #tpu.memory_space<vmem>> -> memref<1x128xi32, #tpu.memory_space<vmem>>
        %dma_wait3A_85 = tpu.memref_squeeze %dma_wait3A_84 : memref<1x128xi32, #tpu.memory_space<vmem>> -> memref<128xi32, #tpu.memory_space<vmem>>
        %dma_wait3A_86 = arith.constant 0 : i32
        %dma_wait3A_87 = arith.constant 0 : i32
        %dma_wait3A_88 = tpu.memref_slice %arg5[%dma_wait3A_86, %dma_wait3A_87] : memref<10240x128xf32, #tpu.memory_space<hbm>> -> memref<10240x128xf32, #tpu.memory_space<hbm>>
        %dma_wait3A_89 = tpu.memref_slice %arg17[%rem3A_69] : memref<2x!tpu.dma_semaphore, #tpu.memory_space<semaphore_mem>> -> memref<1x!tpu.dma_semaphore, #tpu.memory_space<semaphore_mem>>
        %dma_wait3A_90 = tpu.memref_squeeze %dma_wait3A_89 : memref<1x!tpu.dma_semaphore, #tpu.memory_space<semaphore_mem>> -> memref<!tpu.dma_semaphore, #tpu.memory_space<semaphore_mem>>
        tpu.wait_indirect_dma semaphore(%dma_wait3A_90 : memref<!tpu.dma_semaphore, #tpu.memory_space<semaphore_mem>>) src(%dma_wait3A_88 : memref<10240x128xf32, #tpu.memory_space<hbm>>) dst(%dma_wait3A_82 : memref<128x128xf32, #tpu.memory_space<vmem>>)
        "tpu.region"() ({
          %run_scoped3A = tpu.sem_alloc : memref<!tpu.dma_semaphore, #tpu.memory_space<semaphore_mem>>
          %dma_start3A_91 = arith.constant 0 : i32
          %dma_start3A_92 = arith.constant 0 : i32
          %dma_start3A_93 = tpu.memref_slice %arg15[%rem3A_69, %dma_start3A_91, %dma_start3A_92] : memref<2x128x128xf32, #tpu.memory_space<vmem>> -> memref<1x128x128xf32, #tpu.memory_space<vmem>>
          %dma_start3A_94 = tpu.memref_squeeze %dma_start3A_93 : memref<1x128x128xf32, #tpu.memory_space<vmem>> -> memref<128x128xf32, #tpu.memory_space<vmem>>
          %dma_start3A_95 = arith.constant 0 : i32
          %dma_start3A_96 = tpu.memref_slice %arg14[%scan3A_68, %dma_start3A_95] : memref<40x128xi32, #tpu.memory_space<vmem>> -> memref<1x128xi32, #tpu.memory_space<vmem>>
          %dma_start3A_97 = tpu.memref_squeeze %dma_start3A_96 : memref<1x128xi32, #tpu.memory_space<vmem>> -> memref<128xi32, #tpu.memory_space<vmem>>
          %dma_start3A_98 = arith.constant 0 : i32
          %dma_start3A_99 = arith.constant 0 : i32
          %dma_start3A_100 = tpu.memref_slice %arg16[%dma_start3A_98, %dma_start3A_99] : memref<10240x128xf32, #tpu.memory_space<vmem_shared>> -> memref<10240x128xf32, #tpu.memory_space<vmem_shared>>
          tpu.enqueue_indirect_dma source(%dma_start3A_94 : memref<128x128xf32, #tpu.memory_space<vmem>>) target(%dma_start3A_100 : memref<10240x128xf32, #tpu.memory_space<vmem_shared>>) offsets(%dma_start3A_97 : memref<128xi32, #tpu.memory_space<vmem>>) semaphore(%run_scoped3A : memref<!tpu.dma_semaphore, #tpu.memory_space<semaphore_mem>>) {add = true}
          %dma_wait3A_101 = arith.constant 0 : i32
          %dma_wait3A_102 = arith.constant 0 : i32
          %dma_wait3A_103 = tpu.memref_slice %arg15[%rem3A_69, %dma_wait3A_101, %dma_wait3A_102] : memref<2x128x128xf32, #tpu.memory_space<vmem>> -> memref<1x128x128xf32, #tpu.memory_space<vmem>>
          %dma_wait3A_104 = tpu.memref_squeeze %dma_wait3A_103 : memref<1x128x128xf32, #tpu.memory_space<vmem>> -> memref<128x128xf32, #tpu.memory_space<vmem>>
          %dma_wait3A_105 = arith.constant 0 : i32
          %dma_wait3A_106 = tpu.memref_slice %arg14[%scan3A_68, %dma_wait3A_105] : memref<40x128xi32, #tpu.memory_space<vmem>> -> memref<1x128xi32, #tpu.memory_space<vmem>>
          %dma_wait3A_107 = tpu.memref_squeeze %dma_wait3A_106 : memref<1x128xi32, #tpu.memory_space<vmem>> -> memref<128xi32, #tpu.memory_space<vmem>>
          %dma_wait3A_108 = arith.constant 0 : i32
          %dma_wait3A_109 = arith.constant 0 : i32
          %dma_wait3A_110 = tpu.memref_slice %arg16[%dma_wait3A_108, %dma_wait3A_109] : memref<10240x128xf32, #tpu.memory_space<vmem_shared>> -> memref<10240x128xf32, #tpu.memory_space<vmem_shared>>
          tpu.wait_indirect_dma semaphore(%run_scoped3A : memref<!tpu.dma_semaphore, #tpu.memory_space<semaphore_mem>>) src(%dma_wait3A_104 : memref<128x128xf32, #tpu.memory_space<vmem>>) dst(%dma_wait3A_110 : memref<10240x128xf32, #tpu.memory_space<vmem_shared>>)
          tpu.yield
        }) : () -> ()
      }
      %scan3A_41 = arith.constant 40 : i32
      %add3A_42 = arith.constant 40 : i32
      %add3A_43 = arith.addi %mul3A_0, %add3A_42 : i32
      "tpu.region"() ({
        %run_scoped3A = tpu.sem_alloc : memref<!tpu.dma_semaphore, #tpu.memory_space<semaphore_mem>>
        %dma_start3A_68 = arith.constant 0 : i32
        %dma_start3A_69 = tpu.memref_slice %arg2[%add3A_43, %dma_start3A_68] : memref<1280x128xi32, #tpu.memory_space<hbm>> -> memref<40x128xi32, #tpu.memory_space<hbm>>
        %dma_start3A_70 = arith.constant 0 : i32
        %dma_start3A_71 = tpu.memref_slice %arg2[%add3A_43, %dma_start3A_70] : memref<1280x128xi32, #tpu.memory_space<hbm>> -> memref<40x128xi32, #tpu.memory_space<hbm>>
        tpu.enqueue_dma source(%dma_start3A_71 : memref<40x128xi32, #tpu.memory_space<hbm>>) target(%arg13 : memref<40x128xi32, #tpu.memory_space<vmem>>) target_semaphore(%run_scoped3A : memref<!tpu.dma_semaphore, #tpu.memory_space<semaphore_mem>>)
        %dma_wait3A = arith.constant 0 : i32
        %dma_wait3A_72 = tpu.memref_slice %arg2[%add3A_43, %dma_wait3A] : memref<1280x128xi32, #tpu.memory_space<hbm>> -> memref<40x128xi32, #tpu.memory_space<hbm>>
        %dma_wait3A_73 = arith.constant 0 : i32
        %dma_wait3A_74 = tpu.memref_slice %arg2[%add3A_43, %dma_wait3A_73] : memref<1280x128xi32, #tpu.memory_space<hbm>> -> memref<40x128xi32, #tpu.memory_space<hbm>>
        tpu.wait_dma2 semaphore(%run_scoped3A : memref<!tpu.dma_semaphore, #tpu.memory_space<semaphore_mem>>) src(%dma_wait3A_74 : memref<40x128xi32, #tpu.memory_space<hbm>>) dst(%arg13 : memref<40x128xi32, #tpu.memory_space<vmem>>)
        tpu.yield
      }) : () -> ()
      %add3A_44 = arith.constant 40 : i32
      %add3A_45 = arith.addi %mul3A_0, %add3A_44 : i32
      "tpu.region"() ({
        %run_scoped3A = tpu.sem_alloc : memref<!tpu.dma_semaphore, #tpu.memory_space<semaphore_mem>>
        %dma_start3A_68 = arith.constant 0 : i32
        %dma_start3A_69 = tpu.memref_slice %arg3[%add3A_45, %dma_start3A_68] : memref<1280x128xi32, #tpu.memory_space<hbm>> -> memref<40x128xi32, #tpu.memory_space<hbm>>
        %dma_start3A_70 = arith.constant 0 : i32
        %dma_start3A_71 = tpu.memref_slice %arg3[%add3A_45, %dma_start3A_70] : memref<1280x128xi32, #tpu.memory_space<hbm>> -> memref<40x128xi32, #tpu.memory_space<hbm>>
        tpu.enqueue_dma source(%dma_start3A_71 : memref<40x128xi32, #tpu.memory_space<hbm>>) target(%arg14 : memref<40x128xi32, #tpu.memory_space<vmem>>) target_semaphore(%run_scoped3A : memref<!tpu.dma_semaphore, #tpu.memory_space<semaphore_mem>>)
        %dma_wait3A = arith.constant 0 : i32
        %dma_wait3A_72 = tpu.memref_slice %arg3[%add3A_45, %dma_wait3A] : memref<1280x128xi32, #tpu.memory_space<hbm>> -> memref<40x128xi32, #tpu.memory_space<hbm>>
        %dma_wait3A_73 = arith.constant 0 : i32
        %dma_wait3A_74 = tpu.memref_slice %arg3[%add3A_45, %dma_wait3A_73] : memref<1280x128xi32, #tpu.memory_space<hbm>> -> memref<40x128xi32, #tpu.memory_space<hbm>>
        tpu.wait_dma2 semaphore(%run_scoped3A : memref<!tpu.dma_semaphore, #tpu.memory_space<semaphore_mem>>) src(%dma_wait3A_74 : memref<40x128xi32, #tpu.memory_space<hbm>>) dst(%arg14 : memref<40x128xi32, #tpu.memory_space<vmem>>)
        tpu.yield
      }) : () -> ()
      %dma_start3A_46 = arith.constant 0 : i32
      %dma_start3A_47 = arith.constant 0 : i32
      %dma_start3A_48 = arith.constant 0 : i32
      %dma_start3A_49 = arith.constant 0 : i32
      %dma_start3A_50 = arith.constant 0 : i32
      %dma_start3A_51 = tpu.memref_slice %arg15[%dma_start3A_47, %dma_start3A_49, %dma_start3A_50] : memref<2x128x128xf32, #tpu.memory_space<vmem>> -> memref<1x128x128xf32, #tpu.memory_space<vmem>>
      %dma_start3A_52 = tpu.memref_squeeze %dma_start3A_51 : memref<1x128x128xf32, #tpu.memory_space<vmem>> -> memref<128x128xf32, #tpu.memory_space<vmem>>
      %dma_start3A_53 = arith.constant 0 : i32
      %dma_start3A_54 = tpu.memref_slice %arg13[%dma_start3A_46, %dma_start3A_53] : memref<40x128xi32, #tpu.memory_space<vmem>> -> memref<1x128xi32, #tpu.memory_space<vmem>>
      %dma_start3A_55 = tpu.memref_squeeze %dma_start3A_54 : memref<1x128xi32, #tpu.memory_space<vmem>> -> memref<128xi32, #tpu.memory_space<vmem>>
      %dma_start3A_56 = arith.constant 0 : i32
      %dma_start3A_57 = arith.constant 0 : i32
      %dma_start3A_58 = tpu.memref_slice %arg5[%dma_start3A_56, %dma_start3A_57] : memref<10240x128xf32, #tpu.memory_space<hbm>> -> memref<10240x128xf32, #tpu.memory_space<hbm>>
      %dma_start3A_59 = tpu.memref_slice %arg17[%dma_start3A_48] : memref<2x!tpu.dma_semaphore, #tpu.memory_space<semaphore_mem>> -> memref<1x!tpu.dma_semaphore, #tpu.memory_space<semaphore_mem>>
      %dma_start3A_60 = tpu.memref_squeeze %dma_start3A_59 : memref<1x!tpu.dma_semaphore, #tpu.memory_space<semaphore_mem>> -> memref<!tpu.dma_semaphore, #tpu.memory_space<semaphore_mem>>
      tpu.enqueue_indirect_dma source(%dma_start3A_58 : memref<10240x128xf32, #tpu.memory_space<hbm>>) target(%dma_start3A_52 : memref<128x128xf32, #tpu.memory_space<vmem>>) offsets(%dma_start3A_55 : memref<128xi32, #tpu.memory_space<vmem>>) semaphore(%dma_start3A_60 : memref<!tpu.dma_semaphore, #tpu.memory_space<semaphore_mem>>)
      %scan3A_61 = arith.constant 0 : i32
      %scan3A_62 = arith.constant 0 : i32
      %scan3A_63 = arith.constant 40 : i32
      %scan3A_64 = arith.addi %scan3A_62, %scan3A_63 : i32
      %scan3A_65 = arith.constant 1 : i32
      scf.for %scan3A_68 = %scan3A_62 to %scan3A_64 step %scan3A_65  : i32 {
        %rem3A = arith.constant 2 : i32
        %rem3A_69 = arith.remsi %scan3A_68, %rem3A : i32
        %add3A_70 = arith.constant 1 : i32
        %add3A_71 = arith.addi %scan3A_68, %add3A_70 : i32
        %rem3A_72 = arith.constant 2 : i32
        %rem3A_73 = arith.remsi %add3A_71, %rem3A_72 : i32
        %add3A_74 = arith.constant 1 : i32
        %add3A_75 = arith.addi %scan3A_68, %add3A_74 : i32
        %lt3A = arith.constant 40 : i32
        %lt3A_76 = arith.cmpi slt, %add3A_75, %lt3A : i32
        %convert_element_type3A_77 = arith.extui %lt3A_76 : i1 to i32
        %cond3A_78 = arith.constant 0 : i32
        %cond3A_79 = arith.cmpi ne, %convert_element_type3A_77, %cond3A_78 : i32
        scf.if %cond3A_79 {
          %add3A_91 = arith.constant 1 : i32
          %add3A_92 = arith.addi %scan3A_68, %add3A_91 : i32
          %dma_start3A_93 = arith.constant 0 : i32
          %dma_start3A_94 = arith.constant 0 : i32
          %dma_start3A_95 = tpu.memref_slice %arg15[%rem3A_73, %dma_start3A_93, %dma_start3A_94] : memref<2x128x128xf32, #tpu.memory_space<vmem>> -> memref<1x128x128xf32, #tpu.memory_space<vmem>>
          %dma_start3A_96 = tpu.memref_squeeze %dma_start3A_95 : memref<1x128x128xf32, #tpu.memory_space<vmem>> -> memref<128x128xf32, #tpu.memory_space<vmem>>
          %dma_start3A_97 = arith.constant 0 : i32
          %dma_start3A_98 = tpu.memref_slice %arg13[%add3A_92, %dma_start3A_97] : memref<40x128xi32, #tpu.memory_space<vmem>> -> memref<1x128xi32, #tpu.memory_space<vmem>>
          %dma_start3A_99 = tpu.memref_squeeze %dma_start3A_98 : memref<1x128xi32, #tpu.memory_space<vmem>> -> memref<128xi32, #tpu.memory_space<vmem>>
          %dma_start3A_100 = arith.constant 0 : i32
          %dma_start3A_101 = arith.constant 0 : i32
          %dma_start3A_102 = tpu.memref_slice %arg5[%dma_start3A_100, %dma_start3A_101] : memref<10240x128xf32, #tpu.memory_space<hbm>> -> memref<10240x128xf32, #tpu.memory_space<hbm>>
          %dma_start3A_103 = tpu.memref_slice %arg17[%rem3A_73] : memref<2x!tpu.dma_semaphore, #tpu.memory_space<semaphore_mem>> -> memref<1x!tpu.dma_semaphore, #tpu.memory_space<semaphore_mem>>
          %dma_start3A_104 = tpu.memref_squeeze %dma_start3A_103 : memref<1x!tpu.dma_semaphore, #tpu.memory_space<semaphore_mem>> -> memref<!tpu.dma_semaphore, #tpu.memory_space<semaphore_mem>>
          tpu.enqueue_indirect_dma source(%dma_start3A_102 : memref<10240x128xf32, #tpu.memory_space<hbm>>) target(%dma_start3A_96 : memref<128x128xf32, #tpu.memory_space<vmem>>) offsets(%dma_start3A_99 : memref<128xi32, #tpu.memory_space<vmem>>) semaphore(%dma_start3A_104 : memref<!tpu.dma_semaphore, #tpu.memory_space<semaphore_mem>>)
        } else {
        }
        %dma_wait3A = arith.constant 0 : i32
        %dma_wait3A_80 = arith.constant 0 : i32
        %dma_wait3A_81 = tpu.memref_slice %arg15[%rem3A_69, %dma_wait3A, %dma_wait3A_80] : memref<2x128x128xf32, #tpu.memory_space<vmem>> -> memref<1x128x128xf32, #tpu.memory_space<vmem>>
        %dma_wait3A_82 = tpu.memref_squeeze %dma_wait3A_81 : memref<1x128x128xf32, #tpu.memory_space<vmem>> -> memref<128x128xf32, #tpu.memory_space<vmem>>
        %dma_wait3A_83 = arith.constant 0 : i32
        %dma_wait3A_84 = tpu.memref_slice %arg13[%scan3A_68, %dma_wait3A_83] : memref<40x128xi32, #tpu.memory_space<vmem>> -> memref<1x128xi32, #tpu.memory_space<vmem>>
        %dma_wait3A_85 = tpu.memref_squeeze %dma_wait3A_84 : memref<1x128xi32, #tpu.memory_space<vmem>> -> memref<128xi32, #tpu.memory_space<vmem>>
        %dma_wait3A_86 = arith.constant 0 : i32
        %dma_wait3A_87 = arith.constant 0 : i32
        %dma_wait3A_88 = tpu.memref_slice %arg5[%dma_wait3A_86, %dma_wait3A_87] : memref<10240x128xf32, #tpu.memory_space<hbm>> -> memref<10240x128xf32, #tpu.memory_space<hbm>>
        %dma_wait3A_89 = tpu.memref_slice %arg17[%rem3A_69] : memref<2x!tpu.dma_semaphore, #tpu.memory_space<semaphore_mem>> -> memref<1x!tpu.dma_semaphore, #tpu.memory_space<semaphore_mem>>
        %dma_wait3A_90 = tpu.memref_squeeze %dma_wait3A_89 : memref<1x!tpu.dma_semaphore, #tpu.memory_space<semaphore_mem>> -> memref<!tpu.dma_semaphore, #tpu.memory_space<semaphore_mem>>
        tpu.wait_indirect_dma semaphore(%dma_wait3A_90 : memref<!tpu.dma_semaphore, #tpu.memory_space<semaphore_mem>>) src(%dma_wait3A_88 : memref<10240x128xf32, #tpu.memory_space<hbm>>) dst(%dma_wait3A_82 : memref<128x128xf32, #tpu.memory_space<vmem>>)
        "tpu.region"() ({
          %run_scoped3A = tpu.sem_alloc : memref<!tpu.dma_semaphore, #tpu.memory_space<semaphore_mem>>
          %dma_start3A_91 = arith.constant 0 : i32
          %dma_start3A_92 = arith.constant 0 : i32
          %dma_start3A_93 = tpu.memref_slice %arg15[%rem3A_69, %dma_start3A_91, %dma_start3A_92] : memref<2x128x128xf32, #tpu.memory_space<vmem>> -> memref<1x128x128xf32, #tpu.memory_space<vmem>>
          %dma_start3A_94 = tpu.memref_squeeze %dma_start3A_93 : memref<1x128x128xf32, #tpu.memory_space<vmem>> -> memref<128x128xf32, #tpu.memory_space<vmem>>
          %dma_start3A_95 = arith.constant 0 : i32
          %dma_start3A_96 = tpu.memref_slice %arg14[%scan3A_68, %dma_start3A_95] : memref<40x128xi32, #tpu.memory_space<vmem>> -> memref<1x128xi32, #tpu.memory_space<vmem>>
          %dma_start3A_97 = tpu.memref_squeeze %dma_start3A_96 : memref<1x128xi32, #tpu.memory_space<vmem>> -> memref<128xi32, #tpu.memory_space<vmem>>
          %dma_start3A_98 = arith.constant 0 : i32
          %dma_start3A_99 = arith.constant 0 : i32
          %dma_start3A_100 = tpu.memref_slice %arg16[%dma_start3A_98, %dma_start3A_99] : memref<10240x128xf32, #tpu.memory_space<vmem_shared>> -> memref<10240x128xf32, #tpu.memory_space<vmem_shared>>
          tpu.enqueue_indirect_dma source(%dma_start3A_94 : memref<128x128xf32, #tpu.memory_space<vmem>>) target(%dma_start3A_100 : memref<10240x128xf32, #tpu.memory_space<vmem_shared>>) offsets(%dma_start3A_97 : memref<128xi32, #tpu.memory_space<vmem>>) semaphore(%run_scoped3A : memref<!tpu.dma_semaphore, #tpu.memory_space<semaphore_mem>>) {add = true}
          %dma_wait3A_101 = arith.constant 0 : i32
          %dma_wait3A_102 = arith.constant 0 : i32
          %dma_wait3A_103 = tpu.memref_slice %arg15[%rem3A_69, %dma_wait3A_101, %dma_wait3A_102] : memref<2x128x128xf32, #tpu.memory_space<vmem>> -> memref<1x128x128xf32, #tpu.memory_space<vmem>>
          %dma_wait3A_104 = tpu.memref_squeeze %dma_wait3A_103 : memref<1x128x128xf32, #tpu.memory_space<vmem>> -> memref<128x128xf32, #tpu.memory_space<vmem>>
          %dma_wait3A_105 = arith.constant 0 : i32
          %dma_wait3A_106 = tpu.memref_slice %arg14[%scan3A_68, %dma_wait3A_105] : memref<40x128xi32, #tpu.memory_space<vmem>> -> memref<1x128xi32, #tpu.memory_space<vmem>>
          %dma_wait3A_107 = tpu.memref_squeeze %dma_wait3A_106 : memref<1x128xi32, #tpu.memory_space<vmem>> -> memref<128xi32, #tpu.memory_space<vmem>>
          %dma_wait3A_108 = arith.constant 0 : i32
          %dma_wait3A_109 = arith.constant 0 : i32
          %dma_wait3A_110 = tpu.memref_slice %arg16[%dma_wait3A_108, %dma_wait3A_109] : memref<10240x128xf32, #tpu.memory_space<vmem_shared>> -> memref<10240x128xf32, #tpu.memory_space<vmem_shared>>
          tpu.wait_indirect_dma semaphore(%run_scoped3A : memref<!tpu.dma_semaphore, #tpu.memory_space<semaphore_mem>>) src(%dma_wait3A_104 : memref<128x128xf32, #tpu.memory_space<vmem>>) dst(%dma_wait3A_110 : memref<10240x128xf32, #tpu.memory_space<vmem_shared>>)
          tpu.yield
        }) : () -> ()
      }
      %scan3A_66 = arith.constant 40 : i32
      %barrier3A_67 = arith.constant 0 : index
      tpu.barrier barrier_id(%barrier3A_67)
      "tpu.region"() ({
        %run_scoped3A = tpu.sem_alloc : memref<!tpu.dma_semaphore, #tpu.memory_space<semaphore_mem>>
        %dma_start3A_68 = arith.constant 0 : i32
        %dma_start3A_69 = tpu.memref_slice %arg9[%mul3A_2, %dma_start3A_68] : memref<10240x128xf32, #tpu.memory_space<hbm>> -> memref<640x128xf32, #tpu.memory_space<hbm>>
        %dma_start3A_70 = arith.constant 0 : i32
        %dma_start3A_71 = tpu.memref_slice %arg16[%mul3A_2, %dma_start3A_70] : memref<10240x128xf32, #tpu.memory_space<vmem_shared>> -> memref<640x128xf32, #tpu.memory_space<vmem_shared>>
        tpu.enqueue_dma source(%dma_start3A_71 : memref<640x128xf32, #tpu.memory_space<vmem_shared>>) target(%dma_start3A_69 : memref<640x128xf32, #tpu.memory_space<hbm>>) target_semaphore(%run_scoped3A : memref<!tpu.dma_semaphore, #tpu.memory_space<semaphore_mem>>)
        %dma_wait3A = arith.constant 0 : i32
        %dma_wait3A_72 = tpu.memref_slice %arg9[%mul3A_2, %dma_wait3A] : memref<10240x128xf32, #tpu.memory_space<hbm>> -> memref<640x128xf32, #tpu.memory_space<hbm>>
        %dma_wait3A_73 = arith.constant 0 : i32
        %dma_wait3A_74 = tpu.memref_slice %arg16[%mul3A_2, %dma_wait3A_73] : memref<10240x128xf32, #tpu.memory_space<vmem_shared>> -> memref<640x128xf32, #tpu.memory_space<vmem_shared>>
        tpu.wait_dma2 semaphore(%run_scoped3A : memref<!tpu.dma_semaphore, #tpu.memory_space<semaphore_mem>>) src(%dma_wait3A_74 : memref<640x128xf32, #tpu.memory_space<vmem_shared>>) dst(%dma_wait3A_72 : memref<640x128xf32, #tpu.memory_space<hbm>>)
        tpu.yield
      }) : () -> ()
    } else {
    }
    %eq3A_5 = arith.constant 1 : i32
    %eq3A_6 = arith.cmpi eq, %arg0, %eq3A_5 : i32
    %convert_element_type3A_7 = arith.extui %eq3A_6 : i1 to i32
    %cond3A_8 = arith.constant 0 : i32
    %cond3A_9 = arith.cmpi ne, %convert_element_type3A_7, %cond3A_8 : i32
    scf.if %cond3A_9 {
      "tpu.region"() ({
        %run_scoped3A = tpu.sem_alloc : memref<!tpu.dma_semaphore, #tpu.memory_space<semaphore_mem>>
        %dma_start3A_68 = arith.constant 0 : i32
        %dma_start3A_69 = tpu.memref_slice %arg16[%mul3A_2, %dma_start3A_68] : memref<10240x128xf32, #tpu.memory_space<vmem_shared>> -> memref<640x128xf32, #tpu.memory_space<vmem_shared>>
        tpu.enqueue_dma source(%arg4 : memref<640x128xf32, #tpu.memory_space<hbm>>) target(%dma_start3A_69 : memref<640x128xf32, #tpu.memory_space<vmem_shared>>) target_semaphore(%run_scoped3A : memref<!tpu.dma_semaphore, #tpu.memory_space<semaphore_mem>>)
        %dma_wait3A = arith.constant 0 : i32
        %dma_wait3A_70 = tpu.memref_slice %arg16[%mul3A_2, %dma_wait3A] : memref<10240x128xf32, #tpu.memory_space<vmem_shared>> -> memref<640x128xf32, #tpu.memory_space<vmem_shared>>
        tpu.wait_dma2 semaphore(%run_scoped3A : memref<!tpu.dma_semaphore, #tpu.memory_space<semaphore_mem>>) src(%arg4 : memref<640x128xf32, #tpu.memory_space<hbm>>) dst(%dma_wait3A_70 : memref<640x128xf32, #tpu.memory_space<vmem_shared>>)
        tpu.yield
      }) : () -> ()
      %barrier3A = arith.constant 0 : index
      tpu.barrier barrier_id(%barrier3A)
      %add3A = arith.constant 0 : i32
      %add3A_20 = arith.addi %mul3A_0, %add3A : i32
      "tpu.region"() ({
        %run_scoped3A = tpu.sem_alloc : memref<!tpu.dma_semaphore, #tpu.memory_space<semaphore_mem>>
        %dma_start3A_68 = arith.constant 0 : i32
        %dma_start3A_69 = tpu.memref_slice %arg2[%add3A_20, %dma_start3A_68] : memref<1280x128xi32, #tpu.memory_space<hbm>> -> memref<40x128xi32, #tpu.memory_space<hbm>>
        %dma_start3A_70 = arith.constant 0 : i32
        %dma_start3A_71 = tpu.memref_slice %arg2[%add3A_20, %dma_start3A_70] : memref<1280x128xi32, #tpu.memory_space<hbm>> -> memref<40x128xi32, #tpu.memory_space<hbm>>
        tpu.enqueue_dma source(%dma_start3A_71 : memref<40x128xi32, #tpu.memory_space<hbm>>) target(%arg13 : memref<40x128xi32, #tpu.memory_space<vmem>>) target_semaphore(%run_scoped3A : memref<!tpu.dma_semaphore, #tpu.memory_space<semaphore_mem>>)
        %dma_wait3A = arith.constant 0 : i32
        %dma_wait3A_72 = tpu.memref_slice %arg2[%add3A_20, %dma_wait3A] : memref<1280x128xi32, #tpu.memory_space<hbm>> -> memref<40x128xi32, #tpu.memory_space<hbm>>
        %dma_wait3A_73 = arith.constant 0 : i32
        %dma_wait3A_74 = tpu.memref_slice %arg2[%add3A_20, %dma_wait3A_73] : memref<1280x128xi32, #tpu.memory_space<hbm>> -> memref<40x128xi32, #tpu.memory_space<hbm>>
        tpu.wait_dma2 semaphore(%run_scoped3A : memref<!tpu.dma_semaphore, #tpu.memory_space<semaphore_mem>>) src(%dma_wait3A_74 : memref<40x128xi32, #tpu.memory_space<hbm>>) dst(%arg13 : memref<40x128xi32, #tpu.memory_space<vmem>>)
        tpu.yield
      }) : () -> ()
      %add3A_21 = arith.constant 0 : i32
      %add3A_22 = arith.addi %mul3A_0, %add3A_21 : i32
      "tpu.region"() ({
        %run_scoped3A = tpu.sem_alloc : memref<!tpu.dma_semaphore, #tpu.memory_space<semaphore_mem>>
        %dma_start3A_68 = arith.constant 0 : i32
        %dma_start3A_69 = tpu.memref_slice %arg3[%add3A_22, %dma_start3A_68] : memref<1280x128xi32, #tpu.memory_space<hbm>> -> memref<40x128xi32, #tpu.memory_space<hbm>>
        %dma_start3A_70 = arith.constant 0 : i32
        %dma_start3A_71 = tpu.memref_slice %arg3[%add3A_22, %dma_start3A_70] : memref<1280x128xi32, #tpu.memory_space<hbm>> -> memref<40x128xi32, #tpu.memory_space<hbm>>
        tpu.enqueue_dma source(%dma_start3A_71 : memref<40x128xi32, #tpu.memory_space<hbm>>) target(%arg14 : memref<40x128xi32, #tpu.memory_space<vmem>>) target_semaphore(%run_scoped3A : memref<!tpu.dma_semaphore, #tpu.memory_space<semaphore_mem>>)
        %dma_wait3A = arith.constant 0 : i32
        %dma_wait3A_72 = tpu.memref_slice %arg3[%add3A_22, %dma_wait3A] : memref<1280x128xi32, #tpu.memory_space<hbm>> -> memref<40x128xi32, #tpu.memory_space<hbm>>
        %dma_wait3A_73 = arith.constant 0 : i32
        %dma_wait3A_74 = tpu.memref_slice %arg3[%add3A_22, %dma_wait3A_73] : memref<1280x128xi32, #tpu.memory_space<hbm>> -> memref<40x128xi32, #tpu.memory_space<hbm>>
        tpu.wait_dma2 semaphore(%run_scoped3A : memref<!tpu.dma_semaphore, #tpu.memory_space<semaphore_mem>>) src(%dma_wait3A_74 : memref<40x128xi32, #tpu.memory_space<hbm>>) dst(%arg14 : memref<40x128xi32, #tpu.memory_space<vmem>>)
        tpu.yield
      }) : () -> ()
      %dma_start3A = arith.constant 0 : i32
      %dma_start3A_23 = arith.constant 0 : i32
      %dma_start3A_24 = arith.constant 0 : i32
      %dma_start3A_25 = arith.constant 0 : i32
      %dma_start3A_26 = arith.constant 0 : i32
      %dma_start3A_27 = tpu.memref_slice %arg15[%dma_start3A_23, %dma_start3A_25, %dma_start3A_26] : memref<2x128x128xf32, #tpu.memory_space<vmem>> -> memref<1x128x128xf32, #tpu.memory_space<vmem>>
      %dma_start3A_28 = tpu.memref_squeeze %dma_start3A_27 : memref<1x128x128xf32, #tpu.memory_space<vmem>> -> memref<128x128xf32, #tpu.memory_space<vmem>>
      %dma_start3A_29 = arith.constant 0 : i32
      %dma_start3A_30 = tpu.memref_slice %arg13[%dma_start3A, %dma_start3A_29] : memref<40x128xi32, #tpu.memory_space<vmem>> -> memref<1x128xi32, #tpu.memory_space<vmem>>
      %dma_start3A_31 = tpu.memref_squeeze %dma_start3A_30 : memref<1x128xi32, #tpu.memory_space<vmem>> -> memref<128xi32, #tpu.memory_space<vmem>>
      %dma_start3A_32 = arith.constant 0 : i32
      %dma_start3A_33 = arith.constant 0 : i32
      %dma_start3A_34 = tpu.memref_slice %arg7[%dma_start3A_32, %dma_start3A_33] : memref<10240x128xf32, #tpu.memory_space<hbm>> -> memref<10240x128xf32, #tpu.memory_space<hbm>>
      %dma_start3A_35 = tpu.memref_slice %arg17[%dma_start3A_24] : memref<2x!tpu.dma_semaphore, #tpu.memory_space<semaphore_mem>> -> memref<1x!tpu.dma_semaphore, #tpu.memory_space<semaphore_mem>>
      %dma_start3A_36 = tpu.memref_squeeze %dma_start3A_35 : memref<1x!tpu.dma_semaphore, #tpu.memory_space<semaphore_mem>> -> memref<!tpu.dma_semaphore, #tpu.memory_space<semaphore_mem>>
      tpu.enqueue_indirect_dma source(%dma_start3A_34 : memref<10240x128xf32, #tpu.memory_space<hbm>>) target(%dma_start3A_28 : memref<128x128xf32, #tpu.memory_space<vmem>>) offsets(%dma_start3A_31 : memref<128xi32, #tpu.memory_space<vmem>>) semaphore(%dma_start3A_36 : memref<!tpu.dma_semaphore, #tpu.memory_space<semaphore_mem>>)
      %scan3A = arith.constant 0 : i32
      %scan3A_37 = arith.constant 0 : i32
      %scan3A_38 = arith.constant 40 : i32
      %scan3A_39 = arith.addi %scan3A_37, %scan3A_38 : i32
      %scan3A_40 = arith.constant 1 : i32
      scf.for %scan3A_68 = %scan3A_37 to %scan3A_39 step %scan3A_40  : i32 {
        %rem3A = arith.constant 2 : i32
        %rem3A_69 = arith.remsi %scan3A_68, %rem3A : i32
        %add3A_70 = arith.constant 1 : i32
        %add3A_71 = arith.addi %scan3A_68, %add3A_70 : i32
        %rem3A_72 = arith.constant 2 : i32
        %rem3A_73 = arith.remsi %add3A_71, %rem3A_72 : i32
        %add3A_74 = arith.constant 1 : i32
        %add3A_75 = arith.addi %scan3A_68, %add3A_74 : i32
        %lt3A = arith.constant 40 : i32
        %lt3A_76 = arith.cmpi slt, %add3A_75, %lt3A : i32
        %convert_element_type3A_77 = arith.extui %lt3A_76 : i1 to i32
        %cond3A_78 = arith.constant 0 : i32
        %cond3A_79 = arith.cmpi ne, %convert_element_type3A_77, %cond3A_78 : i32
        scf.if %cond3A_79 {
          %add3A_91 = arith.constant 1 : i32
          %add3A_92 = arith.addi %scan3A_68, %add3A_91 : i32
          %dma_start3A_93 = arith.constant 0 : i32
          %dma_start3A_94 = arith.constant 0 : i32
          %dma_start3A_95 = tpu.memref_slice %arg15[%rem3A_73, %dma_start3A_93, %dma_start3A_94] : memref<2x128x128xf32, #tpu.memory_space<vmem>> -> memref<1x128x128xf32, #tpu.memory_space<vmem>>
          %dma_start3A_96 = tpu.memref_squeeze %dma_start3A_95 : memref<1x128x128xf32, #tpu.memory_space<vmem>> -> memref<128x128xf32, #tpu.memory_space<vmem>>
          %dma_start3A_97 = arith.constant 0 : i32
          %dma_start3A_98 = tpu.memref_slice %arg13[%add3A_92, %dma_start3A_97] : memref<40x128xi32, #tpu.memory_space<vmem>> -> memref<1x128xi32, #tpu.memory_space<vmem>>
          %dma_start3A_99 = tpu.memref_squeeze %dma_start3A_98 : memref<1x128xi32, #tpu.memory_space<vmem>> -> memref<128xi32, #tpu.memory_space<vmem>>
          %dma_start3A_100 = arith.constant 0 : i32
          %dma_start3A_101 = arith.constant 0 : i32
          %dma_start3A_102 = tpu.memref_slice %arg7[%dma_start3A_100, %dma_start3A_101] : memref<10240x128xf32, #tpu.memory_space<hbm>> -> memref<10240x128xf32, #tpu.memory_space<hbm>>
          %dma_start3A_103 = tpu.memref_slice %arg17[%rem3A_73] : memref<2x!tpu.dma_semaphore, #tpu.memory_space<semaphore_mem>> -> memref<1x!tpu.dma_semaphore, #tpu.memory_space<semaphore_mem>>
          %dma_start3A_104 = tpu.memref_squeeze %dma_start3A_103 : memref<1x!tpu.dma_semaphore, #tpu.memory_space<semaphore_mem>> -> memref<!tpu.dma_semaphore, #tpu.memory_space<semaphore_mem>>
          tpu.enqueue_indirect_dma source(%dma_start3A_102 : memref<10240x128xf32, #tpu.memory_space<hbm>>) target(%dma_start3A_96 : memref<128x128xf32, #tpu.memory_space<vmem>>) offsets(%dma_start3A_99 : memref<128xi32, #tpu.memory_space<vmem>>) semaphore(%dma_start3A_104 : memref<!tpu.dma_semaphore, #tpu.memory_space<semaphore_mem>>)
        } else {
        }
        %dma_wait3A = arith.constant 0 : i32
        %dma_wait3A_80 = arith.constant 0 : i32
        %dma_wait3A_81 = tpu.memref_slice %arg15[%rem3A_69, %dma_wait3A, %dma_wait3A_80] : memref<2x128x128xf32, #tpu.memory_space<vmem>> -> memref<1x128x128xf32, #tpu.memory_space<vmem>>
        %dma_wait3A_82 = tpu.memref_squeeze %dma_wait3A_81 : memref<1x128x128xf32, #tpu.memory_space<vmem>> -> memref<128x128xf32, #tpu.memory_space<vmem>>
        %dma_wait3A_83 = arith.constant 0 : i32
        %dma_wait3A_84 = tpu.memref_slice %arg13[%scan3A_68, %dma_wait3A_83] : memref<40x128xi32, #tpu.memory_space<vmem>> -> memref<1x128xi32, #tpu.memory_space<vmem>>
        %dma_wait3A_85 = tpu.memref_squeeze %dma_wait3A_84 : memref<1x128xi32, #tpu.memory_space<vmem>> -> memref<128xi32, #tpu.memory_space<vmem>>
        %dma_wait3A_86 = arith.constant 0 : i32
        %dma_wait3A_87 = arith.constant 0 : i32
        %dma_wait3A_88 = tpu.memref_slice %arg7[%dma_wait3A_86, %dma_wait3A_87] : memref<10240x128xf32, #tpu.memory_space<hbm>> -> memref<10240x128xf32, #tpu.memory_space<hbm>>
        %dma_wait3A_89 = tpu.memref_slice %arg17[%rem3A_69] : memref<2x!tpu.dma_semaphore, #tpu.memory_space<semaphore_mem>> -> memref<1x!tpu.dma_semaphore, #tpu.memory_space<semaphore_mem>>
        %dma_wait3A_90 = tpu.memref_squeeze %dma_wait3A_89 : memref<1x!tpu.dma_semaphore, #tpu.memory_space<semaphore_mem>> -> memref<!tpu.dma_semaphore, #tpu.memory_space<semaphore_mem>>
        tpu.wait_indirect_dma semaphore(%dma_wait3A_90 : memref<!tpu.dma_semaphore, #tpu.memory_space<semaphore_mem>>) src(%dma_wait3A_88 : memref<10240x128xf32, #tpu.memory_space<hbm>>) dst(%dma_wait3A_82 : memref<128x128xf32, #tpu.memory_space<vmem>>)
        "tpu.region"() ({
          %run_scoped3A = tpu.sem_alloc : memref<!tpu.dma_semaphore, #tpu.memory_space<semaphore_mem>>
          %dma_start3A_91 = arith.constant 0 : i32
          %dma_start3A_92 = arith.constant 0 : i32
          %dma_start3A_93 = tpu.memref_slice %arg15[%rem3A_69, %dma_start3A_91, %dma_start3A_92] : memref<2x128x128xf32, #tpu.memory_space<vmem>> -> memref<1x128x128xf32, #tpu.memory_space<vmem>>
          %dma_start3A_94 = tpu.memref_squeeze %dma_start3A_93 : memref<1x128x128xf32, #tpu.memory_space<vmem>> -> memref<128x128xf32, #tpu.memory_space<vmem>>
          %dma_start3A_95 = arith.constant 0 : i32
          %dma_start3A_96 = tpu.memref_slice %arg14[%scan3A_68, %dma_start3A_95] : memref<40x128xi32, #tpu.memory_space<vmem>> -> memref<1x128xi32, #tpu.memory_space<vmem>>
          %dma_start3A_97 = tpu.memref_squeeze %dma_start3A_96 : memref<1x128xi32, #tpu.memory_space<vmem>> -> memref<128xi32, #tpu.memory_space<vmem>>
          %dma_start3A_98 = arith.constant 0 : i32
          %dma_start3A_99 = arith.constant 0 : i32
          %dma_start3A_100 = tpu.memref_slice %arg16[%dma_start3A_98, %dma_start3A_99] : memref<10240x128xf32, #tpu.memory_space<vmem_shared>> -> memref<10240x128xf32, #tpu.memory_space<vmem_shared>>
          tpu.enqueue_indirect_dma source(%dma_start3A_94 : memref<128x128xf32, #tpu.memory_space<vmem>>) target(%dma_start3A_100 : memref<10240x128xf32, #tpu.memory_space<vmem_shared>>) offsets(%dma_start3A_97 : memref<128xi32, #tpu.memory_space<vmem>>) semaphore(%run_scoped3A : memref<!tpu.dma_semaphore, #tpu.memory_space<semaphore_mem>>) {add = true}
          %dma_wait3A_101 = arith.constant 0 : i32
          %dma_wait3A_102 = arith.constant 0 : i32
          %dma_wait3A_103 = tpu.memref_slice %arg15[%rem3A_69, %dma_wait3A_101, %dma_wait3A_102] : memref<2x128x128xf32, #tpu.memory_space<vmem>> -> memref<1x128x128xf32, #tpu.memory_space<vmem>>
          %dma_wait3A_104 = tpu.memref_squeeze %dma_wait3A_103 : memref<1x128x128xf32, #tpu.memory_space<vmem>> -> memref<128x128xf32, #tpu.memory_space<vmem>>
          %dma_wait3A_105 = arith.constant 0 : i32
          %dma_wait3A_106 = tpu.memref_slice %arg14[%scan3A_68, %dma_wait3A_105] : memref<40x128xi32, #tpu.memory_space<vmem>> -> memref<1x128xi32, #tpu.memory_space<vmem>>
          %dma_wait3A_107 = tpu.memref_squeeze %dma_wait3A_106 : memref<1x128xi32, #tpu.memory_space<vmem>> -> memref<128xi32, #tpu.memory_space<vmem>>
          %dma_wait3A_108 = arith.constant 0 : i32
          %dma_wait3A_109 = arith.constant 0 : i32
          %dma_wait3A_110 = tpu.memref_slice %arg16[%dma_wait3A_108, %dma_wait3A_109] : memref<10240x128xf32, #tpu.memory_space<vmem_shared>> -> memref<10240x128xf32, #tpu.memory_space<vmem_shared>>
          tpu.wait_indirect_dma semaphore(%run_scoped3A : memref<!tpu.dma_semaphore, #tpu.memory_space<semaphore_mem>>) src(%dma_wait3A_104 : memref<128x128xf32, #tpu.memory_space<vmem>>) dst(%dma_wait3A_110 : memref<10240x128xf32, #tpu.memory_space<vmem_shared>>)
          tpu.yield
        }) : () -> ()
      }
      %scan3A_41 = arith.constant 40 : i32
      %add3A_42 = arith.constant 40 : i32
      %add3A_43 = arith.addi %mul3A_0, %add3A_42 : i32
      "tpu.region"() ({
        %run_scoped3A = tpu.sem_alloc : memref<!tpu.dma_semaphore, #tpu.memory_space<semaphore_mem>>
        %dma_start3A_68 = arith.constant 0 : i32
        %dma_start3A_69 = tpu.memref_slice %arg2[%add3A_43, %dma_start3A_68] : memref<1280x128xi32, #tpu.memory_space<hbm>> -> memref<40x128xi32, #tpu.memory_space<hbm>>
        %dma_start3A_70 = arith.constant 0 : i32
        %dma_start3A_71 = tpu.memref_slice %arg2[%add3A_43, %dma_start3A_70] : memref<1280x128xi32, #tpu.memory_space<hbm>> -> memref<40x128xi32, #tpu.memory_space<hbm>>
        tpu.enqueue_dma source(%dma_start3A_71 : memref<40x128xi32, #tpu.memory_space<hbm>>) target(%arg13 : memref<40x128xi32, #tpu.memory_space<vmem>>) target_semaphore(%run_scoped3A : memref<!tpu.dma_semaphore, #tpu.memory_space<semaphore_mem>>)
        %dma_wait3A = arith.constant 0 : i32
        %dma_wait3A_72 = tpu.memref_slice %arg2[%add3A_43, %dma_wait3A] : memref<1280x128xi32, #tpu.memory_space<hbm>> -> memref<40x128xi32, #tpu.memory_space<hbm>>
        %dma_wait3A_73 = arith.constant 0 : i32
        %dma_wait3A_74 = tpu.memref_slice %arg2[%add3A_43, %dma_wait3A_73] : memref<1280x128xi32, #tpu.memory_space<hbm>> -> memref<40x128xi32, #tpu.memory_space<hbm>>
        tpu.wait_dma2 semaphore(%run_scoped3A : memref<!tpu.dma_semaphore, #tpu.memory_space<semaphore_mem>>) src(%dma_wait3A_74 : memref<40x128xi32, #tpu.memory_space<hbm>>) dst(%arg13 : memref<40x128xi32, #tpu.memory_space<vmem>>)
        tpu.yield
      }) : () -> ()
      %add3A_44 = arith.constant 40 : i32
      %add3A_45 = arith.addi %mul3A_0, %add3A_44 : i32
      "tpu.region"() ({
        %run_scoped3A = tpu.sem_alloc : memref<!tpu.dma_semaphore, #tpu.memory_space<semaphore_mem>>
        %dma_start3A_68 = arith.constant 0 : i32
        %dma_start3A_69 = tpu.memref_slice %arg3[%add3A_45, %dma_start3A_68] : memref<1280x128xi32, #tpu.memory_space<hbm>> -> memref<40x128xi32, #tpu.memory_space<hbm>>
        %dma_start3A_70 = arith.constant 0 : i32
        %dma_start3A_71 = tpu.memref_slice %arg3[%add3A_45, %dma_start3A_70] : memref<1280x128xi32, #tpu.memory_space<hbm>> -> memref<40x128xi32, #tpu.memory_space<hbm>>
        tpu.enqueue_dma source(%dma_start3A_71 : memref<40x128xi32, #tpu.memory_space<hbm>>) target(%arg14 : memref<40x128xi32, #tpu.memory_space<vmem>>) target_semaphore(%run_scoped3A : memref<!tpu.dma_semaphore, #tpu.memory_space<semaphore_mem>>)
        %dma_wait3A = arith.constant 0 : i32
        %dma_wait3A_72 = tpu.memref_slice %arg3[%add3A_45, %dma_wait3A] : memref<1280x128xi32, #tpu.memory_space<hbm>> -> memref<40x128xi32, #tpu.memory_space<hbm>>
        %dma_wait3A_73 = arith.constant 0 : i32
        %dma_wait3A_74 = tpu.memref_slice %arg3[%add3A_45, %dma_wait3A_73] : memref<1280x128xi32, #tpu.memory_space<hbm>> -> memref<40x128xi32, #tpu.memory_space<hbm>>
        tpu.wait_dma2 semaphore(%run_scoped3A : memref<!tpu.dma_semaphore, #tpu.memory_space<semaphore_mem>>) src(%dma_wait3A_74 : memref<40x128xi32, #tpu.memory_space<hbm>>) dst(%arg14 : memref<40x128xi32, #tpu.memory_space<vmem>>)
        tpu.yield
      }) : () -> ()
      %dma_start3A_46 = arith.constant 0 : i32
      %dma_start3A_47 = arith.constant 0 : i32
      %dma_start3A_48 = arith.constant 0 : i32
      %dma_start3A_49 = arith.constant 0 : i32
      %dma_start3A_50 = arith.constant 0 : i32
      %dma_start3A_51 = tpu.memref_slice %arg15[%dma_start3A_47, %dma_start3A_49, %dma_start3A_50] : memref<2x128x128xf32, #tpu.memory_space<vmem>> -> memref<1x128x128xf32, #tpu.memory_space<vmem>>
      %dma_start3A_52 = tpu.memref_squeeze %dma_start3A_51 : memref<1x128x128xf32, #tpu.memory_space<vmem>> -> memref<128x128xf32, #tpu.memory_space<vmem>>
      %dma_start3A_53 = arith.constant 0 : i32
      %dma_start3A_54 = tpu.memref_slice %arg13[%dma_start3A_46, %dma_start3A_53] : memref<40x128xi32, #tpu.memory_space<vmem>> -> memref<1x128xi32, #tpu.memory_space<vmem>>
      %dma_start3A_55 = tpu.memref_squeeze %dma_start3A_54 : memref<1x128xi32, #tpu.memory_space<vmem>> -> memref<128xi32, #tpu.memory_space<vmem>>
      %dma_start3A_56 = arith.constant 0 : i32
      %dma_start3A_57 = arith.constant 0 : i32
      %dma_start3A_58 = tpu.memref_slice %arg7[%dma_start3A_56, %dma_start3A_57] : memref<10240x128xf32, #tpu.memory_space<hbm>> -> memref<10240x128xf32, #tpu.memory_space<hbm>>
      %dma_start3A_59 = tpu.memref_slice %arg17[%dma_start3A_48] : memref<2x!tpu.dma_semaphore, #tpu.memory_space<semaphore_mem>> -> memref<1x!tpu.dma_semaphore, #tpu.memory_space<semaphore_mem>>
      %dma_start3A_60 = tpu.memref_squeeze %dma_start3A_59 : memref<1x!tpu.dma_semaphore, #tpu.memory_space<semaphore_mem>> -> memref<!tpu.dma_semaphore, #tpu.memory_space<semaphore_mem>>
      tpu.enqueue_indirect_dma source(%dma_start3A_58 : memref<10240x128xf32, #tpu.memory_space<hbm>>) target(%dma_start3A_52 : memref<128x128xf32, #tpu.memory_space<vmem>>) offsets(%dma_start3A_55 : memref<128xi32, #tpu.memory_space<vmem>>) semaphore(%dma_start3A_60 : memref<!tpu.dma_semaphore, #tpu.memory_space<semaphore_mem>>)
      %scan3A_61 = arith.constant 0 : i32
      %scan3A_62 = arith.constant 0 : i32
      %scan3A_63 = arith.constant 40 : i32
      %scan3A_64 = arith.addi %scan3A_62, %scan3A_63 : i32
      %scan3A_65 = arith.constant 1 : i32
      scf.for %scan3A_68 = %scan3A_62 to %scan3A_64 step %scan3A_65  : i32 {
        %rem3A = arith.constant 2 : i32
        %rem3A_69 = arith.remsi %scan3A_68, %rem3A : i32
        %add3A_70 = arith.constant 1 : i32
        %add3A_71 = arith.addi %scan3A_68, %add3A_70 : i32
        %rem3A_72 = arith.constant 2 : i32
        %rem3A_73 = arith.remsi %add3A_71, %rem3A_72 : i32
        %add3A_74 = arith.constant 1 : i32
        %add3A_75 = arith.addi %scan3A_68, %add3A_74 : i32
        %lt3A = arith.constant 40 : i32
        %lt3A_76 = arith.cmpi slt, %add3A_75, %lt3A : i32
        %convert_element_type3A_77 = arith.extui %lt3A_76 : i1 to i32
        %cond3A_78 = arith.constant 0 : i32
        %cond3A_79 = arith.cmpi ne, %convert_element_type3A_77, %cond3A_78 : i32
        scf.if %cond3A_79 {
          %add3A_91 = arith.constant 1 : i32
          %add3A_92 = arith.addi %scan3A_68, %add3A_91 : i32
          %dma_start3A_93 = arith.constant 0 : i32
          %dma_start3A_94 = arith.constant 0 : i32
          %dma_start3A_95 = tpu.memref_slice %arg15[%rem3A_73, %dma_start3A_93, %dma_start3A_94] : memref<2x128x128xf32, #tpu.memory_space<vmem>> -> memref<1x128x128xf32, #tpu.memory_space<vmem>>
          %dma_start3A_96 = tpu.memref_squeeze %dma_start3A_95 : memref<1x128x128xf32, #tpu.memory_space<vmem>> -> memref<128x128xf32, #tpu.memory_space<vmem>>
          %dma_start3A_97 = arith.constant 0 : i32
          %dma_start3A_98 = tpu.memref_slice %arg13[%add3A_92, %dma_start3A_97] : memref<40x128xi32, #tpu.memory_space<vmem>> -> memref<1x128xi32, #tpu.memory_space<vmem>>
          %dma_start3A_99 = tpu.memref_squeeze %dma_start3A_98 : memref<1x128xi32, #tpu.memory_space<vmem>> -> memref<128xi32, #tpu.memory_space<vmem>>
          %dma_start3A_100 = arith.constant 0 : i32
          %dma_start3A_101 = arith.constant 0 : i32
          %dma_start3A_102 = tpu.memref_slice %arg7[%dma_start3A_100, %dma_start3A_101] : memref<10240x128xf32, #tpu.memory_space<hbm>> -> memref<10240x128xf32, #tpu.memory_space<hbm>>
          %dma_start3A_103 = tpu.memref_slice %arg17[%rem3A_73] : memref<2x!tpu.dma_semaphore, #tpu.memory_space<semaphore_mem>> -> memref<1x!tpu.dma_semaphore, #tpu.memory_space<semaphore_mem>>
          %dma_start3A_104 = tpu.memref_squeeze %dma_start3A_103 : memref<1x!tpu.dma_semaphore, #tpu.memory_space<semaphore_mem>> -> memref<!tpu.dma_semaphore, #tpu.memory_space<semaphore_mem>>
          tpu.enqueue_indirect_dma source(%dma_start3A_102 : memref<10240x128xf32, #tpu.memory_space<hbm>>) target(%dma_start3A_96 : memref<128x128xf32, #tpu.memory_space<vmem>>) offsets(%dma_start3A_99 : memref<128xi32, #tpu.memory_space<vmem>>) semaphore(%dma_start3A_104 : memref<!tpu.dma_semaphore, #tpu.memory_space<semaphore_mem>>)
        } else {
        }
        %dma_wait3A = arith.constant 0 : i32
        %dma_wait3A_80 = arith.constant 0 : i32
        %dma_wait3A_81 = tpu.memref_slice %arg15[%rem3A_69, %dma_wait3A, %dma_wait3A_80] : memref<2x128x128xf32, #tpu.memory_space<vmem>> -> memref<1x128x128xf32, #tpu.memory_space<vmem>>
        %dma_wait3A_82 = tpu.memref_squeeze %dma_wait3A_81 : memref<1x128x128xf32, #tpu.memory_space<vmem>> -> memref<128x128xf32, #tpu.memory_space<vmem>>
        %dma_wait3A_83 = arith.constant 0 : i32
        %dma_wait3A_84 = tpu.memref_slice %arg13[%scan3A_68, %dma_wait3A_83] : memref<40x128xi32, #tpu.memory_space<vmem>> -> memref<1x128xi32, #tpu.memory_space<vmem>>
        %dma_wait3A_85 = tpu.memref_squeeze %dma_wait3A_84 : memref<1x128xi32, #tpu.memory_space<vmem>> -> memref<128xi32, #tpu.memory_space<vmem>>
        %dma_wait3A_86 = arith.constant 0 : i32
        %dma_wait3A_87 = arith.constant 0 : i32
        %dma_wait3A_88 = tpu.memref_slice %arg7[%dma_wait3A_86, %dma_wait3A_87] : memref<10240x128xf32, #tpu.memory_space<hbm>> -> memref<10240x128xf32, #tpu.memory_space<hbm>>
        %dma_wait3A_89 = tpu.memref_slice %arg17[%rem3A_69] : memref<2x!tpu.dma_semaphore, #tpu.memory_space<semaphore_mem>> -> memref<1x!tpu.dma_semaphore, #tpu.memory_space<semaphore_mem>>
        %dma_wait3A_90 = tpu.memref_squeeze %dma_wait3A_89 : memref<1x!tpu.dma_semaphore, #tpu.memory_space<semaphore_mem>> -> memref<!tpu.dma_semaphore, #tpu.memory_space<semaphore_mem>>
        tpu.wait_indirect_dma semaphore(%dma_wait3A_90 : memref<!tpu.dma_semaphore, #tpu.memory_space<semaphore_mem>>) src(%dma_wait3A_88 : memref<10240x128xf32, #tpu.memory_space<hbm>>) dst(%dma_wait3A_82 : memref<128x128xf32, #tpu.memory_space<vmem>>)
        "tpu.region"() ({
          %run_scoped3A = tpu.sem_alloc : memref<!tpu.dma_semaphore, #tpu.memory_space<semaphore_mem>>
          %dma_start3A_91 = arith.constant 0 : i32
          %dma_start3A_92 = arith.constant 0 : i32
          %dma_start3A_93 = tpu.memref_slice %arg15[%rem3A_69, %dma_start3A_91, %dma_start3A_92] : memref<2x128x128xf32, #tpu.memory_space<vmem>> -> memref<1x128x128xf32, #tpu.memory_space<vmem>>
          %dma_start3A_94 = tpu.memref_squeeze %dma_start3A_93 : memref<1x128x128xf32, #tpu.memory_space<vmem>> -> memref<128x128xf32, #tpu.memory_space<vmem>>
          %dma_start3A_95 = arith.constant 0 : i32
          %dma_start3A_96 = tpu.memref_slice %arg14[%scan3A_68, %dma_start3A_95] : memref<40x128xi32, #tpu.memory_space<vmem>> -> memref<1x128xi32, #tpu.memory_space<vmem>>
          %dma_start3A_97 = tpu.memref_squeeze %dma_start3A_96 : memref<1x128xi32, #tpu.memory_space<vmem>> -> memref<128xi32, #tpu.memory_space<vmem>>
          %dma_start3A_98 = arith.constant 0 : i32
          %dma_start3A_99 = arith.constant 0 : i32
          %dma_start3A_100 = tpu.memref_slice %arg16[%dma_start3A_98, %dma_start3A_99] : memref<10240x128xf32, #tpu.memory_space<vmem_shared>> -> memref<10240x128xf32, #tpu.memory_space<vmem_shared>>
          tpu.enqueue_indirect_dma source(%dma_start3A_94 : memref<128x128xf32, #tpu.memory_space<vmem>>) target(%dma_start3A_100 : memref<10240x128xf32, #tpu.memory_space<vmem_shared>>) offsets(%dma_start3A_97 : memref<128xi32, #tpu.memory_space<vmem>>) semaphore(%run_scoped3A : memref<!tpu.dma_semaphore, #tpu.memory_space<semaphore_mem>>) {add = true}
          %dma_wait3A_101 = arith.constant 0 : i32
          %dma_wait3A_102 = arith.constant 0 : i32
          %dma_wait3A_103 = tpu.memref_slice %arg15[%rem3A_69, %dma_wait3A_101, %dma_wait3A_102] : memref<2x128x128xf32, #tpu.memory_space<vmem>> -> memref<1x128x128xf32, #tpu.memory_space<vmem>>
          %dma_wait3A_104 = tpu.memref_squeeze %dma_wait3A_103 : memref<1x128x128xf32, #tpu.memory_space<vmem>> -> memref<128x128xf32, #tpu.memory_space<vmem>>
          %dma_wait3A_105 = arith.constant 0 : i32
          %dma_wait3A_106 = tpu.memref_slice %arg14[%scan3A_68, %dma_wait3A_105] : memref<40x128xi32, #tpu.memory_space<vmem>> -> memref<1x128xi32, #tpu.memory_space<vmem>>
          %dma_wait3A_107 = tpu.memref_squeeze %dma_wait3A_106 : memref<1x128xi32, #tpu.memory_space<vmem>> -> memref<128xi32, #tpu.memory_space<vmem>>
          %dma_wait3A_108 = arith.constant 0 : i32
          %dma_wait3A_109 = arith.constant 0 : i32
          %dma_wait3A_110 = tpu.memref_slice %arg16[%dma_wait3A_108, %dma_wait3A_109] : memref<10240x128xf32, #tpu.memory_space<vmem_shared>> -> memref<10240x128xf32, #tpu.memory_space<vmem_shared>>
          tpu.wait_indirect_dma semaphore(%run_scoped3A : memref<!tpu.dma_semaphore, #tpu.memory_space<semaphore_mem>>) src(%dma_wait3A_104 : memref<128x128xf32, #tpu.memory_space<vmem>>) dst(%dma_wait3A_110 : memref<10240x128xf32, #tpu.memory_space<vmem_shared>>)
          tpu.yield
        }) : () -> ()
      }
      %scan3A_66 = arith.constant 40 : i32
      %barrier3A_67 = arith.constant 0 : index
      tpu.barrier barrier_id(%barrier3A_67)
      "tpu.region"() ({
        %run_scoped3A = tpu.sem_alloc : memref<!tpu.dma_semaphore, #tpu.memory_space<semaphore_mem>>
        %dma_start3A_68 = arith.constant 0 : i32
        %dma_start3A_69 = tpu.memref_slice %arg11[%mul3A_2, %dma_start3A_68] : memref<10240x128xf32, #tpu.memory_space<hbm>> -> memref<640x128xf32, #tpu.memory_space<hbm>>
        %dma_start3A_70 = arith.constant 0 : i32
        %dma_start3A_71 = tpu.memref_slice %arg16[%mul3A_2, %dma_start3A_70] : memref<10240x128xf32, #tpu.memory_space<vmem_shared>> -> memref<640x128xf32, #tpu.memory_space<vmem_shared>>
        tpu.enqueue_dma source(%dma_start3A_71 : memref<640x128xf32, #tpu.memory_space<vmem_shared>>) target(%dma_start3A_69 : memref<640x128xf32, #tpu.memory_space<hbm>>) target_semaphore(%run_scoped3A : memref<!tpu.dma_semaphore, #tpu.memory_space<semaphore_mem>>)
        %dma_wait3A = arith.constant 0 : i32
        %dma_wait3A_72 = tpu.memref_slice %arg11[%mul3A_2, %dma_wait3A] : memref<10240x128xf32, #tpu.memory_space<hbm>> -> memref<640x128xf32, #tpu.memory_space<hbm>>
        %dma_wait3A_73 = arith.constant 0 : i32
        %dma_wait3A_74 = tpu.memref_slice %arg16[%mul3A_2, %dma_wait3A_73] : memref<10240x128xf32, #tpu.memory_space<vmem_shared>> -> memref<640x128xf32, #tpu.memory_space<vmem_shared>>
        tpu.wait_dma2 semaphore(%run_scoped3A : memref<!tpu.dma_semaphore, #tpu.memory_space<semaphore_mem>>) src(%dma_wait3A_74 : memref<640x128xf32, #tpu.memory_space<vmem_shared>>) dst(%dma_wait3A_72 : memref<640x128xf32, #tpu.memory_space<hbm>>)
        tpu.yield
      }) : () -> ()
    } else {
    }
    %eq3A_10 = arith.constant 0 : i32
    %eq3A_11 = arith.cmpi eq, %arg0, %eq3A_10 : i32
    %convert_element_type3A_12 = arith.extui %eq3A_11 : i1 to i32
    %cond3A_13 = arith.constant 0 : i32
    %cond3A_14 = arith.cmpi ne, %convert_element_type3A_12, %cond3A_13 : i32
    scf.if %cond3A_14 {
      "tpu.region"() ({
        %run_scoped3A = tpu.sem_alloc : memref<!tpu.dma_semaphore, #tpu.memory_space<semaphore_mem>>
        %dma_start3A_68 = arith.constant 0 : i32
        %dma_start3A_69 = tpu.memref_slice %arg16[%mul3A_2, %dma_start3A_68] : memref<10240x128xf32, #tpu.memory_space<vmem_shared>> -> memref<640x128xf32, #tpu.memory_space<vmem_shared>>
        tpu.enqueue_dma source(%arg4 : memref<640x128xf32, #tpu.memory_space<hbm>>) target(%dma_start3A_69 : memref<640x128xf32, #tpu.memory_space<vmem_shared>>) target_semaphore(%run_scoped3A : memref<!tpu.dma_semaphore, #tpu.memory_space<semaphore_mem>>)
        %dma_wait3A = arith.constant 0 : i32
        %dma_wait3A_70 = tpu.memref_slice %arg16[%mul3A_2, %dma_wait3A] : memref<10240x128xf32, #tpu.memory_space<vmem_shared>> -> memref<640x128xf32, #tpu.memory_space<vmem_shared>>
        tpu.wait_dma2 semaphore(%run_scoped3A : memref<!tpu.dma_semaphore, #tpu.memory_space<semaphore_mem>>) src(%arg4 : memref<640x128xf32, #tpu.memory_space<hbm>>) dst(%dma_wait3A_70 : memref<640x128xf32, #tpu.memory_space<vmem_shared>>)
        tpu.yield
      }) : () -> ()
      %barrier3A = arith.constant 0 : index
      tpu.barrier barrier_id(%barrier3A)
      %add3A = arith.constant 0 : i32
      %add3A_20 = arith.addi %mul3A_0, %add3A : i32
      "tpu.region"() ({
        %run_scoped3A = tpu.sem_alloc : memref<!tpu.dma_semaphore, #tpu.memory_space<semaphore_mem>>
        %dma_start3A_68 = arith.constant 0 : i32
        %dma_start3A_69 = tpu.memref_slice %arg2[%add3A_20, %dma_start3A_68] : memref<1280x128xi32, #tpu.memory_space<hbm>> -> memref<40x128xi32, #tpu.memory_space<hbm>>
        %dma_start3A_70 = arith.constant 0 : i32
        %dma_start3A_71 = tpu.memref_slice %arg2[%add3A_20, %dma_start3A_70] : memref<1280x128xi32, #tpu.memory_space<hbm>> -> memref<40x128xi32, #tpu.memory_space<hbm>>
        tpu.enqueue_dma source(%dma_start3A_71 : memref<40x128xi32, #tpu.memory_space<hbm>>) target(%arg13 : memref<40x128xi32, #tpu.memory_space<vmem>>) target_semaphore(%run_scoped3A : memref<!tpu.dma_semaphore, #tpu.memory_space<semaphore_mem>>)
        %dma_wait3A = arith.constant 0 : i32
        %dma_wait3A_72 = tpu.memref_slice %arg2[%add3A_20, %dma_wait3A] : memref<1280x128xi32, #tpu.memory_space<hbm>> -> memref<40x128xi32, #tpu.memory_space<hbm>>
        %dma_wait3A_73 = arith.constant 0 : i32
        %dma_wait3A_74 = tpu.memref_slice %arg2[%add3A_20, %dma_wait3A_73] : memref<1280x128xi32, #tpu.memory_space<hbm>> -> memref<40x128xi32, #tpu.memory_space<hbm>>
        tpu.wait_dma2 semaphore(%run_scoped3A : memref<!tpu.dma_semaphore, #tpu.memory_space<semaphore_mem>>) src(%dma_wait3A_74 : memref<40x128xi32, #tpu.memory_space<hbm>>) dst(%arg13 : memref<40x128xi32, #tpu.memory_space<vmem>>)
        tpu.yield
      }) : () -> ()
      %add3A_21 = arith.constant 0 : i32
      %add3A_22 = arith.addi %mul3A_0, %add3A_21 : i32
      "tpu.region"() ({
        %run_scoped3A = tpu.sem_alloc : memref<!tpu.dma_semaphore, #tpu.memory_space<semaphore_mem>>
        %dma_start3A_68 = arith.constant 0 : i32
        %dma_start3A_69 = tpu.memref_slice %arg3[%add3A_22, %dma_start3A_68] : memref<1280x128xi32, #tpu.memory_space<hbm>> -> memref<40x128xi32, #tpu.memory_space<hbm>>
        %dma_start3A_70 = arith.constant 0 : i32
        %dma_start3A_71 = tpu.memref_slice %arg3[%add3A_22, %dma_start3A_70] : memref<1280x128xi32, #tpu.memory_space<hbm>> -> memref<40x128xi32, #tpu.memory_space<hbm>>
        tpu.enqueue_dma source(%dma_start3A_71 : memref<40x128xi32, #tpu.memory_space<hbm>>) target(%arg14 : memref<40x128xi32, #tpu.memory_space<vmem>>) target_semaphore(%run_scoped3A : memref<!tpu.dma_semaphore, #tpu.memory_space<semaphore_mem>>)
        %dma_wait3A = arith.constant 0 : i32
        %dma_wait3A_72 = tpu.memref_slice %arg3[%add3A_22, %dma_wait3A] : memref<1280x128xi32, #tpu.memory_space<hbm>> -> memref<40x128xi32, #tpu.memory_space<hbm>>
        %dma_wait3A_73 = arith.constant 0 : i32
        %dma_wait3A_74 = tpu.memref_slice %arg3[%add3A_22, %dma_wait3A_73] : memref<1280x128xi32, #tpu.memory_space<hbm>> -> memref<40x128xi32, #tpu.memory_space<hbm>>
        tpu.wait_dma2 semaphore(%run_scoped3A : memref<!tpu.dma_semaphore, #tpu.memory_space<semaphore_mem>>) src(%dma_wait3A_74 : memref<40x128xi32, #tpu.memory_space<hbm>>) dst(%arg14 : memref<40x128xi32, #tpu.memory_space<vmem>>)
        tpu.yield
      }) : () -> ()
      %dma_start3A = arith.constant 0 : i32
      %dma_start3A_23 = arith.constant 0 : i32
      %dma_start3A_24 = arith.constant 0 : i32
      %dma_start3A_25 = arith.constant 0 : i32
      %dma_start3A_26 = arith.constant 0 : i32
      %dma_start3A_27 = tpu.memref_slice %arg15[%dma_start3A_23, %dma_start3A_25, %dma_start3A_26] : memref<2x128x128xf32, #tpu.memory_space<vmem>> -> memref<1x128x128xf32, #tpu.memory_space<vmem>>
      %dma_start3A_28 = tpu.memref_squeeze %dma_start3A_27 : memref<1x128x128xf32, #tpu.memory_space<vmem>> -> memref<128x128xf32, #tpu.memory_space<vmem>>
      %dma_start3A_29 = arith.constant 0 : i32
      %dma_start3A_30 = tpu.memref_slice %arg13[%dma_start3A, %dma_start3A_29] : memref<40x128xi32, #tpu.memory_space<vmem>> -> memref<1x128xi32, #tpu.memory_space<vmem>>
      %dma_start3A_31 = tpu.memref_squeeze %dma_start3A_30 : memref<1x128xi32, #tpu.memory_space<vmem>> -> memref<128xi32, #tpu.memory_space<vmem>>
      %dma_start3A_32 = arith.constant 0 : i32
      %dma_start3A_33 = arith.constant 0 : i32
      %dma_start3A_34 = tpu.memref_slice %arg6[%dma_start3A_32, %dma_start3A_33] : memref<10240x128xf32, #tpu.memory_space<hbm>> -> memref<10240x128xf32, #tpu.memory_space<hbm>>
      %dma_start3A_35 = tpu.memref_slice %arg17[%dma_start3A_24] : memref<2x!tpu.dma_semaphore, #tpu.memory_space<semaphore_mem>> -> memref<1x!tpu.dma_semaphore, #tpu.memory_space<semaphore_mem>>
      %dma_start3A_36 = tpu.memref_squeeze %dma_start3A_35 : memref<1x!tpu.dma_semaphore, #tpu.memory_space<semaphore_mem>> -> memref<!tpu.dma_semaphore, #tpu.memory_space<semaphore_mem>>
      tpu.enqueue_indirect_dma source(%dma_start3A_34 : memref<10240x128xf32, #tpu.memory_space<hbm>>) target(%dma_start3A_28 : memref<128x128xf32, #tpu.memory_space<vmem>>) offsets(%dma_start3A_31 : memref<128xi32, #tpu.memory_space<vmem>>) semaphore(%dma_start3A_36 : memref<!tpu.dma_semaphore, #tpu.memory_space<semaphore_mem>>)
      %scan3A = arith.constant 0 : i32
      %scan3A_37 = arith.constant 0 : i32
      %scan3A_38 = arith.constant 40 : i32
      %scan3A_39 = arith.addi %scan3A_37, %scan3A_38 : i32
      %scan3A_40 = arith.constant 1 : i32
      scf.for %scan3A_68 = %scan3A_37 to %scan3A_39 step %scan3A_40  : i32 {
        %rem3A = arith.constant 2 : i32
        %rem3A_69 = arith.remsi %scan3A_68, %rem3A : i32
        %add3A_70 = arith.constant 1 : i32
        %add3A_71 = arith.addi %scan3A_68, %add3A_70 : i32
        %rem3A_72 = arith.constant 2 : i32
        %rem3A_73 = arith.remsi %add3A_71, %rem3A_72 : i32
        %add3A_74 = arith.constant 1 : i32
        %add3A_75 = arith.addi %scan3A_68, %add3A_74 : i32
        %lt3A = arith.constant 40 : i32
        %lt3A_76 = arith.cmpi slt, %add3A_75, %lt3A : i32
        %convert_element_type3A_77 = arith.extui %lt3A_76 : i1 to i32
        %cond3A_78 = arith.constant 0 : i32
        %cond3A_79 = arith.cmpi ne, %convert_element_type3A_77, %cond3A_78 : i32
        scf.if %cond3A_79 {
          %add3A_91 = arith.constant 1 : i32
          %add3A_92 = arith.addi %scan3A_68, %add3A_91 : i32
          %dma_start3A_93 = arith.constant 0 : i32
          %dma_start3A_94 = arith.constant 0 : i32
          %dma_start3A_95 = tpu.memref_slice %arg15[%rem3A_73, %dma_start3A_93, %dma_start3A_94] : memref<2x128x128xf32, #tpu.memory_space<vmem>> -> memref<1x128x128xf32, #tpu.memory_space<vmem>>
          %dma_start3A_96 = tpu.memref_squeeze %dma_start3A_95 : memref<1x128x128xf32, #tpu.memory_space<vmem>> -> memref<128x128xf32, #tpu.memory_space<vmem>>
          %dma_start3A_97 = arith.constant 0 : i32
          %dma_start3A_98 = tpu.memref_slice %arg13[%add3A_92, %dma_start3A_97] : memref<40x128xi32, #tpu.memory_space<vmem>> -> memref<1x128xi32, #tpu.memory_space<vmem>>
          %dma_start3A_99 = tpu.memref_squeeze %dma_start3A_98 : memref<1x128xi32, #tpu.memory_space<vmem>> -> memref<128xi32, #tpu.memory_space<vmem>>
          %dma_start3A_100 = arith.constant 0 : i32
          %dma_start3A_101 = arith.constant 0 : i32
          %dma_start3A_102 = tpu.memref_slice %arg6[%dma_start3A_100, %dma_start3A_101] : memref<10240x128xf32, #tpu.memory_space<hbm>> -> memref<10240x128xf32, #tpu.memory_space<hbm>>
          %dma_start3A_103 = tpu.memref_slice %arg17[%rem3A_73] : memref<2x!tpu.dma_semaphore, #tpu.memory_space<semaphore_mem>> -> memref<1x!tpu.dma_semaphore, #tpu.memory_space<semaphore_mem>>
          %dma_start3A_104 = tpu.memref_squeeze %dma_start3A_103 : memref<1x!tpu.dma_semaphore, #tpu.memory_space<semaphore_mem>> -> memref<!tpu.dma_semaphore, #tpu.memory_space<semaphore_mem>>
          tpu.enqueue_indirect_dma source(%dma_start3A_102 : memref<10240x128xf32, #tpu.memory_space<hbm>>) target(%dma_start3A_96 : memref<128x128xf32, #tpu.memory_space<vmem>>) offsets(%dma_start3A_99 : memref<128xi32, #tpu.memory_space<vmem>>) semaphore(%dma_start3A_104 : memref<!tpu.dma_semaphore, #tpu.memory_space<semaphore_mem>>)
        } else {
        }
        %dma_wait3A = arith.constant 0 : i32
        %dma_wait3A_80 = arith.constant 0 : i32
        %dma_wait3A_81 = tpu.memref_slice %arg15[%rem3A_69, %dma_wait3A, %dma_wait3A_80] : memref<2x128x128xf32, #tpu.memory_space<vmem>> -> memref<1x128x128xf32, #tpu.memory_space<vmem>>
        %dma_wait3A_82 = tpu.memref_squeeze %dma_wait3A_81 : memref<1x128x128xf32, #tpu.memory_space<vmem>> -> memref<128x128xf32, #tpu.memory_space<vmem>>
        %dma_wait3A_83 = arith.constant 0 : i32
        %dma_wait3A_84 = tpu.memref_slice %arg13[%scan3A_68, %dma_wait3A_83] : memref<40x128xi32, #tpu.memory_space<vmem>> -> memref<1x128xi32, #tpu.memory_space<vmem>>
        %dma_wait3A_85 = tpu.memref_squeeze %dma_wait3A_84 : memref<1x128xi32, #tpu.memory_space<vmem>> -> memref<128xi32, #tpu.memory_space<vmem>>
        %dma_wait3A_86 = arith.constant 0 : i32
        %dma_wait3A_87 = arith.constant 0 : i32
        %dma_wait3A_88 = tpu.memref_slice %arg6[%dma_wait3A_86, %dma_wait3A_87] : memref<10240x128xf32, #tpu.memory_space<hbm>> -> memref<10240x128xf32, #tpu.memory_space<hbm>>
        %dma_wait3A_89 = tpu.memref_slice %arg17[%rem3A_69] : memref<2x!tpu.dma_semaphore, #tpu.memory_space<semaphore_mem>> -> memref<1x!tpu.dma_semaphore, #tpu.memory_space<semaphore_mem>>
        %dma_wait3A_90 = tpu.memref_squeeze %dma_wait3A_89 : memref<1x!tpu.dma_semaphore, #tpu.memory_space<semaphore_mem>> -> memref<!tpu.dma_semaphore, #tpu.memory_space<semaphore_mem>>
        tpu.wait_indirect_dma semaphore(%dma_wait3A_90 : memref<!tpu.dma_semaphore, #tpu.memory_space<semaphore_mem>>) src(%dma_wait3A_88 : memref<10240x128xf32, #tpu.memory_space<hbm>>) dst(%dma_wait3A_82 : memref<128x128xf32, #tpu.memory_space<vmem>>)
        "tpu.region"() ({
          %run_scoped3A = tpu.sem_alloc : memref<!tpu.dma_semaphore, #tpu.memory_space<semaphore_mem>>
          %dma_start3A_91 = arith.constant 0 : i32
          %dma_start3A_92 = arith.constant 0 : i32
          %dma_start3A_93 = tpu.memref_slice %arg15[%rem3A_69, %dma_start3A_91, %dma_start3A_92] : memref<2x128x128xf32, #tpu.memory_space<vmem>> -> memref<1x128x128xf32, #tpu.memory_space<vmem>>
          %dma_start3A_94 = tpu.memref_squeeze %dma_start3A_93 : memref<1x128x128xf32, #tpu.memory_space<vmem>> -> memref<128x128xf32, #tpu.memory_space<vmem>>
          %dma_start3A_95 = arith.constant 0 : i32
          %dma_start3A_96 = tpu.memref_slice %arg14[%scan3A_68, %dma_start3A_95] : memref<40x128xi32, #tpu.memory_space<vmem>> -> memref<1x128xi32, #tpu.memory_space<vmem>>
          %dma_start3A_97 = tpu.memref_squeeze %dma_start3A_96 : memref<1x128xi32, #tpu.memory_space<vmem>> -> memref<128xi32, #tpu.memory_space<vmem>>
          %dma_start3A_98 = arith.constant 0 : i32
          %dma_start3A_99 = arith.constant 0 : i32
          %dma_start3A_100 = tpu.memref_slice %arg16[%dma_start3A_98, %dma_start3A_99] : memref<10240x128xf32, #tpu.memory_space<vmem_shared>> -> memref<10240x128xf32, #tpu.memory_space<vmem_shared>>
          tpu.enqueue_indirect_dma source(%dma_start3A_94 : memref<128x128xf32, #tpu.memory_space<vmem>>) target(%dma_start3A_100 : memref<10240x128xf32, #tpu.memory_space<vmem_shared>>) offsets(%dma_start3A_97 : memref<128xi32, #tpu.memory_space<vmem>>) semaphore(%run_scoped3A : memref<!tpu.dma_semaphore, #tpu.memory_space<semaphore_mem>>) {add = true}
          %dma_wait3A_101 = arith.constant 0 : i32
          %dma_wait3A_102 = arith.constant 0 : i32
          %dma_wait3A_103 = tpu.memref_slice %arg15[%rem3A_69, %dma_wait3A_101, %dma_wait3A_102] : memref<2x128x128xf32, #tpu.memory_space<vmem>> -> memref<1x128x128xf32, #tpu.memory_space<vmem>>
          %dma_wait3A_104 = tpu.memref_squeeze %dma_wait3A_103 : memref<1x128x128xf32, #tpu.memory_space<vmem>> -> memref<128x128xf32, #tpu.memory_space<vmem>>
          %dma_wait3A_105 = arith.constant 0 : i32
          %dma_wait3A_106 = tpu.memref_slice %arg14[%scan3A_68, %dma_wait3A_105] : memref<40x128xi32, #tpu.memory_space<vmem>> -> memref<1x128xi32, #tpu.memory_space<vmem>>
          %dma_wait3A_107 = tpu.memref_squeeze %dma_wait3A_106 : memref<1x128xi32, #tpu.memory_space<vmem>> -> memref<128xi32, #tpu.memory_space<vmem>>
          %dma_wait3A_108 = arith.constant 0 : i32
          %dma_wait3A_109 = arith.constant 0 : i32
          %dma_wait3A_110 = tpu.memref_slice %arg16[%dma_wait3A_108, %dma_wait3A_109] : memref<10240x128xf32, #tpu.memory_space<vmem_shared>> -> memref<10240x128xf32, #tpu.memory_space<vmem_shared>>
          tpu.wait_indirect_dma semaphore(%run_scoped3A : memref<!tpu.dma_semaphore, #tpu.memory_space<semaphore_mem>>) src(%dma_wait3A_104 : memref<128x128xf32, #tpu.memory_space<vmem>>) dst(%dma_wait3A_110 : memref<10240x128xf32, #tpu.memory_space<vmem_shared>>)
          tpu.yield
        }) : () -> ()
      }
      %scan3A_41 = arith.constant 40 : i32
      %add3A_42 = arith.constant 40 : i32
      %add3A_43 = arith.addi %mul3A_0, %add3A_42 : i32
      "tpu.region"() ({
        %run_scoped3A = tpu.sem_alloc : memref<!tpu.dma_semaphore, #tpu.memory_space<semaphore_mem>>
        %dma_start3A_68 = arith.constant 0 : i32
        %dma_start3A_69 = tpu.memref_slice %arg2[%add3A_43, %dma_start3A_68] : memref<1280x128xi32, #tpu.memory_space<hbm>> -> memref<40x128xi32, #tpu.memory_space<hbm>>
        %dma_start3A_70 = arith.constant 0 : i32
        %dma_start3A_71 = tpu.memref_slice %arg2[%add3A_43, %dma_start3A_70] : memref<1280x128xi32, #tpu.memory_space<hbm>> -> memref<40x128xi32, #tpu.memory_space<hbm>>
        tpu.enqueue_dma source(%dma_start3A_71 : memref<40x128xi32, #tpu.memory_space<hbm>>) target(%arg13 : memref<40x128xi32, #tpu.memory_space<vmem>>) target_semaphore(%run_scoped3A : memref<!tpu.dma_semaphore, #tpu.memory_space<semaphore_mem>>)
        %dma_wait3A = arith.constant 0 : i32
        %dma_wait3A_72 = tpu.memref_slice %arg2[%add3A_43, %dma_wait3A] : memref<1280x128xi32, #tpu.memory_space<hbm>> -> memref<40x128xi32, #tpu.memory_space<hbm>>
        %dma_wait3A_73 = arith.constant 0 : i32
        %dma_wait3A_74 = tpu.memref_slice %arg2[%add3A_43, %dma_wait3A_73] : memref<1280x128xi32, #tpu.memory_space<hbm>> -> memref<40x128xi32, #tpu.memory_space<hbm>>
        tpu.wait_dma2 semaphore(%run_scoped3A : memref<!tpu.dma_semaphore, #tpu.memory_space<semaphore_mem>>) src(%dma_wait3A_74 : memref<40x128xi32, #tpu.memory_space<hbm>>) dst(%arg13 : memref<40x128xi32, #tpu.memory_space<vmem>>)
        tpu.yield
      }) : () -> ()
      %add3A_44 = arith.constant 40 : i32
      %add3A_45 = arith.addi %mul3A_0, %add3A_44 : i32
      "tpu.region"() ({
        %run_scoped3A = tpu.sem_alloc : memref<!tpu.dma_semaphore, #tpu.memory_space<semaphore_mem>>
        %dma_start3A_68 = arith.constant 0 : i32
        %dma_start3A_69 = tpu.memref_slice %arg3[%add3A_45, %dma_start3A_68] : memref<1280x128xi32, #tpu.memory_space<hbm>> -> memref<40x128xi32, #tpu.memory_space<hbm>>
        %dma_start3A_70 = arith.constant 0 : i32
        %dma_start3A_71 = tpu.memref_slice %arg3[%add3A_45, %dma_start3A_70] : memref<1280x128xi32, #tpu.memory_space<hbm>> -> memref<40x128xi32, #tpu.memory_space<hbm>>
        tpu.enqueue_dma source(%dma_start3A_71 : memref<40x128xi32, #tpu.memory_space<hbm>>) target(%arg14 : memref<40x128xi32, #tpu.memory_space<vmem>>) target_semaphore(%run_scoped3A : memref<!tpu.dma_semaphore, #tpu.memory_space<semaphore_mem>>)
        %dma_wait3A = arith.constant 0 : i32
        %dma_wait3A_72 = tpu.memref_slice %arg3[%add3A_45, %dma_wait3A] : memref<1280x128xi32, #tpu.memory_space<hbm>> -> memref<40x128xi32, #tpu.memory_space<hbm>>
        %dma_wait3A_73 = arith.constant 0 : i32
        %dma_wait3A_74 = tpu.memref_slice %arg3[%add3A_45, %dma_wait3A_73] : memref<1280x128xi32, #tpu.memory_space<hbm>> -> memref<40x128xi32, #tpu.memory_space<hbm>>
        tpu.wait_dma2 semaphore(%run_scoped3A : memref<!tpu.dma_semaphore, #tpu.memory_space<semaphore_mem>>) src(%dma_wait3A_74 : memref<40x128xi32, #tpu.memory_space<hbm>>) dst(%arg14 : memref<40x128xi32, #tpu.memory_space<vmem>>)
        tpu.yield
      }) : () -> ()
      %dma_start3A_46 = arith.constant 0 : i32
      %dma_start3A_47 = arith.constant 0 : i32
      %dma_start3A_48 = arith.constant 0 : i32
      %dma_start3A_49 = arith.constant 0 : i32
      %dma_start3A_50 = arith.constant 0 : i32
      %dma_start3A_51 = tpu.memref_slice %arg15[%dma_start3A_47, %dma_start3A_49, %dma_start3A_50] : memref<2x128x128xf32, #tpu.memory_space<vmem>> -> memref<1x128x128xf32, #tpu.memory_space<vmem>>
      %dma_start3A_52 = tpu.memref_squeeze %dma_start3A_51 : memref<1x128x128xf32, #tpu.memory_space<vmem>> -> memref<128x128xf32, #tpu.memory_space<vmem>>
      %dma_start3A_53 = arith.constant 0 : i32
      %dma_start3A_54 = tpu.memref_slice %arg13[%dma_start3A_46, %dma_start3A_53] : memref<40x128xi32, #tpu.memory_space<vmem>> -> memref<1x128xi32, #tpu.memory_space<vmem>>
      %dma_start3A_55 = tpu.memref_squeeze %dma_start3A_54 : memref<1x128xi32, #tpu.memory_space<vmem>> -> memref<128xi32, #tpu.memory_space<vmem>>
      %dma_start3A_56 = arith.constant 0 : i32
      %dma_start3A_57 = arith.constant 0 : i32
      %dma_start3A_58 = tpu.memref_slice %arg6[%dma_start3A_56, %dma_start3A_57] : memref<10240x128xf32, #tpu.memory_space<hbm>> -> memref<10240x128xf32, #tpu.memory_space<hbm>>
      %dma_start3A_59 = tpu.memref_slice %arg17[%dma_start3A_48] : memref<2x!tpu.dma_semaphore, #tpu.memory_space<semaphore_mem>> -> memref<1x!tpu.dma_semaphore, #tpu.memory_space<semaphore_mem>>
      %dma_start3A_60 = tpu.memref_squeeze %dma_start3A_59 : memref<1x!tpu.dma_semaphore, #tpu.memory_space<semaphore_mem>> -> memref<!tpu.dma_semaphore, #tpu.memory_space<semaphore_mem>>
      tpu.enqueue_indirect_dma source(%dma_start3A_58 : memref<10240x128xf32, #tpu.memory_space<hbm>>) target(%dma_start3A_52 : memref<128x128xf32, #tpu.memory_space<vmem>>) offsets(%dma_start3A_55 : memref<128xi32, #tpu.memory_space<vmem>>) semaphore(%dma_start3A_60 : memref<!tpu.dma_semaphore, #tpu.memory_space<semaphore_mem>>)
      %scan3A_61 = arith.constant 0 : i32
      %scan3A_62 = arith.constant 0 : i32
      %scan3A_63 = arith.constant 40 : i32
      %scan3A_64 = arith.addi %scan3A_62, %scan3A_63 : i32
      %scan3A_65 = arith.constant 1 : i32
      scf.for %scan3A_68 = %scan3A_62 to %scan3A_64 step %scan3A_65  : i32 {
        %rem3A = arith.constant 2 : i32
        %rem3A_69 = arith.remsi %scan3A_68, %rem3A : i32
        %add3A_70 = arith.constant 1 : i32
        %add3A_71 = arith.addi %scan3A_68, %add3A_70 : i32
        %rem3A_72 = arith.constant 2 : i32
        %rem3A_73 = arith.remsi %add3A_71, %rem3A_72 : i32
        %add3A_74 = arith.constant 1 : i32
        %add3A_75 = arith.addi %scan3A_68, %add3A_74 : i32
        %lt3A = arith.constant 40 : i32
        %lt3A_76 = arith.cmpi slt, %add3A_75, %lt3A : i32
        %convert_element_type3A_77 = arith.extui %lt3A_76 : i1 to i32
        %cond3A_78 = arith.constant 0 : i32
        %cond3A_79 = arith.cmpi ne, %convert_element_type3A_77, %cond3A_78 : i32
        scf.if %cond3A_79 {
          %add3A_91 = arith.constant 1 : i32
          %add3A_92 = arith.addi %scan3A_68, %add3A_91 : i32
          %dma_start3A_93 = arith.constant 0 : i32
          %dma_start3A_94 = arith.constant 0 : i32
          %dma_start3A_95 = tpu.memref_slice %arg15[%rem3A_73, %dma_start3A_93, %dma_start3A_94] : memref<2x128x128xf32, #tpu.memory_space<vmem>> -> memref<1x128x128xf32, #tpu.memory_space<vmem>>
          %dma_start3A_96 = tpu.memref_squeeze %dma_start3A_95 : memref<1x128x128xf32, #tpu.memory_space<vmem>> -> memref<128x128xf32, #tpu.memory_space<vmem>>
          %dma_start3A_97 = arith.constant 0 : i32
          %dma_start3A_98 = tpu.memref_slice %arg13[%add3A_92, %dma_start3A_97] : memref<40x128xi32, #tpu.memory_space<vmem>> -> memref<1x128xi32, #tpu.memory_space<vmem>>
          %dma_start3A_99 = tpu.memref_squeeze %dma_start3A_98 : memref<1x128xi32, #tpu.memory_space<vmem>> -> memref<128xi32, #tpu.memory_space<vmem>>
          %dma_start3A_100 = arith.constant 0 : i32
          %dma_start3A_101 = arith.constant 0 : i32
          %dma_start3A_102 = tpu.memref_slice %arg6[%dma_start3A_100, %dma_start3A_101] : memref<10240x128xf32, #tpu.memory_space<hbm>> -> memref<10240x128xf32, #tpu.memory_space<hbm>>
          %dma_start3A_103 = tpu.memref_slice %arg17[%rem3A_73] : memref<2x!tpu.dma_semaphore, #tpu.memory_space<semaphore_mem>> -> memref<1x!tpu.dma_semaphore, #tpu.memory_space<semaphore_mem>>
          %dma_start3A_104 = tpu.memref_squeeze %dma_start3A_103 : memref<1x!tpu.dma_semaphore, #tpu.memory_space<semaphore_mem>> -> memref<!tpu.dma_semaphore, #tpu.memory_space<semaphore_mem>>
          tpu.enqueue_indirect_dma source(%dma_start3A_102 : memref<10240x128xf32, #tpu.memory_space<hbm>>) target(%dma_start3A_96 : memref<128x128xf32, #tpu.memory_space<vmem>>) offsets(%dma_start3A_99 : memref<128xi32, #tpu.memory_space<vmem>>) semaphore(%dma_start3A_104 : memref<!tpu.dma_semaphore, #tpu.memory_space<semaphore_mem>>)
        } else {
        }
        %dma_wait3A = arith.constant 0 : i32
        %dma_wait3A_80 = arith.constant 0 : i32
        %dma_wait3A_81 = tpu.memref_slice %arg15[%rem3A_69, %dma_wait3A, %dma_wait3A_80] : memref<2x128x128xf32, #tpu.memory_space<vmem>> -> memref<1x128x128xf32, #tpu.memory_space<vmem>>
        %dma_wait3A_82 = tpu.memref_squeeze %dma_wait3A_81 : memref<1x128x128xf32, #tpu.memory_space<vmem>> -> memref<128x128xf32, #tpu.memory_space<vmem>>
        %dma_wait3A_83 = arith.constant 0 : i32
        %dma_wait3A_84 = tpu.memref_slice %arg13[%scan3A_68, %dma_wait3A_83] : memref<40x128xi32, #tpu.memory_space<vmem>> -> memref<1x128xi32, #tpu.memory_space<vmem>>
        %dma_wait3A_85 = tpu.memref_squeeze %dma_wait3A_84 : memref<1x128xi32, #tpu.memory_space<vmem>> -> memref<128xi32, #tpu.memory_space<vmem>>
        %dma_wait3A_86 = arith.constant 0 : i32
        %dma_wait3A_87 = arith.constant 0 : i32
        %dma_wait3A_88 = tpu.memref_slice %arg6[%dma_wait3A_86, %dma_wait3A_87] : memref<10240x128xf32, #tpu.memory_space<hbm>> -> memref<10240x128xf32, #tpu.memory_space<hbm>>
        %dma_wait3A_89 = tpu.memref_slice %arg17[%rem3A_69] : memref<2x!tpu.dma_semaphore, #tpu.memory_space<semaphore_mem>> -> memref<1x!tpu.dma_semaphore, #tpu.memory_space<semaphore_mem>>
        %dma_wait3A_90 = tpu.memref_squeeze %dma_wait3A_89 : memref<1x!tpu.dma_semaphore, #tpu.memory_space<semaphore_mem>> -> memref<!tpu.dma_semaphore, #tpu.memory_space<semaphore_mem>>
        tpu.wait_indirect_dma semaphore(%dma_wait3A_90 : memref<!tpu.dma_semaphore, #tpu.memory_space<semaphore_mem>>) src(%dma_wait3A_88 : memref<10240x128xf32, #tpu.memory_space<hbm>>) dst(%dma_wait3A_82 : memref<128x128xf32, #tpu.memory_space<vmem>>)
        "tpu.region"() ({
          %run_scoped3A = tpu.sem_alloc : memref<!tpu.dma_semaphore, #tpu.memory_space<semaphore_mem>>
          %dma_start3A_91 = arith.constant 0 : i32
          %dma_start3A_92 = arith.constant 0 : i32
          %dma_start3A_93 = tpu.memref_slice %arg15[%rem3A_69, %dma_start3A_91, %dma_start3A_92] : memref<2x128x128xf32, #tpu.memory_space<vmem>> -> memref<1x128x128xf32, #tpu.memory_space<vmem>>
          %dma_start3A_94 = tpu.memref_squeeze %dma_start3A_93 : memref<1x128x128xf32, #tpu.memory_space<vmem>> -> memref<128x128xf32, #tpu.memory_space<vmem>>
          %dma_start3A_95 = arith.constant 0 : i32
          %dma_start3A_96 = tpu.memref_slice %arg14[%scan3A_68, %dma_start3A_95] : memref<40x128xi32, #tpu.memory_space<vmem>> -> memref<1x128xi32, #tpu.memory_space<vmem>>
          %dma_start3A_97 = tpu.memref_squeeze %dma_start3A_96 : memref<1x128xi32, #tpu.memory_space<vmem>> -> memref<128xi32, #tpu.memory_space<vmem>>
          %dma_start3A_98 = arith.constant 0 : i32
          %dma_start3A_99 = arith.constant 0 : i32
          %dma_start3A_100 = tpu.memref_slice %arg16[%dma_start3A_98, %dma_start3A_99] : memref<10240x128xf32, #tpu.memory_space<vmem_shared>> -> memref<10240x128xf32, #tpu.memory_space<vmem_shared>>
          tpu.enqueue_indirect_dma source(%dma_start3A_94 : memref<128x128xf32, #tpu.memory_space<vmem>>) target(%dma_start3A_100 : memref<10240x128xf32, #tpu.memory_space<vmem_shared>>) offsets(%dma_start3A_97 : memref<128xi32, #tpu.memory_space<vmem>>) semaphore(%run_scoped3A : memref<!tpu.dma_semaphore, #tpu.memory_space<semaphore_mem>>) {add = true}
          %dma_wait3A_101 = arith.constant 0 : i32
          %dma_wait3A_102 = arith.constant 0 : i32
          %dma_wait3A_103 = tpu.memref_slice %arg15[%rem3A_69, %dma_wait3A_101, %dma_wait3A_102] : memref<2x128x128xf32, #tpu.memory_space<vmem>> -> memref<1x128x128xf32, #tpu.memory_space<vmem>>
          %dma_wait3A_104 = tpu.memref_squeeze %dma_wait3A_103 : memref<1x128x128xf32, #tpu.memory_space<vmem>> -> memref<128x128xf32, #tpu.memory_space<vmem>>
          %dma_wait3A_105 = arith.constant 0 : i32
          %dma_wait3A_106 = tpu.memref_slice %arg14[%scan3A_68, %dma_wait3A_105] : memref<40x128xi32, #tpu.memory_space<vmem>> -> memref<1x128xi32, #tpu.memory_space<vmem>>
          %dma_wait3A_107 = tpu.memref_squeeze %dma_wait3A_106 : memref<1x128xi32, #tpu.memory_space<vmem>> -> memref<128xi32, #tpu.memory_space<vmem>>
          %dma_wait3A_108 = arith.constant 0 : i32
          %dma_wait3A_109 = arith.constant 0 : i32
          %dma_wait3A_110 = tpu.memref_slice %arg16[%dma_wait3A_108, %dma_wait3A_109] : memref<10240x128xf32, #tpu.memory_space<vmem_shared>> -> memref<10240x128xf32, #tpu.memory_space<vmem_shared>>
          tpu.wait_indirect_dma semaphore(%run_scoped3A : memref<!tpu.dma_semaphore, #tpu.memory_space<semaphore_mem>>) src(%dma_wait3A_104 : memref<128x128xf32, #tpu.memory_space<vmem>>) dst(%dma_wait3A_110 : memref<10240x128xf32, #tpu.memory_space<vmem_shared>>)
          tpu.yield
        }) : () -> ()
      }
      %scan3A_66 = arith.constant 40 : i32
      %barrier3A_67 = arith.constant 0 : index
      tpu.barrier barrier_id(%barrier3A_67)
      "tpu.region"() ({
        %run_scoped3A = tpu.sem_alloc : memref<!tpu.dma_semaphore, #tpu.memory_space<semaphore_mem>>
        %dma_start3A_68 = arith.constant 0 : i32
        %dma_start3A_69 = tpu.memref_slice %arg10[%mul3A_2, %dma_start3A_68] : memref<10240x128xf32, #tpu.memory_space<hbm>> -> memref<640x128xf32, #tpu.memory_space<hbm>>
        %dma_start3A_70 = arith.constant 0 : i32
        %dma_start3A_71 = tpu.memref_slice %arg16[%mul3A_2, %dma_start3A_70] : memref<10240x128xf32, #tpu.memory_space<vmem_shared>> -> memref<640x128xf32, #tpu.memory_space<vmem_shared>>
        tpu.enqueue_dma source(%dma_start3A_71 : memref<640x128xf32, #tpu.memory_space<vmem_shared>>) target(%dma_start3A_69 : memref<640x128xf32, #tpu.memory_space<hbm>>) target_semaphore(%run_scoped3A : memref<!tpu.dma_semaphore, #tpu.memory_space<semaphore_mem>>)
        %dma_wait3A = arith.constant 0 : i32
        %dma_wait3A_72 = tpu.memref_slice %arg10[%mul3A_2, %dma_wait3A] : memref<10240x128xf32, #tpu.memory_space<hbm>> -> memref<640x128xf32, #tpu.memory_space<hbm>>
        %dma_wait3A_73 = arith.constant 0 : i32
        %dma_wait3A_74 = tpu.memref_slice %arg16[%mul3A_2, %dma_wait3A_73] : memref<10240x128xf32, #tpu.memory_space<vmem_shared>> -> memref<640x128xf32, #tpu.memory_space<vmem_shared>>
        tpu.wait_dma2 semaphore(%run_scoped3A : memref<!tpu.dma_semaphore, #tpu.memory_space<semaphore_mem>>) src(%dma_wait3A_74 : memref<640x128xf32, #tpu.memory_space<vmem_shared>>) dst(%dma_wait3A_72 : memref<640x128xf32, #tpu.memory_space<hbm>>)
        tpu.yield
      }) : () -> ()
    } else {
    }
    %eq3A_15 = arith.constant 1 : i32
    %eq3A_16 = arith.cmpi eq, %arg0, %eq3A_15 : i32
    %convert_element_type3A_17 = arith.extui %eq3A_16 : i1 to i32
    %cond3A_18 = arith.constant 0 : i32
    %cond3A_19 = arith.cmpi ne, %convert_element_type3A_17, %cond3A_18 : i32
    scf.if %cond3A_19 {
      "tpu.region"() ({
        %run_scoped3A = tpu.sem_alloc : memref<!tpu.dma_semaphore, #tpu.memory_space<semaphore_mem>>
        %dma_start3A_68 = arith.constant 0 : i32
        %dma_start3A_69 = tpu.memref_slice %arg16[%mul3A_2, %dma_start3A_68] : memref<10240x128xf32, #tpu.memory_space<vmem_shared>> -> memref<640x128xf32, #tpu.memory_space<vmem_shared>>
        tpu.enqueue_dma source(%arg4 : memref<640x128xf32, #tpu.memory_space<hbm>>) target(%dma_start3A_69 : memref<640x128xf32, #tpu.memory_space<vmem_shared>>) target_semaphore(%run_scoped3A : memref<!tpu.dma_semaphore, #tpu.memory_space<semaphore_mem>>)
        %dma_wait3A = arith.constant 0 : i32
        %dma_wait3A_70 = tpu.memref_slice %arg16[%mul3A_2, %dma_wait3A] : memref<10240x128xf32, #tpu.memory_space<vmem_shared>> -> memref<640x128xf32, #tpu.memory_space<vmem_shared>>
        tpu.wait_dma2 semaphore(%run_scoped3A : memref<!tpu.dma_semaphore, #tpu.memory_space<semaphore_mem>>) src(%arg4 : memref<640x128xf32, #tpu.memory_space<hbm>>) dst(%dma_wait3A_70 : memref<640x128xf32, #tpu.memory_space<vmem_shared>>)
        tpu.yield
      }) : () -> ()
      %barrier3A = arith.constant 0 : index
      tpu.barrier barrier_id(%barrier3A)
      %add3A = arith.constant 0 : i32
      %add3A_20 = arith.addi %mul3A_0, %add3A : i32
      "tpu.region"() ({
        %run_scoped3A = tpu.sem_alloc : memref<!tpu.dma_semaphore, #tpu.memory_space<semaphore_mem>>
        %dma_start3A_68 = arith.constant 0 : i32
        %dma_start3A_69 = tpu.memref_slice %arg2[%add3A_20, %dma_start3A_68] : memref<1280x128xi32, #tpu.memory_space<hbm>> -> memref<40x128xi32, #tpu.memory_space<hbm>>
        %dma_start3A_70 = arith.constant 0 : i32
        %dma_start3A_71 = tpu.memref_slice %arg2[%add3A_20, %dma_start3A_70] : memref<1280x128xi32, #tpu.memory_space<hbm>> -> memref<40x128xi32, #tpu.memory_space<hbm>>
        tpu.enqueue_dma source(%dma_start3A_71 : memref<40x128xi32, #tpu.memory_space<hbm>>) target(%arg13 : memref<40x128xi32, #tpu.memory_space<vmem>>) target_semaphore(%run_scoped3A : memref<!tpu.dma_semaphore, #tpu.memory_space<semaphore_mem>>)
        %dma_wait3A = arith.constant 0 : i32
        %dma_wait3A_72 = tpu.memref_slice %arg2[%add3A_20, %dma_wait3A] : memref<1280x128xi32, #tpu.memory_space<hbm>> -> memref<40x128xi32, #tpu.memory_space<hbm>>
        %dma_wait3A_73 = arith.constant 0 : i32
        %dma_wait3A_74 = tpu.memref_slice %arg2[%add3A_20, %dma_wait3A_73] : memref<1280x128xi32, #tpu.memory_space<hbm>> -> memref<40x128xi32, #tpu.memory_space<hbm>>
        tpu.wait_dma2 semaphore(%run_scoped3A : memref<!tpu.dma_semaphore, #tpu.memory_space<semaphore_mem>>) src(%dma_wait3A_74 : memref<40x128xi32, #tpu.memory_space<hbm>>) dst(%arg13 : memref<40x128xi32, #tpu.memory_space<vmem>>)
        tpu.yield
      }) : () -> ()
      %add3A_21 = arith.constant 0 : i32
      %add3A_22 = arith.addi %mul3A_0, %add3A_21 : i32
      "tpu.region"() ({
        %run_scoped3A = tpu.sem_alloc : memref<!tpu.dma_semaphore, #tpu.memory_space<semaphore_mem>>
        %dma_start3A_68 = arith.constant 0 : i32
        %dma_start3A_69 = tpu.memref_slice %arg3[%add3A_22, %dma_start3A_68] : memref<1280x128xi32, #tpu.memory_space<hbm>> -> memref<40x128xi32, #tpu.memory_space<hbm>>
        %dma_start3A_70 = arith.constant 0 : i32
        %dma_start3A_71 = tpu.memref_slice %arg3[%add3A_22, %dma_start3A_70] : memref<1280x128xi32, #tpu.memory_space<hbm>> -> memref<40x128xi32, #tpu.memory_space<hbm>>
        tpu.enqueue_dma source(%dma_start3A_71 : memref<40x128xi32, #tpu.memory_space<hbm>>) target(%arg14 : memref<40x128xi32, #tpu.memory_space<vmem>>) target_semaphore(%run_scoped3A : memref<!tpu.dma_semaphore, #tpu.memory_space<semaphore_mem>>)
        %dma_wait3A = arith.constant 0 : i32
        %dma_wait3A_72 = tpu.memref_slice %arg3[%add3A_22, %dma_wait3A] : memref<1280x128xi32, #tpu.memory_space<hbm>> -> memref<40x128xi32, #tpu.memory_space<hbm>>
        %dma_wait3A_73 = arith.constant 0 : i32
        %dma_wait3A_74 = tpu.memref_slice %arg3[%add3A_22, %dma_wait3A_73] : memref<1280x128xi32, #tpu.memory_space<hbm>> -> memref<40x128xi32, #tpu.memory_space<hbm>>
        tpu.wait_dma2 semaphore(%run_scoped3A : memref<!tpu.dma_semaphore, #tpu.memory_space<semaphore_mem>>) src(%dma_wait3A_74 : memref<40x128xi32, #tpu.memory_space<hbm>>) dst(%arg14 : memref<40x128xi32, #tpu.memory_space<vmem>>)
        tpu.yield
      }) : () -> ()
      %dma_start3A = arith.constant 0 : i32
      %dma_start3A_23 = arith.constant 0 : i32
      %dma_start3A_24 = arith.constant 0 : i32
      %dma_start3A_25 = arith.constant 0 : i32
      %dma_start3A_26 = arith.constant 0 : i32
      %dma_start3A_27 = tpu.memref_slice %arg15[%dma_start3A_23, %dma_start3A_25, %dma_start3A_26] : memref<2x128x128xf32, #tpu.memory_space<vmem>> -> memref<1x128x128xf32, #tpu.memory_space<vmem>>
      %dma_start3A_28 = tpu.memref_squeeze %dma_start3A_27 : memref<1x128x128xf32, #tpu.memory_space<vmem>> -> memref<128x128xf32, #tpu.memory_space<vmem>>
      %dma_start3A_29 = arith.constant 0 : i32
      %dma_start3A_30 = tpu.memref_slice %arg13[%dma_start3A, %dma_start3A_29] : memref<40x128xi32, #tpu.memory_space<vmem>> -> memref<1x128xi32, #tpu.memory_space<vmem>>
      %dma_start3A_31 = tpu.memref_squeeze %dma_start3A_30 : memref<1x128xi32, #tpu.memory_space<vmem>> -> memref<128xi32, #tpu.memory_space<vmem>>
      %dma_start3A_32 = arith.constant 0 : i32
      %dma_start3A_33 = arith.constant 0 : i32
      %dma_start3A_34 = tpu.memref_slice %arg8[%dma_start3A_32, %dma_start3A_33] : memref<10240x128xf32, #tpu.memory_space<hbm>> -> memref<10240x128xf32, #tpu.memory_space<hbm>>
      %dma_start3A_35 = tpu.memref_slice %arg17[%dma_start3A_24] : memref<2x!tpu.dma_semaphore, #tpu.memory_space<semaphore_mem>> -> memref<1x!tpu.dma_semaphore, #tpu.memory_space<semaphore_mem>>
      %dma_start3A_36 = tpu.memref_squeeze %dma_start3A_35 : memref<1x!tpu.dma_semaphore, #tpu.memory_space<semaphore_mem>> -> memref<!tpu.dma_semaphore, #tpu.memory_space<semaphore_mem>>
      tpu.enqueue_indirect_dma source(%dma_start3A_34 : memref<10240x128xf32, #tpu.memory_space<hbm>>) target(%dma_start3A_28 : memref<128x128xf32, #tpu.memory_space<vmem>>) offsets(%dma_start3A_31 : memref<128xi32, #tpu.memory_space<vmem>>) semaphore(%dma_start3A_36 : memref<!tpu.dma_semaphore, #tpu.memory_space<semaphore_mem>>)
      %scan3A = arith.constant 0 : i32
      %scan3A_37 = arith.constant 0 : i32
      %scan3A_38 = arith.constant 40 : i32
      %scan3A_39 = arith.addi %scan3A_37, %scan3A_38 : i32
      %scan3A_40 = arith.constant 1 : i32
      scf.for %scan3A_68 = %scan3A_37 to %scan3A_39 step %scan3A_40  : i32 {
        %rem3A = arith.constant 2 : i32
        %rem3A_69 = arith.remsi %scan3A_68, %rem3A : i32
        %add3A_70 = arith.constant 1 : i32
        %add3A_71 = arith.addi %scan3A_68, %add3A_70 : i32
        %rem3A_72 = arith.constant 2 : i32
        %rem3A_73 = arith.remsi %add3A_71, %rem3A_72 : i32
        %add3A_74 = arith.constant 1 : i32
        %add3A_75 = arith.addi %scan3A_68, %add3A_74 : i32
        %lt3A = arith.constant 40 : i32
        %lt3A_76 = arith.cmpi slt, %add3A_75, %lt3A : i32
        %convert_element_type3A_77 = arith.extui %lt3A_76 : i1 to i32
        %cond3A_78 = arith.constant 0 : i32
        %cond3A_79 = arith.cmpi ne, %convert_element_type3A_77, %cond3A_78 : i32
        scf.if %cond3A_79 {
          %add3A_91 = arith.constant 1 : i32
          %add3A_92 = arith.addi %scan3A_68, %add3A_91 : i32
          %dma_start3A_93 = arith.constant 0 : i32
          %dma_start3A_94 = arith.constant 0 : i32
          %dma_start3A_95 = tpu.memref_slice %arg15[%rem3A_73, %dma_start3A_93, %dma_start3A_94] : memref<2x128x128xf32, #tpu.memory_space<vmem>> -> memref<1x128x128xf32, #tpu.memory_space<vmem>>
          %dma_start3A_96 = tpu.memref_squeeze %dma_start3A_95 : memref<1x128x128xf32, #tpu.memory_space<vmem>> -> memref<128x128xf32, #tpu.memory_space<vmem>>
          %dma_start3A_97 = arith.constant 0 : i32
          %dma_start3A_98 = tpu.memref_slice %arg13[%add3A_92, %dma_start3A_97] : memref<40x128xi32, #tpu.memory_space<vmem>> -> memref<1x128xi32, #tpu.memory_space<vmem>>
          %dma_start3A_99 = tpu.memref_squeeze %dma_start3A_98 : memref<1x128xi32, #tpu.memory_space<vmem>> -> memref<128xi32, #tpu.memory_space<vmem>>
          %dma_start3A_100 = arith.constant 0 : i32
          %dma_start3A_101 = arith.constant 0 : i32
          %dma_start3A_102 = tpu.memref_slice %arg8[%dma_start3A_100, %dma_start3A_101] : memref<10240x128xf32, #tpu.memory_space<hbm>> -> memref<10240x128xf32, #tpu.memory_space<hbm>>
          %dma_start3A_103 = tpu.memref_slice %arg17[%rem3A_73] : memref<2x!tpu.dma_semaphore, #tpu.memory_space<semaphore_mem>> -> memref<1x!tpu.dma_semaphore, #tpu.memory_space<semaphore_mem>>
          %dma_start3A_104 = tpu.memref_squeeze %dma_start3A_103 : memref<1x!tpu.dma_semaphore, #tpu.memory_space<semaphore_mem>> -> memref<!tpu.dma_semaphore, #tpu.memory_space<semaphore_mem>>
          tpu.enqueue_indirect_dma source(%dma_start3A_102 : memref<10240x128xf32, #tpu.memory_space<hbm>>) target(%dma_start3A_96 : memref<128x128xf32, #tpu.memory_space<vmem>>) offsets(%dma_start3A_99 : memref<128xi32, #tpu.memory_space<vmem>>) semaphore(%dma_start3A_104 : memref<!tpu.dma_semaphore, #tpu.memory_space<semaphore_mem>>)
        } else {
        }
        %dma_wait3A = arith.constant 0 : i32
        %dma_wait3A_80 = arith.constant 0 : i32
        %dma_wait3A_81 = tpu.memref_slice %arg15[%rem3A_69, %dma_wait3A, %dma_wait3A_80] : memref<2x128x128xf32, #tpu.memory_space<vmem>> -> memref<1x128x128xf32, #tpu.memory_space<vmem>>
        %dma_wait3A_82 = tpu.memref_squeeze %dma_wait3A_81 : memref<1x128x128xf32, #tpu.memory_space<vmem>> -> memref<128x128xf32, #tpu.memory_space<vmem>>
        %dma_wait3A_83 = arith.constant 0 : i32
        %dma_wait3A_84 = tpu.memref_slice %arg13[%scan3A_68, %dma_wait3A_83] : memref<40x128xi32, #tpu.memory_space<vmem>> -> memref<1x128xi32, #tpu.memory_space<vmem>>
        %dma_wait3A_85 = tpu.memref_squeeze %dma_wait3A_84 : memref<1x128xi32, #tpu.memory_space<vmem>> -> memref<128xi32, #tpu.memory_space<vmem>>
        %dma_wait3A_86 = arith.constant 0 : i32
        %dma_wait3A_87 = arith.constant 0 : i32
        %dma_wait3A_88 = tpu.memref_slice %arg8[%dma_wait3A_86, %dma_wait3A_87] : memref<10240x128xf32, #tpu.memory_space<hbm>> -> memref<10240x128xf32, #tpu.memory_space<hbm>>
        %dma_wait3A_89 = tpu.memref_slice %arg17[%rem3A_69] : memref<2x!tpu.dma_semaphore, #tpu.memory_space<semaphore_mem>> -> memref<1x!tpu.dma_semaphore, #tpu.memory_space<semaphore_mem>>
        %dma_wait3A_90 = tpu.memref_squeeze %dma_wait3A_89 : memref<1x!tpu.dma_semaphore, #tpu.memory_space<semaphore_mem>> -> memref<!tpu.dma_semaphore, #tpu.memory_space<semaphore_mem>>
        tpu.wait_indirect_dma semaphore(%dma_wait3A_90 : memref<!tpu.dma_semaphore, #tpu.memory_space<semaphore_mem>>) src(%dma_wait3A_88 : memref<10240x128xf32, #tpu.memory_space<hbm>>) dst(%dma_wait3A_82 : memref<128x128xf32, #tpu.memory_space<vmem>>)
        "tpu.region"() ({
          %run_scoped3A = tpu.sem_alloc : memref<!tpu.dma_semaphore, #tpu.memory_space<semaphore_mem>>
          %dma_start3A_91 = arith.constant 0 : i32
          %dma_start3A_92 = arith.constant 0 : i32
          %dma_start3A_93 = tpu.memref_slice %arg15[%rem3A_69, %dma_start3A_91, %dma_start3A_92] : memref<2x128x128xf32, #tpu.memory_space<vmem>> -> memref<1x128x128xf32, #tpu.memory_space<vmem>>
          %dma_start3A_94 = tpu.memref_squeeze %dma_start3A_93 : memref<1x128x128xf32, #tpu.memory_space<vmem>> -> memref<128x128xf32, #tpu.memory_space<vmem>>
          %dma_start3A_95 = arith.constant 0 : i32
          %dma_start3A_96 = tpu.memref_slice %arg14[%scan3A_68, %dma_start3A_95] : memref<40x128xi32, #tpu.memory_space<vmem>> -> memref<1x128xi32, #tpu.memory_space<vmem>>
          %dma_start3A_97 = tpu.memref_squeeze %dma_start3A_96 : memref<1x128xi32, #tpu.memory_space<vmem>> -> memref<128xi32, #tpu.memory_space<vmem>>
          %dma_start3A_98 = arith.constant 0 : i32
          %dma_start3A_99 = arith.constant 0 : i32
          %dma_start3A_100 = tpu.memref_slice %arg16[%dma_start3A_98, %dma_start3A_99] : memref<10240x128xf32, #tpu.memory_space<vmem_shared>> -> memref<10240x128xf32, #tpu.memory_space<vmem_shared>>
          tpu.enqueue_indirect_dma source(%dma_start3A_94 : memref<128x128xf32, #tpu.memory_space<vmem>>) target(%dma_start3A_100 : memref<10240x128xf32, #tpu.memory_space<vmem_shared>>) offsets(%dma_start3A_97 : memref<128xi32, #tpu.memory_space<vmem>>) semaphore(%run_scoped3A : memref<!tpu.dma_semaphore, #tpu.memory_space<semaphore_mem>>) {add = true}
          %dma_wait3A_101 = arith.constant 0 : i32
          %dma_wait3A_102 = arith.constant 0 : i32
          %dma_wait3A_103 = tpu.memref_slice %arg15[%rem3A_69, %dma_wait3A_101, %dma_wait3A_102] : memref<2x128x128xf32, #tpu.memory_space<vmem>> -> memref<1x128x128xf32, #tpu.memory_space<vmem>>
          %dma_wait3A_104 = tpu.memref_squeeze %dma_wait3A_103 : memref<1x128x128xf32, #tpu.memory_space<vmem>> -> memref<128x128xf32, #tpu.memory_space<vmem>>
          %dma_wait3A_105 = arith.constant 0 : i32
          %dma_wait3A_106 = tpu.memref_slice %arg14[%scan3A_68, %dma_wait3A_105] : memref<40x128xi32, #tpu.memory_space<vmem>> -> memref<1x128xi32, #tpu.memory_space<vmem>>
          %dma_wait3A_107 = tpu.memref_squeeze %dma_wait3A_106 : memref<1x128xi32, #tpu.memory_space<vmem>> -> memref<128xi32, #tpu.memory_space<vmem>>
          %dma_wait3A_108 = arith.constant 0 : i32
          %dma_wait3A_109 = arith.constant 0 : i32
          %dma_wait3A_110 = tpu.memref_slice %arg16[%dma_wait3A_108, %dma_wait3A_109] : memref<10240x128xf32, #tpu.memory_space<vmem_shared>> -> memref<10240x128xf32, #tpu.memory_space<vmem_shared>>
          tpu.wait_indirect_dma semaphore(%run_scoped3A : memref<!tpu.dma_semaphore, #tpu.memory_space<semaphore_mem>>) src(%dma_wait3A_104 : memref<128x128xf32, #tpu.memory_space<vmem>>) dst(%dma_wait3A_110 : memref<10240x128xf32, #tpu.memory_space<vmem_shared>>)
          tpu.yield
        }) : () -> ()
      }
      %scan3A_41 = arith.constant 40 : i32
      %add3A_42 = arith.constant 40 : i32
      %add3A_43 = arith.addi %mul3A_0, %add3A_42 : i32
      "tpu.region"() ({
        %run_scoped3A = tpu.sem_alloc : memref<!tpu.dma_semaphore, #tpu.memory_space<semaphore_mem>>
        %dma_start3A_68 = arith.constant 0 : i32
        %dma_start3A_69 = tpu.memref_slice %arg2[%add3A_43, %dma_start3A_68] : memref<1280x128xi32, #tpu.memory_space<hbm>> -> memref<40x128xi32, #tpu.memory_space<hbm>>
        %dma_start3A_70 = arith.constant 0 : i32
        %dma_start3A_71 = tpu.memref_slice %arg2[%add3A_43, %dma_start3A_70] : memref<1280x128xi32, #tpu.memory_space<hbm>> -> memref<40x128xi32, #tpu.memory_space<hbm>>
        tpu.enqueue_dma source(%dma_start3A_71 : memref<40x128xi32, #tpu.memory_space<hbm>>) target(%arg13 : memref<40x128xi32, #tpu.memory_space<vmem>>) target_semaphore(%run_scoped3A : memref<!tpu.dma_semaphore, #tpu.memory_space<semaphore_mem>>)
        %dma_wait3A = arith.constant 0 : i32
        %dma_wait3A_72 = tpu.memref_slice %arg2[%add3A_43, %dma_wait3A] : memref<1280x128xi32, #tpu.memory_space<hbm>> -> memref<40x128xi32, #tpu.memory_space<hbm>>
        %dma_wait3A_73 = arith.constant 0 : i32
        %dma_wait3A_74 = tpu.memref_slice %arg2[%add3A_43, %dma_wait3A_73] : memref<1280x128xi32, #tpu.memory_space<hbm>> -> memref<40x128xi32, #tpu.memory_space<hbm>>
        tpu.wait_dma2 semaphore(%run_scoped3A : memref<!tpu.dma_semaphore, #tpu.memory_space<semaphore_mem>>) src(%dma_wait3A_74 : memref<40x128xi32, #tpu.memory_space<hbm>>) dst(%arg13 : memref<40x128xi32, #tpu.memory_space<vmem>>)
        tpu.yield
      }) : () -> ()
      %add3A_44 = arith.constant 40 : i32
      %add3A_45 = arith.addi %mul3A_0, %add3A_44 : i32
      "tpu.region"() ({
        %run_scoped3A = tpu.sem_alloc : memref<!tpu.dma_semaphore, #tpu.memory_space<semaphore_mem>>
        %dma_start3A_68 = arith.constant 0 : i32
        %dma_start3A_69 = tpu.memref_slice %arg3[%add3A_45, %dma_start3A_68] : memref<1280x128xi32, #tpu.memory_space<hbm>> -> memref<40x128xi32, #tpu.memory_space<hbm>>
        %dma_start3A_70 = arith.constant 0 : i32
        %dma_start3A_71 = tpu.memref_slice %arg3[%add3A_45, %dma_start3A_70] : memref<1280x128xi32, #tpu.memory_space<hbm>> -> memref<40x128xi32, #tpu.memory_space<hbm>>
        tpu.enqueue_dma source(%dma_start3A_71 : memref<40x128xi32, #tpu.memory_space<hbm>>) target(%arg14 : memref<40x128xi32, #tpu.memory_space<vmem>>) target_semaphore(%run_scoped3A : memref<!tpu.dma_semaphore, #tpu.memory_space<semaphore_mem>>)
        %dma_wait3A = arith.constant 0 : i32
        %dma_wait3A_72 = tpu.memref_slice %arg3[%add3A_45, %dma_wait3A] : memref<1280x128xi32, #tpu.memory_space<hbm>> -> memref<40x128xi32, #tpu.memory_space<hbm>>
        %dma_wait3A_73 = arith.constant 0 : i32
        %dma_wait3A_74 = tpu.memref_slice %arg3[%add3A_45, %dma_wait3A_73] : memref<1280x128xi32, #tpu.memory_space<hbm>> -> memref<40x128xi32, #tpu.memory_space<hbm>>
        tpu.wait_dma2 semaphore(%run_scoped3A : memref<!tpu.dma_semaphore, #tpu.memory_space<semaphore_mem>>) src(%dma_wait3A_74 : memref<40x128xi32, #tpu.memory_space<hbm>>) dst(%arg14 : memref<40x128xi32, #tpu.memory_space<vmem>>)
        tpu.yield
      }) : () -> ()
      %dma_start3A_46 = arith.constant 0 : i32
      %dma_start3A_47 = arith.constant 0 : i32
      %dma_start3A_48 = arith.constant 0 : i32
      %dma_start3A_49 = arith.constant 0 : i32
      %dma_start3A_50 = arith.constant 0 : i32
      %dma_start3A_51 = tpu.memref_slice %arg15[%dma_start3A_47, %dma_start3A_49, %dma_start3A_50] : memref<2x128x128xf32, #tpu.memory_space<vmem>> -> memref<1x128x128xf32, #tpu.memory_space<vmem>>
      %dma_start3A_52 = tpu.memref_squeeze %dma_start3A_51 : memref<1x128x128xf32, #tpu.memory_space<vmem>> -> memref<128x128xf32, #tpu.memory_space<vmem>>
      %dma_start3A_53 = arith.constant 0 : i32
      %dma_start3A_54 = tpu.memref_slice %arg13[%dma_start3A_46, %dma_start3A_53] : memref<40x128xi32, #tpu.memory_space<vmem>> -> memref<1x128xi32, #tpu.memory_space<vmem>>
      %dma_start3A_55 = tpu.memref_squeeze %dma_start3A_54 : memref<1x128xi32, #tpu.memory_space<vmem>> -> memref<128xi32, #tpu.memory_space<vmem>>
      %dma_start3A_56 = arith.constant 0 : i32
      %dma_start3A_57 = arith.constant 0 : i32
      %dma_start3A_58 = tpu.memref_slice %arg8[%dma_start3A_56, %dma_start3A_57] : memref<10240x128xf32, #tpu.memory_space<hbm>> -> memref<10240x128xf32, #tpu.memory_space<hbm>>
      %dma_start3A_59 = tpu.memref_slice %arg17[%dma_start3A_48] : memref<2x!tpu.dma_semaphore, #tpu.memory_space<semaphore_mem>> -> memref<1x!tpu.dma_semaphore, #tpu.memory_space<semaphore_mem>>
      %dma_start3A_60 = tpu.memref_squeeze %dma_start3A_59 : memref<1x!tpu.dma_semaphore, #tpu.memory_space<semaphore_mem>> -> memref<!tpu.dma_semaphore, #tpu.memory_space<semaphore_mem>>
      tpu.enqueue_indirect_dma source(%dma_start3A_58 : memref<10240x128xf32, #tpu.memory_space<hbm>>) target(%dma_start3A_52 : memref<128x128xf32, #tpu.memory_space<vmem>>) offsets(%dma_start3A_55 : memref<128xi32, #tpu.memory_space<vmem>>) semaphore(%dma_start3A_60 : memref<!tpu.dma_semaphore, #tpu.memory_space<semaphore_mem>>)
      %scan3A_61 = arith.constant 0 : i32
      %scan3A_62 = arith.constant 0 : i32
      %scan3A_63 = arith.constant 40 : i32
      %scan3A_64 = arith.addi %scan3A_62, %scan3A_63 : i32
      %scan3A_65 = arith.constant 1 : i32
      scf.for %scan3A_68 = %scan3A_62 to %scan3A_64 step %scan3A_65  : i32 {
        %rem3A = arith.constant 2 : i32
        %rem3A_69 = arith.remsi %scan3A_68, %rem3A : i32
        %add3A_70 = arith.constant 1 : i32
        %add3A_71 = arith.addi %scan3A_68, %add3A_70 : i32
        %rem3A_72 = arith.constant 2 : i32
        %rem3A_73 = arith.remsi %add3A_71, %rem3A_72 : i32
        %add3A_74 = arith.constant 1 : i32
        %add3A_75 = arith.addi %scan3A_68, %add3A_74 : i32
        %lt3A = arith.constant 40 : i32
        %lt3A_76 = arith.cmpi slt, %add3A_75, %lt3A : i32
        %convert_element_type3A_77 = arith.extui %lt3A_76 : i1 to i32
        %cond3A_78 = arith.constant 0 : i32
        %cond3A_79 = arith.cmpi ne, %convert_element_type3A_77, %cond3A_78 : i32
        scf.if %cond3A_79 {
          %add3A_91 = arith.constant 1 : i32
          %add3A_92 = arith.addi %scan3A_68, %add3A_91 : i32
          %dma_start3A_93 = arith.constant 0 : i32
          %dma_start3A_94 = arith.constant 0 : i32
          %dma_start3A_95 = tpu.memref_slice %arg15[%rem3A_73, %dma_start3A_93, %dma_start3A_94] : memref<2x128x128xf32, #tpu.memory_space<vmem>> -> memref<1x128x128xf32, #tpu.memory_space<vmem>>
          %dma_start3A_96 = tpu.memref_squeeze %dma_start3A_95 : memref<1x128x128xf32, #tpu.memory_space<vmem>> -> memref<128x128xf32, #tpu.memory_space<vmem>>
          %dma_start3A_97 = arith.constant 0 : i32
          %dma_start3A_98 = tpu.memref_slice %arg13[%add3A_92, %dma_start3A_97] : memref<40x128xi32, #tpu.memory_space<vmem>> -> memref<1x128xi32, #tpu.memory_space<vmem>>
          %dma_start3A_99 = tpu.memref_squeeze %dma_start3A_98 : memref<1x128xi32, #tpu.memory_space<vmem>> -> memref<128xi32, #tpu.memory_space<vmem>>
          %dma_start3A_100 = arith.constant 0 : i32
          %dma_start3A_101 = arith.constant 0 : i32
          %dma_start3A_102 = tpu.memref_slice %arg8[%dma_start3A_100, %dma_start3A_101] : memref<10240x128xf32, #tpu.memory_space<hbm>> -> memref<10240x128xf32, #tpu.memory_space<hbm>>
          %dma_start3A_103 = tpu.memref_slice %arg17[%rem3A_73] : memref<2x!tpu.dma_semaphore, #tpu.memory_space<semaphore_mem>> -> memref<1x!tpu.dma_semaphore, #tpu.memory_space<semaphore_mem>>
          %dma_start3A_104 = tpu.memref_squeeze %dma_start3A_103 : memref<1x!tpu.dma_semaphore, #tpu.memory_space<semaphore_mem>> -> memref<!tpu.dma_semaphore, #tpu.memory_space<semaphore_mem>>
          tpu.enqueue_indirect_dma source(%dma_start3A_102 : memref<10240x128xf32, #tpu.memory_space<hbm>>) target(%dma_start3A_96 : memref<128x128xf32, #tpu.memory_space<vmem>>) offsets(%dma_start3A_99 : memref<128xi32, #tpu.memory_space<vmem>>) semaphore(%dma_start3A_104 : memref<!tpu.dma_semaphore, #tpu.memory_space<semaphore_mem>>)
        } else {
        }
        %dma_wait3A = arith.constant 0 : i32
        %dma_wait3A_80 = arith.constant 0 : i32
        %dma_wait3A_81 = tpu.memref_slice %arg15[%rem3A_69, %dma_wait3A, %dma_wait3A_80] : memref<2x128x128xf32, #tpu.memory_space<vmem>> -> memref<1x128x128xf32, #tpu.memory_space<vmem>>
        %dma_wait3A_82 = tpu.memref_squeeze %dma_wait3A_81 : memref<1x128x128xf32, #tpu.memory_space<vmem>> -> memref<128x128xf32, #tpu.memory_space<vmem>>
        %dma_wait3A_83 = arith.constant 0 : i32
        %dma_wait3A_84 = tpu.memref_slice %arg13[%scan3A_68, %dma_wait3A_83] : memref<40x128xi32, #tpu.memory_space<vmem>> -> memref<1x128xi32, #tpu.memory_space<vmem>>
        %dma_wait3A_85 = tpu.memref_squeeze %dma_wait3A_84 : memref<1x128xi32, #tpu.memory_space<vmem>> -> memref<128xi32, #tpu.memory_space<vmem>>
        %dma_wait3A_86 = arith.constant 0 : i32
        %dma_wait3A_87 = arith.constant 0 : i32
        %dma_wait3A_88 = tpu.memref_slice %arg8[%dma_wait3A_86, %dma_wait3A_87] : memref<10240x128xf32, #tpu.memory_space<hbm>> -> memref<10240x128xf32, #tpu.memory_space<hbm>>
        %dma_wait3A_89 = tpu.memref_slice %arg17[%rem3A_69] : memref<2x!tpu.dma_semaphore, #tpu.memory_space<semaphore_mem>> -> memref<1x!tpu.dma_semaphore, #tpu.memory_space<semaphore_mem>>
        %dma_wait3A_90 = tpu.memref_squeeze %dma_wait3A_89 : memref<1x!tpu.dma_semaphore, #tpu.memory_space<semaphore_mem>> -> memref<!tpu.dma_semaphore, #tpu.memory_space<semaphore_mem>>
        tpu.wait_indirect_dma semaphore(%dma_wait3A_90 : memref<!tpu.dma_semaphore, #tpu.memory_space<semaphore_mem>>) src(%dma_wait3A_88 : memref<10240x128xf32, #tpu.memory_space<hbm>>) dst(%dma_wait3A_82 : memref<128x128xf32, #tpu.memory_space<vmem>>)
        "tpu.region"() ({
          %run_scoped3A = tpu.sem_alloc : memref<!tpu.dma_semaphore, #tpu.memory_space<semaphore_mem>>
          %dma_start3A_91 = arith.constant 0 : i32
          %dma_start3A_92 = arith.constant 0 : i32
          %dma_start3A_93 = tpu.memref_slice %arg15[%rem3A_69, %dma_start3A_91, %dma_start3A_92] : memref<2x128x128xf32, #tpu.memory_space<vmem>> -> memref<1x128x128xf32, #tpu.memory_space<vmem>>
          %dma_start3A_94 = tpu.memref_squeeze %dma_start3A_93 : memref<1x128x128xf32, #tpu.memory_space<vmem>> -> memref<128x128xf32, #tpu.memory_space<vmem>>
          %dma_start3A_95 = arith.constant 0 : i32
          %dma_start3A_96 = tpu.memref_slice %arg14[%scan3A_68, %dma_start3A_95] : memref<40x128xi32, #tpu.memory_space<vmem>> -> memref<1x128xi32, #tpu.memory_space<vmem>>
          %dma_start3A_97 = tpu.memref_squeeze %dma_start3A_96 : memref<1x128xi32, #tpu.memory_space<vmem>> -> memref<128xi32, #tpu.memory_space<vmem>>
          %dma_start3A_98 = arith.constant 0 : i32
          %dma_start3A_99 = arith.constant 0 : i32
          %dma_start3A_100 = tpu.memref_slice %arg16[%dma_start3A_98, %dma_start3A_99] : memref<10240x128xf32, #tpu.memory_space<vmem_shared>> -> memref<10240x128xf32, #tpu.memory_space<vmem_shared>>
          tpu.enqueue_indirect_dma source(%dma_start3A_94 : memref<128x128xf32, #tpu.memory_space<vmem>>) target(%dma_start3A_100 : memref<10240x128xf32, #tpu.memory_space<vmem_shared>>) offsets(%dma_start3A_97 : memref<128xi32, #tpu.memory_space<vmem>>) semaphore(%run_scoped3A : memref<!tpu.dma_semaphore, #tpu.memory_space<semaphore_mem>>) {add = true}
          %dma_wait3A_101 = arith.constant 0 : i32
          %dma_wait3A_102 = arith.constant 0 : i32
          %dma_wait3A_103 = tpu.memref_slice %arg15[%rem3A_69, %dma_wait3A_101, %dma_wait3A_102] : memref<2x128x128xf32, #tpu.memory_space<vmem>> -> memref<1x128x128xf32, #tpu.memory_space<vmem>>
          %dma_wait3A_104 = tpu.memref_squeeze %dma_wait3A_103 : memref<1x128x128xf32, #tpu.memory_space<vmem>> -> memref<128x128xf32, #tpu.memory_space<vmem>>
          %dma_wait3A_105 = arith.constant 0 : i32
          %dma_wait3A_106 = tpu.memref_slice %arg14[%scan3A_68, %dma_wait3A_105] : memref<40x128xi32, #tpu.memory_space<vmem>> -> memref<1x128xi32, #tpu.memory_space<vmem>>
          %dma_wait3A_107 = tpu.memref_squeeze %dma_wait3A_106 : memref<1x128xi32, #tpu.memory_space<vmem>> -> memref<128xi32, #tpu.memory_space<vmem>>
          %dma_wait3A_108 = arith.constant 0 : i32
          %dma_wait3A_109 = arith.constant 0 : i32
          %dma_wait3A_110 = tpu.memref_slice %arg16[%dma_wait3A_108, %dma_wait3A_109] : memref<10240x128xf32, #tpu.memory_space<vmem_shared>> -> memref<10240x128xf32, #tpu.memory_space<vmem_shared>>
          tpu.wait_indirect_dma semaphore(%run_scoped3A : memref<!tpu.dma_semaphore, #tpu.memory_space<semaphore_mem>>) src(%dma_wait3A_104 : memref<128x128xf32, #tpu.memory_space<vmem>>) dst(%dma_wait3A_110 : memref<10240x128xf32, #tpu.memory_space<vmem_shared>>)
          tpu.yield
        }) : () -> ()
      }
      %scan3A_66 = arith.constant 40 : i32
      %barrier3A_67 = arith.constant 0 : index
      tpu.barrier barrier_id(%barrier3A_67)
      "tpu.region"() ({
        %run_scoped3A = tpu.sem_alloc : memref<!tpu.dma_semaphore, #tpu.memory_space<semaphore_mem>>
        %dma_start3A_68 = arith.constant 0 : i32
        %dma_start3A_69 = tpu.memref_slice %arg12[%mul3A_2, %dma_start3A_68] : memref<10240x128xf32, #tpu.memory_space<hbm>> -> memref<640x128xf32, #tpu.memory_space<hbm>>
        %dma_start3A_70 = arith.constant 0 : i32
        %dma_start3A_71 = tpu.memref_slice %arg16[%mul3A_2, %dma_start3A_70] : memref<10240x128xf32, #tpu.memory_space<vmem_shared>> -> memref<640x128xf32, #tpu.memory_space<vmem_shared>>
        tpu.enqueue_dma source(%dma_start3A_71 : memref<640x128xf32, #tpu.memory_space<vmem_shared>>) target(%dma_start3A_69 : memref<640x128xf32, #tpu.memory_space<hbm>>) target_semaphore(%run_scoped3A : memref<!tpu.dma_semaphore, #tpu.memory_space<semaphore_mem>>)
        %dma_wait3A = arith.constant 0 : i32
        %dma_wait3A_72 = tpu.memref_slice %arg12[%mul3A_2, %dma_wait3A] : memref<10240x128xf32, #tpu.memory_space<hbm>> -> memref<640x128xf32, #tpu.memory_space<hbm>>
        %dma_wait3A_73 = arith.constant 0 : i32
        %dma_wait3A_74 = tpu.memref_slice %arg16[%mul3A_2, %dma_wait3A_73] : memref<10240x128xf32, #tpu.memory_space<vmem_shared>> -> memref<640x128xf32, #tpu.memory_space<vmem_shared>>
        tpu.wait_dma2 semaphore(%run_scoped3A : memref<!tpu.dma_semaphore, #tpu.memory_space<semaphore_mem>>) src(%dma_wait3A_74 : memref<640x128xf32, #tpu.memory_space<vmem_shared>>) dst(%dma_wait3A_72 : memref<640x128xf32, #tpu.memory_space<hbm>>)
        tpu.yield
      }) : () -> ()
    } else {
    }
    return
  }
}

#map = affine_map<(d0, d1) -> (0, 0)>
module attributes {stable_mosaic.version = 14 : i64} {
  func.func @k(%arg0: i32, %arg1: i32, %arg2: memref<1280x128xi32, #tpu.memory_space<hbm>>, %arg3: memref<1280x128xi32, #tpu.memory_space<hbm>>, %arg4: memref<640x128xf32, #tpu.memory_space<hbm>>, %arg5: memref<10240x128xf32, #tpu.memory_space<hbm>>, %arg6: memref<10240x128xf32, #tpu.memory_space<hbm>>, %arg7: memref<10240x128xf32, #tpu.memory_space<hbm>>, %arg8: memref<10240x128xf32, #tpu.memory_space<hbm>>, %arg9: memref<40x128xi32, #tpu.memory_space<vmem>>, %arg10: memref<40x128xi32, #tpu.memory_space<vmem>>, %arg11: memref<2x128x128xf32, #tpu.memory_space<vmem>>, %arg12: memref<10240x128xf32, #tpu.memory_space<vmem_shared>>, %arg13: memref<2x!tpu.dma_semaphore, #tpu.memory_space<semaphore_mem>>) attributes {dimension_semantics = [#tpu.dimension_semantics<core_parallel>, #tpu.dimension_semantics<subcore_parallel>], iteration_bounds = array<i64: 2, 16>, scalar_prefetch = 0 : i64, scratch_operands = 5 : i64, tpu.core_type = #tpu.core_type<sc_vector_subcore>, window_params = [{transform_indices = #map}, {transform_indices = #map}, {transform_indices = #map}, {transform_indices = #map}, {transform_indices = #map}, {transform_indices = #map}, {transform_indices = #map}]} {
    %mul3A = arith.constant 80 : i32
    %mul3A_0 = arith.muli %arg1, %mul3A : i32
    %mul3A_1 = arith.constant 640 : i32
    %mul3A_2 = arith.muli %arg1, %mul3A_1 : i32
    %eq3A = arith.constant 0 : i32
    %eq3A_3 = arith.cmpi eq, %arg0, %eq3A : i32
    %convert_element_type3A = arith.extui %eq3A_3 : i1 to i32
    %cond3A = arith.constant 0 : i32
    %cond3A_4 = arith.cmpi ne, %convert_element_type3A, %cond3A : i32
    scf.if %cond3A_4 {
      "tpu.region"() ({
        %run_scoped3A = tpu.sem_alloc : memref<!tpu.dma_semaphore, #tpu.memory_space<semaphore_mem>>
        %dma_start3A_58 = arith.constant 0 : i32
        %dma_start3A_59 = tpu.memref_slice %arg12[%mul3A_2, %dma_start3A_58] : memref<10240x128xf32, #tpu.memory_space<vmem_shared>> -> memref<640x128xf32, #tpu.memory_space<vmem_shared>>
        tpu.enqueue_dma source(%arg4 : memref<640x128xf32, #tpu.memory_space<hbm>>) target(%dma_start3A_59 : memref<640x128xf32, #tpu.memory_space<vmem_shared>>) target_semaphore(%run_scoped3A : memref<!tpu.dma_semaphore, #tpu.memory_space<semaphore_mem>>)
        %dma_wait3A = arith.constant 0 : i32
        %dma_wait3A_60 = tpu.memref_slice %arg12[%mul3A_2, %dma_wait3A] : memref<10240x128xf32, #tpu.memory_space<vmem_shared>> -> memref<640x128xf32, #tpu.memory_space<vmem_shared>>
        tpu.wait_dma2 semaphore(%run_scoped3A : memref<!tpu.dma_semaphore, #tpu.memory_space<semaphore_mem>>) src(%arg4 : memref<640x128xf32, #tpu.memory_space<hbm>>) dst(%dma_wait3A_60 : memref<640x128xf32, #tpu.memory_space<vmem_shared>>)
        tpu.yield
      }) : () -> ()
      %barrier3A = arith.constant 0 : index
      tpu.barrier barrier_id(%barrier3A)
      %add3A = arith.constant 0 : i32
      %add3A_10 = arith.addi %mul3A_0, %add3A : i32
      "tpu.region"() ({
        %run_scoped3A = tpu.sem_alloc : memref<!tpu.dma_semaphore, #tpu.memory_space<semaphore_mem>>
        %dma_start3A_58 = arith.constant 0 : i32
        %dma_start3A_59 = tpu.memref_slice %arg2[%add3A_10, %dma_start3A_58] : memref<1280x128xi32, #tpu.memory_space<hbm>> -> memref<40x128xi32, #tpu.memory_space<hbm>>
        %dma_start3A_60 = arith.constant 0 : i32
        %dma_start3A_61 = tpu.memref_slice %arg2[%add3A_10, %dma_start3A_60] : memref<1280x128xi32, #tpu.memory_space<hbm>> -> memref<40x128xi32, #tpu.memory_space<hbm>>
        tpu.enqueue_dma source(%dma_start3A_61 : memref<40x128xi32, #tpu.memory_space<hbm>>) target(%arg9 : memref<40x128xi32, #tpu.memory_space<vmem>>) target_semaphore(%run_scoped3A : memref<!tpu.dma_semaphore, #tpu.memory_space<semaphore_mem>>)
        %dma_wait3A = arith.constant 0 : i32
        %dma_wait3A_62 = tpu.memref_slice %arg2[%add3A_10, %dma_wait3A] : memref<1280x128xi32, #tpu.memory_space<hbm>> -> memref<40x128xi32, #tpu.memory_space<hbm>>
        %dma_wait3A_63 = arith.constant 0 : i32
        %dma_wait3A_64 = tpu.memref_slice %arg2[%add3A_10, %dma_wait3A_63] : memref<1280x128xi32, #tpu.memory_space<hbm>> -> memref<40x128xi32, #tpu.memory_space<hbm>>
        tpu.wait_dma2 semaphore(%run_scoped3A : memref<!tpu.dma_semaphore, #tpu.memory_space<semaphore_mem>>) src(%dma_wait3A_64 : memref<40x128xi32, #tpu.memory_space<hbm>>) dst(%arg9 : memref<40x128xi32, #tpu.memory_space<vmem>>)
        tpu.yield
      }) : () -> ()
      %add3A_11 = arith.constant 0 : i32
      %add3A_12 = arith.addi %mul3A_0, %add3A_11 : i32
      "tpu.region"() ({
        %run_scoped3A = tpu.sem_alloc : memref<!tpu.dma_semaphore, #tpu.memory_space<semaphore_mem>>
        %dma_start3A_58 = arith.constant 0 : i32
        %dma_start3A_59 = tpu.memref_slice %arg3[%add3A_12, %dma_start3A_58] : memref<1280x128xi32, #tpu.memory_space<hbm>> -> memref<40x128xi32, #tpu.memory_space<hbm>>
        %dma_start3A_60 = arith.constant 0 : i32
        %dma_start3A_61 = tpu.memref_slice %arg3[%add3A_12, %dma_start3A_60] : memref<1280x128xi32, #tpu.memory_space<hbm>> -> memref<40x128xi32, #tpu.memory_space<hbm>>
        tpu.enqueue_dma source(%dma_start3A_61 : memref<40x128xi32, #tpu.memory_space<hbm>>) target(%arg10 : memref<40x128xi32, #tpu.memory_space<vmem>>) target_semaphore(%run_scoped3A : memref<!tpu.dma_semaphore, #tpu.memory_space<semaphore_mem>>)
        %dma_wait3A = arith.constant 0 : i32
        %dma_wait3A_62 = tpu.memref_slice %arg3[%add3A_12, %dma_wait3A] : memref<1280x128xi32, #tpu.memory_space<hbm>> -> memref<40x128xi32, #tpu.memory_space<hbm>>
        %dma_wait3A_63 = arith.constant 0 : i32
        %dma_wait3A_64 = tpu.memref_slice %arg3[%add3A_12, %dma_wait3A_63] : memref<1280x128xi32, #tpu.memory_space<hbm>> -> memref<40x128xi32, #tpu.memory_space<hbm>>
        tpu.wait_dma2 semaphore(%run_scoped3A : memref<!tpu.dma_semaphore, #tpu.memory_space<semaphore_mem>>) src(%dma_wait3A_64 : memref<40x128xi32, #tpu.memory_space<hbm>>) dst(%arg10 : memref<40x128xi32, #tpu.memory_space<vmem>>)
        tpu.yield
      }) : () -> ()
      %dma_start3A = arith.constant 0 : i32
      %dma_start3A_13 = arith.constant 0 : i32
      %dma_start3A_14 = arith.constant 0 : i32
      %dma_start3A_15 = arith.constant 0 : i32
      %dma_start3A_16 = arith.constant 0 : i32
      %dma_start3A_17 = tpu.memref_slice %arg11[%dma_start3A_13, %dma_start3A_15, %dma_start3A_16] : memref<2x128x128xf32, #tpu.memory_space<vmem>> -> memref<1x128x128xf32, #tpu.memory_space<vmem>>
      %dma_start3A_18 = tpu.memref_squeeze %dma_start3A_17 : memref<1x128x128xf32, #tpu.memory_space<vmem>> -> memref<128x128xf32, #tpu.memory_space<vmem>>
      %dma_start3A_19 = arith.constant 0 : i32
      %dma_start3A_20 = tpu.memref_slice %arg9[%dma_start3A, %dma_start3A_19] : memref<40x128xi32, #tpu.memory_space<vmem>> -> memref<1x128xi32, #tpu.memory_space<vmem>>
      %dma_start3A_21 = tpu.memref_squeeze %dma_start3A_20 : memref<1x128xi32, #tpu.memory_space<vmem>> -> memref<128xi32, #tpu.memory_space<vmem>>
      %dma_start3A_22 = arith.constant 0 : i32
      %dma_start3A_23 = arith.constant 0 : i32
      %dma_start3A_24 = tpu.memref_slice %arg5[%dma_start3A_22, %dma_start3A_23] : memref<10240x128xf32, #tpu.memory_space<hbm>> -> memref<10240x128xf32, #tpu.memory_space<hbm>>
      %dma_start3A_25 = tpu.memref_slice %arg13[%dma_start3A_14] : memref<2x!tpu.dma_semaphore, #tpu.memory_space<semaphore_mem>> -> memref<1x!tpu.dma_semaphore, #tpu.memory_space<semaphore_mem>>
      %dma_start3A_26 = tpu.memref_squeeze %dma_start3A_25 : memref<1x!tpu.dma_semaphore, #tpu.memory_space<semaphore_mem>> -> memref<!tpu.dma_semaphore, #tpu.memory_space<semaphore_mem>>
      tpu.enqueue_indirect_dma source(%dma_start3A_24 : memref<10240x128xf32, #tpu.memory_space<hbm>>) target(%dma_start3A_18 : memref<128x128xf32, #tpu.memory_space<vmem>>) offsets(%dma_start3A_21 : memref<128xi32, #tpu.memory_space<vmem>>) semaphore(%dma_start3A_26 : memref<!tpu.dma_semaphore, #tpu.memory_space<semaphore_mem>>)
      %scan3A = arith.constant 0 : i32
      %scan3A_27 = arith.constant 0 : i32
      %scan3A_28 = arith.constant 40 : i32
      %scan3A_29 = arith.addi %scan3A_27, %scan3A_28 : i32
      %scan3A_30 = arith.constant 1 : i32
      scf.for %scan3A_58 = %scan3A_27 to %scan3A_29 step %scan3A_30  : i32 {
        %rem3A = arith.constant 2 : i32
        %rem3A_59 = arith.remsi %scan3A_58, %rem3A : i32
        %add3A_60 = arith.constant 1 : i32
        %add3A_61 = arith.addi %scan3A_58, %add3A_60 : i32
        %rem3A_62 = arith.constant 2 : i32
        %rem3A_63 = arith.remsi %add3A_61, %rem3A_62 : i32
        %add3A_64 = arith.constant 1 : i32
        %add3A_65 = arith.addi %scan3A_58, %add3A_64 : i32
        %lt3A = arith.constant 40 : i32
        %lt3A_66 = arith.cmpi slt, %add3A_65, %lt3A : i32
        %convert_element_type3A_67 = arith.extui %lt3A_66 : i1 to i32
        %cond3A_68 = arith.constant 0 : i32
        %cond3A_69 = arith.cmpi ne, %convert_element_type3A_67, %cond3A_68 : i32
        scf.if %cond3A_69 {
          %add3A_81 = arith.constant 1 : i32
          %add3A_82 = arith.addi %scan3A_58, %add3A_81 : i32
          %dma_start3A_83 = arith.constant 0 : i32
          %dma_start3A_84 = arith.constant 0 : i32
          %dma_start3A_85 = tpu.memref_slice %arg11[%rem3A_63, %dma_start3A_83, %dma_start3A_84] : memref<2x128x128xf32, #tpu.memory_space<vmem>> -> memref<1x128x128xf32, #tpu.memory_space<vmem>>
          %dma_start3A_86 = tpu.memref_squeeze %dma_start3A_85 : memref<1x128x128xf32, #tpu.memory_space<vmem>> -> memref<128x128xf32, #tpu.memory_space<vmem>>
          %dma_start3A_87 = arith.constant 0 : i32
          %dma_start3A_88 = tpu.memref_slice %arg9[%add3A_82, %dma_start3A_87] : memref<40x128xi32, #tpu.memory_space<vmem>> -> memref<1x128xi32, #tpu.memory_space<vmem>>
          %dma_start3A_89 = tpu.memref_squeeze %dma_start3A_88 : memref<1x128xi32, #tpu.memory_space<vmem>> -> memref<128xi32, #tpu.memory_space<vmem>>
          %dma_start3A_90 = arith.constant 0 : i32
          %dma_start3A_91 = arith.constant 0 : i32
          %dma_start3A_92 = tpu.memref_slice %arg5[%dma_start3A_90, %dma_start3A_91] : memref<10240x128xf32, #tpu.memory_space<hbm>> -> memref<10240x128xf32, #tpu.memory_space<hbm>>
          %dma_start3A_93 = tpu.memref_slice %arg13[%rem3A_63] : memref<2x!tpu.dma_semaphore, #tpu.memory_space<semaphore_mem>> -> memref<1x!tpu.dma_semaphore, #tpu.memory_space<semaphore_mem>>
          %dma_start3A_94 = tpu.memref_squeeze %dma_start3A_93 : memref<1x!tpu.dma_semaphore, #tpu.memory_space<semaphore_mem>> -> memref<!tpu.dma_semaphore, #tpu.memory_space<semaphore_mem>>
          tpu.enqueue_indirect_dma source(%dma_start3A_92 : memref<10240x128xf32, #tpu.memory_space<hbm>>) target(%dma_start3A_86 : memref<128x128xf32, #tpu.memory_space<vmem>>) offsets(%dma_start3A_89 : memref<128xi32, #tpu.memory_space<vmem>>) semaphore(%dma_start3A_94 : memref<!tpu.dma_semaphore, #tpu.memory_space<semaphore_mem>>)
        } else {
        }
        %dma_wait3A = arith.constant 0 : i32
        %dma_wait3A_70 = arith.constant 0 : i32
        %dma_wait3A_71 = tpu.memref_slice %arg11[%rem3A_59, %dma_wait3A, %dma_wait3A_70] : memref<2x128x128xf32, #tpu.memory_space<vmem>> -> memref<1x128x128xf32, #tpu.memory_space<vmem>>
        %dma_wait3A_72 = tpu.memref_squeeze %dma_wait3A_71 : memref<1x128x128xf32, #tpu.memory_space<vmem>> -> memref<128x128xf32, #tpu.memory_space<vmem>>
        %dma_wait3A_73 = arith.constant 0 : i32
        %dma_wait3A_74 = tpu.memref_slice %arg9[%scan3A_58, %dma_wait3A_73] : memref<40x128xi32, #tpu.memory_space<vmem>> -> memref<1x128xi32, #tpu.memory_space<vmem>>
        %dma_wait3A_75 = tpu.memref_squeeze %dma_wait3A_74 : memref<1x128xi32, #tpu.memory_space<vmem>> -> memref<128xi32, #tpu.memory_space<vmem>>
        %dma_wait3A_76 = arith.constant 0 : i32
        %dma_wait3A_77 = arith.constant 0 : i32
        %dma_wait3A_78 = tpu.memref_slice %arg5[%dma_wait3A_76, %dma_wait3A_77] : memref<10240x128xf32, #tpu.memory_space<hbm>> -> memref<10240x128xf32, #tpu.memory_space<hbm>>
        %dma_wait3A_79 = tpu.memref_slice %arg13[%rem3A_59] : memref<2x!tpu.dma_semaphore, #tpu.memory_space<semaphore_mem>> -> memref<1x!tpu.dma_semaphore, #tpu.memory_space<semaphore_mem>>
        %dma_wait3A_80 = tpu.memref_squeeze %dma_wait3A_79 : memref<1x!tpu.dma_semaphore, #tpu.memory_space<semaphore_mem>> -> memref<!tpu.dma_semaphore, #tpu.memory_space<semaphore_mem>>
        tpu.wait_indirect_dma semaphore(%dma_wait3A_80 : memref<!tpu.dma_semaphore, #tpu.memory_space<semaphore_mem>>) src(%dma_wait3A_78 : memref<10240x128xf32, #tpu.memory_space<hbm>>) dst(%dma_wait3A_72 : memref<128x128xf32, #tpu.memory_space<vmem>>)
        "tpu.region"() ({
          %run_scoped3A = tpu.sem_alloc : memref<!tpu.dma_semaphore, #tpu.memory_space<semaphore_mem>>
          %dma_start3A_81 = arith.constant 0 : i32
          %dma_start3A_82 = arith.constant 0 : i32
          %dma_start3A_83 = tpu.memref_slice %arg11[%rem3A_59, %dma_start3A_81, %dma_start3A_82] : memref<2x128x128xf32, #tpu.memory_space<vmem>> -> memref<1x128x128xf32, #tpu.memory_space<vmem>>
          %dma_start3A_84 = tpu.memref_squeeze %dma_start3A_83 : memref<1x128x128xf32, #tpu.memory_space<vmem>> -> memref<128x128xf32, #tpu.memory_space<vmem>>
          %dma_start3A_85 = arith.constant 0 : i32
          %dma_start3A_86 = tpu.memref_slice %arg10[%scan3A_58, %dma_start3A_85] : memref<40x128xi32, #tpu.memory_space<vmem>> -> memref<1x128xi32, #tpu.memory_space<vmem>>
          %dma_start3A_87 = tpu.memref_squeeze %dma_start3A_86 : memref<1x128xi32, #tpu.memory_space<vmem>> -> memref<128xi32, #tpu.memory_space<vmem>>
          %dma_start3A_88 = arith.constant 0 : i32
          %dma_start3A_89 = arith.constant 0 : i32
          %dma_start3A_90 = tpu.memref_slice %arg12[%dma_start3A_88, %dma_start3A_89] : memref<10240x128xf32, #tpu.memory_space<vmem_shared>> -> memref<10240x128xf32, #tpu.memory_space<vmem_shared>>
          tpu.enqueue_indirect_dma source(%dma_start3A_84 : memref<128x128xf32, #tpu.memory_space<vmem>>) target(%dma_start3A_90 : memref<10240x128xf32, #tpu.memory_space<vmem_shared>>) offsets(%dma_start3A_87 : memref<128xi32, #tpu.memory_space<vmem>>) semaphore(%run_scoped3A : memref<!tpu.dma_semaphore, #tpu.memory_space<semaphore_mem>>) {add = true}
          %dma_wait3A_91 = arith.constant 0 : i32
          %dma_wait3A_92 = arith.constant 0 : i32
          %dma_wait3A_93 = tpu.memref_slice %arg11[%rem3A_59, %dma_wait3A_91, %dma_wait3A_92] : memref<2x128x128xf32, #tpu.memory_space<vmem>> -> memref<1x128x128xf32, #tpu.memory_space<vmem>>
          %dma_wait3A_94 = tpu.memref_squeeze %dma_wait3A_93 : memref<1x128x128xf32, #tpu.memory_space<vmem>> -> memref<128x128xf32, #tpu.memory_space<vmem>>
          %dma_wait3A_95 = arith.constant 0 : i32
          %dma_wait3A_96 = tpu.memref_slice %arg10[%scan3A_58, %dma_wait3A_95] : memref<40x128xi32, #tpu.memory_space<vmem>> -> memref<1x128xi32, #tpu.memory_space<vmem>>
          %dma_wait3A_97 = tpu.memref_squeeze %dma_wait3A_96 : memref<1x128xi32, #tpu.memory_space<vmem>> -> memref<128xi32, #tpu.memory_space<vmem>>
          %dma_wait3A_98 = arith.constant 0 : i32
          %dma_wait3A_99 = arith.constant 0 : i32
          %dma_wait3A_100 = tpu.memref_slice %arg12[%dma_wait3A_98, %dma_wait3A_99] : memref<10240x128xf32, #tpu.memory_space<vmem_shared>> -> memref<10240x128xf32, #tpu.memory_space<vmem_shared>>
          tpu.wait_indirect_dma semaphore(%run_scoped3A : memref<!tpu.dma_semaphore, #tpu.memory_space<semaphore_mem>>) src(%dma_wait3A_94 : memref<128x128xf32, #tpu.memory_space<vmem>>) dst(%dma_wait3A_100 : memref<10240x128xf32, #tpu.memory_space<vmem_shared>>)
          tpu.yield
        }) : () -> ()
      }
      %scan3A_31 = arith.constant 40 : i32
      %add3A_32 = arith.constant 40 : i32
      %add3A_33 = arith.addi %mul3A_0, %add3A_32 : i32
      "tpu.region"() ({
        %run_scoped3A = tpu.sem_alloc : memref<!tpu.dma_semaphore, #tpu.memory_space<semaphore_mem>>
        %dma_start3A_58 = arith.constant 0 : i32
        %dma_start3A_59 = tpu.memref_slice %arg2[%add3A_33, %dma_start3A_58] : memref<1280x128xi32, #tpu.memory_space<hbm>> -> memref<40x128xi32, #tpu.memory_space<hbm>>
        %dma_start3A_60 = arith.constant 0 : i32
        %dma_start3A_61 = tpu.memref_slice %arg2[%add3A_33, %dma_start3A_60] : memref<1280x128xi32, #tpu.memory_space<hbm>> -> memref<40x128xi32, #tpu.memory_space<hbm>>
        tpu.enqueue_dma source(%dma_start3A_61 : memref<40x128xi32, #tpu.memory_space<hbm>>) target(%arg9 : memref<40x128xi32, #tpu.memory_space<vmem>>) target_semaphore(%run_scoped3A : memref<!tpu.dma_semaphore, #tpu.memory_space<semaphore_mem>>)
        %dma_wait3A = arith.constant 0 : i32
        %dma_wait3A_62 = tpu.memref_slice %arg2[%add3A_33, %dma_wait3A] : memref<1280x128xi32, #tpu.memory_space<hbm>> -> memref<40x128xi32, #tpu.memory_space<hbm>>
        %dma_wait3A_63 = arith.constant 0 : i32
        %dma_wait3A_64 = tpu.memref_slice %arg2[%add3A_33, %dma_wait3A_63] : memref<1280x128xi32, #tpu.memory_space<hbm>> -> memref<40x128xi32, #tpu.memory_space<hbm>>
        tpu.wait_dma2 semaphore(%run_scoped3A : memref<!tpu.dma_semaphore, #tpu.memory_space<semaphore_mem>>) src(%dma_wait3A_64 : memref<40x128xi32, #tpu.memory_space<hbm>>) dst(%arg9 : memref<40x128xi32, #tpu.memory_space<vmem>>)
        tpu.yield
      }) : () -> ()
      %add3A_34 = arith.constant 40 : i32
      %add3A_35 = arith.addi %mul3A_0, %add3A_34 : i32
      "tpu.region"() ({
        %run_scoped3A = tpu.sem_alloc : memref<!tpu.dma_semaphore, #tpu.memory_space<semaphore_mem>>
        %dma_start3A_58 = arith.constant 0 : i32
        %dma_start3A_59 = tpu.memref_slice %arg3[%add3A_35, %dma_start3A_58] : memref<1280x128xi32, #tpu.memory_space<hbm>> -> memref<40x128xi32, #tpu.memory_space<hbm>>
        %dma_start3A_60 = arith.constant 0 : i32
        %dma_start3A_61 = tpu.memref_slice %arg3[%add3A_35, %dma_start3A_60] : memref<1280x128xi32, #tpu.memory_space<hbm>> -> memref<40x128xi32, #tpu.memory_space<hbm>>
        tpu.enqueue_dma source(%dma_start3A_61 : memref<40x128xi32, #tpu.memory_space<hbm>>) target(%arg10 : memref<40x128xi32, #tpu.memory_space<vmem>>) target_semaphore(%run_scoped3A : memref<!tpu.dma_semaphore, #tpu.memory_space<semaphore_mem>>)
        %dma_wait3A = arith.constant 0 : i32
        %dma_wait3A_62 = tpu.memref_slice %arg3[%add3A_35, %dma_wait3A] : memref<1280x128xi32, #tpu.memory_space<hbm>> -> memref<40x128xi32, #tpu.memory_space<hbm>>
        %dma_wait3A_63 = arith.constant 0 : i32
        %dma_wait3A_64 = tpu.memref_slice %arg3[%add3A_35, %dma_wait3A_63] : memref<1280x128xi32, #tpu.memory_space<hbm>> -> memref<40x128xi32, #tpu.memory_space<hbm>>
        tpu.wait_dma2 semaphore(%run_scoped3A : memref<!tpu.dma_semaphore, #tpu.memory_space<semaphore_mem>>) src(%dma_wait3A_64 : memref<40x128xi32, #tpu.memory_space<hbm>>) dst(%arg10 : memref<40x128xi32, #tpu.memory_space<vmem>>)
        tpu.yield
      }) : () -> ()
      %dma_start3A_36 = arith.constant 0 : i32
      %dma_start3A_37 = arith.constant 0 : i32
      %dma_start3A_38 = arith.constant 0 : i32
      %dma_start3A_39 = arith.constant 0 : i32
      %dma_start3A_40 = arith.constant 0 : i32
      %dma_start3A_41 = tpu.memref_slice %arg11[%dma_start3A_37, %dma_start3A_39, %dma_start3A_40] : memref<2x128x128xf32, #tpu.memory_space<vmem>> -> memref<1x128x128xf32, #tpu.memory_space<vmem>>
      %dma_start3A_42 = tpu.memref_squeeze %dma_start3A_41 : memref<1x128x128xf32, #tpu.memory_space<vmem>> -> memref<128x128xf32, #tpu.memory_space<vmem>>
      %dma_start3A_43 = arith.constant 0 : i32
      %dma_start3A_44 = tpu.memref_slice %arg9[%dma_start3A_36, %dma_start3A_43] : memref<40x128xi32, #tpu.memory_space<vmem>> -> memref<1x128xi32, #tpu.memory_space<vmem>>
      %dma_start3A_45 = tpu.memref_squeeze %dma_start3A_44 : memref<1x128xi32, #tpu.memory_space<vmem>> -> memref<128xi32, #tpu.memory_space<vmem>>
      %dma_start3A_46 = arith.constant 0 : i32
      %dma_start3A_47 = arith.constant 0 : i32
      %dma_start3A_48 = tpu.memref_slice %arg5[%dma_start3A_46, %dma_start3A_47] : memref<10240x128xf32, #tpu.memory_space<hbm>> -> memref<10240x128xf32, #tpu.memory_space<hbm>>
      %dma_start3A_49 = tpu.memref_slice %arg13[%dma_start3A_38] : memref<2x!tpu.dma_semaphore, #tpu.memory_space<semaphore_mem>> -> memref<1x!tpu.dma_semaphore, #tpu.memory_space<semaphore_mem>>
      %dma_start3A_50 = tpu.memref_squeeze %dma_start3A_49 : memref<1x!tpu.dma_semaphore, #tpu.memory_space<semaphore_mem>> -> memref<!tpu.dma_semaphore, #tpu.memory_space<semaphore_mem>>
      tpu.enqueue_indirect_dma source(%dma_start3A_48 : memref<10240x128xf32, #tpu.memory_space<hbm>>) target(%dma_start3A_42 : memref<128x128xf32, #tpu.memory_space<vmem>>) offsets(%dma_start3A_45 : memref<128xi32, #tpu.memory_space<vmem>>) semaphore(%dma_start3A_50 : memref<!tpu.dma_semaphore, #tpu.memory_space<semaphore_mem>>)
      %scan3A_51 = arith.constant 0 : i32
      %scan3A_52 = arith.constant 0 : i32
      %scan3A_53 = arith.constant 40 : i32
      %scan3A_54 = arith.addi %scan3A_52, %scan3A_53 : i32
      %scan3A_55 = arith.constant 1 : i32
      scf.for %scan3A_58 = %scan3A_52 to %scan3A_54 step %scan3A_55  : i32 {
        %rem3A = arith.constant 2 : i32
        %rem3A_59 = arith.remsi %scan3A_58, %rem3A : i32
        %add3A_60 = arith.constant 1 : i32
        %add3A_61 = arith.addi %scan3A_58, %add3A_60 : i32
        %rem3A_62 = arith.constant 2 : i32
        %rem3A_63 = arith.remsi %add3A_61, %rem3A_62 : i32
        %add3A_64 = arith.constant 1 : i32
        %add3A_65 = arith.addi %scan3A_58, %add3A_64 : i32
        %lt3A = arith.constant 40 : i32
        %lt3A_66 = arith.cmpi slt, %add3A_65, %lt3A : i32
        %convert_element_type3A_67 = arith.extui %lt3A_66 : i1 to i32
        %cond3A_68 = arith.constant 0 : i32
        %cond3A_69 = arith.cmpi ne, %convert_element_type3A_67, %cond3A_68 : i32
        scf.if %cond3A_69 {
          %add3A_81 = arith.constant 1 : i32
          %add3A_82 = arith.addi %scan3A_58, %add3A_81 : i32
          %dma_start3A_83 = arith.constant 0 : i32
          %dma_start3A_84 = arith.constant 0 : i32
          %dma_start3A_85 = tpu.memref_slice %arg11[%rem3A_63, %dma_start3A_83, %dma_start3A_84] : memref<2x128x128xf32, #tpu.memory_space<vmem>> -> memref<1x128x128xf32, #tpu.memory_space<vmem>>
          %dma_start3A_86 = tpu.memref_squeeze %dma_start3A_85 : memref<1x128x128xf32, #tpu.memory_space<vmem>> -> memref<128x128xf32, #tpu.memory_space<vmem>>
          %dma_start3A_87 = arith.constant 0 : i32
          %dma_start3A_88 = tpu.memref_slice %arg9[%add3A_82, %dma_start3A_87] : memref<40x128xi32, #tpu.memory_space<vmem>> -> memref<1x128xi32, #tpu.memory_space<vmem>>
          %dma_start3A_89 = tpu.memref_squeeze %dma_start3A_88 : memref<1x128xi32, #tpu.memory_space<vmem>> -> memref<128xi32, #tpu.memory_space<vmem>>
          %dma_start3A_90 = arith.constant 0 : i32
          %dma_start3A_91 = arith.constant 0 : i32
          %dma_start3A_92 = tpu.memref_slice %arg5[%dma_start3A_90, %dma_start3A_91] : memref<10240x128xf32, #tpu.memory_space<hbm>> -> memref<10240x128xf32, #tpu.memory_space<hbm>>
          %dma_start3A_93 = tpu.memref_slice %arg13[%rem3A_63] : memref<2x!tpu.dma_semaphore, #tpu.memory_space<semaphore_mem>> -> memref<1x!tpu.dma_semaphore, #tpu.memory_space<semaphore_mem>>
          %dma_start3A_94 = tpu.memref_squeeze %dma_start3A_93 : memref<1x!tpu.dma_semaphore, #tpu.memory_space<semaphore_mem>> -> memref<!tpu.dma_semaphore, #tpu.memory_space<semaphore_mem>>
          tpu.enqueue_indirect_dma source(%dma_start3A_92 : memref<10240x128xf32, #tpu.memory_space<hbm>>) target(%dma_start3A_86 : memref<128x128xf32, #tpu.memory_space<vmem>>) offsets(%dma_start3A_89 : memref<128xi32, #tpu.memory_space<vmem>>) semaphore(%dma_start3A_94 : memref<!tpu.dma_semaphore, #tpu.memory_space<semaphore_mem>>)
        } else {
        }
        %dma_wait3A = arith.constant 0 : i32
        %dma_wait3A_70 = arith.constant 0 : i32
        %dma_wait3A_71 = tpu.memref_slice %arg11[%rem3A_59, %dma_wait3A, %dma_wait3A_70] : memref<2x128x128xf32, #tpu.memory_space<vmem>> -> memref<1x128x128xf32, #tpu.memory_space<vmem>>
        %dma_wait3A_72 = tpu.memref_squeeze %dma_wait3A_71 : memref<1x128x128xf32, #tpu.memory_space<vmem>> -> memref<128x128xf32, #tpu.memory_space<vmem>>
        %dma_wait3A_73 = arith.constant 0 : i32
        %dma_wait3A_74 = tpu.memref_slice %arg9[%scan3A_58, %dma_wait3A_73] : memref<40x128xi32, #tpu.memory_space<vmem>> -> memref<1x128xi32, #tpu.memory_space<vmem>>
        %dma_wait3A_75 = tpu.memref_squeeze %dma_wait3A_74 : memref<1x128xi32, #tpu.memory_space<vmem>> -> memref<128xi32, #tpu.memory_space<vmem>>
        %dma_wait3A_76 = arith.constant 0 : i32
        %dma_wait3A_77 = arith.constant 0 : i32
        %dma_wait3A_78 = tpu.memref_slice %arg5[%dma_wait3A_76, %dma_wait3A_77] : memref<10240x128xf32, #tpu.memory_space<hbm>> -> memref<10240x128xf32, #tpu.memory_space<hbm>>
        %dma_wait3A_79 = tpu.memref_slice %arg13[%rem3A_59] : memref<2x!tpu.dma_semaphore, #tpu.memory_space<semaphore_mem>> -> memref<1x!tpu.dma_semaphore, #tpu.memory_space<semaphore_mem>>
        %dma_wait3A_80 = tpu.memref_squeeze %dma_wait3A_79 : memref<1x!tpu.dma_semaphore, #tpu.memory_space<semaphore_mem>> -> memref<!tpu.dma_semaphore, #tpu.memory_space<semaphore_mem>>
        tpu.wait_indirect_dma semaphore(%dma_wait3A_80 : memref<!tpu.dma_semaphore, #tpu.memory_space<semaphore_mem>>) src(%dma_wait3A_78 : memref<10240x128xf32, #tpu.memory_space<hbm>>) dst(%dma_wait3A_72 : memref<128x128xf32, #tpu.memory_space<vmem>>)
        "tpu.region"() ({
          %run_scoped3A = tpu.sem_alloc : memref<!tpu.dma_semaphore, #tpu.memory_space<semaphore_mem>>
          %dma_start3A_81 = arith.constant 0 : i32
          %dma_start3A_82 = arith.constant 0 : i32
          %dma_start3A_83 = tpu.memref_slice %arg11[%rem3A_59, %dma_start3A_81, %dma_start3A_82] : memref<2x128x128xf32, #tpu.memory_space<vmem>> -> memref<1x128x128xf32, #tpu.memory_space<vmem>>
          %dma_start3A_84 = tpu.memref_squeeze %dma_start3A_83 : memref<1x128x128xf32, #tpu.memory_space<vmem>> -> memref<128x128xf32, #tpu.memory_space<vmem>>
          %dma_start3A_85 = arith.constant 0 : i32
          %dma_start3A_86 = tpu.memref_slice %arg10[%scan3A_58, %dma_start3A_85] : memref<40x128xi32, #tpu.memory_space<vmem>> -> memref<1x128xi32, #tpu.memory_space<vmem>>
          %dma_start3A_87 = tpu.memref_squeeze %dma_start3A_86 : memref<1x128xi32, #tpu.memory_space<vmem>> -> memref<128xi32, #tpu.memory_space<vmem>>
          %dma_start3A_88 = arith.constant 0 : i32
          %dma_start3A_89 = arith.constant 0 : i32
          %dma_start3A_90 = tpu.memref_slice %arg12[%dma_start3A_88, %dma_start3A_89] : memref<10240x128xf32, #tpu.memory_space<vmem_shared>> -> memref<10240x128xf32, #tpu.memory_space<vmem_shared>>
          tpu.enqueue_indirect_dma source(%dma_start3A_84 : memref<128x128xf32, #tpu.memory_space<vmem>>) target(%dma_start3A_90 : memref<10240x128xf32, #tpu.memory_space<vmem_shared>>) offsets(%dma_start3A_87 : memref<128xi32, #tpu.memory_space<vmem>>) semaphore(%run_scoped3A : memref<!tpu.dma_semaphore, #tpu.memory_space<semaphore_mem>>) {add = true}
          %dma_wait3A_91 = arith.constant 0 : i32
          %dma_wait3A_92 = arith.constant 0 : i32
          %dma_wait3A_93 = tpu.memref_slice %arg11[%rem3A_59, %dma_wait3A_91, %dma_wait3A_92] : memref<2x128x128xf32, #tpu.memory_space<vmem>> -> memref<1x128x128xf32, #tpu.memory_space<vmem>>
          %dma_wait3A_94 = tpu.memref_squeeze %dma_wait3A_93 : memref<1x128x128xf32, #tpu.memory_space<vmem>> -> memref<128x128xf32, #tpu.memory_space<vmem>>
          %dma_wait3A_95 = arith.constant 0 : i32
          %dma_wait3A_96 = tpu.memref_slice %arg10[%scan3A_58, %dma_wait3A_95] : memref<40x128xi32, #tpu.memory_space<vmem>> -> memref<1x128xi32, #tpu.memory_space<vmem>>
          %dma_wait3A_97 = tpu.memref_squeeze %dma_wait3A_96 : memref<1x128xi32, #tpu.memory_space<vmem>> -> memref<128xi32, #tpu.memory_space<vmem>>
          %dma_wait3A_98 = arith.constant 0 : i32
          %dma_wait3A_99 = arith.constant 0 : i32
          %dma_wait3A_100 = tpu.memref_slice %arg12[%dma_wait3A_98, %dma_wait3A_99] : memref<10240x128xf32, #tpu.memory_space<vmem_shared>> -> memref<10240x128xf32, #tpu.memory_space<vmem_shared>>
          tpu.wait_indirect_dma semaphore(%run_scoped3A : memref<!tpu.dma_semaphore, #tpu.memory_space<semaphore_mem>>) src(%dma_wait3A_94 : memref<128x128xf32, #tpu.memory_space<vmem>>) dst(%dma_wait3A_100 : memref<10240x128xf32, #tpu.memory_space<vmem_shared>>)
          tpu.yield
        }) : () -> ()
      }
      %scan3A_56 = arith.constant 40 : i32
      %barrier3A_57 = arith.constant 0 : index
      tpu.barrier barrier_id(%barrier3A_57)
      "tpu.region"() ({
        %run_scoped3A = tpu.sem_alloc : memref<!tpu.dma_semaphore, #tpu.memory_space<semaphore_mem>>
        %dma_start3A_58 = arith.constant 0 : i32
        %dma_start3A_59 = tpu.memref_slice %arg7[%mul3A_2, %dma_start3A_58] : memref<10240x128xf32, #tpu.memory_space<hbm>> -> memref<640x128xf32, #tpu.memory_space<hbm>>
        %dma_start3A_60 = arith.constant 0 : i32
        %dma_start3A_61 = tpu.memref_slice %arg12[%mul3A_2, %dma_start3A_60] : memref<10240x128xf32, #tpu.memory_space<vmem_shared>> -> memref<640x128xf32, #tpu.memory_space<vmem_shared>>
        tpu.enqueue_dma source(%dma_start3A_61 : memref<640x128xf32, #tpu.memory_space<vmem_shared>>) target(%dma_start3A_59 : memref<640x128xf32, #tpu.memory_space<hbm>>) target_semaphore(%run_scoped3A : memref<!tpu.dma_semaphore, #tpu.memory_space<semaphore_mem>>)
        %dma_wait3A = arith.constant 0 : i32
        %dma_wait3A_62 = tpu.memref_slice %arg7[%mul3A_2, %dma_wait3A] : memref<10240x128xf32, #tpu.memory_space<hbm>> -> memref<640x128xf32, #tpu.memory_space<hbm>>
        %dma_wait3A_63 = arith.constant 0 : i32
        %dma_wait3A_64 = tpu.memref_slice %arg12[%mul3A_2, %dma_wait3A_63] : memref<10240x128xf32, #tpu.memory_space<vmem_shared>> -> memref<640x128xf32, #tpu.memory_space<vmem_shared>>
        tpu.wait_dma2 semaphore(%run_scoped3A : memref<!tpu.dma_semaphore, #tpu.memory_space<semaphore_mem>>) src(%dma_wait3A_64 : memref<640x128xf32, #tpu.memory_space<vmem_shared>>) dst(%dma_wait3A_62 : memref<640x128xf32, #tpu.memory_space<hbm>>)
        tpu.yield
      }) : () -> ()
    } else {
    }
    %eq3A_5 = arith.constant 1 : i32
    %eq3A_6 = arith.cmpi eq, %arg0, %eq3A_5 : i32
    %convert_element_type3A_7 = arith.extui %eq3A_6 : i1 to i32
    %cond3A_8 = arith.constant 0 : i32
    %cond3A_9 = arith.cmpi ne, %convert_element_type3A_7, %cond3A_8 : i32
    scf.if %cond3A_9 {
      "tpu.region"() ({
        %run_scoped3A = tpu.sem_alloc : memref<!tpu.dma_semaphore, #tpu.memory_space<semaphore_mem>>
        %dma_start3A_58 = arith.constant 0 : i32
        %dma_start3A_59 = tpu.memref_slice %arg12[%mul3A_2, %dma_start3A_58] : memref<10240x128xf32, #tpu.memory_space<vmem_shared>> -> memref<640x128xf32, #tpu.memory_space<vmem_shared>>
        tpu.enqueue_dma source(%arg4 : memref<640x128xf32, #tpu.memory_space<hbm>>) target(%dma_start3A_59 : memref<640x128xf32, #tpu.memory_space<vmem_shared>>) target_semaphore(%run_scoped3A : memref<!tpu.dma_semaphore, #tpu.memory_space<semaphore_mem>>)
        %dma_wait3A = arith.constant 0 : i32
        %dma_wait3A_60 = tpu.memref_slice %arg12[%mul3A_2, %dma_wait3A] : memref<10240x128xf32, #tpu.memory_space<vmem_shared>> -> memref<640x128xf32, #tpu.memory_space<vmem_shared>>
        tpu.wait_dma2 semaphore(%run_scoped3A : memref<!tpu.dma_semaphore, #tpu.memory_space<semaphore_mem>>) src(%arg4 : memref<640x128xf32, #tpu.memory_space<hbm>>) dst(%dma_wait3A_60 : memref<640x128xf32, #tpu.memory_space<vmem_shared>>)
        tpu.yield
      }) : () -> ()
      %barrier3A = arith.constant 0 : index
      tpu.barrier barrier_id(%barrier3A)
      %add3A = arith.constant 0 : i32
      %add3A_10 = arith.addi %mul3A_0, %add3A : i32
      "tpu.region"() ({
        %run_scoped3A = tpu.sem_alloc : memref<!tpu.dma_semaphore, #tpu.memory_space<semaphore_mem>>
        %dma_start3A_58 = arith.constant 0 : i32
        %dma_start3A_59 = tpu.memref_slice %arg2[%add3A_10, %dma_start3A_58] : memref<1280x128xi32, #tpu.memory_space<hbm>> -> memref<40x128xi32, #tpu.memory_space<hbm>>
        %dma_start3A_60 = arith.constant 0 : i32
        %dma_start3A_61 = tpu.memref_slice %arg2[%add3A_10, %dma_start3A_60] : memref<1280x128xi32, #tpu.memory_space<hbm>> -> memref<40x128xi32, #tpu.memory_space<hbm>>
        tpu.enqueue_dma source(%dma_start3A_61 : memref<40x128xi32, #tpu.memory_space<hbm>>) target(%arg9 : memref<40x128xi32, #tpu.memory_space<vmem>>) target_semaphore(%run_scoped3A : memref<!tpu.dma_semaphore, #tpu.memory_space<semaphore_mem>>)
        %dma_wait3A = arith.constant 0 : i32
        %dma_wait3A_62 = tpu.memref_slice %arg2[%add3A_10, %dma_wait3A] : memref<1280x128xi32, #tpu.memory_space<hbm>> -> memref<40x128xi32, #tpu.memory_space<hbm>>
        %dma_wait3A_63 = arith.constant 0 : i32
        %dma_wait3A_64 = tpu.memref_slice %arg2[%add3A_10, %dma_wait3A_63] : memref<1280x128xi32, #tpu.memory_space<hbm>> -> memref<40x128xi32, #tpu.memory_space<hbm>>
        tpu.wait_dma2 semaphore(%run_scoped3A : memref<!tpu.dma_semaphore, #tpu.memory_space<semaphore_mem>>) src(%dma_wait3A_64 : memref<40x128xi32, #tpu.memory_space<hbm>>) dst(%arg9 : memref<40x128xi32, #tpu.memory_space<vmem>>)
        tpu.yield
      }) : () -> ()
      %add3A_11 = arith.constant 0 : i32
      %add3A_12 = arith.addi %mul3A_0, %add3A_11 : i32
      "tpu.region"() ({
        %run_scoped3A = tpu.sem_alloc : memref<!tpu.dma_semaphore, #tpu.memory_space<semaphore_mem>>
        %dma_start3A_58 = arith.constant 0 : i32
        %dma_start3A_59 = tpu.memref_slice %arg3[%add3A_12, %dma_start3A_58] : memref<1280x128xi32, #tpu.memory_space<hbm>> -> memref<40x128xi32, #tpu.memory_space<hbm>>
        %dma_start3A_60 = arith.constant 0 : i32
        %dma_start3A_61 = tpu.memref_slice %arg3[%add3A_12, %dma_start3A_60] : memref<1280x128xi32, #tpu.memory_space<hbm>> -> memref<40x128xi32, #tpu.memory_space<hbm>>
        tpu.enqueue_dma source(%dma_start3A_61 : memref<40x128xi32, #tpu.memory_space<hbm>>) target(%arg10 : memref<40x128xi32, #tpu.memory_space<vmem>>) target_semaphore(%run_scoped3A : memref<!tpu.dma_semaphore, #tpu.memory_space<semaphore_mem>>)
        %dma_wait3A = arith.constant 0 : i32
        %dma_wait3A_62 = tpu.memref_slice %arg3[%add3A_12, %dma_wait3A] : memref<1280x128xi32, #tpu.memory_space<hbm>> -> memref<40x128xi32, #tpu.memory_space<hbm>>
        %dma_wait3A_63 = arith.constant 0 : i32
        %dma_wait3A_64 = tpu.memref_slice %arg3[%add3A_12, %dma_wait3A_63] : memref<1280x128xi32, #tpu.memory_space<hbm>> -> memref<40x128xi32, #tpu.memory_space<hbm>>
        tpu.wait_dma2 semaphore(%run_scoped3A : memref<!tpu.dma_semaphore, #tpu.memory_space<semaphore_mem>>) src(%dma_wait3A_64 : memref<40x128xi32, #tpu.memory_space<hbm>>) dst(%arg10 : memref<40x128xi32, #tpu.memory_space<vmem>>)
        tpu.yield
      }) : () -> ()
      %dma_start3A = arith.constant 0 : i32
      %dma_start3A_13 = arith.constant 0 : i32
      %dma_start3A_14 = arith.constant 0 : i32
      %dma_start3A_15 = arith.constant 0 : i32
      %dma_start3A_16 = arith.constant 0 : i32
      %dma_start3A_17 = tpu.memref_slice %arg11[%dma_start3A_13, %dma_start3A_15, %dma_start3A_16] : memref<2x128x128xf32, #tpu.memory_space<vmem>> -> memref<1x128x128xf32, #tpu.memory_space<vmem>>
      %dma_start3A_18 = tpu.memref_squeeze %dma_start3A_17 : memref<1x128x128xf32, #tpu.memory_space<vmem>> -> memref<128x128xf32, #tpu.memory_space<vmem>>
      %dma_start3A_19 = arith.constant 0 : i32
      %dma_start3A_20 = tpu.memref_slice %arg9[%dma_start3A, %dma_start3A_19] : memref<40x128xi32, #tpu.memory_space<vmem>> -> memref<1x128xi32, #tpu.memory_space<vmem>>
      %dma_start3A_21 = tpu.memref_squeeze %dma_start3A_20 : memref<1x128xi32, #tpu.memory_space<vmem>> -> memref<128xi32, #tpu.memory_space<vmem>>
      %dma_start3A_22 = arith.constant 0 : i32
      %dma_start3A_23 = arith.constant 0 : i32
      %dma_start3A_24 = tpu.memref_slice %arg6[%dma_start3A_22, %dma_start3A_23] : memref<10240x128xf32, #tpu.memory_space<hbm>> -> memref<10240x128xf32, #tpu.memory_space<hbm>>
      %dma_start3A_25 = tpu.memref_slice %arg13[%dma_start3A_14] : memref<2x!tpu.dma_semaphore, #tpu.memory_space<semaphore_mem>> -> memref<1x!tpu.dma_semaphore, #tpu.memory_space<semaphore_mem>>
      %dma_start3A_26 = tpu.memref_squeeze %dma_start3A_25 : memref<1x!tpu.dma_semaphore, #tpu.memory_space<semaphore_mem>> -> memref<!tpu.dma_semaphore, #tpu.memory_space<semaphore_mem>>
      tpu.enqueue_indirect_dma source(%dma_start3A_24 : memref<10240x128xf32, #tpu.memory_space<hbm>>) target(%dma_start3A_18 : memref<128x128xf32, #tpu.memory_space<vmem>>) offsets(%dma_start3A_21 : memref<128xi32, #tpu.memory_space<vmem>>) semaphore(%dma_start3A_26 : memref<!tpu.dma_semaphore, #tpu.memory_space<semaphore_mem>>)
      %scan3A = arith.constant 0 : i32
      %scan3A_27 = arith.constant 0 : i32
      %scan3A_28 = arith.constant 40 : i32
      %scan3A_29 = arith.addi %scan3A_27, %scan3A_28 : i32
      %scan3A_30 = arith.constant 1 : i32
      scf.for %scan3A_58 = %scan3A_27 to %scan3A_29 step %scan3A_30  : i32 {
        %rem3A = arith.constant 2 : i32
        %rem3A_59 = arith.remsi %scan3A_58, %rem3A : i32
        %add3A_60 = arith.constant 1 : i32
        %add3A_61 = arith.addi %scan3A_58, %add3A_60 : i32
        %rem3A_62 = arith.constant 2 : i32
        %rem3A_63 = arith.remsi %add3A_61, %rem3A_62 : i32
        %add3A_64 = arith.constant 1 : i32
        %add3A_65 = arith.addi %scan3A_58, %add3A_64 : i32
        %lt3A = arith.constant 40 : i32
        %lt3A_66 = arith.cmpi slt, %add3A_65, %lt3A : i32
        %convert_element_type3A_67 = arith.extui %lt3A_66 : i1 to i32
        %cond3A_68 = arith.constant 0 : i32
        %cond3A_69 = arith.cmpi ne, %convert_element_type3A_67, %cond3A_68 : i32
        scf.if %cond3A_69 {
          %add3A_81 = arith.constant 1 : i32
          %add3A_82 = arith.addi %scan3A_58, %add3A_81 : i32
          %dma_start3A_83 = arith.constant 0 : i32
          %dma_start3A_84 = arith.constant 0 : i32
          %dma_start3A_85 = tpu.memref_slice %arg11[%rem3A_63, %dma_start3A_83, %dma_start3A_84] : memref<2x128x128xf32, #tpu.memory_space<vmem>> -> memref<1x128x128xf32, #tpu.memory_space<vmem>>
          %dma_start3A_86 = tpu.memref_squeeze %dma_start3A_85 : memref<1x128x128xf32, #tpu.memory_space<vmem>> -> memref<128x128xf32, #tpu.memory_space<vmem>>
          %dma_start3A_87 = arith.constant 0 : i32
          %dma_start3A_88 = tpu.memref_slice %arg9[%add3A_82, %dma_start3A_87] : memref<40x128xi32, #tpu.memory_space<vmem>> -> memref<1x128xi32, #tpu.memory_space<vmem>>
          %dma_start3A_89 = tpu.memref_squeeze %dma_start3A_88 : memref<1x128xi32, #tpu.memory_space<vmem>> -> memref<128xi32, #tpu.memory_space<vmem>>
          %dma_start3A_90 = arith.constant 0 : i32
          %dma_start3A_91 = arith.constant 0 : i32
          %dma_start3A_92 = tpu.memref_slice %arg6[%dma_start3A_90, %dma_start3A_91] : memref<10240x128xf32, #tpu.memory_space<hbm>> -> memref<10240x128xf32, #tpu.memory_space<hbm>>
          %dma_start3A_93 = tpu.memref_slice %arg13[%rem3A_63] : memref<2x!tpu.dma_semaphore, #tpu.memory_space<semaphore_mem>> -> memref<1x!tpu.dma_semaphore, #tpu.memory_space<semaphore_mem>>
          %dma_start3A_94 = tpu.memref_squeeze %dma_start3A_93 : memref<1x!tpu.dma_semaphore, #tpu.memory_space<semaphore_mem>> -> memref<!tpu.dma_semaphore, #tpu.memory_space<semaphore_mem>>
          tpu.enqueue_indirect_dma source(%dma_start3A_92 : memref<10240x128xf32, #tpu.memory_space<hbm>>) target(%dma_start3A_86 : memref<128x128xf32, #tpu.memory_space<vmem>>) offsets(%dma_start3A_89 : memref<128xi32, #tpu.memory_space<vmem>>) semaphore(%dma_start3A_94 : memref<!tpu.dma_semaphore, #tpu.memory_space<semaphore_mem>>)
        } else {
        }
        %dma_wait3A = arith.constant 0 : i32
        %dma_wait3A_70 = arith.constant 0 : i32
        %dma_wait3A_71 = tpu.memref_slice %arg11[%rem3A_59, %dma_wait3A, %dma_wait3A_70] : memref<2x128x128xf32, #tpu.memory_space<vmem>> -> memref<1x128x128xf32, #tpu.memory_space<vmem>>
        %dma_wait3A_72 = tpu.memref_squeeze %dma_wait3A_71 : memref<1x128x128xf32, #tpu.memory_space<vmem>> -> memref<128x128xf32, #tpu.memory_space<vmem>>
        %dma_wait3A_73 = arith.constant 0 : i32
        %dma_wait3A_74 = tpu.memref_slice %arg9[%scan3A_58, %dma_wait3A_73] : memref<40x128xi32, #tpu.memory_space<vmem>> -> memref<1x128xi32, #tpu.memory_space<vmem>>
        %dma_wait3A_75 = tpu.memref_squeeze %dma_wait3A_74 : memref<1x128xi32, #tpu.memory_space<vmem>> -> memref<128xi32, #tpu.memory_space<vmem>>
        %dma_wait3A_76 = arith.constant 0 : i32
        %dma_wait3A_77 = arith.constant 0 : i32
        %dma_wait3A_78 = tpu.memref_slice %arg6[%dma_wait3A_76, %dma_wait3A_77] : memref<10240x128xf32, #tpu.memory_space<hbm>> -> memref<10240x128xf32, #tpu.memory_space<hbm>>
        %dma_wait3A_79 = tpu.memref_slice %arg13[%rem3A_59] : memref<2x!tpu.dma_semaphore, #tpu.memory_space<semaphore_mem>> -> memref<1x!tpu.dma_semaphore, #tpu.memory_space<semaphore_mem>>
        %dma_wait3A_80 = tpu.memref_squeeze %dma_wait3A_79 : memref<1x!tpu.dma_semaphore, #tpu.memory_space<semaphore_mem>> -> memref<!tpu.dma_semaphore, #tpu.memory_space<semaphore_mem>>
        tpu.wait_indirect_dma semaphore(%dma_wait3A_80 : memref<!tpu.dma_semaphore, #tpu.memory_space<semaphore_mem>>) src(%dma_wait3A_78 : memref<10240x128xf32, #tpu.memory_space<hbm>>) dst(%dma_wait3A_72 : memref<128x128xf32, #tpu.memory_space<vmem>>)
        "tpu.region"() ({
          %run_scoped3A = tpu.sem_alloc : memref<!tpu.dma_semaphore, #tpu.memory_space<semaphore_mem>>
          %dma_start3A_81 = arith.constant 0 : i32
          %dma_start3A_82 = arith.constant 0 : i32
          %dma_start3A_83 = tpu.memref_slice %arg11[%rem3A_59, %dma_start3A_81, %dma_start3A_82] : memref<2x128x128xf32, #tpu.memory_space<vmem>> -> memref<1x128x128xf32, #tpu.memory_space<vmem>>
          %dma_start3A_84 = tpu.memref_squeeze %dma_start3A_83 : memref<1x128x128xf32, #tpu.memory_space<vmem>> -> memref<128x128xf32, #tpu.memory_space<vmem>>
          %dma_start3A_85 = arith.constant 0 : i32
          %dma_start3A_86 = tpu.memref_slice %arg10[%scan3A_58, %dma_start3A_85] : memref<40x128xi32, #tpu.memory_space<vmem>> -> memref<1x128xi32, #tpu.memory_space<vmem>>
          %dma_start3A_87 = tpu.memref_squeeze %dma_start3A_86 : memref<1x128xi32, #tpu.memory_space<vmem>> -> memref<128xi32, #tpu.memory_space<vmem>>
          %dma_start3A_88 = arith.constant 0 : i32
          %dma_start3A_89 = arith.constant 0 : i32
          %dma_start3A_90 = tpu.memref_slice %arg12[%dma_start3A_88, %dma_start3A_89] : memref<10240x128xf32, #tpu.memory_space<vmem_shared>> -> memref<10240x128xf32, #tpu.memory_space<vmem_shared>>
          tpu.enqueue_indirect_dma source(%dma_start3A_84 : memref<128x128xf32, #tpu.memory_space<vmem>>) target(%dma_start3A_90 : memref<10240x128xf32, #tpu.memory_space<vmem_shared>>) offsets(%dma_start3A_87 : memref<128xi32, #tpu.memory_space<vmem>>) semaphore(%run_scoped3A : memref<!tpu.dma_semaphore, #tpu.memory_space<semaphore_mem>>) {add = true}
          %dma_wait3A_91 = arith.constant 0 : i32
          %dma_wait3A_92 = arith.constant 0 : i32
          %dma_wait3A_93 = tpu.memref_slice %arg11[%rem3A_59, %dma_wait3A_91, %dma_wait3A_92] : memref<2x128x128xf32, #tpu.memory_space<vmem>> -> memref<1x128x128xf32, #tpu.memory_space<vmem>>
          %dma_wait3A_94 = tpu.memref_squeeze %dma_wait3A_93 : memref<1x128x128xf32, #tpu.memory_space<vmem>> -> memref<128x128xf32, #tpu.memory_space<vmem>>
          %dma_wait3A_95 = arith.constant 0 : i32
          %dma_wait3A_96 = tpu.memref_slice %arg10[%scan3A_58, %dma_wait3A_95] : memref<40x128xi32, #tpu.memory_space<vmem>> -> memref<1x128xi32, #tpu.memory_space<vmem>>
          %dma_wait3A_97 = tpu.memref_squeeze %dma_wait3A_96 : memref<1x128xi32, #tpu.memory_space<vmem>> -> memref<128xi32, #tpu.memory_space<vmem>>
          %dma_wait3A_98 = arith.constant 0 : i32
          %dma_wait3A_99 = arith.constant 0 : i32
          %dma_wait3A_100 = tpu.memref_slice %arg12[%dma_wait3A_98, %dma_wait3A_99] : memref<10240x128xf32, #tpu.memory_space<vmem_shared>> -> memref<10240x128xf32, #tpu.memory_space<vmem_shared>>
          tpu.wait_indirect_dma semaphore(%run_scoped3A : memref<!tpu.dma_semaphore, #tpu.memory_space<semaphore_mem>>) src(%dma_wait3A_94 : memref<128x128xf32, #tpu.memory_space<vmem>>) dst(%dma_wait3A_100 : memref<10240x128xf32, #tpu.memory_space<vmem_shared>>)
          tpu.yield
        }) : () -> ()
      }
      %scan3A_31 = arith.constant 40 : i32
      %add3A_32 = arith.constant 40 : i32
      %add3A_33 = arith.addi %mul3A_0, %add3A_32 : i32
      "tpu.region"() ({
        %run_scoped3A = tpu.sem_alloc : memref<!tpu.dma_semaphore, #tpu.memory_space<semaphore_mem>>
        %dma_start3A_58 = arith.constant 0 : i32
        %dma_start3A_59 = tpu.memref_slice %arg2[%add3A_33, %dma_start3A_58] : memref<1280x128xi32, #tpu.memory_space<hbm>> -> memref<40x128xi32, #tpu.memory_space<hbm>>
        %dma_start3A_60 = arith.constant 0 : i32
        %dma_start3A_61 = tpu.memref_slice %arg2[%add3A_33, %dma_start3A_60] : memref<1280x128xi32, #tpu.memory_space<hbm>> -> memref<40x128xi32, #tpu.memory_space<hbm>>
        tpu.enqueue_dma source(%dma_start3A_61 : memref<40x128xi32, #tpu.memory_space<hbm>>) target(%arg9 : memref<40x128xi32, #tpu.memory_space<vmem>>) target_semaphore(%run_scoped3A : memref<!tpu.dma_semaphore, #tpu.memory_space<semaphore_mem>>)
        %dma_wait3A = arith.constant 0 : i32
        %dma_wait3A_62 = tpu.memref_slice %arg2[%add3A_33, %dma_wait3A] : memref<1280x128xi32, #tpu.memory_space<hbm>> -> memref<40x128xi32, #tpu.memory_space<hbm>>
        %dma_wait3A_63 = arith.constant 0 : i32
        %dma_wait3A_64 = tpu.memref_slice %arg2[%add3A_33, %dma_wait3A_63] : memref<1280x128xi32, #tpu.memory_space<hbm>> -> memref<40x128xi32, #tpu.memory_space<hbm>>
        tpu.wait_dma2 semaphore(%run_scoped3A : memref<!tpu.dma_semaphore, #tpu.memory_space<semaphore_mem>>) src(%dma_wait3A_64 : memref<40x128xi32, #tpu.memory_space<hbm>>) dst(%arg9 : memref<40x128xi32, #tpu.memory_space<vmem>>)
        tpu.yield
      }) : () -> ()
      %add3A_34 = arith.constant 40 : i32
      %add3A_35 = arith.addi %mul3A_0, %add3A_34 : i32
      "tpu.region"() ({
        %run_scoped3A = tpu.sem_alloc : memref<!tpu.dma_semaphore, #tpu.memory_space<semaphore_mem>>
        %dma_start3A_58 = arith.constant 0 : i32
        %dma_start3A_59 = tpu.memref_slice %arg3[%add3A_35, %dma_start3A_58] : memref<1280x128xi32, #tpu.memory_space<hbm>> -> memref<40x128xi32, #tpu.memory_space<hbm>>
        %dma_start3A_60 = arith.constant 0 : i32
        %dma_start3A_61 = tpu.memref_slice %arg3[%add3A_35, %dma_start3A_60] : memref<1280x128xi32, #tpu.memory_space<hbm>> -> memref<40x128xi32, #tpu.memory_space<hbm>>
        tpu.enqueue_dma source(%dma_start3A_61 : memref<40x128xi32, #tpu.memory_space<hbm>>) target(%arg10 : memref<40x128xi32, #tpu.memory_space<vmem>>) target_semaphore(%run_scoped3A : memref<!tpu.dma_semaphore, #tpu.memory_space<semaphore_mem>>)
        %dma_wait3A = arith.constant 0 : i32
        %dma_wait3A_62 = tpu.memref_slice %arg3[%add3A_35, %dma_wait3A] : memref<1280x128xi32, #tpu.memory_space<hbm>> -> memref<40x128xi32, #tpu.memory_space<hbm>>
        %dma_wait3A_63 = arith.constant 0 : i32
        %dma_wait3A_64 = tpu.memref_slice %arg3[%add3A_35, %dma_wait3A_63] : memref<1280x128xi32, #tpu.memory_space<hbm>> -> memref<40x128xi32, #tpu.memory_space<hbm>>
        tpu.wait_dma2 semaphore(%run_scoped3A : memref<!tpu.dma_semaphore, #tpu.memory_space<semaphore_mem>>) src(%dma_wait3A_64 : memref<40x128xi32, #tpu.memory_space<hbm>>) dst(%arg10 : memref<40x128xi32, #tpu.memory_space<vmem>>)
        tpu.yield
      }) : () -> ()
      %dma_start3A_36 = arith.constant 0 : i32
      %dma_start3A_37 = arith.constant 0 : i32
      %dma_start3A_38 = arith.constant 0 : i32
      %dma_start3A_39 = arith.constant 0 : i32
      %dma_start3A_40 = arith.constant 0 : i32
      %dma_start3A_41 = tpu.memref_slice %arg11[%dma_start3A_37, %dma_start3A_39, %dma_start3A_40] : memref<2x128x128xf32, #tpu.memory_space<vmem>> -> memref<1x128x128xf32, #tpu.memory_space<vmem>>
      %dma_start3A_42 = tpu.memref_squeeze %dma_start3A_41 : memref<1x128x128xf32, #tpu.memory_space<vmem>> -> memref<128x128xf32, #tpu.memory_space<vmem>>
      %dma_start3A_43 = arith.constant 0 : i32
      %dma_start3A_44 = tpu.memref_slice %arg9[%dma_start3A_36, %dma_start3A_43] : memref<40x128xi32, #tpu.memory_space<vmem>> -> memref<1x128xi32, #tpu.memory_space<vmem>>
      %dma_start3A_45 = tpu.memref_squeeze %dma_start3A_44 : memref<1x128xi32, #tpu.memory_space<vmem>> -> memref<128xi32, #tpu.memory_space<vmem>>
      %dma_start3A_46 = arith.constant 0 : i32
      %dma_start3A_47 = arith.constant 0 : i32
      %dma_start3A_48 = tpu.memref_slice %arg6[%dma_start3A_46, %dma_start3A_47] : memref<10240x128xf32, #tpu.memory_space<hbm>> -> memref<10240x128xf32, #tpu.memory_space<hbm>>
      %dma_start3A_49 = tpu.memref_slice %arg13[%dma_start3A_38] : memref<2x!tpu.dma_semaphore, #tpu.memory_space<semaphore_mem>> -> memref<1x!tpu.dma_semaphore, #tpu.memory_space<semaphore_mem>>
      %dma_start3A_50 = tpu.memref_squeeze %dma_start3A_49 : memref<1x!tpu.dma_semaphore, #tpu.memory_space<semaphore_mem>> -> memref<!tpu.dma_semaphore, #tpu.memory_space<semaphore_mem>>
      tpu.enqueue_indirect_dma source(%dma_start3A_48 : memref<10240x128xf32, #tpu.memory_space<hbm>>) target(%dma_start3A_42 : memref<128x128xf32, #tpu.memory_space<vmem>>) offsets(%dma_start3A_45 : memref<128xi32, #tpu.memory_space<vmem>>) semaphore(%dma_start3A_50 : memref<!tpu.dma_semaphore, #tpu.memory_space<semaphore_mem>>)
      %scan3A_51 = arith.constant 0 : i32
      %scan3A_52 = arith.constant 0 : i32
      %scan3A_53 = arith.constant 40 : i32
      %scan3A_54 = arith.addi %scan3A_52, %scan3A_53 : i32
      %scan3A_55 = arith.constant 1 : i32
      scf.for %scan3A_58 = %scan3A_52 to %scan3A_54 step %scan3A_55  : i32 {
        %rem3A = arith.constant 2 : i32
        %rem3A_59 = arith.remsi %scan3A_58, %rem3A : i32
        %add3A_60 = arith.constant 1 : i32
        %add3A_61 = arith.addi %scan3A_58, %add3A_60 : i32
        %rem3A_62 = arith.constant 2 : i32
        %rem3A_63 = arith.remsi %add3A_61, %rem3A_62 : i32
        %add3A_64 = arith.constant 1 : i32
        %add3A_65 = arith.addi %scan3A_58, %add3A_64 : i32
        %lt3A = arith.constant 40 : i32
        %lt3A_66 = arith.cmpi slt, %add3A_65, %lt3A : i32
        %convert_element_type3A_67 = arith.extui %lt3A_66 : i1 to i32
        %cond3A_68 = arith.constant 0 : i32
        %cond3A_69 = arith.cmpi ne, %convert_element_type3A_67, %cond3A_68 : i32
        scf.if %cond3A_69 {
          %add3A_81 = arith.constant 1 : i32
          %add3A_82 = arith.addi %scan3A_58, %add3A_81 : i32
          %dma_start3A_83 = arith.constant 0 : i32
          %dma_start3A_84 = arith.constant 0 : i32
          %dma_start3A_85 = tpu.memref_slice %arg11[%rem3A_63, %dma_start3A_83, %dma_start3A_84] : memref<2x128x128xf32, #tpu.memory_space<vmem>> -> memref<1x128x128xf32, #tpu.memory_space<vmem>>
          %dma_start3A_86 = tpu.memref_squeeze %dma_start3A_85 : memref<1x128x128xf32, #tpu.memory_space<vmem>> -> memref<128x128xf32, #tpu.memory_space<vmem>>
          %dma_start3A_87 = arith.constant 0 : i32
          %dma_start3A_88 = tpu.memref_slice %arg9[%add3A_82, %dma_start3A_87] : memref<40x128xi32, #tpu.memory_space<vmem>> -> memref<1x128xi32, #tpu.memory_space<vmem>>
          %dma_start3A_89 = tpu.memref_squeeze %dma_start3A_88 : memref<1x128xi32, #tpu.memory_space<vmem>> -> memref<128xi32, #tpu.memory_space<vmem>>
          %dma_start3A_90 = arith.constant 0 : i32
          %dma_start3A_91 = arith.constant 0 : i32
          %dma_start3A_92 = tpu.memref_slice %arg6[%dma_start3A_90, %dma_start3A_91] : memref<10240x128xf32, #tpu.memory_space<hbm>> -> memref<10240x128xf32, #tpu.memory_space<hbm>>
          %dma_start3A_93 = tpu.memref_slice %arg13[%rem3A_63] : memref<2x!tpu.dma_semaphore, #tpu.memory_space<semaphore_mem>> -> memref<1x!tpu.dma_semaphore, #tpu.memory_space<semaphore_mem>>
          %dma_start3A_94 = tpu.memref_squeeze %dma_start3A_93 : memref<1x!tpu.dma_semaphore, #tpu.memory_space<semaphore_mem>> -> memref<!tpu.dma_semaphore, #tpu.memory_space<semaphore_mem>>
          tpu.enqueue_indirect_dma source(%dma_start3A_92 : memref<10240x128xf32, #tpu.memory_space<hbm>>) target(%dma_start3A_86 : memref<128x128xf32, #tpu.memory_space<vmem>>) offsets(%dma_start3A_89 : memref<128xi32, #tpu.memory_space<vmem>>) semaphore(%dma_start3A_94 : memref<!tpu.dma_semaphore, #tpu.memory_space<semaphore_mem>>)
        } else {
        }
        %dma_wait3A = arith.constant 0 : i32
        %dma_wait3A_70 = arith.constant 0 : i32
        %dma_wait3A_71 = tpu.memref_slice %arg11[%rem3A_59, %dma_wait3A, %dma_wait3A_70] : memref<2x128x128xf32, #tpu.memory_space<vmem>> -> memref<1x128x128xf32, #tpu.memory_space<vmem>>
        %dma_wait3A_72 = tpu.memref_squeeze %dma_wait3A_71 : memref<1x128x128xf32, #tpu.memory_space<vmem>> -> memref<128x128xf32, #tpu.memory_space<vmem>>
        %dma_wait3A_73 = arith.constant 0 : i32
        %dma_wait3A_74 = tpu.memref_slice %arg9[%scan3A_58, %dma_wait3A_73] : memref<40x128xi32, #tpu.memory_space<vmem>> -> memref<1x128xi32, #tpu.memory_space<vmem>>
        %dma_wait3A_75 = tpu.memref_squeeze %dma_wait3A_74 : memref<1x128xi32, #tpu.memory_space<vmem>> -> memref<128xi32, #tpu.memory_space<vmem>>
        %dma_wait3A_76 = arith.constant 0 : i32
        %dma_wait3A_77 = arith.constant 0 : i32
        %dma_wait3A_78 = tpu.memref_slice %arg6[%dma_wait3A_76, %dma_wait3A_77] : memref<10240x128xf32, #tpu.memory_space<hbm>> -> memref<10240x128xf32, #tpu.memory_space<hbm>>
        %dma_wait3A_79 = tpu.memref_slice %arg13[%rem3A_59] : memref<2x!tpu.dma_semaphore, #tpu.memory_space<semaphore_mem>> -> memref<1x!tpu.dma_semaphore, #tpu.memory_space<semaphore_mem>>
        %dma_wait3A_80 = tpu.memref_squeeze %dma_wait3A_79 : memref<1x!tpu.dma_semaphore, #tpu.memory_space<semaphore_mem>> -> memref<!tpu.dma_semaphore, #tpu.memory_space<semaphore_mem>>
        tpu.wait_indirect_dma semaphore(%dma_wait3A_80 : memref<!tpu.dma_semaphore, #tpu.memory_space<semaphore_mem>>) src(%dma_wait3A_78 : memref<10240x128xf32, #tpu.memory_space<hbm>>) dst(%dma_wait3A_72 : memref<128x128xf32, #tpu.memory_space<vmem>>)
        "tpu.region"() ({
          %run_scoped3A = tpu.sem_alloc : memref<!tpu.dma_semaphore, #tpu.memory_space<semaphore_mem>>
          %dma_start3A_81 = arith.constant 0 : i32
          %dma_start3A_82 = arith.constant 0 : i32
          %dma_start3A_83 = tpu.memref_slice %arg11[%rem3A_59, %dma_start3A_81, %dma_start3A_82] : memref<2x128x128xf32, #tpu.memory_space<vmem>> -> memref<1x128x128xf32, #tpu.memory_space<vmem>>
          %dma_start3A_84 = tpu.memref_squeeze %dma_start3A_83 : memref<1x128x128xf32, #tpu.memory_space<vmem>> -> memref<128x128xf32, #tpu.memory_space<vmem>>
          %dma_start3A_85 = arith.constant 0 : i32
          %dma_start3A_86 = tpu.memref_slice %arg10[%scan3A_58, %dma_start3A_85] : memref<40x128xi32, #tpu.memory_space<vmem>> -> memref<1x128xi32, #tpu.memory_space<vmem>>
          %dma_start3A_87 = tpu.memref_squeeze %dma_start3A_86 : memref<1x128xi32, #tpu.memory_space<vmem>> -> memref<128xi32, #tpu.memory_space<vmem>>
          %dma_start3A_88 = arith.constant 0 : i32
          %dma_start3A_89 = arith.constant 0 : i32
          %dma_start3A_90 = tpu.memref_slice %arg12[%dma_start3A_88, %dma_start3A_89] : memref<10240x128xf32, #tpu.memory_space<vmem_shared>> -> memref<10240x128xf32, #tpu.memory_space<vmem_shared>>
          tpu.enqueue_indirect_dma source(%dma_start3A_84 : memref<128x128xf32, #tpu.memory_space<vmem>>) target(%dma_start3A_90 : memref<10240x128xf32, #tpu.memory_space<vmem_shared>>) offsets(%dma_start3A_87 : memref<128xi32, #tpu.memory_space<vmem>>) semaphore(%run_scoped3A : memref<!tpu.dma_semaphore, #tpu.memory_space<semaphore_mem>>) {add = true}
          %dma_wait3A_91 = arith.constant 0 : i32
          %dma_wait3A_92 = arith.constant 0 : i32
          %dma_wait3A_93 = tpu.memref_slice %arg11[%rem3A_59, %dma_wait3A_91, %dma_wait3A_92] : memref<2x128x128xf32, #tpu.memory_space<vmem>> -> memref<1x128x128xf32, #tpu.memory_space<vmem>>
          %dma_wait3A_94 = tpu.memref_squeeze %dma_wait3A_93 : memref<1x128x128xf32, #tpu.memory_space<vmem>> -> memref<128x128xf32, #tpu.memory_space<vmem>>
          %dma_wait3A_95 = arith.constant 0 : i32
          %dma_wait3A_96 = tpu.memref_slice %arg10[%scan3A_58, %dma_wait3A_95] : memref<40x128xi32, #tpu.memory_space<vmem>> -> memref<1x128xi32, #tpu.memory_space<vmem>>
          %dma_wait3A_97 = tpu.memref_squeeze %dma_wait3A_96 : memref<1x128xi32, #tpu.memory_space<vmem>> -> memref<128xi32, #tpu.memory_space<vmem>>
          %dma_wait3A_98 = arith.constant 0 : i32
          %dma_wait3A_99 = arith.constant 0 : i32
          %dma_wait3A_100 = tpu.memref_slice %arg12[%dma_wait3A_98, %dma_wait3A_99] : memref<10240x128xf32, #tpu.memory_space<vmem_shared>> -> memref<10240x128xf32, #tpu.memory_space<vmem_shared>>
          tpu.wait_indirect_dma semaphore(%run_scoped3A : memref<!tpu.dma_semaphore, #tpu.memory_space<semaphore_mem>>) src(%dma_wait3A_94 : memref<128x128xf32, #tpu.memory_space<vmem>>) dst(%dma_wait3A_100 : memref<10240x128xf32, #tpu.memory_space<vmem_shared>>)
          tpu.yield
        }) : () -> ()
      }
      %scan3A_56 = arith.constant 40 : i32
      %barrier3A_57 = arith.constant 0 : index
      tpu.barrier barrier_id(%barrier3A_57)
      "tpu.region"() ({
        %run_scoped3A = tpu.sem_alloc : memref<!tpu.dma_semaphore, #tpu.memory_space<semaphore_mem>>
        %dma_start3A_58 = arith.constant 0 : i32
        %dma_start3A_59 = tpu.memref_slice %arg8[%mul3A_2, %dma_start3A_58] : memref<10240x128xf32, #tpu.memory_space<hbm>> -> memref<640x128xf32, #tpu.memory_space<hbm>>
        %dma_start3A_60 = arith.constant 0 : i32
        %dma_start3A_61 = tpu.memref_slice %arg12[%mul3A_2, %dma_start3A_60] : memref<10240x128xf32, #tpu.memory_space<vmem_shared>> -> memref<640x128xf32, #tpu.memory_space<vmem_shared>>
        tpu.enqueue_dma source(%dma_start3A_61 : memref<640x128xf32, #tpu.memory_space<vmem_shared>>) target(%dma_start3A_59 : memref<640x128xf32, #tpu.memory_space<hbm>>) target_semaphore(%run_scoped3A : memref<!tpu.dma_semaphore, #tpu.memory_space<semaphore_mem>>)
        %dma_wait3A = arith.constant 0 : i32
        %dma_wait3A_62 = tpu.memref_slice %arg8[%mul3A_2, %dma_wait3A] : memref<10240x128xf32, #tpu.memory_space<hbm>> -> memref<640x128xf32, #tpu.memory_space<hbm>>
        %dma_wait3A_63 = arith.constant 0 : i32
        %dma_wait3A_64 = tpu.memref_slice %arg12[%mul3A_2, %dma_wait3A_63] : memref<10240x128xf32, #tpu.memory_space<vmem_shared>> -> memref<640x128xf32, #tpu.memory_space<vmem_shared>>
        tpu.wait_dma2 semaphore(%run_scoped3A : memref<!tpu.dma_semaphore, #tpu.memory_space<semaphore_mem>>) src(%dma_wait3A_64 : memref<640x128xf32, #tpu.memory_space<vmem_shared>>) dst(%dma_wait3A_62 : memref<640x128xf32, #tpu.memory_space<hbm>>)
        tpu.yield
      }) : () -> ()
    } else {
    }
    return
  }
}

module attributes {stable_mosaic.version = 14 : i64} {
  func.func @_t1_body(%arg0: i32, %arg1: i32, %arg2: memref<2048x256xf32, #tpu.memory_space<vmem>>, %arg3: memref<256x128xf32, #tpu.memory_space<vmem>>, %arg4: memref<2048x128xf32, #tpu.memory_space<vmem>>, %arg5: memref<2048x128xf32, #tpu.memory_space<vmem>>, %arg6: memref<2048x128xf32, #tpu.memory_space<vmem>>, %arg7: memref<2048x128xf32, #tpu.memory_space<vmem>>, %arg8: memref<2048x128xf32, #tpu.memory_space<vmem>>, %arg9: memref<2048x128xf32, #tpu.memory_space<vmem>>, %arg10: memref<2048x128xf32, #tpu.memory_space<vmem>>) attributes {dimension_semantics = [#tpu.dimension_semantics<arbitrary>, #tpu.dimension_semantics<arbitrary>], iteration_bounds = array<i64: 5, 4>, scalar_prefetch = 0 : i64, scratch_operands = 0 : i64, tpu.core_type = #tpu.core_type<tc>, window_params = [{transform_indices = @transform_0, window_bounds = array<i64: 2048, 256>}, {transform_indices = @transform_1, window_bounds = array<i64: 256, 128>}, {transform_indices = @transform_2, window_bounds = array<i64: 2048, 128>}, {transform_indices = @transform_3, window_bounds = array<i64: 2048, 128>}, {transform_indices = @transform_4, window_bounds = array<i64: 2048, 128>}, {transform_indices = @transform_5, window_bounds = array<i64: 2048, 128>}, {transform_indices = @transform_6, window_bounds = array<i64: 2048, 128>}, {transform_indices = @transform_7, window_bounds = array<i64: 2048, 128>}, {transform_indices = @transform_8, window_bounds = array<i64: 2048, 128>}]} {
    %get3A = arith.constant 0 : index
    %get3A_0 = arith.constant 0 : index
    %get3A_1 = vector.load %arg4[%get3A, %get3A_0] : memref<2048x128xf32, #tpu.memory_space<vmem>>, vector<2048x1xf32>
    %get3A_2 = arith.constant 0 : index
    %get3A_3 = arith.constant 0 : index
    %get3A_4 = vector.load %arg5[%get3A_2, %get3A_3] : memref<2048x128xf32, #tpu.memory_space<vmem>>, vector<2048x1xf32>
    %add3A = arith.addf %get3A_1, %get3A_4 : vector<2048x1xf32>
    %add3A_5 = arith.constant 1.000000e+00 : f32
    %add3A_6 = vector.broadcast %add3A_5 : f32 to vector<2048x1xf32>
    %add3A_7 = arith.addf %add3A, %add3A_6 : vector<2048x1xf32>
    %rsqrt3A = math.rsqrt %add3A_7 : vector<2048x1xf32>
    %broadcast_in_dim3A = vector.shape_cast %rsqrt3A : vector<2048x1xf32> to vector<2048x1xf32>
    %broadcast_in_dim3A_8 = vector.broadcast %broadcast_in_dim3A : vector<2048x1xf32> to vector<2048x128xf32>
    %swap3A = arith.constant 0 : index
    %swap3A_9 = arith.constant 0 : index
    %swap3A_10 = vector.load %arg6[%swap3A, %swap3A_9] : memref<2048x128xf32, #tpu.memory_space<vmem>>, vector<2048x128xf32>
    tpu.vector_store %arg6[%swap3A, %swap3A_9], %broadcast_in_dim3A_8 {strides = array<i32>} : memref<2048x128xf32, #tpu.memory_space<vmem>>, vector<2048x128xf32>,
    %get3A_11 = arith.constant 0 : index
    %get3A_12 = arith.constant 0 : index
    %get3A_13 = vector.load %arg2[%get3A_11, %get3A_12] : memref<2048x256xf32, #tpu.memory_space<vmem>>, vector<2048x256xf32>
    %get3A_14 = arith.constant 0 : index
    %get3A_15 = arith.constant 0 : index
    %get3A_16 = vector.load %arg3[%get3A_14, %get3A_15] : memref<256x128xf32, #tpu.memory_space<vmem>>, vector<256x128xf32>
    %convert_element_type3A = arith.truncf %get3A_13 : vector<2048x256xf32> to vector<2048x256xbf16>
    %convert_element_type3A_17 = arith.extf %convert_element_type3A : vector<2048x256xbf16> to vector<2048x256xf32>
    %sub3A = arith.subf %get3A_13, %convert_element_type3A_17 : vector<2048x256xf32>
    %convert_element_type3A_18 = arith.truncf %sub3A : vector<2048x256xf32> to vector<2048x256xbf16>
    %convert_element_type3A_19 = arith.truncf %get3A_16 : vector<256x128xf32> to vector<256x128xbf16>
    %convert_element_type3A_20 = arith.extf %convert_element_type3A_19 : vector<256x128xbf16> to vector<256x128xf32>
    %sub3A_21 = arith.subf %get3A_16, %convert_element_type3A_20 : vector<256x128xf32>
    %convert_element_type3A_22 = arith.truncf %sub3A_21 : vector<256x128xf32> to vector<256x128xbf16>
    %dot_general3A = arith.constant dense<0.000000e+00> : vector<2048x128xf32>
    %dot_general3A_23 = tpu.matmul %convert_element_type3A, %convert_element_type3A_22, %dot_general3A {dimension_numbers = #tpu.dot_dimension_numbers<[1], [0], [0], [1], [0, 0, 1, 1], [], []>, transpose_lhs_hint = false} : vector<2048x256xbf16>, vector<256x128xbf16>, vector<2048x128xf32> -> vector<2048x128xf32>
    %dot_general3A_24 = arith.constant dense<0.000000e+00> : vector<2048x128xf32>
    %dot_general3A_25 = tpu.matmul %convert_element_type3A_18, %convert_element_type3A_19, %dot_general3A_24 {dimension_numbers = #tpu.dot_dimension_numbers<[1], [0], [0], [1], [0, 0, 1, 1], [], []>, transpose_lhs_hint = false} : vector<2048x256xbf16>, vector<256x128xbf16>, vector<2048x128xf32> -> vector<2048x128xf32>
    %add3A_26 = arith.addf %dot_general3A_23, %dot_general3A_25 : vector<2048x128xf32>
    %dot_general3A_27 = arith.constant dense<0.000000e+00> : vector<2048x128xf32>
    %dot_general3A_28 = tpu.matmul %convert_element_type3A, %convert_element_type3A_19, %dot_general3A_27 {dimension_numbers = #tpu.dot_dimension_numbers<[1], [0], [0], [1], [0, 0, 1, 1], [], []>, transpose_lhs_hint = false} : vector<2048x256xbf16>, vector<256x128xbf16>, vector<2048x128xf32> -> vector<2048x128xf32>
    %add3A_29 = arith.addf %add3A_26, %dot_general3A_28 : vector<2048x128xf32>
    %mul3A = vector.broadcast %rsqrt3A : vector<2048x1xf32> to vector<2048x128xf32>
    %mul3A_30 = arith.mulf %mul3A, %add3A_29 : vector<2048x128xf32>
    %eq3A = arith.constant 0 : i32
    %eq3A_31 = arith.cmpi eq, %arg1, %eq3A : i32
    %convert_element_type3A_32 = arith.extui %eq3A_31 : i1 to i32
    %cond3A = arith.constant 0 : i32
    %cond3A_33 = arith.cmpi ne, %convert_element_type3A_32, %cond3A : i32
    scf.if %cond3A_33 {
      %swap3A_49 = arith.constant 0 : index
      %swap3A_50 = arith.constant 0 : index
      %swap3A_51 = vector.load %arg7[%swap3A_49, %swap3A_50] : memref<2048x128xf32, #tpu.memory_space<vmem>>, vector<2048x128xf32>
      tpu.vector_store %arg7[%swap3A_49, %swap3A_50], %mul3A_30 {strides = array<i32>} : memref<2048x128xf32, #tpu.memory_space<vmem>>, vector<2048x128xf32>,
    } else {
    }
    %eq3A_34 = arith.constant 1 : i32
    %eq3A_35 = arith.cmpi eq, %arg1, %eq3A_34 : i32
    %convert_element_type3A_36 = arith.extui %eq3A_35 : i1 to i32
    %cond3A_37 = arith.constant 0 : i32
    %cond3A_38 = arith.cmpi ne, %convert_element_type3A_36, %cond3A_37 : i32
    scf.if %cond3A_38 {
      %swap3A_49 = arith.constant 0 : index
      %swap3A_50 = arith.constant 0 : index
      %swap3A_51 = vector.load %arg8[%swap3A_49, %swap3A_50] : memref<2048x128xf32, #tpu.memory_space<vmem>>, vector<2048x128xf32>
      tpu.vector_store %arg8[%swap3A_49, %swap3A_50], %mul3A_30 {strides = array<i32>} : memref<2048x128xf32, #tpu.memory_space<vmem>>, vector<2048x128xf32>,
    } else {
    }
    %eq3A_39 = arith.constant 2 : i32
    %eq3A_40 = arith.cmpi eq, %arg1, %eq3A_39 : i32
    %convert_element_type3A_41 = arith.extui %eq3A_40 : i1 to i32
    %cond3A_42 = arith.constant 0 : i32
    %cond3A_43 = arith.cmpi ne, %convert_element_type3A_41, %cond3A_42 : i32
    scf.if %cond3A_43 {
      %swap3A_49 = arith.constant 0 : index
      %swap3A_50 = arith.constant 0 : index
      %swap3A_51 = vector.load %arg9[%swap3A_49, %swap3A_50] : memref<2048x128xf32, #tpu.memory_space<vmem>>, vector<2048x128xf32>
      tpu.vector_store %arg9[%swap3A_49, %swap3A_50], %mul3A_30 {strides = array<i32>} : memref<2048x128xf32, #tpu.memory_space<vmem>>, vector<2048x128xf32>,
    } else {
    }
    %eq3A_44 = arith.constant 3 : i32
    %eq3A_45 = arith.cmpi eq, %arg1, %eq3A_44 : i32
    %convert_element_type3A_46 = arith.extui %eq3A_45 : i1 to i32
    %cond3A_47 = arith.constant 0 : i32
    %cond3A_48 = arith.cmpi ne, %convert_element_type3A_46, %cond3A_47 : i32
    scf.if %cond3A_48 {
      %swap3A_49 = arith.constant 0 : index
      %swap3A_50 = arith.constant 0 : index
      %swap3A_51 = vector.load %arg10[%swap3A_49, %swap3A_50] : memref<2048x128xf32, #tpu.memory_space<vmem>>, vector<2048x128xf32>
      tpu.vector_store %arg10[%swap3A_49, %swap3A_50], %mul3A_30 {strides = array<i32>} : memref<2048x128xf32, #tpu.memory_space<vmem>>, vector<2048x128xf32>,
    } else {
    }
    return
  }
  func.func @transform_0(%arg0: i32, %arg1: i32) -> (i32, i32) {
    %c0_i32 = arith.constant 0 : i32
    %c0_i32_0 = arith.constant 0 : i32
    return %arg0, %c0_i32 : i32, i32
  }
  func.func @transform_1(%arg0: i32, %arg1: i32) -> (i32, i32) {
    %c0_i32 = arith.constant 0 : i32
    %c0_i32_0 = arith.constant 0 : i32
    return %c0_i32, %arg1 : i32, i32
  }
  func.func @transform_2(%arg0: i32, %arg1: i32) -> (i32, i32) {
    %c0_i32 = arith.constant 0 : i32
    %c0_i32_0 = arith.constant 0 : i32
    return %arg0, %c0_i32 : i32, i32
  }
  func.func @transform_3(%arg0: i32, %arg1: i32) -> (i32, i32) {
    %c0_i32 = arith.constant 0 : i32
    %c0_i32_0 = arith.constant 0 : i32
    return %arg0, %c0_i32 : i32, i32
  }
  func.func @transform_4(%arg0: i32, %arg1: i32) -> (i32, i32) {
    %c0_i32 = arith.constant 0 : i32
    %c0_i32_0 = arith.constant 0 : i32
    return %arg0, %c0_i32 : i32, i32
  }
  func.func @transform_5(%arg0: i32, %arg1: i32) -> (i32, i32) {
    %c0_i32 = arith.constant 0 : i32
    %c0_i32_0 = arith.constant 0 : i32
    return %arg0, %c0_i32 : i32, i32
  }
  func.func @transform_6(%arg0: i32, %arg1: i32) -> (i32, i32) {
    %c0_i32 = arith.constant 0 : i32
    %c0_i32_0 = arith.constant 0 : i32
    return %arg0, %c0_i32 : i32, i32
  }
  func.func @transform_7(%arg0: i32, %arg1: i32) -> (i32, i32) {
    %c0_i32 = arith.constant 0 : i32
    %c0_i32_0 = arith.constant 0 : i32
    return %arg0, %c0_i32 : i32, i32
  }
  func.func @transform_8(%arg0: i32, %arg1: i32) -> (i32, i32) {
    %c0_i32 = arith.constant 0 : i32
    %c0_i32_0 = arith.constant 0 : i32
    return %arg0, %c0_i32 : i32, i32
  }
}

module attributes {stable_mosaic.version = 14 : i64} {
  func.func @body(%arg0: i32, %arg1: i32, %arg2: memref<2048x128xf32, #tpu.memory_space<vmem>>, %arg3: memref<2048x128xf32, #tpu.memory_space<vmem>>, %arg4: memref<2048x128xf32, #tpu.memory_space<vmem>>, %arg5: memref<2048x128xf32, #tpu.memory_space<vmem>>, %arg6: memref<2048x128xf32, #tpu.memory_space<vmem>>, %arg7: memref<2048x128xf32, #tpu.memory_space<vmem>>, %arg8: memref<2048x128xf32, #tpu.memory_space<vmem>>, %arg9: memref<2048x128xf32, #tpu.memory_space<vmem>>, %arg10: memref<2048x128xf32, #tpu.memory_space<vmem>>, %arg11: memref<1x512xf32, #tpu.memory_space<vmem>>, %arg12: memref<512x128xf32, #tpu.memory_space<vmem>>, %arg13: memref<2048x128xf32, #tpu.memory_space<vmem>>, %arg14: memref<2048x128xf32, #tpu.memory_space<vmem>>, %arg15: memref<2048x128xf32, #tpu.memory_space<vmem>>, %arg16: memref<2048x128xf32, #tpu.memory_space<vmem>>, %arg17: memref<2048x512xf32, #tpu.memory_space<vmem>>) attributes {dimension_semantics = [#tpu.dimension_semantics<arbitrary>, #tpu.dimension_semantics<arbitrary>], iteration_bounds = array<i64: 5, 4>, scalar_prefetch = 0 : i64, scratch_operands = 1 : i64, tpu.core_type = #tpu.core_type<tc>, window_params = [{transform_indices = @transform_0, window_bounds = array<i64: 2048, 128>}, {transform_indices = @transform_1, window_bounds = array<i64: 2048, 128>}, {transform_indices = @transform_2, window_bounds = array<i64: 2048, 128>}, {transform_indices = @transform_3, window_bounds = array<i64: 2048, 128>}, {transform_indices = @transform_4, window_bounds = array<i64: 2048, 128>}, {transform_indices = @transform_5, window_bounds = array<i64: 2048, 128>}, {transform_indices = @transform_6, window_bounds = array<i64: 2048, 128>}, {transform_indices = @transform_7, window_bounds = array<i64: 2048, 128>}, {transform_indices = @transform_8, window_bounds = array<i64: 2048, 128>}, {pipeline_mode = #tpu.pipeline_mode<synchronous>, transform_indices = @transform_9, window_bounds = array<i64: 1, 512>}, {transform_indices = @transform_10, window_bounds = array<i64: 512, 128>}, {transform_indices = @transform_11, window_bounds = array<i64: 2048, 128>}, {transform_indices = @transform_12, window_bounds = array<i64: 2048, 128>}, {transform_indices = @transform_13, window_bounds = array<i64: 2048, 128>}, {transform_indices = @transform_14, window_bounds = array<i64: 2048, 128>}]} {
    %get3A = arith.constant 0 : index
    %get3A_0 = arith.constant 0 : index
    %get3A_1 = vector.load %arg10[%get3A, %get3A_0] : memref<2048x128xf32, #tpu.memory_space<vmem>>, vector<2048x1xf32>
    %eq3A = arith.constant 0 : i32
    %eq3A_2 = arith.cmpi eq, %arg1, %eq3A : i32
    %convert_element_type3A = arith.extui %eq3A_2 : i1 to i32
    %cond3A = arith.constant 0 : i32
    %cond3A_3 = arith.cmpi ne, %convert_element_type3A, %cond3A : i32
    scf.if %cond3A_3 {
      %get3A_44 = arith.constant 0 : index
      %get3A_45 = arith.constant 0 : index
      %get3A_46 = vector.load %arg2[%get3A_44, %get3A_45] : memref<2048x128xf32, #tpu.memory_space<vmem>>, vector<2048x128xf32>
      %get3A_47 = arith.constant 0 : index
      %get3A_48 = arith.constant 0 : index
      %get3A_49 = vector.load %arg6[%get3A_47, %get3A_48] : memref<2048x128xf32, #tpu.memory_space<vmem>>, vector<2048x128xf32>
      %add3A_50 = arith.addf %get3A_46, %get3A_49 : vector<2048x128xf32>
      %get3A_51 = arith.constant 0 : index
      %get3A_52 = arith.constant 0 : index
      %get3A_53 = vector.load %arg3[%get3A_51, %get3A_52] : memref<2048x128xf32, #tpu.memory_space<vmem>>, vector<2048x128xf32>
      %get3A_54 = arith.constant 0 : index
      %get3A_55 = arith.constant 0 : index
      %get3A_56 = vector.load %arg7[%get3A_54, %get3A_55] : memref<2048x128xf32, #tpu.memory_space<vmem>>, vector<2048x128xf32>
      %add3A_57 = arith.addf %get3A_53, %get3A_56 : vector<2048x128xf32>
      %get3A_58 = arith.constant 0 : index
      %get3A_59 = arith.constant 0 : index
      %get3A_60 = vector.load %arg4[%get3A_58, %get3A_59] : memref<2048x128xf32, #tpu.memory_space<vmem>>, vector<2048x128xf32>
      %get3A_61 = arith.constant 0 : index
      %get3A_62 = arith.constant 0 : index
      %get3A_63 = vector.load %arg8[%get3A_61, %get3A_62] : memref<2048x128xf32, #tpu.memory_space<vmem>>, vector<2048x128xf32>
      %add3A_64 = arith.addf %get3A_60, %get3A_63 : vector<2048x128xf32>
      %get3A_65 = arith.constant 0 : index
      %get3A_66 = arith.constant 0 : index
      %get3A_67 = vector.load %arg5[%get3A_65, %get3A_66] : memref<2048x128xf32, #tpu.memory_space<vmem>>, vector<2048x128xf32>
      %get3A_68 = arith.constant 0 : index
      %get3A_69 = arith.constant 0 : index
      %get3A_70 = vector.load %arg9[%get3A_68, %get3A_69] : memref<2048x128xf32, #tpu.memory_space<vmem>>, vector<2048x128xf32>
      %add3A_71 = arith.addf %get3A_67, %get3A_70 : vector<2048x128xf32>
      %concatenate3A = tpu.concatenate %add3A_50, %add3A_57, %add3A_64, %add3A_71 in 1 : vector<2048x128xf32>, vector<2048x128xf32>, vector<2048x128xf32>, vector<2048x128xf32> -> vector<2048x512xf32>
      %mul3A_72 = vector.broadcast %get3A_1 : vector<2048x1xf32> to vector<2048x512xf32>
      %mul3A_73 = arith.mulf %mul3A_72, %concatenate3A : vector<2048x512xf32>
      %get3A_74 = arith.constant 0 : index
      %get3A_75 = arith.constant 0 : index
      %get3A_76 = vector.load %arg11[%get3A_74, %get3A_75] : memref<1x512xf32, #tpu.memory_space<vmem>>, vector<1x512xf32>
      %add3A_77 = vector.broadcast %get3A_76 : vector<1x512xf32> to vector<2048x512xf32>
      %add3A_78 = arith.addf %mul3A_73, %add3A_77 : vector<2048x512xf32>
      %max3A = arith.constant 0.000000e+00 : f32
      %max3A_79 = vector.broadcast %max3A : f32 to vector<2048x512xf32>
      %max3A_80 = arith.maximumf %add3A_78, %max3A_79 : vector<2048x512xf32>
      %swap3A = arith.constant 0 : index
      %swap3A_81 = arith.constant 0 : index
      %swap3A_82 = vector.load %arg17[%swap3A, %swap3A_81] : memref<2048x512xf32, #tpu.memory_space<vmem>>, vector<2048x512xf32>
      tpu.vector_store %arg17[%swap3A, %swap3A_81], %max3A_80 {strides = array<i32>} : memref<2048x512xf32, #tpu.memory_space<vmem>>, vector<2048x512xf32>,
    } else {
    }
    %get3A_4 = arith.constant 0 : index
    %get3A_5 = arith.constant 0 : index
    %get3A_6 = vector.load %arg17[%get3A_4, %get3A_5] : memref<2048x512xf32, #tpu.memory_space<vmem>>, vector<2048x512xf32>
    %get3A_7 = arith.constant 0 : index
    %get3A_8 = arith.constant 0 : index
    %get3A_9 = vector.load %arg12[%get3A_7, %get3A_8] : memref<512x128xf32, #tpu.memory_space<vmem>>, vector<512x128xf32>
    %convert_element_type3A_10 = arith.truncf %get3A_6 : vector<2048x512xf32> to vector<2048x512xbf16>
    %convert_element_type3A_11 = arith.extf %convert_element_type3A_10 : vector<2048x512xbf16> to vector<2048x512xf32>
    %sub3A = arith.subf %get3A_6, %convert_element_type3A_11 : vector<2048x512xf32>
    %convert_element_type3A_12 = arith.truncf %sub3A : vector<2048x512xf32> to vector<2048x512xbf16>
    %convert_element_type3A_13 = arith.truncf %get3A_9 : vector<512x128xf32> to vector<512x128xbf16>
    %convert_element_type3A_14 = arith.extf %convert_element_type3A_13 : vector<512x128xbf16> to vector<512x128xf32>
    %sub3A_15 = arith.subf %get3A_9, %convert_element_type3A_14 : vector<512x128xf32>
    %convert_element_type3A_16 = arith.truncf %sub3A_15 : vector<512x128xf32> to vector<512x128xbf16>
    %dot_general3A = arith.constant dense<0.000000e+00> : vector<2048x128xf32>
    %dot_general3A_17 = tpu.matmul %convert_element_type3A_10, %convert_element_type3A_16, %dot_general3A {dimension_numbers = #tpu.dot_dimension_numbers<[1], [0], [0], [1], [0, 0, 1, 1], [], []>, transpose_lhs_hint = false} : vector<2048x512xbf16>, vector<512x128xbf16>, vector<2048x128xf32> -> vector<2048x128xf32>
    %dot_general3A_18 = arith.constant dense<0.000000e+00> : vector<2048x128xf32>
    %dot_general3A_19 = tpu.matmul %convert_element_type3A_12, %convert_element_type3A_13, %dot_general3A_18 {dimension_numbers = #tpu.dot_dimension_numbers<[1], [0], [0], [1], [0, 0, 1, 1], [], []>, transpose_lhs_hint = false} : vector<2048x512xbf16>, vector<512x128xbf16>, vector<2048x128xf32> -> vector<2048x128xf32>
    %add3A = arith.addf %dot_general3A_17, %dot_general3A_19 : vector<2048x128xf32>
    %dot_general3A_20 = arith.constant dense<0.000000e+00> : vector<2048x128xf32>
    %dot_general3A_21 = tpu.matmul %convert_element_type3A_10, %convert_element_type3A_13, %dot_general3A_20 {dimension_numbers = #tpu.dot_dimension_numbers<[1], [0], [0], [1], [0, 0, 1, 1], [], []>, transpose_lhs_hint = false} : vector<2048x512xbf16>, vector<512x128xbf16>, vector<2048x128xf32> -> vector<2048x128xf32>
    %add3A_22 = arith.addf %add3A, %dot_general3A_21 : vector<2048x128xf32>
    %mul3A = vector.broadcast %get3A_1 : vector<2048x1xf32> to vector<2048x128xf32>
    %mul3A_23 = arith.mulf %mul3A, %add3A_22 : vector<2048x128xf32>
    %eq3A_24 = arith.constant 0 : i32
    %eq3A_25 = arith.cmpi eq, %arg1, %eq3A_24 : i32
    %convert_element_type3A_26 = arith.extui %eq3A_25 : i1 to i32
    %cond3A_27 = arith.constant 0 : i32
    %cond3A_28 = arith.cmpi ne, %convert_element_type3A_26, %cond3A_27 : i32
    scf.if %cond3A_28 {
      %swap3A = arith.constant 0 : index
      %swap3A_44 = arith.constant 0 : index
      %swap3A_45 = vector.load %arg13[%swap3A, %swap3A_44] : memref<2048x128xf32, #tpu.memory_space<vmem>>, vector<2048x128xf32>
      tpu.vector_store %arg13[%swap3A, %swap3A_44], %mul3A_23 {strides = array<i32>} : memref<2048x128xf32, #tpu.memory_space<vmem>>, vector<2048x128xf32>,
    } else {
    }
    %eq3A_29 = arith.constant 1 : i32
    %eq3A_30 = arith.cmpi eq, %arg1, %eq3A_29 : i32
    %convert_element_type3A_31 = arith.extui %eq3A_30 : i1 to i32
    %cond3A_32 = arith.constant 0 : i32
    %cond3A_33 = arith.cmpi ne, %convert_element_type3A_31, %cond3A_32 : i32
    scf.if %cond3A_33 {
      %swap3A = arith.constant 0 : index
      %swap3A_44 = arith.constant 0 : index
      %swap3A_45 = vector.load %arg14[%swap3A, %swap3A_44] : memref<2048x128xf32, #tpu.memory_space<vmem>>, vector<2048x128xf32>
      tpu.vector_store %arg14[%swap3A, %swap3A_44], %mul3A_23 {strides = array<i32>} : memref<2048x128xf32, #tpu.memory_space<vmem>>, vector<2048x128xf32>,
    } else {
    }
    %eq3A_34 = arith.constant 2 : i32
    %eq3A_35 = arith.cmpi eq, %arg1, %eq3A_34 : i32
    %convert_element_type3A_36 = arith.extui %eq3A_35 : i1 to i32
    %cond3A_37 = arith.constant 0 : i32
    %cond3A_38 = arith.cmpi ne, %convert_element_type3A_36, %cond3A_37 : i32
    scf.if %cond3A_38 {
      %swap3A = arith.constant 0 : index
      %swap3A_44 = arith.constant 0 : index
      %swap3A_45 = vector.load %arg15[%swap3A, %swap3A_44] : memref<2048x128xf32, #tpu.memory_space<vmem>>, vector<2048x128xf32>
      tpu.vector_store %arg15[%swap3A, %swap3A_44], %mul3A_23 {strides = array<i32>} : memref<2048x128xf32, #tpu.memory_space<vmem>>, vector<2048x128xf32>,
    } else {
    }
    %eq3A_39 = arith.constant 3 : i32
    %eq3A_40 = arith.cmpi eq, %arg1, %eq3A_39 : i32
    %convert_element_type3A_41 = arith.extui %eq3A_40 : i1 to i32
    %cond3A_42 = arith.constant 0 : i32
    %cond3A_43 = arith.cmpi ne, %convert_element_type3A_41, %cond3A_42 : i32
    scf.if %cond3A_43 {
      %swap3A = arith.constant 0 : index
      %swap3A_44 = arith.constant 0 : index
      %swap3A_45 = vector.load %arg16[%swap3A, %swap3A_44] : memref<2048x128xf32, #tpu.memory_space<vmem>>, vector<2048x128xf32>
      tpu.vector_store %arg16[%swap3A, %swap3A_44], %mul3A_23 {strides = array<i32>} : memref<2048x128xf32, #tpu.memory_space<vmem>>, vector<2048x128xf32>,
    } else {
    }
    return
  }
  func.func @transform_0(%arg0: i32, %arg1: i32) -> (i32, i32) {
    %c0_i32 = arith.constant 0 : i32
    %c0_i32_0 = arith.constant 0 : i32
    return %arg0, %c0_i32 : i32, i32
  }
  func.func @transform_1(%arg0: i32, %arg1: i32) -> (i32, i32) {
    %c0_i32 = arith.constant 0 : i32
    %c0_i32_0 = arith.constant 0 : i32
    return %arg0, %c0_i32 : i32, i32
  }
  func.func @transform_2(%arg0: i32, %arg1: i32) -> (i32, i32) {
    %c0_i32 = arith.constant 0 : i32
    %c0_i32_0 = arith.constant 0 : i32
    return %arg0, %c0_i32 : i32, i32
  }
  func.func @transform_3(%arg0: i32, %arg1: i32) -> (i32, i32) {
    %c0_i32 = arith.constant 0 : i32
    %c0_i32_0 = arith.constant 0 : i32
    return %arg0, %c0_i32 : i32, i32
  }
  func.func @transform_4(%arg0: i32, %arg1: i32) -> (i32, i32) {
    %c0_i32 = arith.constant 0 : i32
    %c0_i32_0 = arith.constant 0 : i32
    return %arg0, %c0_i32 : i32, i32
  }
  func.func @transform_5(%arg0: i32, %arg1: i32) -> (i32, i32) {
    %c0_i32 = arith.constant 0 : i32
    %c0_i32_0 = arith.constant 0 : i32
    return %arg0, %c0_i32 : i32, i32
  }
  func.func @transform_6(%arg0: i32, %arg1: i32) -> (i32, i32) {
    %c0_i32 = arith.constant 0 : i32
    %c0_i32_0 = arith.constant 0 : i32
    return %arg0, %c0_i32 : i32, i32
  }
  func.func @transform_7(%arg0: i32, %arg1: i32) -> (i32, i32) {
    %c0_i32 = arith.constant 0 : i32
    %c0_i32_0 = arith.constant 0 : i32
    return %arg0, %c0_i32 : i32, i32
  }
  func.func @transform_8(%arg0: i32, %arg1: i32) -> (i32, i32) {
    %c0_i32 = arith.constant 0 : i32
    %c0_i32_0 = arith.constant 0 : i32
    return %arg0, %c0_i32 : i32, i32
  }
  func.func @transform_9(%arg0: i32, %arg1: i32) -> (i32, i32) {
    %c0_i32 = arith.constant 0 : i32
    %c0_i32_0 = arith.constant 0 : i32
    %c0_i32_1 = arith.constant 0 : i32
    return %c0_i32, %c0_i32_0 : i32, i32
  }
  func.func @transform_10(%arg0: i32, %arg1: i32) -> (i32, i32) {
    %c0_i32 = arith.constant 0 : i32
    %c0_i32_0 = arith.constant 0 : i32
    return %c0_i32, %arg1 : i32, i32
  }
  func.func @transform_11(%arg0: i32, %arg1: i32) -> (i32, i32) {
    %c0_i32 = arith.constant 0 : i32
    %c0_i32_0 = arith.constant 0 : i32
    return %arg0, %c0_i32 : i32, i32
  }
  func.func @transform_12(%arg0: i32, %arg1: i32) -> (i32, i32) {
    %c0_i32 = arith.constant 0 : i32
    %c0_i32_0 = arith.constant 0 : i32
    return %arg0, %c0_i32 : i32, i32
  }
  func.func @transform_13(%arg0: i32, %arg1: i32) -> (i32, i32) {
    %c0_i32 = arith.constant 0 : i32
    %c0_i32_0 = arith.constant 0 : i32
    return %arg0, %c0_i32 : i32, i32
  }
  func.func @transform_14(%arg0: i32, %arg1: i32) -> (i32, i32) {
    %c0_i32 = arith.constant 0 : i32
    %c0_i32_0 = arith.constant 0 : i32
    return %arg0, %c0_i32 : i32, i32
  }
}

module attributes {stable_mosaic.version = 14 : i64} {
  func.func @body(%arg0: i32, %arg1: i32, %arg2: memref<2048x128xf32, #tpu.memory_space<vmem>>, %arg3: memref<2048x128xf32, #tpu.memory_space<vmem>>, %arg4: memref<2048x128xf32, #tpu.memory_space<vmem>>, %arg5: memref<2048x128xf32, #tpu.memory_space<vmem>>, %arg6: memref<2048x128xf32, #tpu.memory_space<vmem>>, %arg7: memref<2048x128xf32, #tpu.memory_space<vmem>>, %arg8: memref<2048x128xf32, #tpu.memory_space<vmem>>, %arg9: memref<2048x128xf32, #tpu.memory_space<vmem>>, %arg10: memref<2048x128xf32, #tpu.memory_space<vmem>>, %arg11: memref<1x512xf32, #tpu.memory_space<vmem>>, %arg12: memref<512x128xf32, #tpu.memory_space<vmem>>, %arg13: memref<2048x128xf32, #tpu.memory_space<vmem>>, %arg14: memref<2048x128xf32, #tpu.memory_space<vmem>>, %arg15: memref<2048x512xf32, #tpu.memory_space<vmem>>) attributes {dimension_semantics = [#tpu.dimension_semantics<arbitrary>, #tpu.dimension_semantics<arbitrary>], iteration_bounds = array<i64: 5, 2>, scalar_prefetch = 0 : i64, scratch_operands = 1 : i64, tpu.core_type = #tpu.core_type<tc>, window_params = [{transform_indices = @transform_0, window_bounds = array<i64: 2048, 128>}, {transform_indices = @transform_1, window_bounds = array<i64: 2048, 128>}, {transform_indices = @transform_2, window_bounds = array<i64: 2048, 128>}, {transform_indices = @transform_3, window_bounds = array<i64: 2048, 128>}, {transform_indices = @transform_4, window_bounds = array<i64: 2048, 128>}, {transform_indices = @transform_5, window_bounds = array<i64: 2048, 128>}, {transform_indices = @transform_6, window_bounds = array<i64: 2048, 128>}, {transform_indices = @transform_7, window_bounds = array<i64: 2048, 128>}, {transform_indices = @transform_8, window_bounds = array<i64: 2048, 128>}, {pipeline_mode = #tpu.pipeline_mode<synchronous>, transform_indices = @transform_9, window_bounds = array<i64: 1, 512>}, {transform_indices = @transform_10, window_bounds = array<i64: 512, 128>}, {transform_indices = @transform_11, window_bounds = array<i64: 2048, 128>}, {transform_indices = @transform_12, window_bounds = array<i64: 2048, 128>}]} {
    %get3A = arith.constant 0 : index
    %get3A_0 = arith.constant 0 : index
    %get3A_1 = vector.load %arg10[%get3A, %get3A_0] : memref<2048x128xf32, #tpu.memory_space<vmem>>, vector<2048x1xf32>
    %eq3A = arith.constant 0 : i32
    %eq3A_2 = arith.cmpi eq, %arg1, %eq3A : i32
    %convert_element_type3A = arith.extui %eq3A_2 : i1 to i32
    %cond3A = arith.constant 0 : i32
    %cond3A_3 = arith.cmpi ne, %convert_element_type3A, %cond3A : i32
    scf.if %cond3A_3 {
      %get3A_34 = arith.constant 0 : index
      %get3A_35 = arith.constant 0 : index
      %get3A_36 = vector.load %arg2[%get3A_34, %get3A_35] : memref<2048x128xf32, #tpu.memory_space<vmem>>, vector<2048x128xf32>
      %get3A_37 = arith.constant 0 : index
      %get3A_38 = arith.constant 0 : index
      %get3A_39 = vector.load %arg6[%get3A_37, %get3A_38] : memref<2048x128xf32, #tpu.memory_space<vmem>>, vector<2048x128xf32>
      %add3A_40 = arith.addf %get3A_36, %get3A_39 : vector<2048x128xf32>
      %get3A_41 = arith.constant 0 : index
      %get3A_42 = arith.constant 0 : index
      %get3A_43 = vector.load %arg3[%get3A_41, %get3A_42] : memref<2048x128xf32, #tpu.memory_space<vmem>>, vector<2048x128xf32>
      %get3A_44 = arith.constant 0 : index
      %get3A_45 = arith.constant 0 : index
      %get3A_46 = vector.load %arg7[%get3A_44, %get3A_45] : memref<2048x128xf32, #tpu.memory_space<vmem>>, vector<2048x128xf32>
      %add3A_47 = arith.addf %get3A_43, %get3A_46 : vector<2048x128xf32>
      %get3A_48 = arith.constant 0 : index
      %get3A_49 = arith.constant 0 : index
      %get3A_50 = vector.load %arg4[%get3A_48, %get3A_49] : memref<2048x128xf32, #tpu.memory_space<vmem>>, vector<2048x128xf32>
      %get3A_51 = arith.constant 0 : index
      %get3A_52 = arith.constant 0 : index
      %get3A_53 = vector.load %arg8[%get3A_51, %get3A_52] : memref<2048x128xf32, #tpu.memory_space<vmem>>, vector<2048x128xf32>
      %add3A_54 = arith.addf %get3A_50, %get3A_53 : vector<2048x128xf32>
      %get3A_55 = arith.constant 0 : index
      %get3A_56 = arith.constant 0 : index
      %get3A_57 = vector.load %arg5[%get3A_55, %get3A_56] : memref<2048x128xf32, #tpu.memory_space<vmem>>, vector<2048x128xf32>
      %get3A_58 = arith.constant 0 : index
      %get3A_59 = arith.constant 0 : index
      %get3A_60 = vector.load %arg9[%get3A_58, %get3A_59] : memref<2048x128xf32, #tpu.memory_space<vmem>>, vector<2048x128xf32>
      %add3A_61 = arith.addf %get3A_57, %get3A_60 : vector<2048x128xf32>
      %concatenate3A = tpu.concatenate %add3A_40, %add3A_47, %add3A_54, %add3A_61 in 1 : vector<2048x128xf32>, vector<2048x128xf32>, vector<2048x128xf32>, vector<2048x128xf32> -> vector<2048x512xf32>
      %mul3A_62 = vector.broadcast %get3A_1 : vector<2048x1xf32> to vector<2048x512xf32>
      %mul3A_63 = arith.mulf %mul3A_62, %concatenate3A : vector<2048x512xf32>
      %get3A_64 = arith.constant 0 : index
      %get3A_65 = arith.constant 0 : index
      %get3A_66 = vector.load %arg11[%get3A_64, %get3A_65] : memref<1x512xf32, #tpu.memory_space<vmem>>, vector<1x512xf32>
      %add3A_67 = vector.broadcast %get3A_66 : vector<1x512xf32> to vector<2048x512xf32>
      %add3A_68 = arith.addf %mul3A_63, %add3A_67 : vector<2048x512xf32>
      %max3A = arith.constant 0.000000e+00 : f32
      %max3A_69 = vector.broadcast %max3A : f32 to vector<2048x512xf32>
      %max3A_70 = arith.maximumf %add3A_68, %max3A_69 : vector<2048x512xf32>
      %swap3A = arith.constant 0 : index
      %swap3A_71 = arith.constant 0 : index
      %swap3A_72 = vector.load %arg15[%swap3A, %swap3A_71] : memref<2048x512xf32, #tpu.memory_space<vmem>>, vector<2048x512xf32>
      tpu.vector_store %arg15[%swap3A, %swap3A_71], %max3A_70 {strides = array<i32>} : memref<2048x512xf32, #tpu.memory_space<vmem>>, vector<2048x512xf32>,
    } else {
    }
    %get3A_4 = arith.constant 0 : index
    %get3A_5 = arith.constant 0 : index
    %get3A_6 = vector.load %arg15[%get3A_4, %get3A_5] : memref<2048x512xf32, #tpu.memory_space<vmem>>, vector<2048x512xf32>
    %get3A_7 = arith.constant 0 : index
    %get3A_8 = arith.constant 0 : index
    %get3A_9 = vector.load %arg12[%get3A_7, %get3A_8] : memref<512x128xf32, #tpu.memory_space<vmem>>, vector<512x128xf32>
    %convert_element_type3A_10 = arith.truncf %get3A_6 : vector<2048x512xf32> to vector<2048x512xbf16>
    %convert_element_type3A_11 = arith.extf %convert_element_type3A_10 : vector<2048x512xbf16> to vector<2048x512xf32>
    %sub3A = arith.subf %get3A_6, %convert_element_type3A_11 : vector<2048x512xf32>
    %convert_element_type3A_12 = arith.truncf %sub3A : vector<2048x512xf32> to vector<2048x512xbf16>
    %convert_element_type3A_13 = arith.truncf %get3A_9 : vector<512x128xf32> to vector<512x128xbf16>
    %convert_element_type3A_14 = arith.extf %convert_element_type3A_13 : vector<512x128xbf16> to vector<512x128xf32>
    %sub3A_15 = arith.subf %get3A_9, %convert_element_type3A_14 : vector<512x128xf32>
    %convert_element_type3A_16 = arith.truncf %sub3A_15 : vector<512x128xf32> to vector<512x128xbf16>
    %dot_general3A = arith.constant dense<0.000000e+00> : vector<2048x128xf32>
    %dot_general3A_17 = tpu.matmul %convert_element_type3A_10, %convert_element_type3A_16, %dot_general3A {dimension_numbers = #tpu.dot_dimension_numbers<[1], [0], [0], [1], [0, 0, 1, 1], [], []>, transpose_lhs_hint = false} : vector<2048x512xbf16>, vector<512x128xbf16>, vector<2048x128xf32> -> vector<2048x128xf32>
    %dot_general3A_18 = arith.constant dense<0.000000e+00> : vector<2048x128xf32>
    %dot_general3A_19 = tpu.matmul %convert_element_type3A_12, %convert_element_type3A_13, %dot_general3A_18 {dimension_numbers = #tpu.dot_dimension_numbers<[1], [0], [0], [1], [0, 0, 1, 1], [], []>, transpose_lhs_hint = false} : vector<2048x512xbf16>, vector<512x128xbf16>, vector<2048x128xf32> -> vector<2048x128xf32>
    %add3A = arith.addf %dot_general3A_17, %dot_general3A_19 : vector<2048x128xf32>
    %dot_general3A_20 = arith.constant dense<0.000000e+00> : vector<2048x128xf32>
    %dot_general3A_21 = tpu.matmul %convert_element_type3A_10, %convert_element_type3A_13, %dot_general3A_20 {dimension_numbers = #tpu.dot_dimension_numbers<[1], [0], [0], [1], [0, 0, 1, 1], [], []>, transpose_lhs_hint = false} : vector<2048x512xbf16>, vector<512x128xbf16>, vector<2048x128xf32> -> vector<2048x128xf32>
    %add3A_22 = arith.addf %add3A, %dot_general3A_21 : vector<2048x128xf32>
    %mul3A = vector.broadcast %get3A_1 : vector<2048x1xf32> to vector<2048x128xf32>
    %mul3A_23 = arith.mulf %mul3A, %add3A_22 : vector<2048x128xf32>
    %eq3A_24 = arith.constant 0 : i32
    %eq3A_25 = arith.cmpi eq, %arg1, %eq3A_24 : i32
    %convert_element_type3A_26 = arith.extui %eq3A_25 : i1 to i32
    %cond3A_27 = arith.constant 0 : i32
    %cond3A_28 = arith.cmpi ne, %convert_element_type3A_26, %cond3A_27 : i32
    scf.if %cond3A_28 {
      %swap3A = arith.constant 0 : index
      %swap3A_34 = arith.constant 0 : index
      %swap3A_35 = vector.load %arg13[%swap3A, %swap3A_34] : memref<2048x128xf32, #tpu.memory_space<vmem>>, vector<2048x128xf32>
      tpu.vector_store %arg13[%swap3A, %swap3A_34], %mul3A_23 {strides = array<i32>} : memref<2048x128xf32, #tpu.memory_space<vmem>>, vector<2048x128xf32>,
    } else {
    }
    %eq3A_29 = arith.constant 1 : i32
    %eq3A_30 = arith.cmpi eq, %arg1, %eq3A_29 : i32
    %convert_element_type3A_31 = arith.extui %eq3A_30 : i1 to i32
    %cond3A_32 = arith.constant 0 : i32
    %cond3A_33 = arith.cmpi ne, %convert_element_type3A_31, %cond3A_32 : i32
    scf.if %cond3A_33 {
      %swap3A = arith.constant 0 : index
      %swap3A_34 = arith.constant 0 : index
      %swap3A_35 = vector.load %arg14[%swap3A, %swap3A_34] : memref<2048x128xf32, #tpu.memory_space<vmem>>, vector<2048x128xf32>
      tpu.vector_store %arg14[%swap3A, %swap3A_34], %mul3A_23 {strides = array<i32>} : memref<2048x128xf32, #tpu.memory_space<vmem>>, vector<2048x128xf32>,
    } else {
    }
    return
  }
  func.func @transform_0(%arg0: i32, %arg1: i32) -> (i32, i32) {
    %c0_i32 = arith.constant 0 : i32
    %c0_i32_0 = arith.constant 0 : i32
    return %arg0, %c0_i32 : i32, i32
  }
  func.func @transform_1(%arg0: i32, %arg1: i32) -> (i32, i32) {
    %c0_i32 = arith.constant 0 : i32
    %c0_i32_0 = arith.constant 0 : i32
    return %arg0, %c0_i32 : i32, i32
  }
  func.func @transform_2(%arg0: i32, %arg1: i32) -> (i32, i32) {
    %c0_i32 = arith.constant 0 : i32
    %c0_i32_0 = arith.constant 0 : i32
    return %arg0, %c0_i32 : i32, i32
  }
  func.func @transform_3(%arg0: i32, %arg1: i32) -> (i32, i32) {
    %c0_i32 = arith.constant 0 : i32
    %c0_i32_0 = arith.constant 0 : i32
    return %arg0, %c0_i32 : i32, i32
  }
  func.func @transform_4(%arg0: i32, %arg1: i32) -> (i32, i32) {
    %c0_i32 = arith.constant 0 : i32
    %c0_i32_0 = arith.constant 0 : i32
    return %arg0, %c0_i32 : i32, i32
  }
  func.func @transform_5(%arg0: i32, %arg1: i32) -> (i32, i32) {
    %c0_i32 = arith.constant 0 : i32
    %c0_i32_0 = arith.constant 0 : i32
    return %arg0, %c0_i32 : i32, i32
  }
  func.func @transform_6(%arg0: i32, %arg1: i32) -> (i32, i32) {
    %c0_i32 = arith.constant 0 : i32
    %c0_i32_0 = arith.constant 0 : i32
    return %arg0, %c0_i32 : i32, i32
  }
  func.func @transform_7(%arg0: i32, %arg1: i32) -> (i32, i32) {
    %c0_i32 = arith.constant 0 : i32
    %c0_i32_0 = arith.constant 0 : i32
    return %arg0, %c0_i32 : i32, i32
  }
  func.func @transform_8(%arg0: i32, %arg1: i32) -> (i32, i32) {
    %c0_i32 = arith.constant 0 : i32
    %c0_i32_0 = arith.constant 0 : i32
    return %arg0, %c0_i32 : i32, i32
  }
  func.func @transform_9(%arg0: i32, %arg1: i32) -> (i32, i32) {
    %c0_i32 = arith.constant 0 : i32
    %c0_i32_0 = arith.constant 0 : i32
    %c0_i32_1 = arith.constant 0 : i32
    return %c0_i32, %c0_i32_0 : i32, i32
  }
  func.func @transform_10(%arg0: i32, %arg1: i32) -> (i32, i32) {
    %c0_i32 = arith.constant 0 : i32
    %c0_i32_0 = arith.constant 0 : i32
    return %c0_i32, %arg1 : i32, i32
  }
  func.func @transform_11(%arg0: i32, %arg1: i32) -> (i32, i32) {
    %c0_i32 = arith.constant 0 : i32
    %c0_i32_0 = arith.constant 0 : i32
    return %arg0, %c0_i32 : i32, i32
  }
  func.func @transform_12(%arg0: i32, %arg1: i32) -> (i32, i32) {
    %c0_i32 = arith.constant 0 : i32
    %c0_i32_0 = arith.constant 0 : i32
    return %arg0, %c0_i32 : i32, i32
  }
}

module attributes {stable_mosaic.version = 14 : i64} {
  func.func @_t4_body(%arg0: memref<10240x128xf32, #tpu.memory_space<vmem>>, %arg1: memref<10240x128xf32, #tpu.memory_space<vmem>>, %arg2: memref<10240x128xf32, #tpu.memory_space<vmem>>, %arg3: memref<10240x128xf32, #tpu.memory_space<vmem>>, %arg4: memref<10240x128xf32, #tpu.memory_space<vmem>>, %arg5: memref<1x256xf32, #tpu.memory_space<vmem>>, %arg6: memref<1x10240xi32, #tpu.memory_space<vmem>>, %arg7: memref<256x128xf32, #tpu.memory_space<vmem>>, %arg8: memref<1x128xf32, #tpu.memory_space<vmem>>, %arg9: memref<128x64xf32, #tpu.memory_space<vmem>>, %arg10: memref<1x64xf32, #tpu.memory_space<vmem>>, %arg11: memref<64x8xf32, #tpu.memory_space<vmem>>, %arg12: memref<1x8xf32, #tpu.memory_space<vmem>>, %arg13: memref<16x8xf32, #tpu.memory_space<vmem>>) attributes {dimension_semantics = [], scalar_prefetch = 0 : i64, scratch_operands = 0 : i64, tpu.core_type = #tpu.core_type<tc>} {
    %get3A = arith.constant 0 : index
    %get3A_0 = arith.constant 0 : index
    %get3A_1 = vector.load %arg4[%get3A, %get3A_0] : memref<10240x128xf32, #tpu.memory_space<vmem>>, vector<10240x1xf32>
    %get3A_2 = arith.constant 0 : index
    %get3A_3 = arith.constant 0 : index
    %get3A_4 = vector.load %arg0[%get3A_2, %get3A_3] : memref<10240x128xf32, #tpu.memory_space<vmem>>, vector<10240x128xf32>
    %get3A_5 = arith.constant 0 : index
    %get3A_6 = arith.constant 0 : index
    %get3A_7 = vector.load %arg2[%get3A_5, %get3A_6] : memref<10240x128xf32, #tpu.memory_space<vmem>>, vector<10240x128xf32>
    %add3A = arith.addf %get3A_4, %get3A_7 : vector<10240x128xf32>
    %get3A_8 = arith.constant 0 : index
    %get3A_9 = arith.constant 0 : index
    %get3A_10 = vector.load %arg1[%get3A_8, %get3A_9] : memref<10240x128xf32, #tpu.memory_space<vmem>>, vector<10240x128xf32>
    %get3A_11 = arith.constant 0 : index
    %get3A_12 = arith.constant 0 : index
    %get3A_13 = vector.load %arg3[%get3A_11, %get3A_12] : memref<10240x128xf32, #tpu.memory_space<vmem>>, vector<10240x128xf32>
    %add3A_14 = arith.addf %get3A_10, %get3A_13 : vector<10240x128xf32>
    %concatenate3A = tpu.concatenate %add3A, %add3A_14 in 1 : vector<10240x128xf32>, vector<10240x128xf32> -> vector<10240x256xf32>
    %mul3A = vector.broadcast %get3A_1 : vector<10240x1xf32> to vector<10240x256xf32>
    %mul3A_15 = arith.mulf %mul3A, %concatenate3A : vector<10240x256xf32>
    %get3A_16 = arith.constant 0 : index
    %get3A_17 = arith.constant 0 : index
    %get3A_18 = vector.load %arg5[%get3A_16, %get3A_17] : memref<1x256xf32, #tpu.memory_space<vmem>>, vector<1x256xf32>
    %add3A_19 = vector.broadcast %get3A_18 : vector<1x256xf32> to vector<10240x256xf32>
    %add3A_20 = arith.addf %mul3A_15, %add3A_19 : vector<10240x256xf32>
    %max3A = arith.constant 0.000000e+00 : f32
    %max3A_21 = vector.broadcast %max3A : f32 to vector<10240x256xf32>
    %max3A_22 = arith.maximumf %add3A_20, %max3A_21 : vector<10240x256xf32>
    %get3A_23 = arith.constant 0 : index
    %get3A_24 = arith.constant 0 : index
    %get3A_25 = vector.load %arg6[%get3A_23, %get3A_24] : memref<1x10240xi32, #tpu.memory_space<vmem>>, vector<1x10240xi32>
    %iota3A = tpu.iota {dimensions = array<i32: 0>} : vector<16x10240xi32>
    %eq3A = vector.broadcast %get3A_25 : vector<1x10240xi32> to vector<16x10240xi32>
    %eq3A_26 = arith.cmpi eq, %eq3A, %iota3A : vector<16x10240xi32>
    %convert_element_type3A = arith.extui %eq3A_26 : vector<16x10240xi1> to vector<16x10240xi32>
    %convert_element_type3A_27 = arith.sitofp %convert_element_type3A : vector<16x10240xi32> to vector<16x10240xf32>
    %dot_general3A = arith.constant dense<0.000000e+00> : vector<16x256xf32>
    %dot_general3A_28 = tpu.matmul %convert_element_type3A_27, %max3A_22, %dot_general3A {dimension_numbers = #tpu.dot_dimension_numbers<[1], [0], [0], [1], [0, 0, 1, 1], [], []>, precision = #tpu.contract_precision<fp32>, transpose_lhs_hint = false} : vector<16x10240xf32>, vector<10240x256xf32>, vector<16x256xf32> -> vector<16x256xf32>
    %reduce_sum3A = arith.constant dense<0.000000e+00> : vector<16xf32>
    %reduce_sum3A_29 = vector.multi_reduction <add>, %convert_element_type3A_27, %reduce_sum3A [1] : vector<16x10240xf32> to vector<16xf32>
    %broadcast_in_dim3A = vector.shape_cast %reduce_sum3A_29 : vector<16xf32> to vector<16x1xf32>
    %max3A_30 = arith.constant 1.000000e+00 : f32
    %max3A_31 = vector.broadcast %max3A_30 : f32 to vector<16x1xf32>
    %max3A_32 = arith.maximumf %broadcast_in_dim3A, %max3A_31 : vector<16x1xf32>
    %div3A = vector.broadcast %max3A_32 : vector<16x1xf32> to vector<16x256xf32>
    %div3A_33 = arith.divf %dot_general3A_28, %div3A : vector<16x256xf32>
    %get3A_34 = arith.constant 0 : index
    %get3A_35 = arith.constant 0 : index
    %get3A_36 = vector.load %arg7[%get3A_34, %get3A_35] : memref<256x128xf32, #tpu.memory_space<vmem>>, vector<256x128xf32>
    %convert_element_type3A_37 = arith.truncf %div3A_33 : vector<16x256xf32> to vector<16x256xbf16>
    %convert_element_type3A_38 = arith.extf %convert_element_type3A_37 : vector<16x256xbf16> to vector<16x256xf32>
    %sub3A = arith.subf %div3A_33, %convert_element_type3A_38 : vector<16x256xf32>
    %convert_element_type3A_39 = arith.truncf %sub3A : vector<16x256xf32> to vector<16x256xbf16>
    %convert_element_type3A_40 = arith.truncf %get3A_36 : vector<256x128xf32> to vector<256x128xbf16>
    %convert_element_type3A_41 = arith.extf %convert_element_type3A_40 : vector<256x128xbf16> to vector<256x128xf32>
    %sub3A_42 = arith.subf %get3A_36, %convert_element_type3A_41 : vector<256x128xf32>
    %convert_element_type3A_43 = arith.truncf %sub3A_42 : vector<256x128xf32> to vector<256x128xbf16>
    %dot_general3A_44 = arith.constant dense<0.000000e+00> : vector<16x128xf32>
    %dot_general3A_45 = tpu.matmul %convert_element_type3A_37, %convert_element_type3A_43, %dot_general3A_44 {dimension_numbers = #tpu.dot_dimension_numbers<[1], [0], [0], [1], [0, 0, 1, 1], [], []>, transpose_lhs_hint = false} : vector<16x256xbf16>, vector<256x128xbf16>, vector<16x128xf32> -> vector<16x128xf32>
    %dot_general3A_46 = arith.constant dense<0.000000e+00> : vector<16x128xf32>
    %dot_general3A_47 = tpu.matmul %convert_element_type3A_39, %convert_element_type3A_40, %dot_general3A_46 {dimension_numbers = #tpu.dot_dimension_numbers<[1], [0], [0], [1], [0, 0, 1, 1], [], []>, transpose_lhs_hint = false} : vector<16x256xbf16>, vector<256x128xbf16>, vector<16x128xf32> -> vector<16x128xf32>
    %add3A_48 = arith.addf %dot_general3A_45, %dot_general3A_47 : vector<16x128xf32>
    %dot_general3A_49 = arith.constant dense<0.000000e+00> : vector<16x128xf32>
    %dot_general3A_50 = tpu.matmul %convert_element_type3A_37, %convert_element_type3A_40, %dot_general3A_49 {dimension_numbers = #tpu.dot_dimension_numbers<[1], [0], [0], [1], [0, 0, 1, 1], [], []>, transpose_lhs_hint = false} : vector<16x256xbf16>, vector<256x128xbf16>, vector<16x128xf32> -> vector<16x128xf32>
    %add3A_51 = arith.addf %add3A_48, %dot_general3A_50 : vector<16x128xf32>
    %get3A_52 = arith.constant 0 : index
    %get3A_53 = arith.constant 0 : index
    %get3A_54 = vector.load %arg8[%get3A_52, %get3A_53] : memref<1x128xf32, #tpu.memory_space<vmem>>, vector<1x128xf32>
    %add3A_55 = vector.broadcast %get3A_54 : vector<1x128xf32> to vector<16x128xf32>
    %add3A_56 = arith.addf %add3A_51, %add3A_55 : vector<16x128xf32>
    %max3A_57 = arith.constant 0.000000e+00 : f32
    %max3A_58 = vector.broadcast %max3A_57 : f32 to vector<16x128xf32>
    %max3A_59 = arith.maximumf %add3A_56, %max3A_58 : vector<16x128xf32>
    %get3A_60 = arith.constant 0 : index
    %get3A_61 = arith.constant 0 : index
    %get3A_62 = vector.load %arg9[%get3A_60, %get3A_61] : memref<128x64xf32, #tpu.memory_space<vmem>>, vector<128x64xf32>
    %convert_element_type3A_63 = arith.truncf %max3A_59 : vector<16x128xf32> to vector<16x128xbf16>
    %convert_element_type3A_64 = arith.extf %convert_element_type3A_63 : vector<16x128xbf16> to vector<16x128xf32>
    %sub3A_65 = arith.subf %max3A_59, %convert_element_type3A_64 : vector<16x128xf32>
    %convert_element_type3A_66 = arith.truncf %sub3A_65 : vector<16x128xf32> to vector<16x128xbf16>
    %convert_element_type3A_67 = arith.truncf %get3A_62 : vector<128x64xf32> to vector<128x64xbf16>
    %convert_element_type3A_68 = arith.extf %convert_element_type3A_67 : vector<128x64xbf16> to vector<128x64xf32>
    %sub3A_69 = arith.subf %get3A_62, %convert_element_type3A_68 : vector<128x64xf32>
    %convert_element_type3A_70 = arith.truncf %sub3A_69 : vector<128x64xf32> to vector<128x64xbf16>
    %dot_general3A_71 = arith.constant dense<0.000000e+00> : vector<16x64xf32>
    %dot_general3A_72 = tpu.matmul %convert_element_type3A_63, %convert_element_type3A_70, %dot_general3A_71 {dimension_numbers = #tpu.dot_dimension_numbers<[1], [0], [0], [1], [0, 0, 1, 1], [], []>, transpose_lhs_hint = false} : vector<16x128xbf16>, vector<128x64xbf16>, vector<16x64xf32> -> vector<16x64xf32>
    %dot_general3A_73 = arith.constant dense<0.000000e+00> : vector<16x64xf32>
    %dot_general3A_74 = tpu.matmul %convert_element_type3A_66, %convert_element_type3A_67, %dot_general3A_73 {dimension_numbers = #tpu.dot_dimension_numbers<[1], [0], [0], [1], [0, 0, 1, 1], [], []>, transpose_lhs_hint = false} : vector<16x128xbf16>, vector<128x64xbf16>, vector<16x64xf32> -> vector<16x64xf32>
    %add3A_75 = arith.addf %dot_general3A_72, %dot_general3A_74 : vector<16x64xf32>
    %dot_general3A_76 = arith.constant dense<0.000000e+00> : vector<16x64xf32>
    %dot_general3A_77 = tpu.matmul %convert_element_type3A_63, %convert_element_type3A_67, %dot_general3A_76 {dimension_numbers = #tpu.dot_dimension_numbers<[1], [0], [0], [1], [0, 0, 1, 1], [], []>, transpose_lhs_hint = false} : vector<16x128xbf16>, vector<128x64xbf16>, vector<16x64xf32> -> vector<16x64xf32>
    %add3A_78 = arith.addf %add3A_75, %dot_general3A_77 : vector<16x64xf32>
    %get3A_79 = arith.constant 0 : index
    %get3A_80 = arith.constant 0 : index
    %get3A_81 = vector.load %arg10[%get3A_79, %get3A_80] : memref<1x64xf32, #tpu.memory_space<vmem>>, vector<1x64xf32>
    %add3A_82 = vector.broadcast %get3A_81 : vector<1x64xf32> to vector<16x64xf32>
    %add3A_83 = arith.addf %add3A_78, %add3A_82 : vector<16x64xf32>
    %max3A_84 = arith.constant 0.000000e+00 : f32
    %max3A_85 = vector.broadcast %max3A_84 : f32 to vector<16x64xf32>
    %max3A_86 = arith.maximumf %add3A_83, %max3A_85 : vector<16x64xf32>
    %get3A_87 = arith.constant 0 : index
    %get3A_88 = arith.constant 0 : index
    %get3A_89 = vector.load %arg11[%get3A_87, %get3A_88] : memref<64x8xf32, #tpu.memory_space<vmem>>, vector<64x8xf32>
    %convert_element_type3A_90 = arith.truncf %max3A_86 : vector<16x64xf32> to vector<16x64xbf16>
    %convert_element_type3A_91 = arith.extf %convert_element_type3A_90 : vector<16x64xbf16> to vector<16x64xf32>
    %sub3A_92 = arith.subf %max3A_86, %convert_element_type3A_91 : vector<16x64xf32>
    %convert_element_type3A_93 = arith.truncf %sub3A_92 : vector<16x64xf32> to vector<16x64xbf16>
    %convert_element_type3A_94 = arith.truncf %get3A_89 : vector<64x8xf32> to vector<64x8xbf16>
    %convert_element_type3A_95 = arith.extf %convert_element_type3A_94 : vector<64x8xbf16> to vector<64x8xf32>
    %sub3A_96 = arith.subf %get3A_89, %convert_element_type3A_95 : vector<64x8xf32>
    %convert_element_type3A_97 = arith.truncf %sub3A_96 : vector<64x8xf32> to vector<64x8xbf16>
    %dot_general3A_98 = arith.constant dense<0.000000e+00> : vector<16x8xf32>
    %dot_general3A_99 = tpu.matmul %convert_element_type3A_90, %convert_element_type3A_97, %dot_general3A_98 {dimension_numbers = #tpu.dot_dimension_numbers<[1], [0], [0], [1], [0, 0, 1, 1], [], []>, transpose_lhs_hint = false} : vector<16x64xbf16>, vector<64x8xbf16>, vector<16x8xf32> -> vector<16x8xf32>
    %dot_general3A_100 = arith.constant dense<0.000000e+00> : vector<16x8xf32>
    %dot_general3A_101 = tpu.matmul %convert_element_type3A_93, %convert_element_type3A_94, %dot_general3A_100 {dimension_numbers = #tpu.dot_dimension_numbers<[1], [0], [0], [1], [0, 0, 1, 1], [], []>, transpose_lhs_hint = false} : vector<16x64xbf16>, vector<64x8xbf16>, vector<16x8xf32> -> vector<16x8xf32>
    %add3A_102 = arith.addf %dot_general3A_99, %dot_general3A_101 : vector<16x8xf32>
    %dot_general3A_103 = arith.constant dense<0.000000e+00> : vector<16x8xf32>
    %dot_general3A_104 = tpu.matmul %convert_element_type3A_90, %convert_element_type3A_94, %dot_general3A_103 {dimension_numbers = #tpu.dot_dimension_numbers<[1], [0], [0], [1], [0, 0, 1, 1], [], []>, transpose_lhs_hint = false} : vector<16x64xbf16>, vector<64x8xbf16>, vector<16x8xf32> -> vector<16x8xf32>
    %add3A_105 = arith.addf %add3A_102, %dot_general3A_104 : vector<16x8xf32>
    %get3A_106 = arith.constant 0 : index
    %get3A_107 = arith.constant 0 : index
    %get3A_108 = vector.load %arg12[%get3A_106, %get3A_107] : memref<1x8xf32, #tpu.memory_space<vmem>>, vector<1x8xf32>
    %add3A_109 = vector.broadcast %get3A_108 : vector<1x8xf32> to vector<16x8xf32>
    %add3A_110 = arith.addf %add3A_105, %add3A_109 : vector<16x8xf32>
    %max3A_111 = arith.constant 0.000000e+00 : f32
    %max3A_112 = vector.broadcast %max3A_111 : f32 to vector<16x8xf32>
    %max3A_113 = arith.maximumf %add3A_110, %max3A_112 : vector<16x8xf32>
    %swap3A = arith.constant 0 : index
    %swap3A_114 = arith.constant 0 : index
    %swap3A_115 = vector.load %arg13[%swap3A, %swap3A_114] : memref<16x8xf32, #tpu.memory_space<vmem>>, vector<16x8xf32>
    tpu.vector_store %arg13[%swap3A, %swap3A_114], %max3A_113 {strides = array<i32>} : memref<16x8xf32, #tpu.memory_space<vmem>>, vector<16x8xf32>,
    return
  }
}

</mosaic_0001>

<sc_bundles>
// kernel: kernel.10.cloned.1.call-start
scs
__scs_entry_jumppad:
0x0: {  	(pc) =	sbr.rel $0x88, $3  }
0x1: {  	(tag) =	ssettag $0x0;
	lr =	simm.s32 $0x1  }
0x2: {  	[smem:$0x3F92] =	sst lr;
	_ =	strace $0xD0000000  }
0x3: {  	_ = 	snop  }
0x4: {  	_ = 	snop  }
0x5: {  	_ = 	snop  }
0x6: {  	_ = 	snop  }
0x7: {  	_ = 	snop  }
__scs_overlays_trampoline_lowered:
0x8: {  	[smem:$0x3FA1] =	sst s0  }
0x9: {  	[smem:$0x3FA2] =	sst s1  }
0xa: {  	[smem:$0x3FA3] =	sst s2  }
0xb: {  	[smem:$0x3FA4] =	sst s3  }
0xc: {  	[smem:$0x3FA5] =	sst s4  }
0xd: {  	[smem:$0x3FA6] =	sst s5  }
0xe: {  	[smem:$0x3FA7] =	sst s6  }
0xf: {  	[smem:$0x3FA8] =	sst s7  }
0x10: {  	[smem:$0x3FA9] =	sst s8  }
0x11: {  	[smem:$0x3FAA] =	sst s9;
	s0 =	simm.s32 @!p0 $0x0  }
0x12: {  	s1 =	sld [smem:$0x3F90];
	s0 =	simm.s32 @p0 $0x1  }
0x13: {  	[smem:$0x3FAB] =	sst s0;
	s0 =	simm.s32 @!p1 $0x0  }
0x14: {  	s2 =	sld [smem:$0x3F8F];
	s0 =	simm.s32 @p1 $0x1  }
0x15: {  	[smem:$0x3FAC] =	sst s0;
	s0 =	simm.s32 @!p2 $0x0  }
0x16: {  	s3 =	sld [smem:$0x3FDB];
	s0 =	simm.s32 @p2 $0x1  }
0x17: {  	s4 =	simm.s32 $0x1BF5;
	[smem:$0x3FAE] =	sst s0  }
0x18: {  	s0 =	sld [smem:$0x3F91];
	_ =	swait.ge [sflag:s4], $0x0  }
0x19: {  	s7 =	sld [smem:$0x3F92]  }
0x1a: {  	s8 =	sadd.s32 $0xFFFFE003, lr  }
0x1b: {  	s9 =	sadd.s32 $0xFFFFFEF7, lr;
	s5 =	simm.s32 $0xFFFFFFFF;
	p2 =	slt.u32 s8, $0xFFFFF086  }
0x1c: {  	p1 =	slt.u32 s9, $0xF7A;
	s5 =	simm.s32 @!p2 $0x0  }
0x1d: {  	s5 =	simm.s32 @p1 $0x1;
	p0 =	seq.s32 s7, s2  }
0x1e: {  	s7 =	smul.u32 @!p0 $0xF7A, s2;
	p2 =	seq.s32 @!p0 s5, $0x0  }
0x1f: {  	s9 =	smul.u32 $0xF7A, s1;
	s8 =	simm.s32 @!p0 $0x1BF5;
	p2 =	por !p2, p0  }
0x20: {  	[sflag:s8] =	ssyncset.s32 @!p0 $0xFFFFF086;
	s6 =	sadd.s32 @!p0 s3, s7;
	s7 =	simm.s32 @!p0 $0x108  }
0x21: {  	s3 =	sadd.s32 s3, s9;
	s6 =	sadd.s32 @!p0 $0x88, s6;
	s7 =	simm.s32 @p2 $0x1082  }
0x22: {  	[simem:s7], [sflag:s8] =	dma.local @!p0 [hbm:s6], $0xF7A  }
0x23: {  	s9 =	sor.u32 $0xD0000000, s2;
	s6 =	simm.s32 $0x108;
	_ =	swait.ge @!p0 [sflag:s8], $0x0  }
0x24: {  	s3 =	sadd.s32 $0x88, s3;
	s6 =	simm.s32 @!p1 $0x1082;
	[sflag:s4] =	ssyncset.s32 $0xFFFFF086  }
0x25: {  	[simem:s6], [sflag:s4] =	dma.local [hbm:s3], $0xF7A  }
0x26: {  	[smem:$0x3F92] =	sst s1;
	(tag) =	ssettag s2;
	_ =	strace s9  }
0x27: {  	s1 =	sld [smem:$0x3FA2]  }
0x28: {  	s2 =	sld [smem:$0x3FA3]  }
0x29: {  	s4 =	sld [smem:$0x3FA5]  }
0x2a: {  	p0 =	seq.s32 s5, $0x0;
	s5 =	sld [smem:$0x3FA6]  }
0x2b: {  	s6 =	sld [smem:$0x3FA7]  }
0x2c: {  	s7 =	sld [smem:$0x3FA8]  }
0x2d: {  	s3 =	simm.s32 $0x108;
	s8 =	sld [smem:$0x3FA9]  }
0x2e: {  	s3 =	simm.s32 @!p0 $0x1082;
	s9 =	sld [smem:$0x3FAA]  }
0x2f: {  	lr =	sadd.s32 s0, s3;
	s0 =	sld [smem:$0x3FA1]  }
0x30: {  	s3 =	sld [smem:$0x3FA4]  }
0x31: {  	[smem:$0x3FAD] =	sst s10  }
0x32: {  	s10 =	sld [smem:$0x3FAB];
	_ =	sdelay $0x3  }
0x33: {  	p0 =	seq.s32 s10, $0x1;
	s10 =	sld [smem:$0x3FAD];
	_ =	sdelay $0x3  }
0x34: {  	[smem:$0x3FAD] =	sst s10  }
0x35: {  	s10 =	sld [smem:$0x3FAC];
	_ =	sdelay $0x3  }
0x36: {  	p1 =	seq.s32 s10, $0x1;
	s10 =	sld [smem:$0x3FAD];
	_ =	sdelay $0x3  }
0x37: {  	[smem:$0x3FAD] =	sst s10  }
0x38: {  	s10 =	sld [smem:$0x3FAE]  }
0x39: {  	_ = 	snop;
	(pc) =	sbr.ind lr, $3  }
0x3a: {  	_ = 	snop  }
0x3b: {  	_ = 	snop  }
0x3c: {  	p2 =	seq.s32 s10, $0x1;
	s10 =	sld [smem:$0x3FAD]  }
0x3d: {  	_ =	shalt  }
0x3e: {  	_ =	shalt  }
0x3f: {  	_ =	shalt  }
0x40: {  	_ =	shalt  }
0x41: {  	_ =	shalt  }
0x42: {  	_ =	shalt  }
0x43: {  	_ =	shalt  }
0x44: {  	_ =	shalt  }
0x45: {  	_ =	shalt  }
0x46: {  	_ =	shalt  }
0x47: {  	_ =	shalt  }
0x48: {  	_ =	shalt  }
0x49: {  	_ =	shalt  }
0x4a: {  	_ =	shalt  }
0x4b: {  	_ =	shalt  }
0x4c: {  	_ =	shalt  }
0x4d: {  	_ =	shalt  }
0x4e: {  	_ =	shalt  }
0x4f: {  	_ =	shalt  }
0x50: {  	_ =	shalt  }
0x51: {  	_ =	shalt  }
0x52: {  	_ =	shalt  }
0x53: {  	_ =	shalt  }
0x54: {  	_ =	shalt  }
0x55: {  	_ =	shalt  }
0x56: {  	_ =	shalt  }
0x57: {  	_ =	shalt  }
0x58: {  	_ =	shalt  }
0x59: {  	_ =	shalt  }
0x5a: {  	_ =	shalt  }
0x5b: {  	_ =	shalt  }
0x5c: {  	_ =	shalt  }
0x5d: {  	_ =	shalt  }
0x5e: {  	_ =	shalt  }
0x5f: {  	_ =	shalt  }
0x60: {  	_ =	shalt  }
0x61: {  	_ =	shalt  }
0x62: {  	_ =	shalt  }
0x63: {  	_ =	shalt  }
0x64: {  	_ =	shalt  }
0x65: {  	_ =	shalt  }
0x66: {  	_ =	shalt  }
0x67: {  	_ =	shalt  }
0x68: {  	_ =	shalt  }
0x69: {  	_ =	shalt  }
0x6a: {  	_ =	shalt  }
0x6b: {  	_ =	shalt  }
0x6c: {  	_ =	shalt  }
0x6d: {  	_ =	shalt  }
0x6e: {  	_ =	shalt  }
0x6f: {  	_ =	shalt  }
0x70: {  	_ =	shalt  }
0x71: {  	_ =	shalt  }
0x72: {  	_ =	shalt  }
0x73: {  	_ =	shalt  }
0x74: {  	_ =	shalt  }
0x75: {  	_ =	shalt  }
0x76: {  	_ =	shalt  }
0x77: {  	_ =	shalt  }
0x78: {  	_ =	shalt  }
0x79: {  	_ =	shalt  }
0x7a: {  	_ =	shalt  }
0x7b: {  	_ =	shalt  }
0x7c: {  	_ =	shalt  }
0x7d: {  	_ =	shalt  }
0x7e: {  	_ =	shalt  }
0x7f: {  	_ =	shalt  }
0x80: {  	_ =	shalt  }
0x81: {  	_ =	shalt  }
0x82: {  	_ =	shalt  }
0x83: {  	_ =	shalt  }
0x84: {  	_ =	shalt  }
0x85: {  	_ =	shalt  }
0x86: {  	_ =	shalt  }
0x87: {  	_ =	shalt  }
.Lfunc_end0:
.L_simem_size_0:
called_computation_lowered:
.L_overlay_start_0:
0x88: {  	s2 =	sld [smem:$0x3FD9]  }
0x89: {  	s3 =	sld [smem:$0x3FFE];
	_ =	sdelay $0x1  }
0x8a: {  	s1 =	srdreg.scid  }
0x8b: {  	s0 =	sand.u32 $0x1, s1  }
0x8c: {  	s16 =	sshll.u32 s0, $0xA;
	s2 =	sadd.s32 s3, s2  }
0x8d: {  	s2 =	sadd.s32 s2, s16  }
0x8e: {  	[smem:$0x3FB9] =	sst s2  }
0x8f: {  	_ = 	snop  }
0x90: {  	(tm) =	ssettm $0x1  }
0x91: {  	s17 =	sld [smem:$0x3FFB];
	_ =	sdelay $0x3  }
0x92: {  	_ =	strace s17  }
0x93: {  	s2 =	sld [smem:$0x3FFC];
	_ =	sdelay $0x3  }
0x94: {  	_ =	strace s2  }
0x95: {  	s2 =	sld [smem:$0x3FFD];
	_ =	sdelay $0x3  }
0x96: {  	_ =	strace s2  }
0x97: {  	_ =	strace $0x8FFFFFFF  }
0x98: {  	s18 =	sld [smem:$0x3FDB];
	_ =	sdelay $0x1  }
0x99: {  	s19 =	simm.s32 $_scs_section_size  }
0x9a: {  	s4 =	simm.s32 $_size__tile_overlayer_lowered;
	s5 =	simm.s32 $_tile_overlayer_lowered  }
0x9b: {  	s22 =	simm.s32 $0x1BFF;
	s21 =	sshll.u32 s5, $0x1;
	s2 =	sadd.s32 s19, s18  }
0x9c: {  	s6 =	simm.s32 $0x0;
	s20 =	sshll.u32 s4, $0x1;
	s4 =	sadd.s32 s21, s2  }
0x9d: {  	[timem:s6], [sflag:s22] =	dma.local [hbm:s4], s20  }
0x9e: {  	_ =	swait.ge [sflag:s22], s20  }
0x9f: {  	s3 =	ssub.s32 $0x0, s20;
	[sflag:s22] =	ssyncset.done $0x0  }
0xa0: {  	[sflag:s22] =	ssyncadd.s32 s3;
	_ =	sdelay $0x1  }
0xa1: {  	s23 =	simm.s32 $0x1B8B  }
0xa2: {  	_ =	swait.ge [sflag:s23], $0x1  }
0xa3: {  	[sflag:s23] =	ssyncset.done $0x0  }
0xa4: {  	s25 =	simm.s32 $0x1B8E;
	s24 =	sld [smem:$0x3FFE];
	[sflag:s23] =	ssyncadd.s32 $0xFFFFFFFF  }
0xa5: {  	s26 =	simm.s32 $execute0_lowered;
	[smem:$0x3FD2] =	sst s25  }
0xa6: {  	s4 =	sshll.u32 s26, $0x1;
	_ =	strace $0x80000046;
	[dreg:$0x1] =	wrdreg $0xFFFFFFFF  }
0xa7: {  	s28 =	simm.s32 $_size_execute0_lowered;
	s2 =	sadd.s32 s2, s4;
	[dreg:$0x0] =	wrdreg $0x0  }
0xa8: {  	s4 =	sshll.u32 s28, $0x1;
	[dreg:$0x2] =	wrdreg s2  }
0xa9: {  	[dreg:$0x3] =	wrdreg s4  }
0xaa: {  	[dreg:$0x4] =	wrdreg $0xC0  }
0xab: {  	_ =	task [dreg:s6], $0x5FFFF  }
0xac: {  	[dreg:$0x1] =	wrdreg $0xFFFFFFFF  }
0xad: {  	[dreg:$0x0] =	wrdreg $0x60  }
0xae: {  	[dreg:$0x2] =	wrdreg s24  }
0xaf: {  	[dreg:$0x3] =	wrdreg $0x54000  }
0xb0: {  	[dreg:$0x4] =	wrdreg $0x9  }
0xb1: {  	_ =	task.clear_ibuf [dreg:s6], $0x5FFFF;
	_ =	strace $0x90000046  }
0xb2: {  	s29 =	simm.s32 $0x9;
	_ =	strace $0x80000048  }
0xb3: {  	_ =	swait.ge [sflag:s29], $0x1  }
0xb4: {  	[sflag:s29] =	ssyncadd.s32 $0xFFFFFFFF  }
0xb5: {  	_ =	strace $0x90000048  }
0xb6: {  	_ =	sfence  }
0xb7: {  	s30 =	sld [smem:$0x0];
	_ =	sdelay $0x2  }
0xb8: {  	s31 =	sshll.u32 s1, $0xD;
	s1 =	sshrl.u32 s1, $0x2  }
0xb9: {  	s3 =	sand.u32 $0x4000, s31;
	s1 =	sadd.s32 s1, s30  }
0xba: {  	s0 =	sor.u32 s3, s0;
	s1 =	sshll.u32 s1, $0x11  }
0xbb: {  	s0 =	sor.u32 s1, s0  }
0xbc: {  	s0 =	sadd.s32 $0x8F2B, s0  }
0xbd: {  	[sflag:s0] =	ssyncadd.remote.s32 $0x1  }
0xbe: {  	_ =	sfence.sel $0xFFFF  }
0xbf: {  	[dreg:$0x0] =	wrdreg $0xFFFFFFFF;
	(pc) =	sbr.abs _section_cstart, $3  }
0xc0: {  	[dreg:$0x1] =	wrdreg $0xFFFFFFFF  }
0xc1: {  	_ =	task.clear_ibuf [dreg:s6], $0x2FFFF;
	_ =	strace $0x9FFFFFFF  }
0xc2: {  	(tm) =	ssettm $0x7FFFFFFF  }
0xc3: {  	_ =	shalt  }
tec
execute0_lowered:
.L_overlay_start_1:
0x0: {  	(tag) =	ssettag $0x1  }
0x1: {  	s7 =	rddreg [dreg:$0x0]  }
0x2: {  	s1 =	srdreg.scid;
	s0 =	stileid.u32  }
0x3: {  	s2 =	rddreg [dreg:$0x1];
	s3 =	simm.s32 $0x0;
	s14 =	simm.s32 $0x0  }
0x4: {  	s6 =	sand.u32 $0x1, s1;
	s4 =	sshll.u32 s0, $0x1;
	s1 =	rddreg [dreg:$0x2]  }
0x5: {  	[smem:$0x7FF] =	sst s3;
	s5 =	sadd.s32 $0xFA00, s7;
	s11 =	smul.u32 $0x50000, s0  }
0x6: {  	s12 =	smul.u32 $0x2800, s0;
	s31 =	sshll.u32 s0, $0x6;
	s4 =	sor.u32 s6, s4  }
0x7: {  	_ =	strace $0x80000047;
	s9 =	ssub.s32 $0x2, s6;
	p0 =	seq.s32 s6, $0x1  }
0x8: {  	s4 =	smul.u32 $0x280, s4;
	s10 =	sshrl.u32 s9, $0x1;
	s11 =	sshrl.u32 s11, $0x2  }
0x9: {  	s9 =	ssub.s32 s9, s10;
	s10 =	simm.s32 $0x3AA00;
	s13 =	sadd.s32 s11, s2  }
0xa: {  	s11 =	sor.u32 $0x1C01, s31;
	s8 =	sadd.s32 s4, s7;
	s10 =	simm.s32 @!p0 $0x12A00  }
0xb: {  	s4 =	sadd.s32 $0x12200, s7;
	s6 =	sadd.s32 $0x5A00, s8;
	s30 =	sadd.s32 s10, s7  }
0xc: {  	s7 =	smax.u32 s9, $0x1;
	s9 =	simm.s32 $0x1400;
	s10 =	simm.s32 $0x1  }
0xd: {  	s8 =	sadd.s32 s30, s12;
	s12 =	sshrl.u32 s13, $0x3;
	s13 =	simm.s32 $0x80  }
.LBB2_1:
0xe: {  	[tilespmem:s9], [sflag:$0x1] =	stream.linear.gather [hbm4b:s4+s3], $0x4000, $0x38;
	[tilespmem:$0x19400] =	vst v63  }
0xf: {  	_ =	swait.ge [sflag:s10], $0x4000  }
0x10: {  	[sflag:s10] =	ssyncset.done $0x0  }
0x11: {  	[sflag:s10] =	ssyncadd.s32 $0xFFFFC000  }
0x12: {  	[tilespmem:s3], [sflag:$0x1] =	stream.linear.gather [hbm4b:s6+s3], $0x1400, $0x38;
	[tilespmem:$0x19400] =	vst v63  }
0x13: {  	_ =	swait.ge [sflag:s10], $0x1400  }
0x14: {  	[sflag:s10] =	ssyncset.done $0x0  }
0x15: {  	[sflag:s10] =	ssyncadd.s32 $0xFFFFEC00  }
0x16: {  	[spmem:s12], [sflag:s11] =	dma.local [hbm:s5], $0x2800  }
0x17: {  	_ =	swait.ge [sflag:s10], $0x2800  }
0x18: {  	[sflag:s10] =	ssyncset.done $0x0  }
0x19: {  	[sflag:s10] =	ssyncadd.s32 $0xFFFFD800  }
0x1a: {  	s15 =	simm.s32 $0x0;
	[bflag:$0x0] =	sbarrier.arrive $0xFFFF  }
0x1b: {  	[spmem:s2] =	stream.indirect.scatter.add.f32 [tilespmem:s9], [sflag:$0x1], $0x80, s15, s13, $0xb8;
	[tilespmem:$0x19400] =	vst v63  }
0x1c: {  	_ =	swait.ge [sflag:s10], $0x4000  }
0x1d: {  	s15 =	simm.s32 $0x200;
	[sflag:s10] =	ssyncset.done $0x0  }
.LBB2_2:
0x1e: {  	s16 =	sshra.s32 s15, $0x2;
	[sflag:s10] =	ssyncadd.s32 $0xFFFFC000;
	p0 =	sne.s32 s15, $0x4E00  }
0x1f: {  	[spmem:s2] =	stream.indirect.scatter.add.f32 [tilespmem:s9], [sflag:$0x1], $0x80, s16, s13, $0xb8;
	[tilespmem:$0x19400] =	vst v63  }
.Ltmp0:
0x20: {  	_ = 	snop;
	(pc) =	sbr.rel @p0 .LBB2_2-.Ltmp0, $4  }
0x21: {  	_ = 	snop  }
0x22: {  	s15 =	sadd.s32 $0x200, s15  }
0x23: {  	_ =	swait.ge [sflag:s10], $0x4000  }
0x24: {  	[sflag:s10] =	ssyncset.done $0x0  }
0x25: {  	s14 =	sadd.s32 $0x1, s14  }
0x26: {  	[sflag:s10] =	ssyncadd.s32 $0xFFFFC000;
	p0 =	sne.s32 s14, s7  }
.Ltmp1:
0x27: {  	[bflag:$0x0] =	sbarrier.arrive $0xFFFF;
	(pc) =	sbr.rel @p0 .LBB2_1-.Ltmp1, $4  }
0x28: {  	[hbm:s8], [sflag:s11] =	dma.local [spmem:s12], $0x2800  }
0x29: {  	_ =	swait.ge [sflag:s10], $0x2800  }
0x2a: {  	[sflag:s10] =	ssyncset.done $0x0  }
0x2b: {  	[sflag:s10] =	ssyncadd.s32 $0xFFFFD800  }
0x2c: {  	_ =	sfence.sel $0x180000  }
0x2d: {  	[bflag:$0x0] =	sbarrier.arrive $0xFFFF  }
0x2e: {  	p0 =	sne.s32 s0, $0x0;
	_ =	strace $0x90000047  }
0x2f: {  	s0 =	sadd.s32 @!p0 $0x100000, s1;
	[bflag:$0x2] =	sbarrier.arrive $0xFFFF  }
0x30: {  	[sflag:s0] =	ssyncadd.tile.s32 @!p0 $0x1;
	_ =	shalt  }
.Lfunc_end2:
_tile_overlayer_lowered:
.L_overlay_start_2:
0x31: {  	(tag) =	ssettag $0x2  }
0x32: {  	s0 =	rddreg [dreg:$0x0];
	s2 =	stileid.u32  }
0x33: {  	s1 =	rddreg [dreg:$0x1];
	p0 =	sne.s32 s2, $0x0  }
0x34: {  	s3 =	rddreg [dreg:$0x2];
	[bflag:$0x3] =	sbarrier.arrive $0xFFFF;
	s2 =	simm.s32 @!p0 $0x1C01  }
0x35: {  	[timem:s3], [sflag:s2] =	dma.local @!p0 [hbm:s0], s1  }
0x36: {  	s0 =	simm.s32 @!p0 $0x1  }
0x37: {  	_ =	swait.ge @!p0 [sflag:s0], s1  }
0x38: {  	s1 =	ssub.s32 @!p0 $0x0, s1;
	[sflag:s0] =	ssyncset.done @!p0 $0x0  }
0x39: {  	[sflag:s0] =	ssyncadd.s32 @!p0 s1  }
0x3a: {  	[bflag:$0x3] =	sbarrier.arrive $0xFFFF  }
0x3b: {  	_ =	shalt  }

// kernel: kernel.13.cloned.1.call-start
scs
__scs_entry_jumppad:
0x0: {  	(pc) =	sbr.rel $0x88, $3  }
0x1: {  	(tag) =	ssettag $0x0;
	lr =	simm.s32 $0x1  }
0x2: {  	[smem:$0x3F92] =	sst lr;
	_ =	strace $0xD0000000  }
0x3: {  	_ = 	snop  }
0x4: {  	_ = 	snop  }
0x5: {  	_ = 	snop  }
0x6: {  	_ = 	snop  }
0x7: {  	_ = 	snop  }
__scs_overlays_trampoline_lowered:
0x8: {  	[smem:$0x3FA1] =	sst s0  }
0x9: {  	[smem:$0x3FA2] =	sst s1  }
0xa: {  	[smem:$0x3FA3] =	sst s2  }
0xb: {  	[smem:$0x3FA4] =	sst s3  }
0xc: {  	[smem:$0x3FA5] =	sst s4  }
0xd: {  	[smem:$0x3FA6] =	sst s5  }
0xe: {  	[smem:$0x3FA7] =	sst s6  }
0xf: {  	[smem:$0x3FA8] =	sst s7  }
0x10: {  	[smem:$0x3FA9] =	sst s8  }
0x11: {  	[smem:$0x3FAA] =	sst s9;
	s0 =	simm.s32 @!p0 $0x0  }
0x12: {  	s1 =	sld [smem:$0x3F90];
	s0 =	simm.s32 @p0 $0x1  }
0x13: {  	[smem:$0x3FAB] =	sst s0;
	s0 =	simm.s32 @!p1 $0x0  }
0x14: {  	s2 =	sld [smem:$0x3F8F];
	s0 =	simm.s32 @p1 $0x1  }
0x15: {  	[smem:$0x3FAC] =	sst s0;
	s0 =	simm.s32 @!p2 $0x0  }
0x16: {  	s3 =	sld [smem:$0x3FDB];
	s0 =	simm.s32 @p2 $0x1  }
0x17: {  	s4 =	simm.s32 $0x1BF5;
	[smem:$0x3FAE] =	sst s0  }
0x18: {  	s0 =	sld [smem:$0x3F91];
	_ =	swait.ge [sflag:s4], $0x0  }
0x19: {  	s7 =	sld [smem:$0x3F92]  }
0x1a: {  	s8 =	sadd.s32 $0xFFFFE003, lr  }
0x1b: {  	s9 =	sadd.s32 $0xFFFFFEF7, lr;
	s5 =	simm.s32 $0xFFFFFFFF;
	p2 =	slt.u32 s8, $0xFFFFF086  }
0x1c: {  	p1 =	slt.u32 s9, $0xF7A;
	s5 =	simm.s32 @!p2 $0x0  }
0x1d: {  	s5 =	simm.s32 @p1 $0x1;
	p0 =	seq.s32 s7, s2  }
0x1e: {  	s7 =	smul.u32 @!p0 $0xF7A, s2;
	p2 =	seq.s32 @!p0 s5, $0x0  }
0x1f: {  	s9 =	smul.u32 $0xF7A, s1;
	s8 =	simm.s32 @!p0 $0x1BF5;
	p2 =	por !p2, p0  }
0x20: {  	[sflag:s8] =	ssyncset.s32 @!p0 $0xFFFFF086;
	s6 =	sadd.s32 @!p0 s3, s7;
	s7 =	simm.s32 @!p0 $0x108  }
0x21: {  	s3 =	sadd.s32 s3, s9;
	s6 =	sadd.s32 @!p0 $0x88, s6;
	s7 =	simm.s32 @p2 $0x1082  }
0x22: {  	[simem:s7], [sflag:s8] =	dma.local @!p0 [hbm:s6], $0xF7A  }
0x23: {  	s9 =	sor.u32 $0xD0000000, s2;
	s6 =	simm.s32 $0x108;
	_ =	swait.ge @!p0 [sflag:s8], $0x0  }
0x24: {  	s3 =	sadd.s32 $0x88, s3;
	s6 =	simm.s32 @!p1 $0x1082;
	[sflag:s4] =	ssyncset.s32 $0xFFFFF086  }
0x25: {  	[simem:s6], [sflag:s4] =	dma.local [hbm:s3], $0xF7A  }
0x26: {  	[smem:$0x3F92] =	sst s1;
	(tag) =	ssettag s2;
	_ =	strace s9  }
0x27: {  	s1 =	sld [smem:$0x3FA2]  }
0x28: {  	s2 =	sld [smem:$0x3FA3]  }
0x29: {  	s4 =	sld [smem:$0x3FA5]  }
0x2a: {  	p0 =	seq.s32 s5, $0x0;
	s5 =	sld [smem:$0x3FA6]  }
0x2b: {  	s6 =	sld [smem:$0x3FA7]  }
0x2c: {  	s7 =	sld [smem:$0x3FA8]  }
0x2d: {  	s3 =	simm.s32 $0x108;
	s8 =	sld [smem:$0x3FA9]  }
0x2e: {  	s3 =	simm.s32 @!p0 $0x1082;
	s9 =	sld [smem:$0x3FAA]  }
0x2f: {  	lr =	sadd.s32 s0, s3;
	s0 =	sld [smem:$0x3FA1]  }
0x30: {  	s3 =	sld [smem:$0x3FA4]  }
0x31: {  	[smem:$0x3FAD] =	sst s10  }
0x32: {  	s10 =	sld [smem:$0x3FAB];
	_ =	sdelay $0x3  }
0x33: {  	p0 =	seq.s32 s10, $0x1;
	s10 =	sld [smem:$0x3FAD];
	_ =	sdelay $0x3  }
0x34: {  	[smem:$0x3FAD] =	sst s10  }
0x35: {  	s10 =	sld [smem:$0x3FAC];
	_ =	sdelay $0x3  }
0x36: {  	p1 =	seq.s32 s10, $0x1;
	s10 =	sld [smem:$0x3FAD];
	_ =	sdelay $0x3  }
0x37: {  	[smem:$0x3FAD] =	sst s10  }
0x38: {  	s10 =	sld [smem:$0x3FAE]  }
0x39: {  	_ = 	snop;
	(pc) =	sbr.ind lr, $3  }
0x3a: {  	_ = 	snop  }
0x3b: {  	_ = 	snop  }
0x3c: {  	p2 =	seq.s32 s10, $0x1;
	s10 =	sld [smem:$0x3FAD]  }
0x3d: {  	_ =	shalt  }
0x3e: {  	_ =	shalt  }
0x3f: {  	_ =	shalt  }
0x40: {  	_ =	shalt  }
0x41: {  	_ =	shalt  }
0x42: {  	_ =	shalt  }
0x43: {  	_ =	shalt  }
0x44: {  	_ =	shalt  }
0x45: {  	_ =	shalt  }
0x46: {  	_ =	shalt  }
0x47: {  	_ =	shalt  }
0x48: {  	_ =	shalt  }
0x49: {  	_ =	shalt  }
0x4a: {  	_ =	shalt  }
0x4b: {  	_ =	shalt  }
0x4c: {  	_ =	shalt  }
0x4d: {  	_ =	shalt  }
0x4e: {  	_ =	shalt  }
0x4f: {  	_ =	shalt  }
0x50: {  	_ =	shalt  }
0x51: {  	_ =	shalt  }
0x52: {  	_ =	shalt  }
0x53: {  	_ =	shalt  }
0x54: {  	_ =	shalt  }
0x55: {  	_ =	shalt  }
0x56: {  	_ =	shalt  }
0x57: {  	_ =	shalt  }
0x58: {  	_ =	shalt  }
0x59: {  	_ =	shalt  }
0x5a: {  	_ =	shalt  }
0x5b: {  	_ =	shalt  }
0x5c: {  	_ =	shalt  }
0x5d: {  	_ =	shalt  }
0x5e: {  	_ =	shalt  }
0x5f: {  	_ =	shalt  }
0x60: {  	_ =	shalt  }
0x61: {  	_ =	shalt  }
0x62: {  	_ =	shalt  }
0x63: {  	_ =	shalt  }
0x64: {  	_ =	shalt  }
0x65: {  	_ =	shalt  }
0x66: {  	_ =	shalt  }
0x67: {  	_ =	shalt  }
0x68: {  	_ =	shalt  }
0x69: {  	_ =	shalt  }
0x6a: {  	_ =	shalt  }
0x6b: {  	_ =	shalt  }
0x6c: {  	_ =	shalt  }
0x6d: {  	_ =	shalt  }
0x6e: {  	_ =	shalt  }
0x6f: {  	_ =	shalt  }
0x70: {  	_ =	shalt  }
0x71: {  	_ =	shalt  }
0x72: {  	_ =	shalt  }
0x73: {  	_ =	shalt  }
0x74: {  	_ =	shalt  }
0x75: {  	_ =	shalt  }
0x76: {  	_ =	shalt  }
0x77: {  	_ =	shalt  }
0x78: {  	_ =	shalt  }
0x79: {  	_ =	shalt  }
0x7a: {  	_ =	shalt  }
0x7b: {  	_ =	shalt  }
0x7c: {  	_ =	shalt  }
0x7d: {  	_ =	shalt  }
0x7e: {  	_ =	shalt  }
0x7f: {  	_ =	shalt  }
0x80: {  	_ =	shalt  }
0x81: {  	_ =	shalt  }
0x82: {  	_ =	shalt  }
0x83: {  	_ =	shalt  }
0x84: {  	_ =	shalt  }
0x85: {  	_ =	shalt  }
0x86: {  	_ =	shalt  }
0x87: {  	_ =	shalt  }
.Lfunc_end0:
.L_simem_size_0:
called_computation.1_lowered:
.L_overlay_start_0:
0x88: {  	s2 =	sld [smem:$0x3FD9]  }
0x89: {  	s3 =	sld [smem:$0x3FFE];
	_ =	sdelay $0x1  }
0x8a: {  	s1 =	srdreg.scid  }
0x8b: {  	s0 =	sand.u32 $0x1, s1  }
0x8c: {  	s16 =	sshll.u32 s0, $0xA;
	s2 =	sadd.s32 s3, s2  }
0x8d: {  	s2 =	sadd.s32 s2, s16  }
0x8e: {  	[smem:$0x3FB9] =	sst s2  }
0x8f: {  	_ = 	snop  }
0x90: {  	(tm) =	ssettm $0x1  }
0x91: {  	s17 =	sld [smem:$0x3FFB];
	_ =	sdelay $0x3  }
0x92: {  	_ =	strace s17  }
0x93: {  	s2 =	sld [smem:$0x3FFC];
	_ =	sdelay $0x3  }
0x94: {  	_ =	strace s2  }
0x95: {  	s2 =	sld [smem:$0x3FFD];
	_ =	sdelay $0x3  }
0x96: {  	_ =	strace s2  }
0x97: {  	_ =	strace $0x8FFFFFFF  }
0x98: {  	s18 =	sld [smem:$0x3FDB];
	_ =	sdelay $0x1  }
0x99: {  	s19 =	simm.s32 $_scs_section_size  }
0x9a: {  	s4 =	simm.s32 $_size__tile_overlayer_lowered;
	s5 =	simm.s32 $_tile_overlayer_lowered  }
0x9b: {  	s22 =	simm.s32 $0x1BFF;
	s21 =	sshll.u32 s5, $0x1;
	s2 =	sadd.s32 s19, s18  }
0x9c: {  	s6 =	simm.s32 $0x0;
	s20 =	sshll.u32 s4, $0x1;
	s4 =	sadd.s32 s21, s2  }
0x9d: {  	[timem:s6], [sflag:s22] =	dma.local [hbm:s4], s20  }
0x9e: {  	_ =	swait.ge [sflag:s22], s20  }
0x9f: {  	s3 =	ssub.s32 $0x0, s20;
	[sflag:s22] =	ssyncset.done $0x0  }
0xa0: {  	[sflag:s22] =	ssyncadd.s32 s3;
	_ =	sdelay $0x1  }
0xa1: {  	s23 =	simm.s32 $0x1B8B  }
0xa2: {  	_ =	swait.ge [sflag:s23], $0x1  }
0xa3: {  	[sflag:s23] =	ssyncset.done $0x0  }
0xa4: {  	s25 =	simm.s32 $0x1B8E;
	s24 =	sld [smem:$0x3FFE];
	[sflag:s23] =	ssyncadd.s32 $0xFFFFFFFF  }
0xa5: {  	s26 =	simm.s32 $execute0_lowered;
	[smem:$0x3FD2] =	sst s25  }
0xa6: {  	s4 =	sshll.u32 s26, $0x1;
	_ =	strace $0x80000049;
	[dreg:$0x1] =	wrdreg $0xFFFFFFFF  }
0xa7: {  	s28 =	simm.s32 $_size_execute0_lowered;
	s2 =	sadd.s32 s2, s4;
	[dreg:$0x0] =	wrdreg $0x0  }
0xa8: {  	s4 =	sshll.u32 s28, $0x1;
	[dreg:$0x2] =	wrdreg s2  }
0xa9: {  	[dreg:$0x3] =	wrdreg s4  }
0xaa: {  	[dreg:$0x4] =	wrdreg $0xC0  }
0xab: {  	_ =	task [dreg:s6], $0x5FFFF  }
0xac: {  	[dreg:$0x1] =	wrdreg $0xFFFFFFFF  }
0xad: {  	[dreg:$0x0] =	wrdreg $0x60  }
0xae: {  	[dreg:$0x2] =	wrdreg s24  }
0xaf: {  	[dreg:$0x3] =	wrdreg $0xA8000  }
0xb0: {  	[dreg:$0x4] =	wrdreg $0x9  }
0xb1: {  	_ =	task.clear_ibuf [dreg:s6], $0x5FFFF;
	_ =	strace $0x90000049  }
0xb2: {  	s29 =	simm.s32 $0x9;
	_ =	strace $0x8000004B  }
0xb3: {  	_ =	swait.ge [sflag:s29], $0x1  }
0xb4: {  	[sflag:s29] =	ssyncadd.s32 $0xFFFFFFFF  }
0xb5: {  	_ =	strace $0x9000004B  }
0xb6: {  	_ =	sfence  }
0xb7: {  	s30 =	sld [smem:$0x0];
	_ =	sdelay $0x2  }
0xb8: {  	s31 =	sshll.u32 s1, $0xD;
	s1 =	sshrl.u32 s1, $0x2  }
0xb9: {  	s3 =	sand.u32 $0x4000, s31;
	s1 =	sadd.s32 s1, s30  }
0xba: {  	s0 =	sor.u32 s3, s0;
	s1 =	sshll.u32 s1, $0x11  }
0xbb: {  	s0 =	sor.u32 s1, s0  }
0xbc: {  	s0 =	sadd.s32 $0x8F2B, s0  }
0xbd: {  	[sflag:s0] =	ssyncadd.remote.s32 $0x1  }
0xbe: {  	_ =	sfence.sel $0xFFFF  }
0xbf: {  	[dreg:$0x0] =	wrdreg $0xFFFFFFFF;
	(pc) =	sbr.abs _section_cstart, $3  }
0xc0: {  	[dreg:$0x1] =	wrdreg $0xFFFFFFFF  }
0xc1: {  	_ =	task.clear_ibuf [dreg:s6], $0x2FFFF;
	_ =	strace $0x9FFFFFFF  }
0xc2: {  	(tm) =	ssettm $0x7FFFFFFF  }
0xc3: {  	_ =	shalt  }
tec
execute0_lowered:
.L_overlay_start_1:
0x0: {  	(tag) =	ssettag $0x1  }
0x1: {  	s0 =	rddreg [dreg:$0x0]  }
0x2: {  	s1 =	rddreg [dreg:$0x1]  }
0x3: {  	s2 =	simm.s32 $0x0;
	s11 =	stileid.u32;
	s10 =	srdreg.scid  }
0x4: {  	s28 =	simm.s32 $0x6800;
	s29 =	simm.s32 $0x0;
	[smem:$0x7FF] =	sst s2  }
0x5: {  	s3 =	sadd.s32 $0xAA00, s0;
	s15 =	sadd.s32 $0x5A00, s0;
	s4 =	sadd.s32 $0xFA00, s0  }
0x6: {  	s5 =	sadd.s32 $0x12200, s0;
	s6 =	smul.u32 $0x2800, s11;
	s7 =	sadd.s32 $0x3A200, s0  }
0x7: {  	s8 =	sadd.s32 $0x62200, s0;
	s9 =	sadd.s32 $0xB2A00, s0;
	s13 =	smul.u32 $0x50000, s11  }
0x8: {  	s20 =	sand.u32 $0x1, s10;
	s23 =	sadd.s32 $0x102A00, s0;
	s14 =	smul.u32 $0x500, s11  }
0x9: {  	s31 =	sshll.u32 s11, $0x6;
	_ =	strace $0x8000004A;
	[dreg:$0x3] =	wrdreg s23  }
0xa: {  	s12 =	ssub.s32 $0x2, s20;
	s19 =	sor.u32 $0x1C03, s31;
	p0 =	sne.s32 s20, $0x0  }
0xb: {  	s23 =	simm.s32 $0x2800;
	s17 =	sadd.s32 s6, s0;
	s0 =	sadd.s32 $0x152A00, s0  }
0xc: {  	s24 =	sshrl.u32 s12, $0x1;
	s25 =	sshrl.u32 s13, $0x2;
	s26 =	sshrl.u32 s6, $0x3  }
0xd: {  	s13 =	sadd.s32 s15, s14;
	[dreg:$0x4] =	wrdreg s0;
	s0 =	ssub.s32 s12, s24  }
.Ltmp0:
0xe: {  	s21 =	sadd.s32 s25, s1;
	s12 =	sadd.s32 s3, s14;
	(pc) =	sbr.rel .LBB2_1-.Ltmp0, $4  }
0xf: {  	s16 =	sadd.s32 $0x280, s26;
	s30 =	sadd.s32 $0x12AA00, s17;
	s17 =	sadd.s32 $0xDAA00, s17  }
0x10: {  	s24 =	simm.s32 $0x80;
	s25 =	simm.s32 $0x2;
	s26 =	simm.s32 $0x2780  }
0x11: {  	s14 =	sadd.s32 s3, s16;
	s15 =	sadd.s32 s15, s16;
	[dreg:$0x5] =	wrdreg s30  }
0x12: {  	s18 =	smax.u32 s0, $0x1;
	s20 =	sshrl.u32 s21, $0x3;
	s21 =	simm.s32 $0x3  }
.LBB2_19:
0x13: {  	s0 =	sadd.s32 $0xFFFFFFFF, s0;
	s3 =	sshll.u32 s22, $0xE  }
0x14: {  	[sflag:s21] =	ssyncset.done $0x0;
	s10 =	sadd.s32 $0x1, s22;
	s0 =	sand.u32 $0x1, s0  }
0x15: {  	s3 =	sor.u32 $0x2800, s3;
	[sflag:s21] =	ssyncadd.s32 $0xFFFFC000;
	s11 =	sadd.s32 $0x1, s0  }
0x16: {  	[tilespmem:s3], [sflag:s10] =	stream.indirect.gather [hbm4b:s9+s24], $0x80, s31, s24, $0xb8;
	[tilespmem:$0x1E800] =	vst v63  }
0x17: {  	_ =	swait.ge [sflag:s11], $0x4000  }
0x18: {  	s0 =	sshll.u32 s0, $0xE;
	[sflag:s11] =	ssyncset.done $0x0  }
0x19: {  	s0 =	sor.u32 $0x2800, s0;
	[sflag:s11] =	ssyncadd.s32 $0xFFFFC000  }
0x1a: {  	[spmem:s1] =	stream.indirect.scatter.add.f32 [tilespmem:s0], [sflag:$0x3], $0x80, s30, s24, $0xb8;
	[tilespmem:$0x1E800] =	vst v63  }
0x1b: {  	_ =	swait.ge [sflag:s21], $0x4000  }
0x1c: {  	[sflag:s21] =	ssyncset.done $0x0  }
0x1d: {  	[sflag:s21] =	ssyncadd.s32 $0xFFFFC000  }
0x1e: {  	_ =	swait.ge [sflag:s25], $0x4000  }
0x1f: {  	[sflag:s25] =	ssyncset.done $0x0  }
0x20: {  	s0 =	rddreg [dreg:$0x4];
	[sflag:s25] =	ssyncadd.s32 $0xFFFFC000  }
0x21: {  	[spmem:s1] =	stream.indirect.scatter.add.f32 [tilespmem:s28], [sflag:$0x3], $0x80, s26, s24, $0xb8;
	[tilespmem:$0x1E800] =	vst v63  }
.LBB2_20:
0x22: {  	_ =	swait.ge [sflag:s21], $0x4000  }
0x23: {  	s29 =	sadd.s32 $0x1, s29;
	[sflag:s21] =	ssyncset.done $0x0  }
0x24: {  	p1 =	sne.s32 s29, s18;
	[sflag:s21] =	ssyncadd.s32 $0xFFFFC000  }
.Ltmp1:
0x25: {  	s0 =	sadd.s32 s0, s6;
	[bflag:$0x0] =	sbarrier.arrive $0xFFFF;
	(pc) =	sbr.rel @!p1 .LBB2_21-.Ltmp1, $4  }
0x26: {  	[hbm:s0], [sflag:s19] =	dma.local [spmem:s20], $0x2800  }
0x27: {  	_ =	swait.ge [sflag:s21], $0x2800  }
0x28: {  	[sflag:s21] =	ssyncset.done $0x0  }
0x29: {  	[sflag:s21] =	ssyncadd.s32 $0xFFFFD800  }
.LBB2_1:
0x2a: {  	[spmem:s20], [sflag:s19] =	dma.local [hbm:s4], $0x2800  }
0x2b: {  	_ =	swait.ge [sflag:s21], $0x2800  }
0x2c: {  	[sflag:s21] =	ssyncset.done $0x0  }
0x2d: {  	[sflag:s21] =	ssyncadd.s32 $0xFFFFD800  }
0x2e: {  	[bflag:$0x0] =	sbarrier.arrive $0xFFFF  }
0x2f: {  	[tilespmem:s2], [sflag:$0x3] =	stream.linear.gather [hbm4b:s12+s2], $0x1400, $0x38;
	[tilespmem:$0x1E800] =	vst v63  }
0x30: {  	_ =	swait.ge [sflag:s21], $0x1400  }
0x31: {  	[sflag:s21] =	ssyncset.done $0x0  }
.Ltmp2:
0x32: {  	s0 =	simm.s32 $0x1400;
	[sflag:s21] =	ssyncadd.s32 $0xFFFFEC00;
	(pc) =	sbr.rel @p0 .LBB2_11-.Ltmp2, $4  }
0x33: {  	[tilespmem:s0], [sflag:$0x3] =	stream.linear.gather [hbm4b:s13+s2], $0x1400, $0x38;
	[tilespmem:$0x1E800] =	vst v63  }
0x34: {  	_ =	swait.ge [sflag:s21], $0x1400  }
0x35: {  	[sflag:s21] =	ssyncset.done $0x0  }
0x36: {  	s0 =	simm.s32 $0x80;
	[sflag:s21] =	ssyncadd.s32 $0xFFFFEC00  }
0x37: {  	[tilespmem:s23], [sflag:$0x1] =	stream.indirect.gather [hbm4b:s5+s0], $0x80, s2, s0, $0xb8;
	[tilespmem:$0x1E800] =	vst v63  }
0x38: {  	s3 =	simm.s32 $0x1  }
0x39: {  	s22 =	simm.s32 $0x0;
	s3 =	sand.u32 $0x1, s3  }
0x3a: {  	s22 =	sand.u32 $0x1, s22;
	s30 =	sshll.u32 s3, $0xE  }
0x3b: {  	s3 =	sadd.s32 $0x1, s3;
	s31 =	sadd.s32 $0x1, s22;
	s30 =	sor.u32 $0x2800, s30  }
0x3c: {  	[tilespmem:s30], [sflag:s3] =	stream.indirect.gather [hbm4b:s5+s24], $0x80, s0, s24, $0xb8;
	[tilespmem:$0x1E800] =	vst v63  }
0x3d: {  	_ =	swait.ge [sflag:s31], $0x4000  }
0x3e: {  	s16 =	sshll.u32 s22, $0xE;
	[sflag:s31] =	ssyncset.done $0x0  }
0x3f: {  	s22 =	simm.s32 $0x1400;
	s0 =	sor.u32 $0x2800, s16;
	[sflag:s31] =	ssyncadd.s32 $0xFFFFC000  }
0x40: {  	[spmem:s1] =	stream.indirect.scatter.add.f32 [tilespmem:s0], [sflag:$0x3], $0x80, s22, s24, $0xb8;
	[tilespmem:$0x1E800] =	vst v63  }
0x41: {  	s3 =	simm.s32 $0x3;
	s30 =	simm.s32 $0x1480;
	s0 =	simm.s32 $0x2  }
0x42: {  	s31 =	simm.s32 $0x100;
	s22 =	sand.u32 $0x1, s0;
	_ =	swait.ge [sflag:s21], $0x4000  }
.LBB2_3:
0x43: {  	s10 =	sadd.s32 $0xFFFFFFFF, s0;
	s11 =	sshll.u32 s22, $0xE  }
0x44: {  	[sflag:s21] =	ssyncset.done $0x0;
	s0 =	smov.u32 s3;
	s22 =	sadd.s32 $0x1, s22  }
0x45: {  	p1 =	sne.s32 s3, $0x27;
	s10 =	sand.u32 $0x1, s10;
	s11 =	sor.u32 $0x2800, s11  }
0x46: {  	s16 =	sshll.u32 s10, $0xE;
	s10 =	sadd.s32 $0x1, s10;
	[sflag:s21] =	ssyncadd.s32 $0xFFFFC000  }
0x47: {  	[tilespmem:s11], [sflag:s22] =	stream.indirect.gather [hbm4b:s5+s24], $0x80, s31, s24, $0xb8;
	[tilespmem:$0x1E800] =	vst v63  }
.Ltmp3:
0x48: {  	s11 =	sadd.s32 $0x1, s3;
	_ =	swait.ge [sflag:s10], $0x4000;
	(pc) =	sbr.rel @p1 .LBB2_3-.Ltmp3, $4  }
0x49: {  	s3 =	sor.u32 $0x2800, s16;
	[sflag:s10] =	ssyncset.done $0x0  }
0x4a: {  	s31 =	sadd.s32 $0x80, s31;
	s22 =	sand.u32 $0x1, s0;
	[sflag:s10] =	ssyncadd.s32 $0xFFFFC000  }
0x4b: {  	[spmem:s1] =	stream.indirect.scatter.add.f32 [tilespmem:s3], [sflag:$0x3], $0x80, s30, s24, $0xb8;
	[tilespmem:$0x1E800] =	vst v63  }
0x4c: {  	s30 =	sadd.s32 $0x80, s30;
	s3 =	smov.u32 s11;
	_ =	swait.ge [sflag:s21], $0x4000  }
0x4d: {  	s0 =	sadd.s32 $0xFFFFFFFF, s0;
	s3 =	sshll.u32 s22, $0xE  }
0x4e: {  	[sflag:s21] =	ssyncset.done $0x0;
	s10 =	sadd.s32 $0x1, s22;
	s0 =	sand.u32 $0x1, s0  }
0x4f: {  	s3 =	sor.u32 $0x2800, s3;
	[sflag:s21] =	ssyncadd.s32 $0xFFFFC000;
	s11 =	sadd.s32 $0x1, s0  }
0x50: {  	[tilespmem:s3], [sflag:s10] =	stream.indirect.gather [hbm4b:s5+s24], $0x80, s31, s24, $0xb8;
	[tilespmem:$0x1E800] =	vst v63  }
0x51: {  	_ =	swait.ge [sflag:s11], $0x4000  }
0x52: {  	s0 =	sshll.u32 s0, $0xE;
	[sflag:s11] =	ssyncset.done $0x0  }
0x53: {  	s0 =	sor.u32 $0x2800, s0;
	[sflag:s11] =	ssyncadd.s32 $0xFFFFC000  }
0x54: {  	[spmem:s1] =	stream.indirect.scatter.add.f32 [tilespmem:s0], [sflag:$0x3], $0x80, s30, s24, $0xb8;
	[tilespmem:$0x1E800] =	vst v63  }
0x55: {  	_ =	swait.ge [sflag:s21], $0x4000  }
0x56: {  	[sflag:s21] =	ssyncset.done $0x0  }
0x57: {  	[sflag:s21] =	ssyncadd.s32 $0xFFFFC000  }
0x58: {  	_ =	swait.ge [sflag:s25], $0x4000  }
0x59: {  	[sflag:s25] =	ssyncset.done $0x0  }
0x5a: {  	s0 =	simm.s32 $0x80;
	[sflag:s25] =	ssyncadd.s32 $0xFFFFC000  }
0x5b: {  	[spmem:s1] =	stream.indirect.scatter.add.f32 [tilespmem:s28], [sflag:$0x3], $0x80, s26, s0, $0xb8;
	[tilespmem:$0x1E800] =	vst v63  }
0x5c: {  	_ =	swait.ge [sflag:s21], $0x4000  }
0x5d: {  	[sflag:s21] =	ssyncset.done $0x0  }
0x5e: {  	[sflag:s21] =	ssyncadd.s32 $0xFFFFC000  }
0x5f: {  	[tilespmem:s2], [sflag:$0x3] =	stream.linear.gather [hbm4b:s14+s2], $0x1400, $0x38;
	[tilespmem:$0x1E800] =	vst v63  }
0x60: {  	_ =	swait.ge [sflag:s21], $0x1400  }
0x61: {  	[sflag:s21] =	ssyncset.done $0x0  }
0x62: {  	s3 =	simm.s32 $0x1400;
	[sflag:s21] =	ssyncadd.s32 $0xFFFFEC00  }
0x63: {  	[tilespmem:s3], [sflag:$0x3] =	stream.linear.gather [hbm4b:s15+s2], $0x1400, $0x38;
	[tilespmem:$0x1E800] =	vst v63  }
0x64: {  	s16 =	simm.s32 $0x1;
	_ =	swait.ge [sflag:s21], $0x1400  }
0x65: {  	s22 =	simm.s32 $0x0;
	s10 =	sand.u32 $0x1, s16;
	[sflag:s21] =	ssyncset.done $0x0  }
0x66: {  	s16 =	sshll.u32 s10, $0xE;
	s11 =	sand.u32 $0x1, s22;
	[sflag:s21] =	ssyncadd.s32 $0xFFFFEC00  }
0x67: {  	[tilespmem:s23], [sflag:$0x1] =	stream.indirect.gather [hbm4b:s5+s0], $0x80, s2, s0, $0xb8;
	[tilespmem:$0x1E800] =	vst v63  }
0x68: {  	s10 =	sadd.s32 $0x1, s10;
	s16 =	sor.u32 $0x2800, s16;
	s22 =	sadd.s32 $0x1, s11  }
0x69: {  	[tilespmem:s16], [sflag:s10] =	stream.indirect.gather [hbm4b:s5+s24], $0x80, s0, s24, $0xb8;
	[tilespmem:$0x1E800] =	vst v63  }
0x6a: {  	_ =	swait.ge [sflag:s22], $0x4000  }
0x6b: {  	s16 =	sshll.u32 s11, $0xE;
	[sflag:s22] =	ssyncset.done $0x0  }
0x6c: {  	s0 =	sor.u32 $0x2800, s16;
	[sflag:s22] =	ssyncadd.s32 $0xFFFFC000  }
0x6d: {  	[spmem:s1] =	stream.indirect.scatter.add.f32 [tilespmem:s0], [sflag:$0x3], $0x80, s3, s24, $0xb8;
	[tilespmem:$0x1E800] =	vst v63  }
0x6e: {  	s31 =	simm.s32 $0x100;
	s30 =	simm.s32 $0x1480;
	s0 =	simm.s32 $0x2  }
0x6f: {  	s3 =	simm.s32 $0x3;
	s22 =	sand.u32 $0x1, s0;
	_ =	swait.ge [sflag:s21], $0x4000  }
.LBB2_5:
0x70: {  	s10 =	sadd.s32 $0xFFFFFFFF, s0;
	s11 =	sshll.u32 s22, $0xE  }
0x71: {  	[sflag:s21] =	ssyncset.done $0x0;
	s0 =	smov.u32 s3;
	s16 =	sadd.s32 $0x1, s22  }
0x72: {  	p1 =	sne.s32 s3, $0x27;
	s10 =	sand.u32 $0x1, s10;
	s11 =	sor.u32 $0x2800, s11  }
0x73: {  	s22 =	sshll.u32 s10, $0xE;
	s10 =	sadd.s32 $0x1, s10;
	[sflag:s21] =	ssyncadd.s32 $0xFFFFC000  }
0x74: {  	[tilespmem:s11], [sflag:s16] =	stream.indirect.gather [hbm4b:s5+s24], $0x80, s31, s24, $0xb8;
	[tilespmem:$0x1E800] =	vst v63  }
.Ltmp4:
0x75: {  	s11 =	sadd.s32 $0x1, s3;
	_ =	swait.ge [sflag:s10], $0x4000;
	(pc) =	sbr.rel @p1 .LBB2_5-.Ltmp4, $4  }
0x76: {  	s3 =	sor.u32 $0x2800, s22;
	[sflag:s10] =	ssyncset.done $0x0  }
0x77: {  	s31 =	sadd.s32 $0x80, s31;
	s22 =	sand.u32 $0x1, s0;
	[sflag:s10] =	ssyncadd.s32 $0xFFFFC000  }
0x78: {  	[spmem:s1] =	stream.indirect.scatter.add.f32 [tilespmem:s3], [sflag:$0x3], $0x80, s30, s24, $0xb8;
	[tilespmem:$0x1E800] =	vst v63  }
0x79: {  	s30 =	sadd.s32 $0x80, s30;
	s3 =	smov.u32 s11;
	_ =	swait.ge [sflag:s21], $0x4000  }
0x7a: {  	s0 =	sadd.s32 $0xFFFFFFFF, s0;
	s3 =	sshll.u32 s22, $0xE  }
0x7b: {  	[sflag:s21] =	ssyncset.done $0x0;
	s10 =	sadd.s32 $0x1, s22;
	s0 =	sand.u32 $0x1, s0  }
0x7c: {  	s3 =	sor.u32 $0x2800, s3;
	[sflag:s21] =	ssyncadd.s32 $0xFFFFC000;
	s11 =	sadd.s32 $0x1, s0  }
0x7d: {  	[tilespmem:s3], [sflag:s10] =	stream.indirect.gather [hbm4b:s5+s24], $0x80, s31, s24, $0xb8;
	[tilespmem:$0x1E800] =	vst v63  }
0x7e: {  	_ =	swait.ge [sflag:s11], $0x4000  }
0x7f: {  	s0 =	sshll.u32 s0, $0xE;
	[sflag:s11] =	ssyncset.done $0x0  }
0x80: {  	s0 =	sor.u32 $0x2800, s0;
	[sflag:s11] =	ssyncadd.s32 $0xFFFFC000  }
0x81: {  	[spmem:s1] =	stream.indirect.scatter.add.f32 [tilespmem:s0], [sflag:$0x3], $0x80, s30, s24, $0xb8;
	[tilespmem:$0x1E800] =	vst v63  }
0x82: {  	_ =	swait.ge [sflag:s21], $0x4000  }
0x83: {  	[sflag:s21] =	ssyncset.done $0x0  }
0x84: {  	[sflag:s21] =	ssyncadd.s32 $0xFFFFC000  }
0x85: {  	_ =	swait.ge [sflag:s25], $0x4000  }
0x86: {  	[sflag:s25] =	ssyncset.done $0x0  }
0x87: {  	s0 =	simm.s32 $0x80;
	[sflag:s25] =	ssyncadd.s32 $0xFFFFC000  }
0x88: {  	[spmem:s1] =	stream.indirect.scatter.add.f32 [tilespmem:s28], [sflag:$0x3], $0x80, s26, s0, $0xb8;
	[tilespmem:$0x1E800] =	vst v63  }
0x89: {  	_ =	swait.ge [sflag:s21], $0x4000  }
0x8a: {  	[sflag:s21] =	ssyncset.done $0x0  }
0x8b: {  	[sflag:s21] =	ssyncadd.s32 $0xFFFFC000  }
0x8c: {  	[bflag:$0x0] =	sbarrier.arrive $0xFFFF  }
0x8d: {  	[hbm:s17], [sflag:s19] =	dma.local [spmem:s20], $0x2800  }
0x8e: {  	_ =	swait.ge [sflag:s21], $0x2800  }
0x8f: {  	[sflag:s21] =	ssyncset.done $0x0  }
0x90: {  	[sflag:s21] =	ssyncadd.s32 $0xFFFFD800  }
0x91: {  	[spmem:s20], [sflag:s19] =	dma.local [hbm:s4], $0x2800  }
0x92: {  	_ =	swait.ge [sflag:s21], $0x2800  }
0x93: {  	[sflag:s21] =	ssyncset.done $0x0  }
0x94: {  	[sflag:s21] =	ssyncadd.s32 $0xFFFFD800  }
0x95: {  	[bflag:$0x0] =	sbarrier.arrive $0xFFFF  }
0x96: {  	[tilespmem:s2], [sflag:$0x3] =	stream.linear.gather [hbm4b:s12+s2], $0x1400, $0x38;
	[tilespmem:$0x1E800] =	vst v63  }
0x97: {  	_ =	swait.ge [sflag:s21], $0x1400  }
0x98: {  	[sflag:s21] =	ssyncset.done $0x0  }
0x99: {  	s3 =	simm.s32 $0x1400;
	[sflag:s21] =	ssyncadd.s32 $0xFFFFEC00  }
0x9a: {  	[tilespmem:s3], [sflag:$0x3] =	stream.linear.gather [hbm4b:s13+s2], $0x1400, $0x38;
	[tilespmem:$0x1E800] =	vst v63  }
0x9b: {  	s16 =	simm.s32 $0x1;
	_ =	swait.ge [sflag:s21], $0x1400  }
0x9c: {  	s22 =	simm.s32 $0x0;
	s10 =	sand.u32 $0x1, s16;
	[sflag:s21] =	ssyncset.done $0x0  }
0x9d: {  	s16 =	sshll.u32 s10, $0xE;
	s11 =	sand.u32 $0x1, s22;
	[sflag:s21] =	ssyncadd.s32 $0xFFFFEC00  }
0x9e: {  	[tilespmem:s23], [sflag:$0x1] =	stream.indirect.gather [hbm4b:s7+s0], $0x80, s2, s0, $0xb8;
	[tilespmem:$0x1E800] =	vst v63  }
0x9f: {  	s10 =	sadd.s32 $0x1, s10;
	s16 =	sor.u32 $0x2800, s16;
	s22 =	sadd.s32 $0x1, s11  }
0xa0: {  	[tilespmem:s16], [sflag:s10] =	stream.indirect.gather [hbm4b:s7+s24], $0x80, s0, s24, $0xb8;
	[tilespmem:$0x1E800] =	vst v63  }
0xa1: {  	_ =	swait.ge [sflag:s22], $0x4000  }
0xa2: {  	s16 =	sshll.u32 s11, $0xE;
	[sflag:s22] =	ssyncset.done $0x0  }
0xa3: {  	s0 =	sor.u32 $0x2800, s16;
	[sflag:s22] =	ssyncadd.s32 $0xFFFFC000  }
0xa4: {  	[spmem:s1] =	stream.indirect.scatter.add.f32 [tilespmem:s0], [sflag:$0x3], $0x80, s3, s24, $0xb8;
	[tilespmem:$0x1E800] =	vst v63  }
0xa5: {  	s31 =	simm.s32 $0x100;
	s30 =	simm.s32 $0x1480;
	s0 =	simm.s32 $0x2  }
0xa6: {  	s3 =	simm.s32 $0x3;
	s22 =	sand.u32 $0x1, s0;
	_ =	swait.ge [sflag:s21], $0x4000  }
.LBB2_7:
0xa7: {  	s10 =	sadd.s32 $0xFFFFFFFF, s0;
	s11 =	sshll.u32 s22, $0xE  }
0xa8: {  	[sflag:s21] =	ssyncset.done $0x0;
	s0 =	smov.u32 s3;
	s16 =	sadd.s32 $0x1, s22  }
0xa9: {  	p1 =	sne.s32 s3, $0x27;
	s10 =	sand.u32 $0x1, s10;
	s11 =	sor.u32 $0x2800, s11  }
0xaa: {  	s22 =	sshll.u32 s10, $0xE;
	s10 =	sadd.s32 $0x1, s10;
	[sflag:s21] =	ssyncadd.s32 $0xFFFFC000  }
0xab: {  	[tilespmem:s11], [sflag:s16] =	stream.indirect.gather [hbm4b:s7+s24], $0x80, s31, s24, $0xb8;
	[tilespmem:$0x1E800] =	vst v63  }
.Ltmp5:
0xac: {  	s11 =	sadd.s32 $0x1, s3;
	_ =	swait.ge [sflag:s10], $0x4000;
	(pc) =	sbr.rel @p1 .LBB2_7-.Ltmp5, $4  }
0xad: {  	s3 =	sor.u32 $0x2800, s22;
	[sflag:s10] =	ssyncset.done $0x0  }
0xae: {  	s31 =	sadd.s32 $0x80, s31;
	s22 =	sand.u32 $0x1, s0;
	[sflag:s10] =	ssyncadd.s32 $0xFFFFC000  }
0xaf: {  	[spmem:s1] =	stream.indirect.scatter.add.f32 [tilespmem:s3], [sflag:$0x3], $0x80, s30, s24, $0xb8;
	[tilespmem:$0x1E800] =	vst v63  }
0xb0: {  	s30 =	sadd.s32 $0x80, s30;
	s3 =	smov.u32 s11;
	_ =	swait.ge [sflag:s21], $0x4000  }
0xb1: {  	s0 =	sadd.s32 $0xFFFFFFFF, s0;
	s3 =	sshll.u32 s22, $0xE  }
0xb2: {  	[sflag:s21] =	ssyncset.done $0x0;
	s10 =	sadd.s32 $0x1, s22;
	s0 =	sand.u32 $0x1, s0  }
0xb3: {  	s3 =	sor.u32 $0x2800, s3;
	[sflag:s21] =	ssyncadd.s32 $0xFFFFC000;
	s11 =	sadd.s32 $0x1, s0  }
0xb4: {  	[tilespmem:s3], [sflag:s10] =	stream.indirect.gather [hbm4b:s7+s24], $0x80, s31, s24, $0xb8;
	[tilespmem:$0x1E800] =	vst v63  }
0xb5: {  	_ =	swait.ge [sflag:s11], $0x4000  }
0xb6: {  	s0 =	sshll.u32 s0, $0xE;
	[sflag:s11] =	ssyncset.done $0x0  }
0xb7: {  	s0 =	sor.u32 $0x2800, s0;
	[sflag:s11] =	ssyncadd.s32 $0xFFFFC000  }
0xb8: {  	[spmem:s1] =	stream.indirect.scatter.add.f32 [tilespmem:s0], [sflag:$0x3], $0x80, s30, s24, $0xb8;
	[tilespmem:$0x1E800] =	vst v63  }
0xb9: {  	_ =	swait.ge [sflag:s21], $0x4000  }
0xba: {  	[sflag:s21] =	ssyncset.done $0x0  }
0xbb: {  	[sflag:s21] =	ssyncadd.s32 $0xFFFFC000  }
0xbc: {  	_ =	swait.ge [sflag:s25], $0x4000  }
0xbd: {  	[sflag:s25] =	ssyncset.done $0x0  }
0xbe: {  	s0 =	simm.s32 $0x80;
	[sflag:s25] =	ssyncadd.s32 $0xFFFFC000  }
0xbf: {  	[spmem:s1] =	stream.indirect.scatter.add.f32 [tilespmem:s28], [sflag:$0x3], $0x80, s26, s0, $0xb8;
	[tilespmem:$0x1E800] =	vst v63  }
0xc0: {  	_ =	swait.ge [sflag:s21], $0x4000  }
0xc1: {  	[sflag:s21] =	ssyncset.done $0x0  }
0xc2: {  	[sflag:s21] =	ssyncadd.s32 $0xFFFFC000  }
0xc3: {  	[tilespmem:s2], [sflag:$0x3] =	stream.linear.gather [hbm4b:s14+s2], $0x1400, $0x38;
	[tilespmem:$0x1E800] =	vst v63  }
0xc4: {  	_ =	swait.ge [sflag:s21], $0x1400  }
0xc5: {  	[sflag:s21] =	ssyncset.done $0x0  }
0xc6: {  	s3 =	simm.s32 $0x1400;
	[sflag:s21] =	ssyncadd.s32 $0xFFFFEC00  }
0xc7: {  	[tilespmem:s3], [sflag:$0x3] =	stream.linear.gather [hbm4b:s15+s2], $0x1400, $0x38;
	[tilespmem:$0x1E800] =	vst v63  }
0xc8: {  	s16 =	simm.s32 $0x1;
	_ =	swait.ge [sflag:s21], $0x1400  }
0xc9: {  	s22 =	simm.s32 $0x0;
	s10 =	sand.u32 $0x1, s16;
	[sflag:s21] =	ssyncset.done $0x0  }
0xca: {  	s16 =	sshll.u32 s10, $0xE;
	s11 =	sand.u32 $0x1, s22;
	[sflag:s21] =	ssyncadd.s32 $0xFFFFEC00  }
0xcb: {  	[tilespmem:s23], [sflag:$0x1] =	stream.indirect.gather [hbm4b:s7+s0], $0x80, s2, s0, $0xb8;
	[tilespmem:$0x1E800] =	vst v63  }
0xcc: {  	s10 =	sadd.s32 $0x1, s10;
	s16 =	sor.u32 $0x2800, s16;
	s22 =	sadd.s32 $0x1, s11  }
0xcd: {  	[tilespmem:s16], [sflag:s10] =	stream.indirect.gather [hbm4b:s7+s24], $0x80, s0, s24, $0xb8;
	[tilespmem:$0x1E800] =	vst v63  }
0xce: {  	_ =	swait.ge [sflag:s22], $0x4000  }
0xcf: {  	s16 =	sshll.u32 s11, $0xE;
	[sflag:s22] =	ssyncset.done $0x0  }
0xd0: {  	s0 =	sor.u32 $0x2800, s16;
	[sflag:s22] =	ssyncadd.s32 $0xFFFFC000  }
0xd1: {  	[spmem:s1] =	stream.indirect.scatter.add.f32 [tilespmem:s0], [sflag:$0x3], $0x80, s3, s24, $0xb8;
	[tilespmem:$0x1E800] =	vst v63  }
0xd2: {  	s31 =	simm.s32 $0x100;
	s30 =	simm.s32 $0x1480;
	s0 =	simm.s32 $0x2  }
0xd3: {  	s3 =	simm.s32 $0x3;
	s22 =	sand.u32 $0x1, s0;
	_ =	swait.ge [sflag:s21], $0x4000  }
.LBB2_9:
0xd4: {  	s10 =	sadd.s32 $0xFFFFFFFF, s0;
	s11 =	sshll.u32 s22, $0xE  }
0xd5: {  	[sflag:s21] =	ssyncset.done $0x0;
	s0 =	smov.u32 s3;
	s16 =	sadd.s32 $0x1, s22  }
0xd6: {  	p1 =	sne.s32 s3, $0x27;
	s10 =	sand.u32 $0x1, s10;
	s11 =	sor.u32 $0x2800, s11  }
0xd7: {  	s22 =	sshll.u32 s10, $0xE;
	s10 =	sadd.s32 $0x1, s10;
	[sflag:s21] =	ssyncadd.s32 $0xFFFFC000  }
0xd8: {  	[tilespmem:s11], [sflag:s16] =	stream.indirect.gather [hbm4b:s7+s24], $0x80, s31, s24, $0xb8;
	[tilespmem:$0x1E800] =	vst v63  }
.Ltmp6:
0xd9: {  	s11 =	sadd.s32 $0x1, s3;
	_ =	swait.ge [sflag:s10], $0x4000;
	(pc) =	sbr.rel @p1 .LBB2_9-.Ltmp6, $4  }
0xda: {  	s3 =	sor.u32 $0x2800, s22;
	[sflag:s10] =	ssyncset.done $0x0  }
0xdb: {  	s31 =	sadd.s32 $0x80, s31;
	s22 =	sand.u32 $0x1, s0;
	[sflag:s10] =	ssyncadd.s32 $0xFFFFC000  }
0xdc: {  	[spmem:s1] =	stream.indirect.scatter.add.f32 [tilespmem:s3], [sflag:$0x3], $0x80, s30, s24, $0xb8;
	[tilespmem:$0x1E800] =	vst v63  }
0xdd: {  	s30 =	sadd.s32 $0x80, s30;
	s3 =	smov.u32 s11;
	_ =	swait.ge [sflag:s21], $0x4000  }
0xde: {  	s0 =	sadd.s32 $0xFFFFFFFF, s0;
	s3 =	sshll.u32 s22, $0xE  }
0xdf: {  	[sflag:s21] =	ssyncset.done $0x0;
	s10 =	sadd.s32 $0x1, s22;
	s0 =	sand.u32 $0x1, s0  }
0xe0: {  	s3 =	sor.u32 $0x2800, s3;
	[sflag:s21] =	ssyncadd.s32 $0xFFFFC000;
	s11 =	sadd.s32 $0x1, s0  }
0xe1: {  	[tilespmem:s3], [sflag:s10] =	stream.indirect.gather [hbm4b:s7+s24], $0x80, s31, s24, $0xb8;
	[tilespmem:$0x1E800] =	vst v63  }
0xe2: {  	_ =	swait.ge [sflag:s11], $0x4000  }
0xe3: {  	s0 =	sshll.u32 s0, $0xE;
	[sflag:s11] =	ssyncset.done $0x0  }
0xe4: {  	s0 =	sor.u32 $0x2800, s0;
	[sflag:s11] =	ssyncadd.s32 $0xFFFFC000  }
0xe5: {  	[spmem:s1] =	stream.indirect.scatter.add.f32 [tilespmem:s0], [sflag:$0x3], $0x80, s30, s24, $0xb8;
	[tilespmem:$0x1E800] =	vst v63  }
0xe6: {  	_ =	swait.ge [sflag:s21], $0x4000  }
0xe7: {  	[sflag:s21] =	ssyncset.done $0x0  }
.Ltmp7:
0xe8: {  	[sflag:s21] =	ssyncadd.s32 $0xFFFFC000;
	(pc) =	sbr.rel .LBB2_20-.Ltmp7, $4  }
0xe9: {  	_ =	swait.ge [sflag:s25], $0x4000  }
0xea: {  	[sflag:s25] =	ssyncset.done $0x0  }
0xeb: {  	s0 =	rddreg [dreg:$0x3];
	[sflag:s25] =	ssyncadd.s32 $0xFFFFC000  }
0xec: {  	[spmem:s1] =	stream.indirect.scatter.add.f32 [tilespmem:s28], [sflag:$0x3], $0x80, s26, s24, $0xb8;
	[tilespmem:$0x1E800] =	vst v63  }
.LBB2_11:
0xed: {  	[tilespmem:s23], [sflag:$0x1] =	stream.indirect.gather [hbm4b:s8+s0], $0x80, s2, s0, $0xb8;
	[tilespmem:$0x1E800] =	vst v63  }
0xee: {  	s3 =	simm.s32 $0x1  }
0xef: {  	s10 =	simm.s32 $0x0;
	s3 =	sand.u32 $0x1, s3  }
0xf0: {  	s10 =	sand.u32 $0x1, s10;
	s11 =	sshll.u32 s3, $0xE  }
0xf1: {  	s3 =	sadd.s32 $0x1, s3;
	s16 =	sadd.s32 $0x1, s10;
	s11 =	sor.u32 $0x2800, s11  }
0xf2: {  	[tilespmem:s11], [sflag:s3] =	stream.indirect.gather [hbm4b:s8+s24], $0x80, s0, s24, $0xb8;
	[tilespmem:$0x1E800] =	vst v63  }
0xf3: {  	_ =	swait.ge [sflag:s16], $0x4000  }
0xf4: {  	s11 =	sshll.u32 s10, $0xE;
	[sflag:s16] =	ssyncset.done $0x0  }
0xf5: {  	s22 =	simm.s32 $0x1400;
	s0 =	sor.u32 $0x2800, s11;
	[sflag:s16] =	ssyncadd.s32 $0xFFFFC000  }
0xf6: {  	[spmem:s1] =	stream.indirect.scatter.add.f32 [tilespmem:s0], [sflag:$0x3], $0x80, s22, s24, $0xb8;
	[tilespmem:$0x1E800] =	vst v63  }
0xf7: {  	s31 =	simm.s32 $0x100;
	s30 =	simm.s32 $0x1480;
	s0 =	simm.s32 $0x2  }
0xf8: {  	s3 =	simm.s32 $0x3;
	s22 =	sand.u32 $0x1, s0;
	_ =	swait.ge [sflag:s21], $0x4000  }
.LBB2_12:
0xf9: {  	s10 =	sadd.s32 $0xFFFFFFFF, s0;
	s11 =	sshll.u32 s22, $0xE  }
0xfa: {  	[sflag:s21] =	ssyncset.done $0x0;
	s0 =	smov.u32 s3;
	s16 =	sadd.s32 $0x1, s22  }
0xfb: {  	p1 =	sne.s32 s3, $0x27;
	s10 =	sand.u32 $0x1, s10;
	s11 =	sor.u32 $0x2800, s11  }
0xfc: {  	s22 =	sshll.u32 s10, $0xE;
	s10 =	sadd.s32 $0x1, s10;
	[sflag:s21] =	ssyncadd.s32 $0xFFFFC000  }
0xfd: {  	[tilespmem:s11], [sflag:s16] =	stream.indirect.gather [hbm4b:s8+s24], $0x80, s31, s24, $0xb8;
	[tilespmem:$0x1E800] =	vst v63  }
.Ltmp8:
0xfe: {  	s11 =	sadd.s32 $0x1, s3;
	_ =	swait.ge [sflag:s10], $0x4000;
	(pc) =	sbr.rel @p1 .LBB2_12-.Ltmp8, $4  }
0xff: {  	s3 =	sor.u32 $0x2800, s22;
	[sflag:s10] =	ssyncset.done $0x0  }
0x100: {  	s31 =	sadd.s32 $0x80, s31;
	s22 =	sand.u32 $0x1, s0;
	[sflag:s10] =	ssyncadd.s32 $0xFFFFC000  }
0x101: {  	[spmem:s1] =	stream.indirect.scatter.add.f32 [tilespmem:s3], [sflag:$0x3], $0x80, s30, s24, $0xb8;
	[tilespmem:$0x1E800] =	vst v63  }
0x102: {  	s30 =	sadd.s32 $0x80, s30;
	s3 =	smov.u32 s11;
	_ =	swait.ge [sflag:s21], $0x4000  }
0x103: {  	s0 =	sadd.s32 $0xFFFFFFFF, s0;
	s3 =	sshll.u32 s22, $0xE  }
0x104: {  	[sflag:s21] =	ssyncset.done $0x0;
	s10 =	sadd.s32 $0x1, s22;
	s0 =	sand.u32 $0x1, s0  }
0x105: {  	s3 =	sor.u32 $0x2800, s3;
	[sflag:s21] =	ssyncadd.s32 $0xFFFFC000;
	s11 =	sadd.s32 $0x1, s0  }
0x106: {  	[tilespmem:s3], [sflag:s10] =	stream.indirect.gather [hbm4b:s8+s24], $0x80, s31, s24, $0xb8;
	[tilespmem:$0x1E800] =	vst v63  }
0x107: {  	_ =	swait.ge [sflag:s11], $0x4000  }
0x108: {  	s0 =	sshll.u32 s0, $0xE;
	[sflag:s11] =	ssyncset.done $0x0  }
0x109: {  	s0 =	sor.u32 $0x2800, s0;
	[sflag:s11] =	ssyncadd.s32 $0xFFFFC000  }
0x10a: {  	[spmem:s1] =	stream.indirect.scatter.add.f32 [tilespmem:s0], [sflag:$0x3], $0x80, s30, s24, $0xb8;
	[tilespmem:$0x1E800] =	vst v63  }
0x10b: {  	_ =	swait.ge [sflag:s21], $0x4000  }
0x10c: {  	[sflag:s21] =	ssyncset.done $0x0  }
0x10d: {  	[sflag:s21] =	ssyncadd.s32 $0xFFFFC000  }
0x10e: {  	_ =	swait.ge [sflag:s25], $0x4000  }
0x10f: {  	[sflag:s25] =	ssyncset.done $0x0  }
0x110: {  	s0 =	simm.s32 $0x80;
	[sflag:s25] =	ssyncadd.s32 $0xFFFFC000  }
0x111: {  	[spmem:s1] =	stream.indirect.scatter.add.f32 [tilespmem:s28], [sflag:$0x3], $0x80, s26, s0, $0xb8;
	[tilespmem:$0x1E800] =	vst v63  }
0x112: {  	_ =	swait.ge [sflag:s21], $0x4000  }
0x113: {  	[sflag:s21] =	ssyncset.done $0x0  }
0x114: {  	[sflag:s21] =	ssyncadd.s32 $0xFFFFC000  }
0x115: {  	[tilespmem:s2], [sflag:$0x3] =	stream.linear.gather [hbm4b:s14+s2], $0x1400, $0x38;
	[tilespmem:$0x1E800] =	vst v63  }
0x116: {  	_ =	swait.ge [sflag:s21], $0x1400  }
0x117: {  	[sflag:s21] =	ssyncset.done $0x0  }
0x118: {  	s3 =	simm.s32 $0x1400;
	[sflag:s21] =	ssyncadd.s32 $0xFFFFEC00  }
0x119: {  	[tilespmem:s3], [sflag:$0x3] =	stream.linear.gather [hbm4b:s15+s2], $0x1400, $0x38;
	[tilespmem:$0x1E800] =	vst v63  }
0x11a: {  	s16 =	simm.s32 $0x1;
	_ =	swait.ge [sflag:s21], $0x1400  }
0x11b: {  	s22 =	simm.s32 $0x0;
	s10 =	sand.u32 $0x1, s16;
	[sflag:s21] =	ssyncset.done $0x0  }
0x11c: {  	s16 =	sshll.u32 s10, $0xE;
	s11 =	sand.u32 $0x1, s22;
	[sflag:s21] =	ssyncadd.s32 $0xFFFFEC00  }
0x11d: {  	[tilespmem:s23], [sflag:$0x1] =	stream.indirect.gather [hbm4b:s8+s0], $0x80, s2, s0, $0xb8;
	[tilespmem:$0x1E800] =	vst v63  }
0x11e: {  	s10 =	sadd.s32 $0x1, s10;
	s16 =	sor.u32 $0x2800, s16;
	s22 =	sadd.s32 $0x1, s11  }
0x11f: {  	[tilespmem:s16], [sflag:s10] =	stream.indirect.gather [hbm4b:s8+s24], $0x80, s0, s24, $0xb8;
	[tilespmem:$0x1E800] =	vst v63  }
0x120: {  	_ =	swait.ge [sflag:s22], $0x4000  }
0x121: {  	s16 =	sshll.u32 s11, $0xE;
	[sflag:s22] =	ssyncset.done $0x0  }
0x122: {  	s0 =	sor.u32 $0x2800, s16;
	[sflag:s22] =	ssyncadd.s32 $0xFFFFC000  }
0x123: {  	[spmem:s1] =	stream.indirect.scatter.add.f32 [tilespmem:s0], [sflag:$0x3], $0x80, s3, s24, $0xb8;
	[tilespmem:$0x1E800] =	vst v63  }
0x124: {  	s31 =	simm.s32 $0x100;
	s30 =	simm.s32 $0x1480;
	s0 =	simm.s32 $0x2  }
0x125: {  	s3 =	simm.s32 $0x3;
	s22 =	sand.u32 $0x1, s0;
	_ =	swait.ge [sflag:s21], $0x4000  }
.LBB2_14:
0x126: {  	s10 =	sadd.s32 $0xFFFFFFFF, s0;
	s11 =	sshll.u32 s22, $0xE  }
0x127: {  	[sflag:s21] =	ssyncset.done $0x0;
	s0 =	smov.u32 s3;
	s16 =	sadd.s32 $0x1, s22  }
0x128: {  	p1 =	seq.s32 s3, $0x27;
	s10 =	sand.u32 $0x1, s10;
	s11 =	sor.u32 $0x2800, s11  }
0x129: {  	s22 =	sshll.u32 s10, $0xE;
	s10 =	sadd.s32 $0x1, s10;
	[sflag:s21] =	ssyncadd.s32 $0xFFFFC000  }
0x12a: {  	[tilespmem:s11], [sflag:s16] =	stream.indirect.gather [hbm4b:s8+s24], $0x80, s31, s24, $0xb8;
	[tilespmem:$0x1E800] =	vst v63  }
.Ltmp9:
0x12b: {  	s11 =	sadd.s32 $0x1, s3;
	_ =	swait.ge [sflag:s10], $0x4000;
	(pc) =	sbr.rel @!p1 .LBB2_14-.Ltmp9, $4  }
0x12c: {  	s3 =	sor.u32 $0x2800, s22;
	[sflag:s10] =	ssyncset.done $0x0  }
0x12d: {  	s31 =	sadd.s32 $0x80, s31;
	s22 =	sand.u32 $0x1, s0;
	[sflag:s10] =	ssyncadd.s32 $0xFFFFC000  }
0x12e: {  	[spmem:s1] =	stream.indirect.scatter.add.f32 [tilespmem:s3], [sflag:$0x3], $0x80, s30, s24, $0xb8;
	[tilespmem:$0x1E800] =	vst v63  }
0x12f: {  	s30 =	sadd.s32 $0x80, s30;
	s3 =	smov.u32 s11;
	_ =	swait.ge [sflag:s21], $0x4000  }
0x130: {  	s0 =	sadd.s32 $0xFFFFFFFF, s0;
	s3 =	sshll.u32 s22, $0xE  }
0x131: {  	[sflag:s21] =	ssyncset.done $0x0;
	s10 =	sadd.s32 $0x1, s22;
	s0 =	sand.u32 $0x1, s0  }
0x132: {  	s3 =	sor.u32 $0x2800, s3;
	[sflag:s21] =	ssyncadd.s32 $0xFFFFC000;
	s11 =	sadd.s32 $0x1, s0  }
0x133: {  	[tilespmem:s3], [sflag:s10] =	stream.indirect.gather [hbm4b:s8+s24], $0x80, s31, s24, $0xb8;
	[tilespmem:$0x1E800] =	vst v63  }
0x134: {  	_ =	swait.ge [sflag:s11], $0x4000  }
0x135: {  	s0 =	sshll.u32 s0, $0xE;
	[sflag:s11] =	ssyncset.done $0x0  }
0x136: {  	s0 =	sor.u32 $0x2800, s0;
	[sflag:s11] =	ssyncadd.s32 $0xFFFFC000  }
0x137: {  	[spmem:s1] =	stream.indirect.scatter.add.f32 [tilespmem:s0], [sflag:$0x3], $0x80, s30, s24, $0xb8;
	[tilespmem:$0x1E800] =	vst v63  }
0x138: {  	_ =	swait.ge [sflag:s21], $0x4000  }
0x139: {  	[sflag:s21] =	ssyncset.done $0x0  }
0x13a: {  	[sflag:s21] =	ssyncadd.s32 $0xFFFFC000  }
0x13b: {  	_ =	swait.ge [sflag:s25], $0x4000  }
0x13c: {  	[sflag:s25] =	ssyncset.done $0x0  }
0x13d: {  	s0 =	simm.s32 $0x80;
	[sflag:s25] =	ssyncadd.s32 $0xFFFFC000  }
0x13e: {  	[spmem:s1] =	stream.indirect.scatter.add.f32 [tilespmem:s28], [sflag:$0x3], $0x80, s26, s0, $0xb8;
	[tilespmem:$0x1E800] =	vst v63  }
0x13f: {  	_ =	swait.ge [sflag:s21], $0x4000  }
0x140: {  	[sflag:s21] =	ssyncset.done $0x0  }
0x141: {  	[sflag:s21] =	ssyncadd.s32 $0xFFFFC000  }
0x142: {  	[bflag:$0x0] =	sbarrier.arrive $0xFFFF  }
0x143: {  	s11 =	rddreg [dreg:$0x5]  }
0x144: {  	[hbm:s11], [sflag:s19] =	dma.local [spmem:s20], $0x2800  }
0x145: {  	_ =	swait.ge [sflag:s21], $0x2800  }
0x146: {  	[sflag:s21] =	ssyncset.done $0x0  }
0x147: {  	[sflag:s21] =	ssyncadd.s32 $0xFFFFD800  }
0x148: {  	[spmem:s20], [sflag:s19] =	dma.local [hbm:s4], $0x2800  }
0x149: {  	_ =	swait.ge [sflag:s21], $0x2800  }
0x14a: {  	[sflag:s21] =	ssyncset.done $0x0  }
0x14b: {  	[sflag:s21] =	ssyncadd.s32 $0xFFFFD800  }
0x14c: {  	[bflag:$0x0] =	sbarrier.arrive $0xFFFF  }
0x14d: {  	[tilespmem:s2], [sflag:$0x3] =	stream.linear.gather [hbm4b:s12+s2], $0x1400, $0x38;
	[tilespmem:$0x1E800] =	vst v63  }
0x14e: {  	_ =	swait.ge [sflag:s21], $0x1400  }
0x14f: {  	[sflag:s21] =	ssyncset.done $0x0  }
0x150: {  	s3 =	simm.s32 $0x1400;
	[sflag:s21] =	ssyncadd.s32 $0xFFFFEC00  }
0x151: {  	[tilespmem:s3], [sflag:$0x3] =	stream.linear.gather [hbm4b:s13+s2], $0x1400, $0x38;
	[tilespmem:$0x1E800] =	vst v63  }
0x152: {  	s16 =	simm.s32 $0x1;
	_ =	swait.ge [sflag:s21], $0x1400  }
0x153: {  	s22 =	simm.s32 $0x0;
	s10 =	sand.u32 $0x1, s16;
	[sflag:s21] =	ssyncset.done $0x0  }
0x154: {  	s16 =	sshll.u32 s10, $0xE;
	s11 =	sand.u32 $0x1, s22;
	[sflag:s21] =	ssyncadd.s32 $0xFFFFEC00  }
0x155: {  	[tilespmem:s23], [sflag:$0x1] =	stream.indirect.gather [hbm4b:s9+s0], $0x80, s2, s0, $0xb8;
	[tilespmem:$0x1E800] =	vst v63  }
0x156: {  	s10 =	sadd.s32 $0x1, s10;
	s16 =	sor.u32 $0x2800, s16;
	s22 =	sadd.s32 $0x1, s11  }
0x157: {  	[tilespmem:s16], [sflag:s10] =	stream.indirect.gather [hbm4b:s9+s24], $0x80, s0, s24, $0xb8;
	[tilespmem:$0x1E800] =	vst v63  }
0x158: {  	_ =	swait.ge [sflag:s22], $0x4000  }
0x159: {  	s16 =	sshll.u32 s11, $0xE;
	[sflag:s22] =	ssyncset.done $0x0  }
0x15a: {  	s0 =	sor.u32 $0x2800, s16;
	[sflag:s22] =	ssyncadd.s32 $0xFFFFC000  }
0x15b: {  	[spmem:s1] =	stream.indirect.scatter.add.f32 [tilespmem:s0], [sflag:$0x3], $0x80, s3, s24, $0xb8;
	[tilespmem:$0x1E800] =	vst v63  }
0x15c: {  	s31 =	simm.s32 $0x100;
	s30 =	simm.s32 $0x1480;
	s0 =	simm.s32 $0x2  }
0x15d: {  	s3 =	simm.s32 $0x3;
	s22 =	sand.u32 $0x1, s0;
	_ =	swait.ge [sflag:s21], $0x4000  }
.LBB2_16:
0x15e: {  	s10 =	sadd.s32 $0xFFFFFFFF, s0;
	s11 =	sshll.u32 s22, $0xE  }
0x15f: {  	[sflag:s21] =	ssyncset.done $0x0;
	s0 =	smov.u32 s3;
	s16 =	sadd.s32 $0x1, s22  }
0x160: {  	p1 =	sne.s32 s3, $0x27;
	s10 =	sand.u32 $0x1, s10;
	s11 =	sor.u32 $0x2800, s11  }
0x161: {  	s22 =	sshll.u32 s10, $0xE;
	s10 =	sadd.s32 $0x1, s10;
	[sflag:s21] =	ssyncadd.s32 $0xFFFFC000  }
0x162: {  	[tilespmem:s11], [sflag:s16] =	stream.indirect.gather [hbm4b:s9+s24], $0x80, s31, s24, $0xb8;
	[tilespmem:$0x1E800] =	vst v63  }
.Ltmp10:
0x163: {  	s11 =	sadd.s32 $0x1, s3;
	_ =	swait.ge [sflag:s10], $0x4000;
	(pc) =	sbr.rel @p1 .LBB2_16-.Ltmp10, $4  }
0x164: {  	s3 =	sor.u32 $0x2800, s22;
	[sflag:s10] =	ssyncset.done $0x0  }
0x165: {  	s31 =	sadd.s32 $0x80, s31;
	s22 =	sand.u32 $0x1, s0;
	[sflag:s10] =	ssyncadd.s32 $0xFFFFC000  }
0x166: {  	[spmem:s1] =	stream.indirect.scatter.add.f32 [tilespmem:s3], [sflag:$0x3], $0x80, s30, s24, $0xb8;
	[tilespmem:$0x1E800] =	vst v63  }
0x167: {  	s30 =	sadd.s32 $0x80, s30;
	s3 =	smov.u32 s11;
	_ =	swait.ge [sflag:s21], $0x4000  }
0x168: {  	s0 =	sadd.s32 $0xFFFFFFFF, s0;
	s3 =	sshll.u32 s22, $0xE  }
0x169: {  	[sflag:s21] =	ssyncset.done $0x0;
	s10 =	sadd.s32 $0x1, s22;
	s0 =	sand.u32 $0x1, s0  }
0x16a: {  	s3 =	sor.u32 $0x2800, s3;
	[sflag:s21] =	ssyncadd.s32 $0xFFFFC000;
	s11 =	sadd.s32 $0x1, s0  }
0x16b: {  	[tilespmem:s3], [sflag:s10] =	stream.indirect.gather [hbm4b:s9+s24], $0x80, s31, s24, $0xb8;
	[tilespmem:$0x1E800] =	vst v63  }
0x16c: {  	_ =	swait.ge [sflag:s11], $0x4000  }
0x16d: {  	s0 =	sshll.u32 s0, $0xE;
	[sflag:s11] =	ssyncset.done $0x0  }
0x16e: {  	s0 =	sor.u32 $0x2800, s0;
	[sflag:s11] =	ssyncadd.s32 $0xFFFFC000  }
0x16f: {  	[spmem:s1] =	stream.indirect.scatter.add.f32 [tilespmem:s0], [sflag:$0x3], $0x80, s30, s24, $0xb8;
	[tilespmem:$0x1E800] =	vst v63  }
0x170: {  	_ =	swait.ge [sflag:s21], $0x4000  }
0x171: {  	[sflag:s21] =	ssyncset.done $0x0  }
0x172: {  	[sflag:s21] =	ssyncadd.s32 $0xFFFFC000  }
0x173: {  	_ =	swait.ge [sflag:s25], $0x4000  }
0x174: {  	[sflag:s25] =	ssyncset.done $0x0  }
0x175: {  	s0 =	simm.s32 $0x80;
	[sflag:s25] =	ssyncadd.s32 $0xFFFFC000  }
0x176: {  	[spmem:s1] =	stream.indirect.scatter.add.f32 [tilespmem:s28], [sflag:$0x3], $0x80, s26, s0, $0xb8;
	[tilespmem:$0x1E800] =	vst v63  }
0x177: {  	_ =	swait.ge [sflag:s21], $0x4000  }
0x178: {  	[sflag:s21] =	ssyncset.done $0x0  }
0x179: {  	[sflag:s21] =	ssyncadd.s32 $0xFFFFC000  }
0x17a: {  	[tilespmem:s2], [sflag:$0x3] =	stream.linear.gather [hbm4b:s14+s2], $0x1400, $0x38;
	[tilespmem:$0x1E800] =	vst v63  }
0x17b: {  	_ =	swait.ge [sflag:s21], $0x1400  }
0x17c: {  	[sflag:s21] =	ssyncset.done $0x0  }
0x17d: {  	s3 =	simm.s32 $0x1400;
	[sflag:s21] =	ssyncadd.s32 $0xFFFFEC00  }
0x17e: {  	[tilespmem:s3], [sflag:$0x3] =	stream.linear.gather [hbm4b:s15+s2], $0x1400, $0x38;
	[tilespmem:$0x1E800] =	vst v63  }
0x17f: {  	s16 =	simm.s32 $0x1;
	_ =	swait.ge [sflag:s21], $0x1400  }
0x180: {  	s22 =	simm.s32 $0x0;
	s10 =	sand.u32 $0x1, s16;
	[sflag:s21] =	ssyncset.done $0x0  }
0x181: {  	s16 =	sshll.u32 s10, $0xE;
	s11 =	sand.u32 $0x1, s22;
	[sflag:s21] =	ssyncadd.s32 $0xFFFFEC00  }
0x182: {  	[tilespmem:s23], [sflag:$0x1] =	stream.indirect.gather [hbm4b:s9+s0], $0x80, s2, s0, $0xb8;
	[tilespmem:$0x1E800] =	vst v63  }
0x183: {  	s10 =	sadd.s32 $0x1, s10;
	s16 =	sor.u32 $0x2800, s16;
	s22 =	sadd.s32 $0x1, s11  }
0x184: {  	[tilespmem:s16], [sflag:s10] =	stream.indirect.gather [hbm4b:s9+s24], $0x80, s0, s24, $0xb8;
	[tilespmem:$0x1E800] =	vst v63  }
0x185: {  	_ =	swait.ge [sflag:s22], $0x4000  }
0x186: {  	s16 =	sshll.u32 s11, $0xE;
	[sflag:s22] =	ssyncset.done $0x0  }
0x187: {  	s0 =	sor.u32 $0x2800, s16;
	[sflag:s22] =	ssyncadd.s32 $0xFFFFC000  }
0x188: {  	[spmem:s1] =	stream.indirect.scatter.add.f32 [tilespmem:s0], [sflag:$0x3], $0x80, s3, s24, $0xb8;
	[tilespmem:$0x1E800] =	vst v63  }
0x189: {  	s31 =	simm.s32 $0x100;
	s30 =	simm.s32 $0x1480;
	s0 =	simm.s32 $0x2  }
0x18a: {  	s3 =	simm.s32 $0x3;
	s22 =	sand.u32 $0x1, s0;
	_ =	swait.ge [sflag:s21], $0x4000  }
.LBB2_18:
0x18b: {  	s10 =	sadd.s32 $0xFFFFFFFF, s0;
	s11 =	sshll.u32 s22, $0xE  }
0x18c: {  	[sflag:s21] =	ssyncset.done $0x0;
	s0 =	smov.u32 s3;
	s16 =	sadd.s32 $0x1, s22  }
0x18d: {  	p1 =	sne.s32 s3, $0x27;
	s10 =	sand.u32 $0x1, s10;
	s11 =	sor.u32 $0x2800, s11  }
0x18e: {  	s22 =	sshll.u32 s10, $0xE;
	s10 =	sadd.s32 $0x1, s10;
	[sflag:s21] =	ssyncadd.s32 $0xFFFFC000  }
0x18f: {  	[tilespmem:s11], [sflag:s16] =	stream.indirect.gather [hbm4b:s9+s24], $0x80, s31, s24, $0xb8;
	[tilespmem:$0x1E800] =	vst v63  }
.Ltmp11:
0x190: {  	s11 =	sadd.s32 $0x1, s3;
	_ =	swait.ge [sflag:s10], $0x4000;
	(pc) =	sbr.rel @p1 .LBB2_18-.Ltmp11, $4  }
0x191: {  	s3 =	sor.u32 $0x2800, s22;
	[sflag:s10] =	ssyncset.done $0x0  }
0x192: {  	s31 =	sadd.s32 $0x80, s31;
	s22 =	sand.u32 $0x1, s0;
	[sflag:s10] =	ssyncadd.s32 $0xFFFFC000  }
0x193: {  	[spmem:s1] =	stream.indirect.scatter.add.f32 [tilespmem:s3], [sflag:$0x3], $0x80, s30, s24, $0xb8;
	[tilespmem:$0x1E800] =	vst v63  }
0x194: {  	s30 =	sadd.s32 $0x80, s30;
	s3 =	smov.u32 s11;
	_ =	swait.ge [sflag:s21], $0x4000  }
.Ltmp12:
0x195: {  	_ = 	snop;
	(pc) =	sbr.rel .LBB2_19-.Ltmp12, $1  }
0x196: {  	_ =	sdelay $0x3  }
.LBB2_21:
0x197: {  	_ =	sfence.sel $0x180000  }
0x198: {  	[bflag:$0x0] =	sbarrier.arrive $0xFFFF  }
0x199: {  	_ =	strace $0x9000004A  }
0x19a: {  	s0 =	stileid.u32;
	[bflag:$0x2] =	sbarrier.arrive $0xFFFF  }
0x19b: {  	p0 =	sne.s32 s0, $0x0;
	s0 =	rddreg [dreg:$0x2]  }
0x19c: {  	s0 =	sadd.s32 @!p0 $0x100000, s0  }
0x19d: {  	[sflag:s0] =	ssyncadd.tile.s32 @!p0 $0x1;
	_ =	shalt  }
.Lfunc_end2:
_tile_overlayer_lowered:
.L_overlay_start_2:
0x19e: {  	(tag) =	ssettag $0x2  }
0x19f: {  	s0 =	rddreg [dreg:$0x0];
	s2 =	stileid.u32  }
0x1a0: {  	s1 =	rddreg [dreg:$0x1];
	p0 =	sne.s32 s2, $0x0  }
0x1a1: {  	s3 =	rddreg [dreg:$0x2];
	[bflag:$0x3] =	sbarrier.arrive $0xFFFF;
	s2 =	simm.s32 @!p0 $0x1C03  }
0x1a2: {  	[timem:s3], [sflag:s2] =	dma.local @!p0 [hbm:s0], s1  }
0x1a3: {  	s0 =	simm.s32 @!p0 $0x3  }
0x1a4: {  	_ =	swait.ge @!p0 [sflag:s0], s1  }
0x1a5: {  	s1 =	ssub.s32 @!p0 $0x0, s1;
	[sflag:s0] =	ssyncset.done @!p0 $0x0  }
0x1a6: {  	[sflag:s0] =	ssyncadd.s32 @!p0 s1  }
0x1a7: {  	[bflag:$0x3] =	sbarrier.arrive $0xFFFF  }
0x1a8: {  	_ =	shalt  }

// kernel: kernel.16.cloned.1.call-start
scs
__scs_entry_jumppad:
0x0: {  	(pc) =	sbr.rel $0x88, $3  }
0x1: {  	(tag) =	ssettag $0x0;
	lr =	simm.s32 $0x1  }
0x2: {  	[smem:$0x3F92] =	sst lr;
	_ =	strace $0xD0000000  }
0x3: {  	_ = 	snop  }
0x4: {  	_ = 	snop  }
0x5: {  	_ = 	snop  }
0x6: {  	_ = 	snop  }
0x7: {  	_ = 	snop  }
__scs_overlays_trampoline_lowered:
0x8: {  	[smem:$0x3FA1] =	sst s0  }
0x9: {  	[smem:$0x3FA2] =	sst s1  }
0xa: {  	[smem:$0x3FA3] =	sst s2  }
0xb: {  	[smem:$0x3FA4] =	sst s3  }
0xc: {  	[smem:$0x3FA5] =	sst s4  }
0xd: {  	[smem:$0x3FA6] =	sst s5  }
0xe: {  	[smem:$0x3FA7] =	sst s6  }
0xf: {  	[smem:$0x3FA8] =	sst s7  }
0x10: {  	[smem:$0x3FA9] =	sst s8  }
0x11: {  	[smem:$0x3FAA] =	sst s9;
	s0 =	simm.s32 @!p0 $0x0  }
0x12: {  	s1 =	sld [smem:$0x3F90];
	s0 =	simm.s32 @p0 $0x1  }
0x13: {  	[smem:$0x3FAB] =	sst s0;
	s0 =	simm.s32 @!p1 $0x0  }
0x14: {  	s2 =	sld [smem:$0x3F8F];
	s0 =	simm.s32 @p1 $0x1  }
0x15: {  	[smem:$0x3FAC] =	sst s0;
	s0 =	simm.s32 @!p2 $0x0  }
0x16: {  	s3 =	sld [smem:$0x3FDB];
	s0 =	simm.s32 @p2 $0x1  }
0x17: {  	s4 =	simm.s32 $0x1BF5;
	[smem:$0x3FAE] =	sst s0  }
0x18: {  	s0 =	sld [smem:$0x3F91];
	_ =	swait.ge [sflag:s4], $0x0  }
0x19: {  	s7 =	sld [smem:$0x3F92]  }
0x1a: {  	s8 =	sadd.s32 $0xFFFFE003, lr  }
0x1b: {  	s9 =	sadd.s32 $0xFFFFFEF7, lr;
	s5 =	simm.s32 $0xFFFFFFFF;
	p2 =	slt.u32 s8, $0xFFFFF086  }
0x1c: {  	p1 =	slt.u32 s9, $0xF7A;
	s5 =	simm.s32 @!p2 $0x0  }
0x1d: {  	s5 =	simm.s32 @p1 $0x1;
	p0 =	seq.s32 s7, s2  }
0x1e: {  	s7 =	smul.u32 @!p0 $0xF7A, s2;
	p2 =	seq.s32 @!p0 s5, $0x0  }
0x1f: {  	s9 =	smul.u32 $0xF7A, s1;
	s8 =	simm.s32 @!p0 $0x1BF5;
	p2 =	por !p2, p0  }
0x20: {  	[sflag:s8] =	ssyncset.s32 @!p0 $0xFFFFF086;
	s6 =	sadd.s32 @!p0 s3, s7;
	s7 =	simm.s32 @!p0 $0x108  }
0x21: {  	s3 =	sadd.s32 s3, s9;
	s6 =	sadd.s32 @!p0 $0x88, s6;
	s7 =	simm.s32 @p2 $0x1082  }
0x22: {  	[simem:s7], [sflag:s8] =	dma.local @!p0 [hbm:s6], $0xF7A  }
0x23: {  	s9 =	sor.u32 $0xD0000000, s2;
	s6 =	simm.s32 $0x108;
	_ =	swait.ge @!p0 [sflag:s8], $0x0  }
0x24: {  	s3 =	sadd.s32 $0x88, s3;
	s6 =	simm.s32 @!p1 $0x1082;
	[sflag:s4] =	ssyncset.s32 $0xFFFFF086  }
0x25: {  	[simem:s6], [sflag:s4] =	dma.local [hbm:s3], $0xF7A  }
0x26: {  	[smem:$0x3F92] =	sst s1;
	(tag) =	ssettag s2;
	_ =	strace s9  }
0x27: {  	s1 =	sld [smem:$0x3FA2]  }
0x28: {  	s2 =	sld [smem:$0x3FA3]  }
0x29: {  	s4 =	sld [smem:$0x3FA5]  }
0x2a: {  	p0 =	seq.s32 s5, $0x0;
	s5 =	sld [smem:$0x3FA6]  }
0x2b: {  	s6 =	sld [smem:$0x3FA7]  }
0x2c: {  	s7 =	sld [smem:$0x3FA8]  }
0x2d: {  	s3 =	simm.s32 $0x108;
	s8 =	sld [smem:$0x3FA9]  }
0x2e: {  	s3 =	simm.s32 @!p0 $0x1082;
	s9 =	sld [smem:$0x3FAA]  }
0x2f: {  	lr =	sadd.s32 s0, s3;
	s0 =	sld [smem:$0x3FA1]  }
0x30: {  	s3 =	sld [smem:$0x3FA4]  }
0x31: {  	[smem:$0x3FAD] =	sst s10  }
0x32: {  	s10 =	sld [smem:$0x3FAB];
	_ =	sdelay $0x3  }
0x33: {  	p0 =	seq.s32 s10, $0x1;
	s10 =	sld [smem:$0x3FAD];
	_ =	sdelay $0x3  }
0x34: {  	[smem:$0x3FAD] =	sst s10  }
0x35: {  	s10 =	sld [smem:$0x3FAC];
	_ =	sdelay $0x3  }
0x36: {  	p1 =	seq.s32 s10, $0x1;
	s10 =	sld [smem:$0x3FAD];
	_ =	sdelay $0x3  }
0x37: {  	[smem:$0x3FAD] =	sst s10  }
0x38: {  	s10 =	sld [smem:$0x3FAE]  }
0x39: {  	_ = 	snop;
	(pc) =	sbr.ind lr, $3  }
0x3a: {  	_ = 	snop  }
0x3b: {  	_ = 	snop  }
0x3c: {  	p2 =	seq.s32 s10, $0x1;
	s10 =	sld [smem:$0x3FAD]  }
0x3d: {  	_ =	shalt  }
0x3e: {  	_ =	shalt  }
0x3f: {  	_ =	shalt  }
0x40: {  	_ =	shalt  }
0x41: {  	_ =	shalt  }
0x42: {  	_ =	shalt  }
0x43: {  	_ =	shalt  }
0x44: {  	_ =	shalt  }
0x45: {  	_ =	shalt  }
0x46: {  	_ =	shalt  }
0x47: {  	_ =	shalt  }
0x48: {  	_ =	shalt  }
0x49: {  	_ =	shalt  }
0x4a: {  	_ =	shalt  }
0x4b: {  	_ =	shalt  }
0x4c: {  	_ =	shalt  }
0x4d: {  	_ =	shalt  }
0x4e: {  	_ =	shalt  }
0x4f: {  	_ =	shalt  }
0x50: {  	_ =	shalt  }
0x51: {  	_ =	shalt  }
0x52: {  	_ =	shalt  }
0x53: {  	_ =	shalt  }
0x54: {  	_ =	shalt  }
0x55: {  	_ =	shalt  }
0x56: {  	_ =	shalt  }
0x57: {  	_ =	shalt  }
0x58: {  	_ =	shalt  }
0x59: {  	_ =	shalt  }
0x5a: {  	_ =	shalt  }
0x5b: {  	_ =	shalt  }
0x5c: {  	_ =	shalt  }
0x5d: {  	_ =	shalt  }
0x5e: {  	_ =	shalt  }
0x5f: {  	_ =	shalt  }
0x60: {  	_ =	shalt  }
0x61: {  	_ =	shalt  }
0x62: {  	_ =	shalt  }
0x63: {  	_ =	shalt  }
0x64: {  	_ =	shalt  }
0x65: {  	_ =	shalt  }
0x66: {  	_ =	shalt  }
0x67: {  	_ =	shalt  }
0x68: {  	_ =	shalt  }
0x69: {  	_ =	shalt  }
0x6a: {  	_ =	shalt  }
0x6b: {  	_ =	shalt  }
0x6c: {  	_ =	shalt  }
0x6d: {  	_ =	shalt  }
0x6e: {  	_ =	shalt  }
0x6f: {  	_ =	shalt  }
0x70: {  	_ =	shalt  }
0x71: {  	_ =	shalt  }
0x72: {  	_ =	shalt  }
0x73: {  	_ =	shalt  }
0x74: {  	_ =	shalt  }
0x75: {  	_ =	shalt  }
0x76: {  	_ =	shalt  }
0x77: {  	_ =	shalt  }
0x78: {  	_ =	shalt  }
0x79: {  	_ =	shalt  }
0x7a: {  	_ =	shalt  }
0x7b: {  	_ =	shalt  }
0x7c: {  	_ =	shalt  }
0x7d: {  	_ =	shalt  }
0x7e: {  	_ =	shalt  }
0x7f: {  	_ =	shalt  }
0x80: {  	_ =	shalt  }
0x81: {  	_ =	shalt  }
0x82: {  	_ =	shalt  }
0x83: {  	_ =	shalt  }
0x84: {  	_ =	shalt  }
0x85: {  	_ =	shalt  }
0x86: {  	_ =	shalt  }
0x87: {  	_ =	shalt  }
.Lfunc_end0:
.L_simem_size_0:
called_computation.2_lowered:
.L_overlay_start_0:
0x88: {  	s2 =	sld [smem:$0x3FD9]  }
0x89: {  	s3 =	sld [smem:$0x3FFE];
	_ =	sdelay $0x1  }
0x8a: {  	s1 =	srdreg.scid  }
0x8b: {  	s0 =	sand.u32 $0x1, s1  }
0x8c: {  	s16 =	sshll.u32 s0, $0xA;
	s2 =	sadd.s32 s3, s2  }
0x8d: {  	s2 =	sadd.s32 s2, s16  }
0x8e: {  	[smem:$0x3FB9] =	sst s2  }
0x8f: {  	_ = 	snop  }
0x90: {  	(tm) =	ssettm $0x1  }
0x91: {  	s17 =	sld [smem:$0x3FFB];
	_ =	sdelay $0x3  }
0x92: {  	_ =	strace s17  }
0x93: {  	s2 =	sld [smem:$0x3FFC];
	_ =	sdelay $0x3  }
0x94: {  	_ =	strace s2  }
0x95: {  	s2 =	sld [smem:$0x3FFD];
	_ =	sdelay $0x3  }
0x96: {  	_ =	strace s2  }
0x97: {  	_ =	strace $0x8FFFFFFF  }
0x98: {  	s18 =	sld [smem:$0x3FDB];
	_ =	sdelay $0x1  }
0x99: {  	s19 =	simm.s32 $_scs_section_size  }
0x9a: {  	s4 =	simm.s32 $_size__tile_overlayer_lowered;
	s5 =	simm.s32 $_tile_overlayer_lowered  }
0x9b: {  	s22 =	simm.s32 $0x1BFF;
	s21 =	sshll.u32 s5, $0x1;
	s2 =	sadd.s32 s19, s18  }
0x9c: {  	s6 =	simm.s32 $0x0;
	s20 =	sshll.u32 s4, $0x1;
	s4 =	sadd.s32 s21, s2  }
0x9d: {  	[timem:s6], [sflag:s22] =	dma.local [hbm:s4], s20  }
0x9e: {  	_ =	swait.ge [sflag:s22], s20  }
0x9f: {  	s3 =	ssub.s32 $0x0, s20;
	[sflag:s22] =	ssyncset.done $0x0  }
0xa0: {  	[sflag:s22] =	ssyncadd.s32 s3;
	_ =	sdelay $0x1  }
0xa1: {  	s23 =	simm.s32 $0x1B8B  }
0xa2: {  	_ =	swait.ge [sflag:s23], $0x1  }
0xa3: {  	[sflag:s23] =	ssyncset.done $0x0  }
0xa4: {  	s25 =	simm.s32 $0x1B8E;
	s24 =	sld [smem:$0x3FFE];
	[sflag:s23] =	ssyncadd.s32 $0xFFFFFFFF  }
0xa5: {  	s26 =	simm.s32 $execute0_lowered;
	[smem:$0x3FD2] =	sst s25  }
0xa6: {  	s4 =	sshll.u32 s26, $0x1;
	_ =	strace $0x8000004C;
	[dreg:$0x1] =	wrdreg $0xFFFFFFFF  }
0xa7: {  	s28 =	simm.s32 $_size_execute0_lowered;
	s2 =	sadd.s32 s2, s4;
	[dreg:$0x0] =	wrdreg $0x0  }
0xa8: {  	s4 =	sshll.u32 s28, $0x1;
	[dreg:$0x2] =	wrdreg s2  }
0xa9: {  	[dreg:$0x3] =	wrdreg s4  }
0xaa: {  	[dreg:$0x4] =	wrdreg $0xC0  }
0xab: {  	_ =	task [dreg:s6], $0x5FFFF  }
0xac: {  	[dreg:$0x1] =	wrdreg $0xFFFFFFFF  }
0xad: {  	[dreg:$0x0] =	wrdreg $0x60  }
0xae: {  	[dreg:$0x2] =	wrdreg s24  }
0xaf: {  	[dreg:$0x3] =	wrdreg $0xA8000  }
0xb0: {  	[dreg:$0x4] =	wrdreg $0x9  }
0xb1: {  	_ =	task.clear_ibuf [dreg:s6], $0x5FFFF;
	_ =	strace $0x9000004C  }
0xb2: {  	s29 =	simm.s32 $0x9;
	_ =	strace $0x8000004E  }
0xb3: {  	_ =	swait.ge [sflag:s29], $0x1  }
0xb4: {  	[sflag:s29] =	ssyncadd.s32 $0xFFFFFFFF  }
0xb5: {  	_ =	strace $0x9000004E  }
0xb6: {  	_ =	sfence  }
0xb7: {  	s30 =	sld [smem:$0x0];
	_ =	sdelay $0x2  }
0xb8: {  	s31 =	sshll.u32 s1, $0xD;
	s1 =	sshrl.u32 s1, $0x2  }
0xb9: {  	s3 =	sand.u32 $0x4000, s31;
	s1 =	sadd.s32 s1, s30  }
0xba: {  	s0 =	sor.u32 s3, s0;
	s1 =	sshll.u32 s1, $0x11  }
0xbb: {  	s0 =	sor.u32 s1, s0  }
0xbc: {  	s0 =	sadd.s32 $0x8F2B, s0  }
0xbd: {  	[sflag:s0] =	ssyncadd.remote.s32 $0x1  }
0xbe: {  	_ =	sfence.sel $0xFFFF  }
0xbf: {  	[dreg:$0x0] =	wrdreg $0xFFFFFFFF;
	(pc) =	sbr.abs _section_cstart, $3  }
0xc0: {  	[dreg:$0x1] =	wrdreg $0xFFFFFFFF  }
0xc1: {  	_ =	task.clear_ibuf [dreg:s6], $0x2FFFF;
	_ =	strace $0x9FFFFFFF  }
0xc2: {  	(tm) =	ssettm $0x7FFFFFFF  }
0xc3: {  	_ =	shalt  }
tec
execute0_lowered:
.L_overlay_start_1:
0x0: {  	(tag) =	ssettag $0x1  }
0x1: {  	s0 =	rddreg [dreg:$0x0]  }
0x2: {  	s1 =	rddreg [dreg:$0x1]  }
0x3: {  	s2 =	simm.s32 $0x0;
	s11 =	stileid.u32;
	s10 =	srdreg.scid  }
0x4: {  	s28 =	simm.s32 $0x6800;
	s29 =	simm.s32 $0x0;
	[smem:$0x7FF] =	sst s2  }
0x5: {  	s3 =	sadd.s32 $0xAA00, s0;
	s15 =	sadd.s32 $0x5A00, s0;
	s4 =	sadd.s32 $0xFA00, s0  }
0x6: {  	s5 =	sadd.s32 $0x12200, s0;
	s6 =	smul.u32 $0x2800, s11;
	s7 =	sadd.s32 $0x3A200, s0  }
0x7: {  	s8 =	sadd.s32 $0x62200, s0;
	s9 =	sadd.s32 $0xB2200, s0;
	s13 =	smul.u32 $0x50000, s11  }
0x8: {  	s20 =	sand.u32 $0x1, s10;
	s23 =	sadd.s32 $0x102200, s0;
	s14 =	smul.u32 $0x500, s11  }
0x9: {  	s31 =	sshll.u32 s11, $0x6;
	_ =	strace $0x8000004D;
	[dreg:$0x3] =	wrdreg s23  }
0xa: {  	s12 =	ssub.s32 $0x2, s20;
	s19 =	sor.u32 $0x1C03, s31;
	p0 =	sne.s32 s20, $0x0  }
0xb: {  	s23 =	simm.s32 $0x2800;
	s17 =	sadd.s32 s6, s0;
	s0 =	sadd.s32 $0x152200, s0  }
0xc: {  	s24 =	sshrl.u32 s12, $0x1;
	s25 =	sshrl.u32 s13, $0x2;
	s26 =	sshrl.u32 s6, $0x3  }
0xd: {  	s13 =	sadd.s32 s15, s14;
	[dreg:$0x4] =	wrdreg s0;
	s0 =	ssub.s32 s12, s24  }
.Ltmp0:
0xe: {  	s21 =	sadd.s32 s25, s1;
	s12 =	sadd.s32 s3, s14;
	(pc) =	sbr.rel .LBB2_1-.Ltmp0, $4  }
0xf: {  	s16 =	sadd.s32 $0x280, s26;
	s30 =	sadd.s32 $0x12A200, s17;
	s17 =	sadd.s32 $0xDA200, s17  }
0x10: {  	s24 =	simm.s32 $0x80;
	s25 =	simm.s32 $0x2;
	s26 =	simm.s32 $0x2780  }
0x11: {  	s14 =	sadd.s32 s3, s16;
	s15 =	sadd.s32 s15, s16;
	[dreg:$0x5] =	wrdreg s30  }
0x12: {  	s18 =	smax.u32 s0, $0x1;
	s20 =	sshrl.u32 s21, $0x3;
	s21 =	simm.s32 $0x3  }
.LBB2_19:
0x13: {  	s0 =	sadd.s32 $0xFFFFFFFF, s0;
	s3 =	sshll.u32 s22, $0xE  }
0x14: {  	[sflag:s21] =	ssyncset.done $0x0;
	s10 =	sadd.s32 $0x1, s22;
	s0 =	sand.u32 $0x1, s0  }
0x15: {  	s3 =	sor.u32 $0x2800, s3;
	[sflag:s21] =	ssyncadd.s32 $0xFFFFC000;
	s11 =	sadd.s32 $0x1, s0  }
0x16: {  	[tilespmem:s3], [sflag:s10] =	stream.indirect.gather [hbm4b:s9+s24], $0x80, s31, s24, $0xb8;
	[tilespmem:$0x1E800] =	vst v63  }
0x17: {  	_ =	swait.ge [sflag:s11], $0x4000  }
0x18: {  	s0 =	sshll.u32 s0, $0xE;
	[sflag:s11] =	ssyncset.done $0x0  }
0x19: {  	s0 =	sor.u32 $0x2800, s0;
	[sflag:s11] =	ssyncadd.s32 $0xFFFFC000  }
0x1a: {  	[spmem:s1] =	stream.indirect.scatter.add.f32 [tilespmem:s0], [sflag:$0x3], $0x80, s30, s24, $0xb8;
	[tilespmem:$0x1E800] =	vst v63  }
0x1b: {  	_ =	swait.ge [sflag:s21], $0x4000  }
0x1c: {  	[sflag:s21] =	ssyncset.done $0x0  }
0x1d: {  	[sflag:s21] =	ssyncadd.s32 $0xFFFFC000  }
0x1e: {  	_ =	swait.ge [sflag:s25], $0x4000  }
0x1f: {  	[sflag:s25] =	ssyncset.done $0x0  }
0x20: {  	s0 =	rddreg [dreg:$0x4];
	[sflag:s25] =	ssyncadd.s32 $0xFFFFC000  }
0x21: {  	[spmem:s1] =	stream.indirect.scatter.add.f32 [tilespmem:s28], [sflag:$0x3], $0x80, s26, s24, $0xb8;
	[tilespmem:$0x1E800] =	vst v63  }
.LBB2_20:
0x22: {  	_ =	swait.ge [sflag:s21], $0x4000  }
0x23: {  	s29 =	sadd.s32 $0x1, s29;
	[sflag:s21] =	ssyncset.done $0x0  }
0x24: {  	p1 =	sne.s32 s29, s18;
	[sflag:s21] =	ssyncadd.s32 $0xFFFFC000  }
.Ltmp1:
0x25: {  	s0 =	sadd.s32 s0, s6;
	[bflag:$0x0] =	sbarrier.arrive $0xFFFF;
	(pc) =	sbr.rel @!p1 .LBB2_21-.Ltmp1, $4  }
0x26: {  	[hbm:s0], [sflag:s19] =	dma.local [spmem:s20], $0x2800  }
0x27: {  	_ =	swait.ge [sflag:s21], $0x2800  }
0x28: {  	[sflag:s21] =	ssyncset.done $0x0  }
0x29: {  	[sflag:s21] =	ssyncadd.s32 $0xFFFFD800  }
.LBB2_1:
0x2a: {  	[spmem:s20], [sflag:s19] =	dma.local [hbm:s4], $0x2800  }
0x2b: {  	_ =	swait.ge [sflag:s21], $0x2800  }
0x2c: {  	[sflag:s21] =	ssyncset.done $0x0  }
0x2d: {  	[sflag:s21] =	ssyncadd.s32 $0xFFFFD800  }
0x2e: {  	[bflag:$0x0] =	sbarrier.arrive $0xFFFF  }
0x2f: {  	[tilespmem:s2], [sflag:$0x3] =	stream.linear.gather [hbm4b:s12+s2], $0x1400, $0x38;
	[tilespmem:$0x1E800] =	vst v63  }
0x30: {  	_ =	swait.ge [sflag:s21], $0x1400  }
0x31: {  	[sflag:s21] =	ssyncset.done $0x0  }
.Ltmp2:
0x32: {  	s0 =	simm.s32 $0x1400;
	[sflag:s21] =	ssyncadd.s32 $0xFFFFEC00;
	(pc) =	sbr.rel @p0 .LBB2_11-.Ltmp2, $4  }
0x33: {  	[tilespmem:s0], [sflag:$0x3] =	stream.linear.gather [hbm4b:s13+s2], $0x1400, $0x38;
	[tilespmem:$0x1E800] =	vst v63  }
0x34: {  	_ =	swait.ge [sflag:s21], $0x1400  }
0x35: {  	[sflag:s21] =	ssyncset.done $0x0  }
0x36: {  	s0 =	simm.s32 $0x80;
	[sflag:s21] =	ssyncadd.s32 $0xFFFFEC00  }
0x37: {  	[tilespmem:s23], [sflag:$0x1] =	stream.indirect.gather [hbm4b:s5+s0], $0x80, s2, s0, $0xb8;
	[tilespmem:$0x1E800] =	vst v63  }
0x38: {  	s3 =	simm.s32 $0x1  }
0x39: {  	s22 =	simm.s32 $0x0;
	s3 =	sand.u32 $0x1, s3  }
0x3a: {  	s22 =	sand.u32 $0x1, s22;
	s30 =	sshll.u32 s3, $0xE  }
0x3b: {  	s3 =	sadd.s32 $0x1, s3;
	s31 =	sadd.s32 $0x1, s22;
	s30 =	sor.u32 $0x2800, s30  }
0x3c: {  	[tilespmem:s30], [sflag:s3] =	stream.indirect.gather [hbm4b:s5+s24], $0x80, s0, s24, $0xb8;
	[tilespmem:$0x1E800] =	vst v63  }
0x3d: {  	_ =	swait.ge [sflag:s31], $0x4000  }
0x3e: {  	s16 =	sshll.u32 s22, $0xE;
	[sflag:s31] =	ssyncset.done $0x0  }
0x3f: {  	s22 =	simm.s32 $0x1400;
	s0 =	sor.u32 $0x2800, s16;
	[sflag:s31] =	ssyncadd.s32 $0xFFFFC000  }
0x40: {  	[spmem:s1] =	stream.indirect.scatter.add.f32 [tilespmem:s0], [sflag:$0x3], $0x80, s22, s24, $0xb8;
	[tilespmem:$0x1E800] =	vst v63  }
0x41: {  	s3 =	simm.s32 $0x3;
	s30 =	simm.s32 $0x1480;
	s0 =	simm.s32 $0x2  }
0x42: {  	s31 =	simm.s32 $0x100;
	s22 =	sand.u32 $0x1, s0;
	_ =	swait.ge [sflag:s21], $0x4000  }
.LBB2_3:
0x43: {  	s10 =	sadd.s32 $0xFFFFFFFF, s0;
	s11 =	sshll.u32 s22, $0xE  }
0x44: {  	[sflag:s21] =	ssyncset.done $0x0;
	s0 =	smov.u32 s3;
	s22 =	sadd.s32 $0x1, s22  }
0x45: {  	p1 =	sne.s32 s3, $0x27;
	s10 =	sand.u32 $0x1, s10;
	s11 =	sor.u32 $0x2800, s11  }
0x46: {  	s16 =	sshll.u32 s10, $0xE;
	s10 =	sadd.s32 $0x1, s10;
	[sflag:s21] =	ssyncadd.s32 $0xFFFFC000  }
0x47: {  	[tilespmem:s11], [sflag:s22] =	stream.indirect.gather [hbm4b:s5+s24], $0x80, s31, s24, $0xb8;
	[tilespmem:$0x1E800] =	vst v63  }
.Ltmp3:
0x48: {  	s11 =	sadd.s32 $0x1, s3;
	_ =	swait.ge [sflag:s10], $0x4000;
	(pc) =	sbr.rel @p1 .LBB2_3-.Ltmp3, $4  }
0x49: {  	s3 =	sor.u32 $0x2800, s16;
	[sflag:s10] =	ssyncset.done $0x0  }
0x4a: {  	s31 =	sadd.s32 $0x80, s31;
	s22 =	sand.u32 $0x1, s0;
	[sflag:s10] =	ssyncadd.s32 $0xFFFFC000  }
0x4b: {  	[spmem:s1] =	stream.indirect.scatter.add.f32 [tilespmem:s3], [sflag:$0x3], $0x80, s30, s24, $0xb8;
	[tilespmem:$0x1E800] =	vst v63  }
0x4c: {  	s30 =	sadd.s32 $0x80, s30;
	s3 =	smov.u32 s11;
	_ =	swait.ge [sflag:s21], $0x4000  }
0x4d: {  	s0 =	sadd.s32 $0xFFFFFFFF, s0;
	s3 =	sshll.u32 s22, $0xE  }
0x4e: {  	[sflag:s21] =	ssyncset.done $0x0;
	s10 =	sadd.s32 $0x1, s22;
	s0 =	sand.u32 $0x1, s0  }
0x4f: {  	s3 =	sor.u32 $0x2800, s3;
	[sflag:s21] =	ssyncadd.s32 $0xFFFFC000;
	s11 =	sadd.s32 $0x1, s0  }
0x50: {  	[tilespmem:s3], [sflag:s10] =	stream.indirect.gather [hbm4b:s5+s24], $0x80, s31, s24, $0xb8;
	[tilespmem:$0x1E800] =	vst v63  }
0x51: {  	_ =	swait.ge [sflag:s11], $0x4000  }
0x52: {  	s0 =	sshll.u32 s0, $0xE;
	[sflag:s11] =	ssyncset.done $0x0  }
0x53: {  	s0 =	sor.u32 $0x2800, s0;
	[sflag:s11] =	ssyncadd.s32 $0xFFFFC000  }
0x54: {  	[spmem:s1] =	stream.indirect.scatter.add.f32 [tilespmem:s0], [sflag:$0x3], $0x80, s30, s24, $0xb8;
	[tilespmem:$0x1E800] =	vst v63  }
0x55: {  	_ =	swait.ge [sflag:s21], $0x4000  }
0x56: {  	[sflag:s21] =	ssyncset.done $0x0  }
0x57: {  	[sflag:s21] =	ssyncadd.s32 $0xFFFFC000  }
0x58: {  	_ =	swait.ge [sflag:s25], $0x4000  }
0x59: {  	[sflag:s25] =	ssyncset.done $0x0  }
0x5a: {  	s0 =	simm.s32 $0x80;
	[sflag:s25] =	ssyncadd.s32 $0xFFFFC000  }
0x5b: {  	[spmem:s1] =	stream.indirect.scatter.add.f32 [tilespmem:s28], [sflag:$0x3], $0x80, s26, s0, $0xb8;
	[tilespmem:$0x1E800] =	vst v63  }
0x5c: {  	_ =	swait.ge [sflag:s21], $0x4000  }
0x5d: {  	[sflag:s21] =	ssyncset.done $0x0  }
0x5e: {  	[sflag:s21] =	ssyncadd.s32 $0xFFFFC000  }
0x5f: {  	[tilespmem:s2], [sflag:$0x3] =	stream.linear.gather [hbm4b:s14+s2], $0x1400, $0x38;
	[tilespmem:$0x1E800] =	vst v63  }
0x60: {  	_ =	swait.ge [sflag:s21], $0x1400  }
0x61: {  	[sflag:s21] =	ssyncset.done $0x0  }
0x62: {  	s3 =	simm.s32 $0x1400;
	[sflag:s21] =	ssyncadd.s32 $0xFFFFEC00  }
0x63: {  	[tilespmem:s3], [sflag:$0x3] =	stream.linear.gather [hbm4b:s15+s2], $0x1400, $0x38;
	[tilespmem:$0x1E800] =	vst v63  }
0x64: {  	s16 =	simm.s32 $0x1;
	_ =	swait.ge [sflag:s21], $0x1400  }
0x65: {  	s22 =	simm.s32 $0x0;
	s10 =	sand.u32 $0x1, s16;
	[sflag:s21] =	ssyncset.done $0x0  }
0x66: {  	s16 =	sshll.u32 s10, $0xE;
	s11 =	sand.u32 $0x1, s22;
	[sflag:s21] =	ssyncadd.s32 $0xFFFFEC00  }
0x67: {  	[tilespmem:s23], [sflag:$0x1] =	stream.indirect.gather [hbm4b:s5+s0], $0x80, s2, s0, $0xb8;
	[tilespmem:$0x1E800] =	vst v63  }
0x68: {  	s10 =	sadd.s32 $0x1, s10;
	s16 =	sor.u32 $0x2800, s16;
	s22 =	sadd.s32 $0x1, s11  }
0x69: {  	[tilespmem:s16], [sflag:s10] =	stream.indirect.gather [hbm4b:s5+s24], $0x80, s0, s24, $0xb8;
	[tilespmem:$0x1E800] =	vst v63  }
0x6a: {  	_ =	swait.ge [sflag:s22], $0x4000  }
0x6b: {  	s16 =	sshll.u32 s11, $0xE;
	[sflag:s22] =	ssyncset.done $0x0  }
0x6c: {  	s0 =	sor.u32 $0x2800, s16;
	[sflag:s22] =	ssyncadd.s32 $0xFFFFC000  }
0x6d: {  	[spmem:s1] =	stream.indirect.scatter.add.f32 [tilespmem:s0], [sflag:$0x3], $0x80, s3, s24, $0xb8;
	[tilespmem:$0x1E800] =	vst v63  }
0x6e: {  	s31 =	simm.s32 $0x100;
	s30 =	simm.s32 $0x1480;
	s0 =	simm.s32 $0x2  }
0x6f: {  	s3 =	simm.s32 $0x3;
	s22 =	sand.u32 $0x1, s0;
	_ =	swait.ge [sflag:s21], $0x4000  }
.LBB2_5:
0x70: {  	s10 =	sadd.s32 $0xFFFFFFFF, s0;
	s11 =	sshll.u32 s22, $0xE  }
0x71: {  	[sflag:s21] =	ssyncset.done $0x0;
	s0 =	smov.u32 s3;
	s16 =	sadd.s32 $0x1, s22  }
0x72: {  	p1 =	sne.s32 s3, $0x27;
	s10 =	sand.u32 $0x1, s10;
	s11 =	sor.u32 $0x2800, s11  }
0x73: {  	s22 =	sshll.u32 s10, $0xE;
	s10 =	sadd.s32 $0x1, s10;
	[sflag:s21] =	ssyncadd.s32 $0xFFFFC000  }
0x74: {  	[tilespmem:s11], [sflag:s16] =	stream.indirect.gather [hbm4b:s5+s24], $0x80, s31, s24, $0xb8;
	[tilespmem:$0x1E800] =	vst v63  }
.Ltmp4:
0x75: {  	s11 =	sadd.s32 $0x1, s3;
	_ =	swait.ge [sflag:s10], $0x4000;
	(pc) =	sbr.rel @p1 .LBB2_5-.Ltmp4, $4  }
0x76: {  	s3 =	sor.u32 $0x2800, s22;
	[sflag:s10] =	ssyncset.done $0x0  }
0x77: {  	s31 =	sadd.s32 $0x80, s31;
	s22 =	sand.u32 $0x1, s0;
	[sflag:s10] =	ssyncadd.s32 $0xFFFFC000  }
0x78: {  	[spmem:s1] =	stream.indirect.scatter.add.f32 [tilespmem:s3], [sflag:$0x3], $0x80, s30, s24, $0xb8;
	[tilespmem:$0x1E800] =	vst v63  }
0x79: {  	s30 =	sadd.s32 $0x80, s30;
	s3 =	smov.u32 s11;
	_ =	swait.ge [sflag:s21], $0x4000  }
0x7a: {  	s0 =	sadd.s32 $0xFFFFFFFF, s0;
	s3 =	sshll.u32 s22, $0xE  }
0x7b: {  	[sflag:s21] =	ssyncset.done $0x0;
	s10 =	sadd.s32 $0x1, s22;
	s0 =	sand.u32 $0x1, s0  }
0x7c: {  	s3 =	sor.u32 $0x2800, s3;
	[sflag:s21] =	ssyncadd.s32 $0xFFFFC000;
	s11 =	sadd.s32 $0x1, s0  }
0x7d: {  	[tilespmem:s3], [sflag:s10] =	stream.indirect.gather [hbm4b:s5+s24], $0x80, s31, s24, $0xb8;
	[tilespmem:$0x1E800] =	vst v63  }
0x7e: {  	_ =	swait.ge [sflag:s11], $0x4000  }
0x7f: {  	s0 =	sshll.u32 s0, $0xE;
	[sflag:s11] =	ssyncset.done $0x0  }
0x80: {  	s0 =	sor.u32 $0x2800, s0;
	[sflag:s11] =	ssyncadd.s32 $0xFFFFC000  }
0x81: {  	[spmem:s1] =	stream.indirect.scatter.add.f32 [tilespmem:s0], [sflag:$0x3], $0x80, s30, s24, $0xb8;
	[tilespmem:$0x1E800] =	vst v63  }
0x82: {  	_ =	swait.ge [sflag:s21], $0x4000  }
0x83: {  	[sflag:s21] =	ssyncset.done $0x0  }
0x84: {  	[sflag:s21] =	ssyncadd.s32 $0xFFFFC000  }
0x85: {  	_ =	swait.ge [sflag:s25], $0x4000  }
0x86: {  	[sflag:s25] =	ssyncset.done $0x0  }
0x87: {  	s0 =	simm.s32 $0x80;
	[sflag:s25] =	ssyncadd.s32 $0xFFFFC000  }
0x88: {  	[spmem:s1] =	stream.indirect.scatter.add.f32 [tilespmem:s28], [sflag:$0x3], $0x80, s26, s0, $0xb8;
	[tilespmem:$0x1E800] =	vst v63  }
0x89: {  	_ =	swait.ge [sflag:s21], $0x4000  }
0x8a: {  	[sflag:s21] =	ssyncset.done $0x0  }
0x8b: {  	[sflag:s21] =	ssyncadd.s32 $0xFFFFC000  }
0x8c: {  	[bflag:$0x0] =	sbarrier.arrive $0xFFFF  }
0x8d: {  	[hbm:s17], [sflag:s19] =	dma.local [spmem:s20], $0x2800  }
0x8e: {  	_ =	swait.ge [sflag:s21], $0x2800  }
0x8f: {  	[sflag:s21] =	ssyncset.done $0x0  }
0x90: {  	[sflag:s21] =	ssyncadd.s32 $0xFFFFD800  }
0x91: {  	[spmem:s20], [sflag:s19] =	dma.local [hbm:s4], $0x2800  }
0x92: {  	_ =	swait.ge [sflag:s21], $0x2800  }
0x93: {  	[sflag:s21] =	ssyncset.done $0x0  }
0x94: {  	[sflag:s21] =	ssyncadd.s32 $0xFFFFD800  }
0x95: {  	[bflag:$0x0] =	sbarrier.arrive $0xFFFF  }
0x96: {  	[tilespmem:s2], [sflag:$0x3] =	stream.linear.gather [hbm4b:s12+s2], $0x1400, $0x38;
	[tilespmem:$0x1E800] =	vst v63  }
0x97: {  	_ =	swait.ge [sflag:s21], $0x1400  }
0x98: {  	[sflag:s21] =	ssyncset.done $0x0  }
0x99: {  	s3 =	simm.s32 $0x1400;
	[sflag:s21] =	ssyncadd.s32 $0xFFFFEC00  }
0x9a: {  	[tilespmem:s3], [sflag:$0x3] =	stream.linear.gather [hbm4b:s13+s2], $0x1400, $0x38;
	[tilespmem:$0x1E800] =	vst v63  }
0x9b: {  	s16 =	simm.s32 $0x1;
	_ =	swait.ge [sflag:s21], $0x1400  }
0x9c: {  	s22 =	simm.s32 $0x0;
	s10 =	sand.u32 $0x1, s16;
	[sflag:s21] =	ssyncset.done $0x0  }
0x9d: {  	s16 =	sshll.u32 s10, $0xE;
	s11 =	sand.u32 $0x1, s22;
	[sflag:s21] =	ssyncadd.s32 $0xFFFFEC00  }
0x9e: {  	[tilespmem:s23], [sflag:$0x1] =	stream.indirect.gather [hbm4b:s7+s0], $0x80, s2, s0, $0xb8;
	[tilespmem:$0x1E800] =	vst v63  }
0x9f: {  	s10 =	sadd.s32 $0x1, s10;
	s16 =	sor.u32 $0x2800, s16;
	s22 =	sadd.s32 $0x1, s11  }
0xa0: {  	[tilespmem:s16], [sflag:s10] =	stream.indirect.gather [hbm4b:s7+s24], $0x80, s0, s24, $0xb8;
	[tilespmem:$0x1E800] =	vst v63  }
0xa1: {  	_ =	swait.ge [sflag:s22], $0x4000  }
0xa2: {  	s16 =	sshll.u32 s11, $0xE;
	[sflag:s22] =	ssyncset.done $0x0  }
0xa3: {  	s0 =	sor.u32 $0x2800, s16;
	[sflag:s22] =	ssyncadd.s32 $0xFFFFC000  }
0xa4: {  	[spmem:s1] =	stream.indirect.scatter.add.f32 [tilespmem:s0], [sflag:$0x3], $0x80, s3, s24, $0xb8;
	[tilespmem:$0x1E800] =	vst v63  }
0xa5: {  	s31 =	simm.s32 $0x100;
	s30 =	simm.s32 $0x1480;
	s0 =	simm.s32 $0x2  }
0xa6: {  	s3 =	simm.s32 $0x3;
	s22 =	sand.u32 $0x1, s0;
	_ =	swait.ge [sflag:s21], $0x4000  }
.LBB2_7:
0xa7: {  	s10 =	sadd.s32 $0xFFFFFFFF, s0;
	s11 =	sshll.u32 s22, $0xE  }
0xa8: {  	[sflag:s21] =	ssyncset.done $0x0;
	s0 =	smov.u32 s3;
	s16 =	sadd.s32 $0x1, s22  }
0xa9: {  	p1 =	sne.s32 s3, $0x27;
	s10 =	sand.u32 $0x1, s10;
	s11 =	sor.u32 $0x2800, s11  }
0xaa: {  	s22 =	sshll.u32 s10, $0xE;
	s10 =	sadd.s32 $0x1, s10;
	[sflag:s21] =	ssyncadd.s32 $0xFFFFC000  }
0xab: {  	[tilespmem:s11], [sflag:s16] =	stream.indirect.gather [hbm4b:s7+s24], $0x80, s31, s24, $0xb8;
	[tilespmem:$0x1E800] =	vst v63  }
.Ltmp5:
0xac: {  	s11 =	sadd.s32 $0x1, s3;
	_ =	swait.ge [sflag:s10], $0x4000;
	(pc) =	sbr.rel @p1 .LBB2_7-.Ltmp5, $4  }
0xad: {  	s3 =	sor.u32 $0x2800, s22;
	[sflag:s10] =	ssyncset.done $0x0  }
0xae: {  	s31 =	sadd.s32 $0x80, s31;
	s22 =	sand.u32 $0x1, s0;
	[sflag:s10] =	ssyncadd.s32 $0xFFFFC000  }
0xaf: {  	[spmem:s1] =	stream.indirect.scatter.add.f32 [tilespmem:s3], [sflag:$0x3], $0x80, s30, s24, $0xb8;
	[tilespmem:$0x1E800] =	vst v63  }
0xb0: {  	s30 =	sadd.s32 $0x80, s30;
	s3 =	smov.u32 s11;
	_ =	swait.ge [sflag:s21], $0x4000  }
0xb1: {  	s0 =	sadd.s32 $0xFFFFFFFF, s0;
	s3 =	sshll.u32 s22, $0xE  }
0xb2: {  	[sflag:s21] =	ssyncset.done $0x0;
	s10 =	sadd.s32 $0x1, s22;
	s0 =	sand.u32 $0x1, s0  }
0xb3: {  	s3 =	sor.u32 $0x2800, s3;
	[sflag:s21] =	ssyncadd.s32 $0xFFFFC000;
	s11 =	sadd.s32 $0x1, s0  }
0xb4: {  	[tilespmem:s3], [sflag:s10] =	stream.indirect.gather [hbm4b:s7+s24], $0x80, s31, s24, $0xb8;
	[tilespmem:$0x1E800] =	vst v63  }
0xb5: {  	_ =	swait.ge [sflag:s11], $0x4000  }
0xb6: {  	s0 =	sshll.u32 s0, $0xE;
	[sflag:s11] =	ssyncset.done $0x0  }
0xb7: {  	s0 =	sor.u32 $0x2800, s0;
	[sflag:s11] =	ssyncadd.s32 $0xFFFFC000  }
0xb8: {  	[spmem:s1] =	stream.indirect.scatter.add.f32 [tilespmem:s0], [sflag:$0x3], $0x80, s30, s24, $0xb8;
	[tilespmem:$0x1E800] =	vst v63  }
0xb9: {  	_ =	swait.ge [sflag:s21], $0x4000  }
0xba: {  	[sflag:s21] =	ssyncset.done $0x0  }
0xbb: {  	[sflag:s21] =	ssyncadd.s32 $0xFFFFC000  }
0xbc: {  	_ =	swait.ge [sflag:s25], $0x4000  }
0xbd: {  	[sflag:s25] =	ssyncset.done $0x0  }
0xbe: {  	s0 =	simm.s32 $0x80;
	[sflag:s25] =	ssyncadd.s32 $0xFFFFC000  }
0xbf: {  	[spmem:s1] =	stream.indirect.scatter.add.f32 [tilespmem:s28], [sflag:$0x3], $0x80, s26, s0, $0xb8;
	[tilespmem:$0x1E800] =	vst v63  }
0xc0: {  	_ =	swait.ge [sflag:s21], $0x4000  }
0xc1: {  	[sflag:s21] =	ssyncset.done $0x0  }
0xc2: {  	[sflag:s21] =	ssyncadd.s32 $0xFFFFC000  }
0xc3: {  	[tilespmem:s2], [sflag:$0x3] =	stream.linear.gather [hbm4b:s14+s2], $0x1400, $0x38;
	[tilespmem:$0x1E800] =	vst v63  }
0xc4: {  	_ =	swait.ge [sflag:s21], $0x1400  }
0xc5: {  	[sflag:s21] =	ssyncset.done $0x0  }
0xc6: {  	s3 =	simm.s32 $0x1400;
	[sflag:s21] =	ssyncadd.s32 $0xFFFFEC00  }
0xc7: {  	[tilespmem:s3], [sflag:$0x3] =	stream.linear.gather [hbm4b:s15+s2], $0x1400, $0x38;
	[tilespmem:$0x1E800] =	vst v63  }
0xc8: {  	s16 =	simm.s32 $0x1;
	_ =	swait.ge [sflag:s21], $0x1400  }
0xc9: {  	s22 =	simm.s32 $0x0;
	s10 =	sand.u32 $0x1, s16;
	[sflag:s21] =	ssyncset.done $0x0  }
0xca: {  	s16 =	sshll.u32 s10, $0xE;
	s11 =	sand.u32 $0x1, s22;
	[sflag:s21] =	ssyncadd.s32 $0xFFFFEC00  }
0xcb: {  	[tilespmem:s23], [sflag:$0x1] =	stream.indirect.gather [hbm4b:s7+s0], $0x80, s2, s0, $0xb8;
	[tilespmem:$0x1E800] =	vst v63  }
0xcc: {  	s10 =	sadd.s32 $0x1, s10;
	s16 =	sor.u32 $0x2800, s16;
	s22 =	sadd.s32 $0x1, s11  }
0xcd: {  	[tilespmem:s16], [sflag:s10] =	stream.indirect.gather [hbm4b:s7+s24], $0x80, s0, s24, $0xb8;
	[tilespmem:$0x1E800] =	vst v63  }
0xce: {  	_ =	swait.ge [sflag:s22], $0x4000  }
0xcf: {  	s16 =	sshll.u32 s11, $0xE;
	[sflag:s22] =	ssyncset.done $0x0  }
0xd0: {  	s0 =	sor.u32 $0x2800, s16;
	[sflag:s22] =	ssyncadd.s32 $0xFFFFC000  }
0xd1: {  	[spmem:s1] =	stream.indirect.scatter.add.f32 [tilespmem:s0], [sflag:$0x3], $0x80, s3, s24, $0xb8;
	[tilespmem:$0x1E800] =	vst v63  }
0xd2: {  	s31 =	simm.s32 $0x100;
	s30 =	simm.s32 $0x1480;
	s0 =	simm.s32 $0x2  }
0xd3: {  	s3 =	simm.s32 $0x3;
	s22 =	sand.u32 $0x1, s0;
	_ =	swait.ge [sflag:s21], $0x4000  }
.LBB2_9:
0xd4: {  	s10 =	sadd.s32 $0xFFFFFFFF, s0;
	s11 =	sshll.u32 s22, $0xE  }
0xd5: {  	[sflag:s21] =	ssyncset.done $0x0;
	s0 =	smov.u32 s3;
	s16 =	sadd.s32 $0x1, s22  }
0xd6: {  	p1 =	sne.s32 s3, $0x27;
	s10 =	sand.u32 $0x1, s10;
	s11 =	sor.u32 $0x2800, s11  }
0xd7: {  	s22 =	sshll.u32 s10, $0xE;
	s10 =	sadd.s32 $0x1, s10;
	[sflag:s21] =	ssyncadd.s32 $0xFFFFC000  }
0xd8: {  	[tilespmem:s11], [sflag:s16] =	stream.indirect.gather [hbm4b:s7+s24], $0x80, s31, s24, $0xb8;
	[tilespmem:$0x1E800] =	vst v63  }
.Ltmp6:
0xd9: {  	s11 =	sadd.s32 $0x1, s3;
	_ =	swait.ge [sflag:s10], $0x4000;
	(pc) =	sbr.rel @p1 .LBB2_9-.Ltmp6, $4  }
0xda: {  	s3 =	sor.u32 $0x2800, s22;
	[sflag:s10] =	ssyncset.done $0x0  }
0xdb: {  	s31 =	sadd.s32 $0x80, s31;
	s22 =	sand.u32 $0x1, s0;
	[sflag:s10] =	ssyncadd.s32 $0xFFFFC000  }
0xdc: {  	[spmem:s1] =	stream.indirect.scatter.add.f32 [tilespmem:s3], [sflag:$0x3], $0x80, s30, s24, $0xb8;
	[tilespmem:$0x1E800] =	vst v63  }
0xdd: {  	s30 =	sadd.s32 $0x80, s30;
	s3 =	smov.u32 s11;
	_ =	swait.ge [sflag:s21], $0x4000  }
0xde: {  	s0 =	sadd.s32 $0xFFFFFFFF, s0;
	s3 =	sshll.u32 s22, $0xE  }
0xdf: {  	[sflag:s21] =	ssyncset.done $0x0;
	s10 =	sadd.s32 $0x1, s22;
	s0 =	sand.u32 $0x1, s0  }
0xe0: {  	s3 =	sor.u32 $0x2800, s3;
	[sflag:s21] =	ssyncadd.s32 $0xFFFFC000;
	s11 =	sadd.s32 $0x1, s0  }
0xe1: {  	[tilespmem:s3], [sflag:s10] =	stream.indirect.gather [hbm4b:s7+s24], $0x80, s31, s24, $0xb8;
	[tilespmem:$0x1E800] =	vst v63  }
0xe2: {  	_ =	swait.ge [sflag:s11], $0x4000  }
0xe3: {  	s0 =	sshll.u32 s0, $0xE;
	[sflag:s11] =	ssyncset.done $0x0  }
0xe4: {  	s0 =	sor.u32 $0x2800, s0;
	[sflag:s11] =	ssyncadd.s32 $0xFFFFC000  }
0xe5: {  	[spmem:s1] =	stream.indirect.scatter.add.f32 [tilespmem:s0], [sflag:$0x3], $0x80, s30, s24, $0xb8;
	[tilespmem:$0x1E800] =	vst v63  }
0xe6: {  	_ =	swait.ge [sflag:s21], $0x4000  }
0xe7: {  	[sflag:s21] =	ssyncset.done $0x0  }
.Ltmp7:
0xe8: {  	[sflag:s21] =	ssyncadd.s32 $0xFFFFC000;
	(pc) =	sbr.rel .LBB2_20-.Ltmp7, $4  }
0xe9: {  	_ =	swait.ge [sflag:s25], $0x4000  }
0xea: {  	[sflag:s25] =	ssyncset.done $0x0  }
0xeb: {  	s0 =	rddreg [dreg:$0x3];
	[sflag:s25] =	ssyncadd.s32 $0xFFFFC000  }
0xec: {  	[spmem:s1] =	stream.indirect.scatter.add.f32 [tilespmem:s28], [sflag:$0x3], $0x80, s26, s24, $0xb8;
	[tilespmem:$0x1E800] =	vst v63  }
.LBB2_11:
0xed: {  	[tilespmem:s23], [sflag:$0x1] =	stream.indirect.gather [hbm4b:s8+s0], $0x80, s2, s0, $0xb8;
	[tilespmem:$0x1E800] =	vst v63  }
0xee: {  	s3 =	simm.s32 $0x1  }
0xef: {  	s10 =	simm.s32 $0x0;
	s3 =	sand.u32 $0x1, s3  }
0xf0: {  	s10 =	sand.u32 $0x1, s10;
	s11 =	sshll.u32 s3, $0xE  }
0xf1: {  	s3 =	sadd.s32 $0x1, s3;
	s16 =	sadd.s32 $0x1, s10;
	s11 =	sor.u32 $0x2800, s11  }
0xf2: {  	[tilespmem:s11], [sflag:s3] =	stream.indirect.gather [hbm4b:s8+s24], $0x80, s0, s24, $0xb8;
	[tilespmem:$0x1E800] =	vst v63  }
0xf3: {  	_ =	swait.ge [sflag:s16], $0x4000  }
0xf4: {  	s11 =	sshll.u32 s10, $0xE;
	[sflag:s16] =	ssyncset.done $0x0  }
0xf5: {  	s22 =	simm.s32 $0x1400;
	s0 =	sor.u32 $0x2800, s11;
	[sflag:s16] =	ssyncadd.s32 $0xFFFFC000  }
0xf6: {  	[spmem:s1] =	stream.indirect.scatter.add.f32 [tilespmem:s0], [sflag:$0x3], $0x80, s22, s24, $0xb8;
	[tilespmem:$0x1E800] =	vst v63  }
0xf7: {  	s31 =	simm.s32 $0x100;
	s30 =	simm.s32 $0x1480;
	s0 =	simm.s32 $0x2  }
0xf8: {  	s3 =	simm.s32 $0x3;
	s22 =	sand.u32 $0x1, s0;
	_ =	swait.ge [sflag:s21], $0x4000  }
.LBB2_12:
0xf9: {  	s10 =	sadd.s32 $0xFFFFFFFF, s0;
	s11 =	sshll.u32 s22, $0xE  }
0xfa: {  	[sflag:s21] =	ssyncset.done $0x0;
	s0 =	smov.u32 s3;
	s16 =	sadd.s32 $0x1, s22  }
0xfb: {  	p1 =	sne.s32 s3, $0x27;
	s10 =	sand.u32 $0x1, s10;
	s11 =	sor.u32 $0x2800, s11  }
0xfc: {  	s22 =	sshll.u32 s10, $0xE;
	s10 =	sadd.s32 $0x1, s10;
	[sflag:s21] =	ssyncadd.s32 $0xFFFFC000  }
0xfd: {  	[tilespmem:s11], [sflag:s16] =	stream.indirect.gather [hbm4b:s8+s24], $0x80, s31, s24, $0xb8;
	[tilespmem:$0x1E800] =	vst v63  }
.Ltmp8:
0xfe: {  	s11 =	sadd.s32 $0x1, s3;
	_ =	swait.ge [sflag:s10], $0x4000;
	(pc) =	sbr.rel @p1 .LBB2_12-.Ltmp8, $4  }
0xff: {  	s3 =	sor.u32 $0x2800, s22;
	[sflag:s10] =	ssyncset.done $0x0  }
0x100: {  	s31 =	sadd.s32 $0x80, s31;
	s22 =	sand.u32 $0x1, s0;
	[sflag:s10] =	ssyncadd.s32 $0xFFFFC000  }
0x101: {  	[spmem:s1] =	stream.indirect.scatter.add.f32 [tilespmem:s3], [sflag:$0x3], $0x80, s30, s24, $0xb8;
	[tilespmem:$0x1E800] =	vst v63  }
0x102: {  	s30 =	sadd.s32 $0x80, s30;
	s3 =	smov.u32 s11;
	_ =	swait.ge [sflag:s21], $0x4000  }
0x103: {  	s0 =	sadd.s32 $0xFFFFFFFF, s0;
	s3 =	sshll.u32 s22, $0xE  }
0x104: {  	[sflag:s21] =	ssyncset.done $0x0;
	s10 =	sadd.s32 $0x1, s22;
	s0 =	sand.u32 $0x1, s0  }
0x105: {  	s3 =	sor.u32 $0x2800, s3;
	[sflag:s21] =	ssyncadd.s32 $0xFFFFC000;
	s11 =	sadd.s32 $0x1, s0  }
0x106: {  	[tilespmem:s3], [sflag:s10] =	stream.indirect.gather [hbm4b:s8+s24], $0x80, s31, s24, $0xb8;
	[tilespmem:$0x1E800] =	vst v63  }
0x107: {  	_ =	swait.ge [sflag:s11], $0x4000  }
0x108: {  	s0 =	sshll.u32 s0, $0xE;
	[sflag:s11] =	ssyncset.done $0x0  }
0x109: {  	s0 =	sor.u32 $0x2800, s0;
	[sflag:s11] =	ssyncadd.s32 $0xFFFFC000  }
0x10a: {  	[spmem:s1] =	stream.indirect.scatter.add.f32 [tilespmem:s0], [sflag:$0x3], $0x80, s30, s24, $0xb8;
	[tilespmem:$0x1E800] =	vst v63  }
0x10b: {  	_ =	swait.ge [sflag:s21], $0x4000  }
0x10c: {  	[sflag:s21] =	ssyncset.done $0x0  }
0x10d: {  	[sflag:s21] =	ssyncadd.s32 $0xFFFFC000  }
0x10e: {  	_ =	swait.ge [sflag:s25], $0x4000  }
0x10f: {  	[sflag:s25] =	ssyncset.done $0x0  }
0x110: {  	s0 =	simm.s32 $0x80;
	[sflag:s25] =	ssyncadd.s32 $0xFFFFC000  }
0x111: {  	[spmem:s1] =	stream.indirect.scatter.add.f32 [tilespmem:s28], [sflag:$0x3], $0x80, s26, s0, $0xb8;
	[tilespmem:$0x1E800] =	vst v63  }
0x112: {  	_ =	swait.ge [sflag:s21], $0x4000  }
0x113: {  	[sflag:s21] =	ssyncset.done $0x0  }
0x114: {  	[sflag:s21] =	ssyncadd.s32 $0xFFFFC000  }
0x115: {  	[tilespmem:s2], [sflag:$0x3] =	stream.linear.gather [hbm4b:s14+s2], $0x1400, $0x38;
	[tilespmem:$0x1E800] =	vst v63  }
0x116: {  	_ =	swait.ge [sflag:s21], $0x1400  }
0x117: {  	[sflag:s21] =	ssyncset.done $0x0  }
0x118: {  	s3 =	simm.s32 $0x1400;
	[sflag:s21] =	ssyncadd.s32 $0xFFFFEC00  }
0x119: {  	[tilespmem:s3], [sflag:$0x3] =	stream.linear.gather [hbm4b:s15+s2], $0x1400, $0x38;
	[tilespmem:$0x1E800] =	vst v63  }
0x11a: {  	s16 =	simm.s32 $0x1;
	_ =	swait.ge [sflag:s21], $0x1400  }
0x11b: {  	s22 =	simm.s32 $0x0;
	s10 =	sand.u32 $0x1, s16;
	[sflag:s21] =	ssyncset.done $0x0  }
0x11c: {  	s16 =	sshll.u32 s10, $0xE;
	s11 =	sand.u32 $0x1, s22;
	[sflag:s21] =	ssyncadd.s32 $0xFFFFEC00  }
0x11d: {  	[tilespmem:s23], [sflag:$0x1] =	stream.indirect.gather [hbm4b:s8+s0], $0x80, s2, s0, $0xb8;
	[tilespmem:$0x1E800] =	vst v63  }
0x11e: {  	s10 =	sadd.s32 $0x1, s10;
	s16 =	sor.u32 $0x2800, s16;
	s22 =	sadd.s32 $0x1, s11  }
0x11f: {  	[tilespmem:s16], [sflag:s10] =	stream.indirect.gather [hbm4b:s8+s24], $0x80, s0, s24, $0xb8;
	[tilespmem:$0x1E800] =	vst v63  }
0x120: {  	_ =	swait.ge [sflag:s22], $0x4000  }
0x121: {  	s16 =	sshll.u32 s11, $0xE;
	[sflag:s22] =	ssyncset.done $0x0  }
0x122: {  	s0 =	sor.u32 $0x2800, s16;
	[sflag:s22] =	ssyncadd.s32 $0xFFFFC000  }
0x123: {  	[spmem:s1] =	stream.indirect.scatter.add.f32 [tilespmem:s0], [sflag:$0x3], $0x80, s3, s24, $0xb8;
	[tilespmem:$0x1E800] =	vst v63  }
0x124: {  	s31 =	simm.s32 $0x100;
	s30 =	simm.s32 $0x1480;
	s0 =	simm.s32 $0x2  }
0x125: {  	s3 =	simm.s32 $0x3;
	s22 =	sand.u32 $0x1, s0;
	_ =	swait.ge [sflag:s21], $0x4000  }
.LBB2_14:
0x126: {  	s10 =	sadd.s32 $0xFFFFFFFF, s0;
	s11 =	sshll.u32 s22, $0xE  }
0x127: {  	[sflag:s21] =	ssyncset.done $0x0;
	s0 =	smov.u32 s3;
	s16 =	sadd.s32 $0x1, s22  }
0x128: {  	p1 =	seq.s32 s3, $0x27;
	s10 =	sand.u32 $0x1, s10;
	s11 =	sor.u32 $0x2800, s11  }
0x129: {  	s22 =	sshll.u32 s10, $0xE;
	s10 =	sadd.s32 $0x1, s10;
	[sflag:s21] =	ssyncadd.s32 $0xFFFFC000  }
0x12a: {  	[tilespmem:s11], [sflag:s16] =	stream.indirect.gather [hbm4b:s8+s24], $0x80, s31, s24, $0xb8;
	[tilespmem:$0x1E800] =	vst v63  }
.Ltmp9:
0x12b: {  	s11 =	sadd.s32 $0x1, s3;
	_ =	swait.ge [sflag:s10], $0x4000;
	(pc) =	sbr.rel @!p1 .LBB2_14-.Ltmp9, $4  }
0x12c: {  	s3 =	sor.u32 $0x2800, s22;
	[sflag:s10] =	ssyncset.done $0x0  }
0x12d: {  	s31 =	sadd.s32 $0x80, s31;
	s22 =	sand.u32 $0x1, s0;
	[sflag:s10] =	ssyncadd.s32 $0xFFFFC000  }
0x12e: {  	[spmem:s1] =	stream.indirect.scatter.add.f32 [tilespmem:s3], [sflag:$0x3], $0x80, s30, s24, $0xb8;
	[tilespmem:$0x1E800] =	vst v63  }
0x12f: {  	s30 =	sadd.s32 $0x80, s30;
	s3 =	smov.u32 s11;
	_ =	swait.ge [sflag:s21], $0x4000  }
0x130: {  	s0 =	sadd.s32 $0xFFFFFFFF, s0;
	s3 =	sshll.u32 s22, $0xE  }
0x131: {  	[sflag:s21] =	ssyncset.done $0x0;
	s10 =	sadd.s32 $0x1, s22;
	s0 =	sand.u32 $0x1, s0  }
0x132: {  	s3 =	sor.u32 $0x2800, s3;
	[sflag:s21] =	ssyncadd.s32 $0xFFFFC000;
	s11 =	sadd.s32 $0x1, s0  }
0x133: {  	[tilespmem:s3], [sflag:s10] =	stream.indirect.gather [hbm4b:s8+s24], $0x80, s31, s24, $0xb8;
	[tilespmem:$0x1E800] =	vst v63  }
0x134: {  	_ =	swait.ge [sflag:s11], $0x4000  }
0x135: {  	s0 =	sshll.u32 s0, $0xE;
	[sflag:s11] =	ssyncset.done $0x0  }
0x136: {  	s0 =	sor.u32 $0x2800, s0;
	[sflag:s11] =	ssyncadd.s32 $0xFFFFC000  }
0x137: {  	[spmem:s1] =	stream.indirect.scatter.add.f32 [tilespmem:s0], [sflag:$0x3], $0x80, s30, s24, $0xb8;
	[tilespmem:$0x1E800] =	vst v63  }
0x138: {  	_ =	swait.ge [sflag:s21], $0x4000  }
0x139: {  	[sflag:s21] =	ssyncset.done $0x0  }
0x13a: {  	[sflag:s21] =	ssyncadd.s32 $0xFFFFC000  }
0x13b: {  	_ =	swait.ge [sflag:s25], $0x4000  }
0x13c: {  	[sflag:s25] =	ssyncset.done $0x0  }
0x13d: {  	s0 =	simm.s32 $0x80;
	[sflag:s25] =	ssyncadd.s32 $0xFFFFC000  }
0x13e: {  	[spmem:s1] =	stream.indirect.scatter.add.f32 [tilespmem:s28], [sflag:$0x3], $0x80, s26, s0, $0xb8;
	[tilespmem:$0x1E800] =	vst v63  }
0x13f: {  	_ =	swait.ge [sflag:s21], $0x4000  }
0x140: {  	[sflag:s21] =	ssyncset.done $0x0  }
0x141: {  	[sflag:s21] =	ssyncadd.s32 $0xFFFFC000  }
0x142: {  	[bflag:$0x0] =	sbarrier.arrive $0xFFFF  }
0x143: {  	s11 =	rddreg [dreg:$0x5]  }
0x144: {  	[hbm:s11], [sflag:s19] =	dma.local [spmem:s20], $0x2800  }
0x145: {  	_ =	swait.ge [sflag:s21], $0x2800  }
0x146: {  	[sflag:s21] =	ssyncset.done $0x0  }
0x147: {  	[sflag:s21] =	ssyncadd.s32 $0xFFFFD800  }
0x148: {  	[spmem:s20], [sflag:s19] =	dma.local [hbm:s4], $0x2800  }
0x149: {  	_ =	swait.ge [sflag:s21], $0x2800  }
0x14a: {  	[sflag:s21] =	ssyncset.done $0x0  }
0x14b: {  	[sflag:s21] =	ssyncadd.s32 $0xFFFFD800  }
0x14c: {  	[bflag:$0x0] =	sbarrier.arrive $0xFFFF  }
0x14d: {  	[tilespmem:s2], [sflag:$0x3] =	stream.linear.gather [hbm4b:s12+s2], $0x1400, $0x38;
	[tilespmem:$0x1E800] =	vst v63  }
0x14e: {  	_ =	swait.ge [sflag:s21], $0x1400  }
0x14f: {  	[sflag:s21] =	ssyncset.done $0x0  }
0x150: {  	s3 =	simm.s32 $0x1400;
	[sflag:s21] =	ssyncadd.s32 $0xFFFFEC00  }
0x151: {  	[tilespmem:s3], [sflag:$0x3] =	stream.linear.gather [hbm4b:s13+s2], $0x1400, $0x38;
	[tilespmem:$0x1E800] =	vst v63  }
0x152: {  	s16 =	simm.s32 $0x1;
	_ =	swait.ge [sflag:s21], $0x1400  }
0x153: {  	s22 =	simm.s32 $0x0;
	s10 =	sand.u32 $0x1, s16;
	[sflag:s21] =	ssyncset.done $0x0  }
0x154: {  	s16 =	sshll.u32 s10, $0xE;
	s11 =	sand.u32 $0x1, s22;
	[sflag:s21] =	ssyncadd.s32 $0xFFFFEC00  }
0x155: {  	[tilespmem:s23], [sflag:$0x1] =	stream.indirect.gather [hbm4b:s9+s0], $0x80, s2, s0, $0xb8;
	[tilespmem:$0x1E800] =	vst v63  }
0x156: {  	s10 =	sadd.s32 $0x1, s10;
	s16 =	sor.u32 $0x2800, s16;
	s22 =	sadd.s32 $0x1, s11  }
0x157: {  	[tilespmem:s16], [sflag:s10] =	stream.indirect.gather [hbm4b:s9+s24], $0x80, s0, s24, $0xb8;
	[tilespmem:$0x1E800] =	vst v63  }
0x158: {  	_ =	swait.ge [sflag:s22], $0x4000  }
0x159: {  	s16 =	sshll.u32 s11, $0xE;
	[sflag:s22] =	ssyncset.done $0x0  }
0x15a: {  	s0 =	sor.u32 $0x2800, s16;
	[sflag:s22] =	ssyncadd.s32 $0xFFFFC000  }
0x15b: {  	[spmem:s1] =	stream.indirect.scatter.add.f32 [tilespmem:s0], [sflag:$0x3], $0x80, s3, s24, $0xb8;
	[tilespmem:$0x1E800] =	vst v63  }
0x15c: {  	s31 =	simm.s32 $0x100;
	s30 =	simm.s32 $0x1480;
	s0 =	simm.s32 $0x2  }
0x15d: {  	s3 =	simm.s32 $0x3;
	s22 =	sand.u32 $0x1, s0;
	_ =	swait.ge [sflag:s21], $0x4000  }
.LBB2_16:
0x15e: {  	s10 =	sadd.s32 $0xFFFFFFFF, s0;
	s11 =	sshll.u32 s22, $0xE  }
0x15f: {  	[sflag:s21] =	ssyncset.done $0x0;
	s0 =	smov.u32 s3;
	s16 =	sadd.s32 $0x1, s22  }
0x160: {  	p1 =	sne.s32 s3, $0x27;
	s10 =	sand.u32 $0x1, s10;
	s11 =	sor.u32 $0x2800, s11  }
0x161: {  	s22 =	sshll.u32 s10, $0xE;
	s10 =	sadd.s32 $0x1, s10;
	[sflag:s21] =	ssyncadd.s32 $0xFFFFC000  }
0x162: {  	[tilespmem:s11], [sflag:s16] =	stream.indirect.gather [hbm4b:s9+s24], $0x80, s31, s24, $0xb8;
	[tilespmem:$0x1E800] =	vst v63  }
.Ltmp10:
0x163: {  	s11 =	sadd.s32 $0x1, s3;
	_ =	swait.ge [sflag:s10], $0x4000;
	(pc) =	sbr.rel @p1 .LBB2_16-.Ltmp10, $4  }
0x164: {  	s3 =	sor.u32 $0x2800, s22;
	[sflag:s10] =	ssyncset.done $0x0  }
0x165: {  	s31 =	sadd.s32 $0x80, s31;
	s22 =	sand.u32 $0x1, s0;
	[sflag:s10] =	ssyncadd.s32 $0xFFFFC000  }
0x166: {  	[spmem:s1] =	stream.indirect.scatter.add.f32 [tilespmem:s3], [sflag:$0x3], $0x80, s30, s24, $0xb8;
	[tilespmem:$0x1E800] =	vst v63  }
0x167: {  	s30 =	sadd.s32 $0x80, s30;
	s3 =	smov.u32 s11;
	_ =	swait.ge [sflag:s21], $0x4000  }
0x168: {  	s0 =	sadd.s32 $0xFFFFFFFF, s0;
	s3 =	sshll.u32 s22, $0xE  }
0x169: {  	[sflag:s21] =	ssyncset.done $0x0;
	s10 =	sadd.s32 $0x1, s22;
	s0 =	sand.u32 $0x1, s0  }
0x16a: {  	s3 =	sor.u32 $0x2800, s3;
	[sflag:s21] =	ssyncadd.s32 $0xFFFFC000;
	s11 =	sadd.s32 $0x1, s0  }
0x16b: {  	[tilespmem:s3], [sflag:s10] =	stream.indirect.gather [hbm4b:s9+s24], $0x80, s31, s24, $0xb8;
	[tilespmem:$0x1E800] =	vst v63  }
0x16c: {  	_ =	swait.ge [sflag:s11], $0x4000  }
0x16d: {  	s0 =	sshll.u32 s0, $0xE;
	[sflag:s11] =	ssyncset.done $0x0  }
0x16e: {  	s0 =	sor.u32 $0x2800, s0;
	[sflag:s11] =	ssyncadd.s32 $0xFFFFC000  }
0x16f: {  	[spmem:s1] =	stream.indirect.scatter.add.f32 [tilespmem:s0], [sflag:$0x3], $0x80, s30, s24, $0xb8;
	[tilespmem:$0x1E800] =	vst v63  }
0x170: {  	_ =	swait.ge [sflag:s21], $0x4000  }
0x171: {  	[sflag:s21] =	ssyncset.done $0x0  }
0x172: {  	[sflag:s21] =	ssyncadd.s32 $0xFFFFC000  }
0x173: {  	_ =	swait.ge [sflag:s25], $0x4000  }
0x174: {  	[sflag:s25] =	ssyncset.done $0x0  }
0x175: {  	s0 =	simm.s32 $0x80;
	[sflag:s25] =	ssyncadd.s32 $0xFFFFC000  }
0x176: {  	[spmem:s1] =	stream.indirect.scatter.add.f32 [tilespmem:s28], [sflag:$0x3], $0x80, s26, s0, $0xb8;
	[tilespmem:$0x1E800] =	vst v63  }
0x177: {  	_ =	swait.ge [sflag:s21], $0x4000  }
0x178: {  	[sflag:s21] =	ssyncset.done $0x0  }
0x179: {  	[sflag:s21] =	ssyncadd.s32 $0xFFFFC000  }
0x17a: {  	[tilespmem:s2], [sflag:$0x3] =	stream.linear.gather [hbm4b:s14+s2], $0x1400, $0x38;
	[tilespmem:$0x1E800] =	vst v63  }
0x17b: {  	_ =	swait.ge [sflag:s21], $0x1400  }
0x17c: {  	[sflag:s21] =	ssyncset.done $0x0  }
0x17d: {  	s3 =	simm.s32 $0x1400;
	[sflag:s21] =	ssyncadd.s32 $0xFFFFEC00  }
0x17e: {  	[tilespmem:s3], [sflag:$0x3] =	stream.linear.gather [hbm4b:s15+s2], $0x1400, $0x38;
	[tilespmem:$0x1E800] =	vst v63  }
0x17f: {  	s16 =	simm.s32 $0x1;
	_ =	swait.ge [sflag:s21], $0x1400  }
0x180: {  	s22 =	simm.s32 $0x0;
	s10 =	sand.u32 $0x1, s16;
	[sflag:s21] =	ssyncset.done $0x0  }
0x181: {  	s16 =	sshll.u32 s10, $0xE;
	s11 =	sand.u32 $0x1, s22;
	[sflag:s21] =	ssyncadd.s32 $0xFFFFEC00  }
0x182: {  	[tilespmem:s23], [sflag:$0x1] =	stream.indirect.gather [hbm4b:s9+s0], $0x80, s2, s0, $0xb8;
	[tilespmem:$0x1E800] =	vst v63  }
0x183: {  	s10 =	sadd.s32 $0x1, s10;
	s16 =	sor.u32 $0x2800, s16;
	s22 =	sadd.s32 $0x1, s11  }
0x184: {  	[tilespmem:s16], [sflag:s10] =	stream.indirect.gather [hbm4b:s9+s24], $0x80, s0, s24, $0xb8;
	[tilespmem:$0x1E800] =	vst v63  }
0x185: {  	_ =	swait.ge [sflag:s22], $0x4000  }
0x186: {  	s16 =	sshll.u32 s11, $0xE;
	[sflag:s22] =	ssyncset.done $0x0  }
0x187: {  	s0 =	sor.u32 $0x2800, s16;
	[sflag:s22] =	ssyncadd.s32 $0xFFFFC000  }
0x188: {  	[spmem:s1] =	stream.indirect.scatter.add.f32 [tilespmem:s0], [sflag:$0x3], $0x80, s3, s24, $0xb8;
	[tilespmem:$0x1E800] =	vst v63  }
0x189: {  	s31 =	simm.s32 $0x100;
	s30 =	simm.s32 $0x1480;
	s0 =	simm.s32 $0x2  }
0x18a: {  	s3 =	simm.s32 $0x3;
	s22 =	sand.u32 $0x1, s0;
	_ =	swait.ge [sflag:s21], $0x4000  }
.LBB2_18:
0x18b: {  	s10 =	sadd.s32 $0xFFFFFFFF, s0;
	s11 =	sshll.u32 s22, $0xE  }
0x18c: {  	[sflag:s21] =	ssyncset.done $0x0;
	s0 =	smov.u32 s3;
	s16 =	sadd.s32 $0x1, s22  }
0x18d: {  	p1 =	sne.s32 s3, $0x27;
	s10 =	sand.u32 $0x1, s10;
	s11 =	sor.u32 $0x2800, s11  }
0x18e: {  	s22 =	sshll.u32 s10, $0xE;
	s10 =	sadd.s32 $0x1, s10;
	[sflag:s21] =	ssyncadd.s32 $0xFFFFC000  }
0x18f: {  	[tilespmem:s11], [sflag:s16] =	stream.indirect.gather [hbm4b:s9+s24], $0x80, s31, s24, $0xb8;
	[tilespmem:$0x1E800] =	vst v63  }
.Ltmp11:
0x190: {  	s11 =	sadd.s32 $0x1, s3;
	_ =	swait.ge [sflag:s10], $0x4000;
	(pc) =	sbr.rel @p1 .LBB2_18-.Ltmp11, $4  }
0x191: {  	s3 =	sor.u32 $0x2800, s22;
	[sflag:s10] =	ssyncset.done $0x0  }
0x192: {  	s31 =	sadd.s32 $0x80, s31;
	s22 =	sand.u32 $0x1, s0;
	[sflag:s10] =	ssyncadd.s32 $0xFFFFC000  }
0x193: {  	[spmem:s1] =	stream.indirect.scatter.add.f32 [tilespmem:s3], [sflag:$0x3], $0x80, s30, s24, $0xb8;
	[tilespmem:$0x1E800] =	vst v63  }
0x194: {  	s30 =	sadd.s32 $0x80, s30;
	s3 =	smov.u32 s11;
	_ =	swait.ge [sflag:s21], $0x4000  }
.Ltmp12:
0x195: {  	_ = 	snop;
	(pc) =	sbr.rel .LBB2_19-.Ltmp12, $1  }
0x196: {  	_ =	sdelay $0x3  }
.LBB2_21:
0x197: {  	_ =	sfence.sel $0x180000  }
0x198: {  	[bflag:$0x0] =	sbarrier.arrive $0xFFFF  }
0x199: {  	_ =	strace $0x9000004D  }
0x19a: {  	s0 =	stileid.u32;
	[bflag:$0x2] =	sbarrier.arrive $0xFFFF  }
0x19b: {  	p0 =	sne.s32 s0, $0x0;
	s0 =	rddreg [dreg:$0x2]  }
0x19c: {  	s0 =	sadd.s32 @!p0 $0x100000, s0  }
0x19d: {  	[sflag:s0] =	ssyncadd.tile.s32 @!p0 $0x1;
	_ =	shalt  }
.Lfunc_end2:
_tile_overlayer_lowered:
.L_overlay_start_2:
0x19e: {  	(tag) =	ssettag $0x2  }
0x19f: {  	s0 =	rddreg [dreg:$0x0];
	s2 =	stileid.u32  }
0x1a0: {  	s1 =	rddreg [dreg:$0x1];
	p0 =	sne.s32 s2, $0x0  }
0x1a1: {  	s3 =	rddreg [dreg:$0x2];
	[bflag:$0x3] =	sbarrier.arrive $0xFFFF;
	s2 =	simm.s32 @!p0 $0x1C03  }
0x1a2: {  	[timem:s3], [sflag:s2] =	dma.local @!p0 [hbm:s0], s1  }
0x1a3: {  	s0 =	simm.s32 @!p0 $0x3  }
0x1a4: {  	_ =	swait.ge @!p0 [sflag:s0], s1  }
0x1a5: {  	s1 =	ssub.s32 @!p0 $0x0, s1;
	[sflag:s0] =	ssyncset.done @!p0 $0x0  }
0x1a6: {  	[sflag:s0] =	ssyncadd.s32 @!p0 s1  }
0x1a7: {  	[bflag:$0x3] =	sbarrier.arrive $0xFFFF  }
0x1a8: {  	_ =	shalt  }

// kernel: kernel.19.cloned.1.call-start
scs
__scs_entry_jumppad:
0x0: {  	(pc) =	sbr.rel $0x88, $3  }
0x1: {  	(tag) =	ssettag $0x0;
	lr =	simm.s32 $0x1  }
0x2: {  	[smem:$0x3F92] =	sst lr;
	_ =	strace $0xD0000000  }
0x3: {  	_ = 	snop  }
0x4: {  	_ = 	snop  }
0x5: {  	_ = 	snop  }
0x6: {  	_ = 	snop  }
0x7: {  	_ = 	snop  }
__scs_overlays_trampoline_lowered:
0x8: {  	[smem:$0x3FA1] =	sst s0  }
0x9: {  	[smem:$0x3FA2] =	sst s1  }
0xa: {  	[smem:$0x3FA3] =	sst s2  }
0xb: {  	[smem:$0x3FA4] =	sst s3  }
0xc: {  	[smem:$0x3FA5] =	sst s4  }
0xd: {  	[smem:$0x3FA6] =	sst s5  }
0xe: {  	[smem:$0x3FA7] =	sst s6  }
0xf: {  	[smem:$0x3FA8] =	sst s7  }
0x10: {  	[smem:$0x3FA9] =	sst s8  }
0x11: {  	[smem:$0x3FAA] =	sst s9;
	s0 =	simm.s32 @!p0 $0x0  }
0x12: {  	s1 =	sld [smem:$0x3F90];
	s0 =	simm.s32 @p0 $0x1  }
0x13: {  	[smem:$0x3FAB] =	sst s0;
	s0 =	simm.s32 @!p1 $0x0  }
0x14: {  	s2 =	sld [smem:$0x3F8F];
	s0 =	simm.s32 @p1 $0x1  }
0x15: {  	[smem:$0x3FAC] =	sst s0;
	s0 =	simm.s32 @!p2 $0x0  }
0x16: {  	s3 =	sld [smem:$0x3FDB];
	s0 =	simm.s32 @p2 $0x1  }
0x17: {  	s4 =	simm.s32 $0x1BF5;
	[smem:$0x3FAE] =	sst s0  }
0x18: {  	s0 =	sld [smem:$0x3F91];
	_ =	swait.ge [sflag:s4], $0x0  }
0x19: {  	s7 =	sld [smem:$0x3F92]  }
0x1a: {  	s8 =	sadd.s32 $0xFFFFE003, lr  }
0x1b: {  	s9 =	sadd.s32 $0xFFFFFEF7, lr;
	s5 =	simm.s32 $0xFFFFFFFF;
	p2 =	slt.u32 s8, $0xFFFFF086  }
0x1c: {  	p1 =	slt.u32 s9, $0xF7A;
	s5 =	simm.s32 @!p2 $0x0  }
0x1d: {  	s5 =	simm.s32 @p1 $0x1;
	p0 =	seq.s32 s7, s2  }
0x1e: {  	s7 =	smul.u32 @!p0 $0xF7A, s2;
	p2 =	seq.s32 @!p0 s5, $0x0  }
0x1f: {  	s9 =	smul.u32 $0xF7A, s1;
	s8 =	simm.s32 @!p0 $0x1BF5;
	p2 =	por !p2, p0  }
0x20: {  	[sflag:s8] =	ssyncset.s32 @!p0 $0xFFFFF086;
	s6 =	sadd.s32 @!p0 s3, s7;
	s7 =	simm.s32 @!p0 $0x108  }
0x21: {  	s3 =	sadd.s32 s3, s9;
	s6 =	sadd.s32 @!p0 $0x88, s6;
	s7 =	simm.s32 @p2 $0x1082  }
0x22: {  	[simem:s7], [sflag:s8] =	dma.local @!p0 [hbm:s6], $0xF7A  }
0x23: {  	s9 =	sor.u32 $0xD0000000, s2;
	s6 =	simm.s32 $0x108;
	_ =	swait.ge @!p0 [sflag:s8], $0x0  }
0x24: {  	s3 =	sadd.s32 $0x88, s3;
	s6 =	simm.s32 @!p1 $0x1082;
	[sflag:s4] =	ssyncset.s32 $0xFFFFF086  }
0x25: {  	[simem:s6], [sflag:s4] =	dma.local [hbm:s3], $0xF7A  }
0x26: {  	[smem:$0x3F92] =	sst s1;
	(tag) =	ssettag s2;
	_ =	strace s9  }
0x27: {  	s1 =	sld [smem:$0x3FA2]  }
0x28: {  	s2 =	sld [smem:$0x3FA3]  }
0x29: {  	s4 =	sld [smem:$0x3FA5]  }
0x2a: {  	p0 =	seq.s32 s5, $0x0;
	s5 =	sld [smem:$0x3FA6]  }
0x2b: {  	s6 =	sld [smem:$0x3FA7]  }
0x2c: {  	s7 =	sld [smem:$0x3FA8]  }
0x2d: {  	s3 =	simm.s32 $0x108;
	s8 =	sld [smem:$0x3FA9]  }
0x2e: {  	s3 =	simm.s32 @!p0 $0x1082;
	s9 =	sld [smem:$0x3FAA]  }
0x2f: {  	lr =	sadd.s32 s0, s3;
	s0 =	sld [smem:$0x3FA1]  }
0x30: {  	s3 =	sld [smem:$0x3FA4]  }
0x31: {  	[smem:$0x3FAD] =	sst s10  }
0x32: {  	s10 =	sld [smem:$0x3FAB];
	_ =	sdelay $0x3  }
0x33: {  	p0 =	seq.s32 s10, $0x1;
	s10 =	sld [smem:$0x3FAD];
	_ =	sdelay $0x3  }
0x34: {  	[smem:$0x3FAD] =	sst s10  }
0x35: {  	s10 =	sld [smem:$0x3FAC];
	_ =	sdelay $0x3  }
0x36: {  	p1 =	seq.s32 s10, $0x1;
	s10 =	sld [smem:$0x3FAD];
	_ =	sdelay $0x3  }
0x37: {  	[smem:$0x3FAD] =	sst s10  }
0x38: {  	s10 =	sld [smem:$0x3FAE]  }
0x39: {  	_ = 	snop;
	(pc) =	sbr.ind lr, $3  }
0x3a: {  	_ = 	snop  }
0x3b: {  	_ = 	snop  }
0x3c: {  	p2 =	seq.s32 s10, $0x1;
	s10 =	sld [smem:$0x3FAD]  }
0x3d: {  	_ =	shalt  }
0x3e: {  	_ =	shalt  }
0x3f: {  	_ =	shalt  }
0x40: {  	_ =	shalt  }
0x41: {  	_ =	shalt  }
0x42: {  	_ =	shalt  }
0x43: {  	_ =	shalt  }
0x44: {  	_ =	shalt  }
0x45: {  	_ =	shalt  }
0x46: {  	_ =	shalt  }
0x47: {  	_ =	shalt  }
0x48: {  	_ =	shalt  }
0x49: {  	_ =	shalt  }
0x4a: {  	_ =	shalt  }
0x4b: {  	_ =	shalt  }
0x4c: {  	_ =	shalt  }
0x4d: {  	_ =	shalt  }
0x4e: {  	_ =	shalt  }
0x4f: {  	_ =	shalt  }
0x50: {  	_ =	shalt  }
0x51: {  	_ =	shalt  }
0x52: {  	_ =	shalt  }
0x53: {  	_ =	shalt  }
0x54: {  	_ =	shalt  }
0x55: {  	_ =	shalt  }
0x56: {  	_ =	shalt  }
0x57: {  	_ =	shalt  }
0x58: {  	_ =	shalt  }
0x59: {  	_ =	shalt  }
0x5a: {  	_ =	shalt  }
0x5b: {  	_ =	shalt  }
0x5c: {  	_ =	shalt  }
0x5d: {  	_ =	shalt  }
0x5e: {  	_ =	shalt  }
0x5f: {  	_ =	shalt  }
0x60: {  	_ =	shalt  }
0x61: {  	_ =	shalt  }
0x62: {  	_ =	shalt  }
0x63: {  	_ =	shalt  }
0x64: {  	_ =	shalt  }
0x65: {  	_ =	shalt  }
0x66: {  	_ =	shalt  }
0x67: {  	_ =	shalt  }
0x68: {  	_ =	shalt  }
0x69: {  	_ =	shalt  }
0x6a: {  	_ =	shalt  }
0x6b: {  	_ =	shalt  }
0x6c: {  	_ =	shalt  }
0x6d: {  	_ =	shalt  }
0x6e: {  	_ =	shalt  }
0x6f: {  	_ =	shalt  }
0x70: {  	_ =	shalt  }
0x71: {  	_ =	shalt  }
0x72: {  	_ =	shalt  }
0x73: {  	_ =	shalt  }
0x74: {  	_ =	shalt  }
0x75: {  	_ =	shalt  }
0x76: {  	_ =	shalt  }
0x77: {  	_ =	shalt  }
0x78: {  	_ =	shalt  }
0x79: {  	_ =	shalt  }
0x7a: {  	_ =	shalt  }
0x7b: {  	_ =	shalt  }
0x7c: {  	_ =	shalt  }
0x7d: {  	_ =	shalt  }
0x7e: {  	_ =	shalt  }
0x7f: {  	_ =	shalt  }
0x80: {  	_ =	shalt  }
0x81: {  	_ =	shalt  }
0x82: {  	_ =	shalt  }
0x83: {  	_ =	shalt  }
0x84: {  	_ =	shalt  }
0x85: {  	_ =	shalt  }
0x86: {  	_ =	shalt  }
0x87: {  	_ =	shalt  }
.Lfunc_end0:
.L_simem_size_0:
called_computation.3_lowered:
.L_overlay_start_0:
0x88: {  	s2 =	sld [smem:$0x3FD9]  }
0x89: {  	s3 =	sld [smem:$0x3FFE];
	_ =	sdelay $0x1  }
0x8a: {  	s1 =	srdreg.scid  }
0x8b: {  	s0 =	sand.u32 $0x1, s1  }
0x8c: {  	s16 =	sshll.u32 s0, $0xA;
	s2 =	sadd.s32 s3, s2  }
0x8d: {  	s2 =	sadd.s32 s2, s16  }
0x8e: {  	[smem:$0x3FB9] =	sst s2  }
0x8f: {  	_ = 	snop  }
0x90: {  	(tm) =	ssettm $0x1  }
0x91: {  	s17 =	sld [smem:$0x3FFB];
	_ =	sdelay $0x3  }
0x92: {  	_ =	strace s17  }
0x93: {  	s2 =	sld [smem:$0x3FFC];
	_ =	sdelay $0x3  }
0x94: {  	_ =	strace s2  }
0x95: {  	s2 =	sld [smem:$0x3FFD];
	_ =	sdelay $0x3  }
0x96: {  	_ =	strace s2  }
0x97: {  	_ =	strace $0x8FFFFFFF  }
0x98: {  	s18 =	sld [smem:$0x3FDB];
	_ =	sdelay $0x1  }
0x99: {  	s19 =	simm.s32 $_scs_section_size  }
0x9a: {  	s4 =	simm.s32 $_size__tile_overlayer_lowered;
	s5 =	simm.s32 $_tile_overlayer_lowered  }
0x9b: {  	s22 =	simm.s32 $0x1BFF;
	s21 =	sshll.u32 s5, $0x1;
	s2 =	sadd.s32 s19, s18  }
0x9c: {  	s6 =	simm.s32 $0x0;
	s20 =	sshll.u32 s4, $0x1;
	s4 =	sadd.s32 s21, s2  }
0x9d: {  	[timem:s6], [sflag:s22] =	dma.local [hbm:s4], s20  }
0x9e: {  	_ =	swait.ge [sflag:s22], s20  }
0x9f: {  	s3 =	ssub.s32 $0x0, s20;
	[sflag:s22] =	ssyncset.done $0x0  }
0xa0: {  	[sflag:s22] =	ssyncadd.s32 s3;
	_ =	sdelay $0x1  }
0xa1: {  	s23 =	simm.s32 $0x1B8B  }
0xa2: {  	_ =	swait.ge [sflag:s23], $0x1  }
0xa3: {  	[sflag:s23] =	ssyncset.done $0x0  }
0xa4: {  	s25 =	simm.s32 $0x1B8E;
	s24 =	sld [smem:$0x3FFE];
	[sflag:s23] =	ssyncadd.s32 $0xFFFFFFFF  }
0xa5: {  	s26 =	simm.s32 $execute0_lowered;
	[smem:$0x3FD2] =	sst s25  }
0xa6: {  	s4 =	sshll.u32 s26, $0x1;
	_ =	strace $0x8000004F;
	[dreg:$0x1] =	wrdreg $0xFFFFFFFF  }
0xa7: {  	s28 =	simm.s32 $_size_execute0_lowered;
	s2 =	sadd.s32 s2, s4;
	[dreg:$0x0] =	wrdreg $0x0  }
0xa8: {  	s4 =	sshll.u32 s28, $0x1;
	[dreg:$0x2] =	wrdreg s2  }
0xa9: {  	[dreg:$0x3] =	wrdreg s4  }
0xaa: {  	[dreg:$0x4] =	wrdreg $0xC0  }
0xab: {  	_ =	task [dreg:s6], $0x5FFFF  }
0xac: {  	[dreg:$0x1] =	wrdreg $0xFFFFFFFF  }
0xad: {  	[dreg:$0x0] =	wrdreg $0x60  }
0xae: {  	[dreg:$0x2] =	wrdreg s24  }
0xaf: {  	[dreg:$0x3] =	wrdreg $0xA8000  }
0xb0: {  	[dreg:$0x4] =	wrdreg $0x9  }
0xb1: {  	_ =	task.clear_ibuf [dreg:s6], $0x5FFFF;
	_ =	strace $0x9000004F  }
0xb2: {  	s29 =	simm.s32 $0x9;
	_ =	strace $0x80000051  }
0xb3: {  	_ =	swait.ge [sflag:s29], $0x1  }
0xb4: {  	[sflag:s29] =	ssyncadd.s32 $0xFFFFFFFF  }
0xb5: {  	_ =	strace $0x90000051  }
0xb6: {  	_ =	sfence  }
0xb7: {  	s30 =	sld [smem:$0x0];
	_ =	sdelay $0x2  }
0xb8: {  	s31 =	sshll.u32 s1, $0xD;
	s1 =	sshrl.u32 s1, $0x2  }
0xb9: {  	s3 =	sand.u32 $0x4000, s31;
	s1 =	sadd.s32 s1, s30  }
0xba: {  	s0 =	sor.u32 s3, s0;
	s1 =	sshll.u32 s1, $0x11  }
0xbb: {  	s0 =	sor.u32 s1, s0  }
0xbc: {  	s0 =	sadd.s32 $0x8F2B, s0  }
0xbd: {  	[sflag:s0] =	ssyncadd.remote.s32 $0x1  }
0xbe: {  	_ =	sfence.sel $0xFFFF  }
0xbf: {  	[dreg:$0x0] =	wrdreg $0xFFFFFFFF;
	(pc) =	sbr.abs _section_cstart, $3  }
0xc0: {  	[dreg:$0x1] =	wrdreg $0xFFFFFFFF  }
0xc1: {  	_ =	task.clear_ibuf [dreg:s6], $0x2FFFF;
	_ =	strace $0x9FFFFFFF  }
0xc2: {  	(tm) =	ssettm $0x7FFFFFFF  }
0xc3: {  	_ =	shalt  }
tec
execute0_lowered:
.L_overlay_start_1:
0x0: {  	(tag) =	ssettag $0x1  }
0x1: {  	s9 =	rddreg [dreg:$0x0]  }
0x2: {  	s1 =	rddreg [dreg:$0x1];
	s2 =	simm.s32 $0x0;
	s6 =	srdreg.scid  }
0x3: {  	s0 =	stileid.u32;
	s18 =	simm.s32 $0x1400;
	s19 =	simm.s32 $0x2800  }
0x4: {  	s20 =	simm.s32 $0x80;
	s21 =	simm.s32 $0x2;
	s22 =	simm.s32 $0x2780  }
0x5: {  	s23 =	simm.s32 $0x6800;
	s24 =	simm.s32 $0x0;
	[smem:$0x7FF] =	sst s2  }
0x6: {  	s12 =	sadd.s32 $0xAA00, s9;
	s13 =	sadd.s32 $0x5A00, s9;
	s4 =	sadd.s32 $0xFA00, s9  }
0x7: {  	s5 =	sadd.s32 $0x12200, s9;
	s10 =	sand.u32 $0x1, s6;
	s14 =	smul.u32 $0x50000, s0  }
0x8: {  	s6 =	sadd.s32 $0x3A200, s9;
	s7 =	sadd.s32 $0x62200, s9;
	s8 =	smul.u32 $0x2800, s0  }
0x9: {  	s9 =	sadd.s32 $0xB2200, s9;
	s29 =	smul.u32 $0x500, s0;
	s17 =	sshll.u32 s0, $0x6  }
0xa: {  	_ =	strace $0x80000050;
	s11 =	ssub.s32 $0x2, s10;
	p0 =	seq.s32 s10, $0x1  }
.Ltmp0:
0xb: {  	s15 =	sshrl.u32 s11, $0x1;
	s30 =	sshrl.u32 s14, $0x2;
	(pc) =	sbr.rel .LBB2_1-.Ltmp0, $4  }
0xc: {  	s31 =	sshrl.u32 s8, $0x3;
	s10 =	sadd.s32 s12, s29;
	s15 =	ssub.s32 s11, s15  }
0xd: {  	s16 =	sadd.s32 s30, s1;
	s14 =	sadd.s32 $0x280, s31;
	s11 =	sadd.s32 s13, s29  }
0xe: {  	s12 =	sadd.s32 s12, s14;
	s13 =	sadd.s32 s13, s14;
	s14 =	smax.u32 s15, $0x1  }
0xf: {  	s15 =	sor.u32 $0x1C03, s17;
	s16 =	sshrl.u32 s16, $0x3;
	s17 =	simm.s32 $0x3  }
.LBB2_11:
0x10: {  	s0 =	sadd.s32 $0xFFFFFFFF, s28;
	s3 =	sshll.u32 s30, $0xE  }
0x11: {  	[sflag:s17] =	ssyncset.done $0x0;
	s31 =	sadd.s32 $0x1, s30;
	s0 =	sand.u32 $0x1, s0  }
0x12: {  	s3 =	sor.u32 $0x2800, s3;
	[sflag:s17] =	ssyncadd.s32 $0xFFFFC000;
	s29 =	sadd.s32 $0x1, s0  }
0x13: {  	[tilespmem:s3], [sflag:s31] =	stream.indirect.gather [hbm4b:s6+s20], $0x80, s26, s20, $0xb8;
	[tilespmem:$0x1E800] =	vst v63  }
0x14: {  	_ =	swait.ge [sflag:s29], $0x4000  }
0x15: {  	s0 =	sshll.u32 s0, $0xE;
	[sflag:s29] =	ssyncset.done $0x0  }
0x16: {  	s0 =	sor.u32 $0x2800, s0;
	[sflag:s29] =	ssyncadd.s32 $0xFFFFC000  }
0x17: {  	[spmem:s1] =	stream.indirect.scatter.add.f32 [tilespmem:s0], [sflag:$0x3], $0x80, s25, s20, $0xb8;
	[tilespmem:$0x1E800] =	vst v63  }
0x18: {  	_ =	swait.ge [sflag:s17], $0x4000  }
0x19: {  	[sflag:s17] =	ssyncset.done $0x0  }
0x1a: {  	[sflag:s17] =	ssyncadd.s32 $0xFFFFC000  }
0x1b: {  	_ =	swait.ge [sflag:s21], $0x4000  }
0x1c: {  	[sflag:s21] =	ssyncset.done $0x0  }
0x1d: {  	s25 =	smov.u32 s9;
	[sflag:s21] =	ssyncadd.s32 $0xFFFFC000  }
0x1e: {  	[spmem:s1] =	stream.indirect.scatter.add.f32 [tilespmem:s23], [sflag:$0x3], $0x80, s22, s20, $0xb8;
	[tilespmem:$0x1E800] =	vst v63  }
.LBB2_12:
0x1f: {  	_ =	swait.ge [sflag:s17], $0x4000  }
0x20: {  	s24 =	sadd.s32 $0x1, s24;
	[sflag:s17] =	ssyncset.done $0x0  }
0x21: {  	p1 =	sne.s32 s24, s14;
	[sflag:s17] =	ssyncadd.s32 $0xFFFFC000  }
.Ltmp1:
0x22: {  	s0 =	sadd.s32 s25, s8;
	[bflag:$0x0] =	sbarrier.arrive $0xFFFF;
	(pc) =	sbr.rel @!p1 .LBB2_13-.Ltmp1, $4  }
0x23: {  	[hbm:s0], [sflag:s15] =	dma.local [spmem:s16], $0x2800  }
0x24: {  	_ =	swait.ge [sflag:s17], $0x2800  }
0x25: {  	[sflag:s17] =	ssyncset.done $0x0  }
0x26: {  	[sflag:s17] =	ssyncadd.s32 $0xFFFFD800  }
.LBB2_1:
0x27: {  	[spmem:s16], [sflag:s15] =	dma.local [hbm:s4], $0x2800  }
0x28: {  	_ =	swait.ge [sflag:s17], $0x2800  }
0x29: {  	[sflag:s17] =	ssyncset.done $0x0  }
0x2a: {  	[sflag:s17] =	ssyncadd.s32 $0xFFFFD800  }
0x2b: {  	[bflag:$0x0] =	sbarrier.arrive $0xFFFF  }
0x2c: {  	[tilespmem:s2], [sflag:$0x3] =	stream.linear.gather [hbm4b:s10+s2], $0x1400, $0x38;
	[tilespmem:$0x1E800] =	vst v63  }
0x2d: {  	_ =	swait.ge [sflag:s17], $0x1400  }
0x2e: {  	[sflag:s17] =	ssyncset.done $0x0  }
.Ltmp2:
0x2f: {  	[sflag:s17] =	ssyncadd.s32 $0xFFFFEC00;
	(pc) =	sbr.rel @!p0 .LBB2_2-.Ltmp2, $4  }
0x30: {  	[tilespmem:s18], [sflag:$0x3] =	stream.linear.gather [hbm4b:s11+s2], $0x1400, $0x38;
	[tilespmem:$0x1E800] =	vst v63  }
0x31: {  	_ =	swait.ge [sflag:s17], $0x1400  }
0x32: {  	[sflag:s17] =	ssyncset.done $0x0  }
0x33: {  	[sflag:s17] =	ssyncadd.s32 $0xFFFFEC00  }
0x34: {  	s0 =	simm.s32 $0x80;
	s3 =	simm.s32 $0x1  }
0x35: {  	[tilespmem:s19], [sflag:$0x1] =	stream.indirect.gather [hbm4b:s6+s0], $0x80, s2, s0, $0xb8;
	[tilespmem:$0x1E800] =	vst v63  }
0x36: {  	s25 =	simm.s32 $0x0;
	s3 =	sand.u32 $0x1, s3  }
0x37: {  	s25 =	sand.u32 $0x1, s25;
	s26 =	sshll.u32 s3, $0xE  }
0x38: {  	s3 =	sadd.s32 $0x1, s3;
	s28 =	sadd.s32 $0x1, s25;
	s26 =	sor.u32 $0x2800, s26  }
0x39: {  	[tilespmem:s26], [sflag:s3] =	stream.indirect.gather [hbm4b:s6+s20], $0x80, s0, s20, $0xb8;
	[tilespmem:$0x1E800] =	vst v63  }
0x3a: {  	s31 =	simm.s32 $0x1400;
	s29 =	simm.s32 $0x3;
	_ =	swait.ge [sflag:s28], $0x4000  }
0x3b: {  	s26 =	sshll.u32 s25, $0xE;
	s25 =	simm.s32 $0x1480;
	[sflag:s28] =	ssyncset.done $0x0  }
0x3c: {  	s0 =	sor.u32 $0x2800, s26;
	[sflag:s28] =	ssyncadd.s32 $0xFFFFC000;
	s28 =	simm.s32 $0x2  }
0x3d: {  	[spmem:s1] =	stream.indirect.scatter.add.f32 [tilespmem:s0], [sflag:$0x3], $0x80, s31, s20, $0xb8;
	[tilespmem:$0x1E800] =	vst v63  }
0x3e: {  	s26 =	simm.s32 $0x100;
	s30 =	sand.u32 $0x1, s28;
	_ =	swait.ge [sflag:s17], $0x4000  }
.LBB2_8:
0x3f: {  	s0 =	sadd.s32 $0xFFFFFFFF, s28;
	s3 =	sshll.u32 s30, $0xE  }
0x40: {  	[sflag:s17] =	ssyncset.done $0x0;
	s28 =	smov.u32 s29;
	s30 =	sadd.s32 $0x1, s30  }
0x41: {  	p1 =	sne.s32 s29, $0x27;
	s0 =	sand.u32 $0x1, s0;
	s3 =	sor.u32 $0x2800, s3  }
0x42: {  	s31 =	sshll.u32 s0, $0xE;
	s0 =	sadd.s32 $0x1, s0;
	[sflag:s17] =	ssyncadd.s32 $0xFFFFC000  }
0x43: {  	[tilespmem:s3], [sflag:s30] =	stream.indirect.gather [hbm4b:s6+s20], $0x80, s26, s20, $0xb8;
	[tilespmem:$0x1E800] =	vst v63  }
.Ltmp3:
0x44: {  	s3 =	sadd.s32 $0x1, s29;
	_ =	swait.ge [sflag:s0], $0x4000;
	(pc) =	sbr.rel @p1 .LBB2_8-.Ltmp3, $4  }
0x45: {  	s29 =	sor.u32 $0x2800, s31;
	[sflag:s0] =	ssyncset.done $0x0  }
0x46: {  	s26 =	sadd.s32 $0x80, s26;
	s30 =	sand.u32 $0x1, s28;
	[sflag:s0] =	ssyncadd.s32 $0xFFFFC000  }
0x47: {  	[spmem:s1] =	stream.indirect.scatter.add.f32 [tilespmem:s29], [sflag:$0x3], $0x80, s25, s20, $0xb8;
	[tilespmem:$0x1E800] =	vst v63  }
0x48: {  	s25 =	sadd.s32 $0x80, s25;
	s29 =	smov.u32 s3;
	_ =	swait.ge [sflag:s17], $0x4000  }
0x49: {  	s0 =	sadd.s32 $0xFFFFFFFF, s28;
	s3 =	sshll.u32 s30, $0xE  }
0x4a: {  	[sflag:s17] =	ssyncset.done $0x0;
	s28 =	sadd.s32 $0x1, s30;
	s0 =	sand.u32 $0x1, s0  }
0x4b: {  	s3 =	sor.u32 $0x2800, s3;
	[sflag:s17] =	ssyncadd.s32 $0xFFFFC000;
	s29 =	sadd.s32 $0x1, s0  }
0x4c: {  	[tilespmem:s3], [sflag:s28] =	stream.indirect.gather [hbm4b:s6+s20], $0x80, s26, s20, $0xb8;
	[tilespmem:$0x1E800] =	vst v63  }
0x4d: {  	_ =	swait.ge [sflag:s29], $0x4000  }
0x4e: {  	s0 =	sshll.u32 s0, $0xE;
	[sflag:s29] =	ssyncset.done $0x0  }
0x4f: {  	s0 =	sor.u32 $0x2800, s0;
	[sflag:s29] =	ssyncadd.s32 $0xFFFFC000  }
0x50: {  	[spmem:s1] =	stream.indirect.scatter.add.f32 [tilespmem:s0], [sflag:$0x3], $0x80, s25, s20, $0xb8;
	[tilespmem:$0x1E800] =	vst v63  }
0x51: {  	_ =	swait.ge [sflag:s17], $0x4000  }
0x52: {  	[sflag:s17] =	ssyncset.done $0x0  }
0x53: {  	[sflag:s17] =	ssyncadd.s32 $0xFFFFC000  }
0x54: {  	_ =	swait.ge [sflag:s21], $0x4000  }
0x55: {  	[sflag:s21] =	ssyncset.done $0x0  }
0x56: {  	s0 =	simm.s32 $0x80;
	[sflag:s21] =	ssyncadd.s32 $0xFFFFC000  }
0x57: {  	[spmem:s1] =	stream.indirect.scatter.add.f32 [tilespmem:s23], [sflag:$0x3], $0x80, s22, s0, $0xb8;
	[tilespmem:$0x1E800] =	vst v63  }
0x58: {  	_ =	swait.ge [sflag:s17], $0x4000  }
0x59: {  	[sflag:s17] =	ssyncset.done $0x0  }
0x5a: {  	[sflag:s17] =	ssyncadd.s32 $0xFFFFC000  }
0x5b: {  	[tilespmem:s2], [sflag:$0x3] =	stream.linear.gather [hbm4b:s12+s2], $0x1400, $0x38;
	[tilespmem:$0x1E800] =	vst v63  }
0x5c: {  	_ =	swait.ge [sflag:s17], $0x1400  }
0x5d: {  	[sflag:s17] =	ssyncset.done $0x0  }
0x5e: {  	s3 =	simm.s32 $0x1400;
	[sflag:s17] =	ssyncadd.s32 $0xFFFFEC00  }
0x5f: {  	[tilespmem:s3], [sflag:$0x3] =	stream.linear.gather [hbm4b:s13+s2], $0x1400, $0x38;
	[tilespmem:$0x1E800] =	vst v63  }
0x60: {  	s26 =	simm.s32 $0x1;
	_ =	swait.ge [sflag:s17], $0x1400  }
0x61: {  	s31 =	simm.s32 $0x0;
	s25 =	sand.u32 $0x1, s26;
	[sflag:s17] =	ssyncset.done $0x0  }
0x62: {  	s26 =	sand.u32 $0x1, s31;
	s28 =	sshll.u32 s25, $0xE;
	[sflag:s17] =	ssyncadd.s32 $0xFFFFEC00  }
0x63: {  	[tilespmem:s19], [sflag:$0x1] =	stream.indirect.gather [hbm4b:s6+s0], $0x80, s2, s0, $0xb8;
	[tilespmem:$0x1E800] =	vst v63  }
0x64: {  	s25 =	sadd.s32 $0x1, s25;
	s29 =	sadd.s32 $0x1, s26;
	s28 =	sor.u32 $0x2800, s28  }
0x65: {  	[tilespmem:s28], [sflag:s25] =	stream.indirect.gather [hbm4b:s6+s20], $0x80, s0, s20, $0xb8;
	[tilespmem:$0x1E800] =	vst v63  }
0x66: {  	s31 =	sshll.u32 s26, $0xE;
	_ =	swait.ge [sflag:s29], $0x4000  }
0x67: {  	s26 =	simm.s32 $0x100;
	s0 =	sor.u32 $0x2800, s31;
	[sflag:s29] =	ssyncset.done $0x0  }
0x68: {  	s28 =	simm.s32 $0x2;
	s25 =	simm.s32 $0x1480;
	[sflag:s29] =	ssyncadd.s32 $0xFFFFC000  }
0x69: {  	[spmem:s1] =	stream.indirect.scatter.add.f32 [tilespmem:s0], [sflag:$0x3], $0x80, s3, s20, $0xb8;
	[tilespmem:$0x1E800] =	vst v63  }
0x6a: {  	s30 =	sand.u32 $0x1, s28;
	s29 =	simm.s32 $0x3;
	_ =	swait.ge [sflag:s17], $0x4000  }
.LBB2_10:
0x6b: {  	s0 =	sadd.s32 $0xFFFFFFFF, s28;
	s3 =	sshll.u32 s30, $0xE  }
0x6c: {  	[sflag:s17] =	ssyncset.done $0x0;
	s28 =	smov.u32 s29;
	s30 =	sadd.s32 $0x1, s30  }
0x6d: {  	p1 =	sne.s32 s29, $0x27;
	s0 =	sand.u32 $0x1, s0;
	s3 =	sor.u32 $0x2800, s3  }
0x6e: {  	s31 =	sshll.u32 s0, $0xE;
	s0 =	sadd.s32 $0x1, s0;
	[sflag:s17] =	ssyncadd.s32 $0xFFFFC000  }
0x6f: {  	[tilespmem:s3], [sflag:s30] =	stream.indirect.gather [hbm4b:s6+s20], $0x80, s26, s20, $0xb8;
	[tilespmem:$0x1E800] =	vst v63  }
.Ltmp4:
0x70: {  	s3 =	sadd.s32 $0x1, s29;
	_ =	swait.ge [sflag:s0], $0x4000;
	(pc) =	sbr.rel @p1 .LBB2_10-.Ltmp4, $4  }
0x71: {  	s29 =	sor.u32 $0x2800, s31;
	[sflag:s0] =	ssyncset.done $0x0  }
0x72: {  	s26 =	sadd.s32 $0x80, s26;
	s30 =	sand.u32 $0x1, s28;
	[sflag:s0] =	ssyncadd.s32 $0xFFFFC000  }
0x73: {  	[spmem:s1] =	stream.indirect.scatter.add.f32 [tilespmem:s29], [sflag:$0x3], $0x80, s25, s20, $0xb8;
	[tilespmem:$0x1E800] =	vst v63  }
0x74: {  	s25 =	sadd.s32 $0x80, s25;
	s29 =	smov.u32 s3;
	_ =	swait.ge [sflag:s17], $0x4000  }
.Ltmp5:
0x75: {  	_ = 	snop;
	(pc) =	sbr.rel .LBB2_11-.Ltmp5, $1  }
0x76: {  	_ =	sdelay $0x3  }
.LBB2_2:
0x77: {  	s25 =	simm.s32 $0x80;
	s26 =	simm.s32 $0x1  }
0x78: {  	[tilespmem:s19], [sflag:$0x1] =	stream.indirect.gather [hbm4b:s5+s25], $0x80, s2, s25, $0xb8;
	[tilespmem:$0x1E800] =	vst v63  }
0x79: {  	s28 =	simm.s32 $0x0;
	s26 =	sand.u32 $0x1, s26  }
0x7a: {  	s28 =	sand.u32 $0x1, s28;
	s29 =	sshll.u32 s26, $0xE  }
0x7b: {  	s26 =	sadd.s32 $0x1, s26;
	s30 =	sadd.s32 $0x1, s28;
	s29 =	sor.u32 $0x2800, s29  }
0x7c: {  	[tilespmem:s29], [sflag:s26] =	stream.indirect.gather [hbm4b:s5+s20], $0x80, s25, s20, $0xb8;
	[tilespmem:$0x1E800] =	vst v63  }
0x7d: {  	s31 =	simm.s32 $0x1400;
	s26 =	sshll.u32 s28, $0xE;
	_ =	swait.ge [sflag:s30], $0x4000  }
0x7e: {  	s28 =	simm.s32 $0x2;
	s29 =	simm.s32 $0x3;
	[sflag:s30] =	ssyncset.done $0x0  }
0x7f: {  	s25 =	sor.u32 $0x2800, s26;
	s26 =	simm.s32 $0x100;
	[sflag:s30] =	ssyncadd.s32 $0xFFFFC000  }
0x80: {  	[spmem:s1] =	stream.indirect.scatter.add.f32 [tilespmem:s25], [sflag:$0x3], $0x80, s31, s20, $0xb8;
	[tilespmem:$0x1E800] =	vst v63  }
0x81: {  	s30 =	sand.u32 $0x1, s28;
	s25 =	simm.s32 $0x1480;
	_ =	swait.ge [sflag:s17], $0x4000  }
.LBB2_3:
0x82: {  	s31 =	sadd.s32 $0xFFFFFFFF, s28;
	s0 =	sshll.u32 s30, $0xE  }
0x83: {  	[sflag:s17] =	ssyncset.done $0x0;
	s28 =	smov.u32 s29;
	s30 =	sadd.s32 $0x1, s30  }
0x84: {  	p1 =	sne.s32 s29, $0x27;
	s31 =	sand.u32 $0x1, s31;
	s0 =	sor.u32 $0x2800, s0  }
0x85: {  	s3 =	sshll.u32 s31, $0xE;
	s31 =	sadd.s32 $0x1, s31;
	[sflag:s17] =	ssyncadd.s32 $0xFFFFC000  }
0x86: {  	[tilespmem:s0], [sflag:s30] =	stream.indirect.gather [hbm4b:s5+s20], $0x80, s26, s20, $0xb8;
	[tilespmem:$0x1E800] =	vst v63  }
.Ltmp6:
0x87: {  	s0 =	sadd.s32 $0x1, s29;
	_ =	swait.ge [sflag:s31], $0x4000;
	(pc) =	sbr.rel @p1 .LBB2_3-.Ltmp6, $4  }
0x88: {  	s3 =	sor.u32 $0x2800, s3;
	[sflag:s31] =	ssyncset.done $0x0  }
0x89: {  	s26 =	sadd.s32 $0x80, s26;
	s30 =	sand.u32 $0x1, s28;
	[sflag:s31] =	ssyncadd.s32 $0xFFFFC000  }
0x8a: {  	[spmem:s1] =	stream.indirect.scatter.add.f32 [tilespmem:s3], [sflag:$0x3], $0x80, s25, s20, $0xb8;
	[tilespmem:$0x1E800] =	vst v63  }
0x8b: {  	s29 =	smov.u32 s0;
	s25 =	sadd.s32 $0x80, s25;
	_ =	swait.ge [sflag:s17], $0x4000  }
0x8c: {  	s0 =	sadd.s32 $0xFFFFFFFF, s28;
	s3 =	sshll.u32 s30, $0xE  }
0x8d: {  	[sflag:s17] =	ssyncset.done $0x0;
	s28 =	sadd.s32 $0x1, s30;
	s0 =	sand.u32 $0x1, s0  }
0x8e: {  	s3 =	sor.u32 $0x2800, s3;
	[sflag:s17] =	ssyncadd.s32 $0xFFFFC000;
	s29 =	sadd.s32 $0x1, s0  }
0x8f: {  	[tilespmem:s3], [sflag:s28] =	stream.indirect.gather [hbm4b:s5+s20], $0x80, s26, s20, $0xb8;
	[tilespmem:$0x1E800] =	vst v63  }
0x90: {  	_ =	swait.ge [sflag:s29], $0x4000  }
0x91: {  	s0 =	sshll.u32 s0, $0xE;
	[sflag:s29] =	ssyncset.done $0x0  }
0x92: {  	s0 =	sor.u32 $0x2800, s0;
	[sflag:s29] =	ssyncadd.s32 $0xFFFFC000  }
0x93: {  	[spmem:s1] =	stream.indirect.scatter.add.f32 [tilespmem:s0], [sflag:$0x3], $0x80, s25, s20, $0xb8;
	[tilespmem:$0x1E800] =	vst v63  }
0x94: {  	_ =	swait.ge [sflag:s17], $0x4000  }
0x95: {  	[sflag:s17] =	ssyncset.done $0x0  }
0x96: {  	[sflag:s17] =	ssyncadd.s32 $0xFFFFC000  }
0x97: {  	_ =	swait.ge [sflag:s21], $0x4000  }
0x98: {  	[sflag:s21] =	ssyncset.done $0x0  }
0x99: {  	s0 =	simm.s32 $0x80;
	[sflag:s21] =	ssyncadd.s32 $0xFFFFC000  }
0x9a: {  	[spmem:s1] =	stream.indirect.scatter.add.f32 [tilespmem:s23], [sflag:$0x3], $0x80, s22, s0, $0xb8;
	[tilespmem:$0x1E800] =	vst v63  }
0x9b: {  	_ =	swait.ge [sflag:s17], $0x4000  }
0x9c: {  	[sflag:s17] =	ssyncset.done $0x0  }
0x9d: {  	[sflag:s17] =	ssyncadd.s32 $0xFFFFC000  }
0x9e: {  	[tilespmem:s2], [sflag:$0x3] =	stream.linear.gather [hbm4b:s12+s2], $0x1400, $0x38;
	[tilespmem:$0x1E800] =	vst v63  }
0x9f: {  	_ =	swait.ge [sflag:s17], $0x1400  }
0xa0: {  	[sflag:s17] =	ssyncset.done $0x0  }
0xa1: {  	s3 =	simm.s32 $0x1400;
	[sflag:s17] =	ssyncadd.s32 $0xFFFFEC00  }
0xa2: {  	[tilespmem:s3], [sflag:$0x3] =	stream.linear.gather [hbm4b:s13+s2], $0x1400, $0x38;
	[tilespmem:$0x1E800] =	vst v63  }
0xa3: {  	s26 =	simm.s32 $0x1;
	_ =	swait.ge [sflag:s17], $0x1400  }
0xa4: {  	s31 =	simm.s32 $0x0;
	s25 =	sand.u32 $0x1, s26;
	[sflag:s17] =	ssyncset.done $0x0  }
0xa5: {  	s26 =	sand.u32 $0x1, s31;
	s28 =	sshll.u32 s25, $0xE;
	[sflag:s17] =	ssyncadd.s32 $0xFFFFEC00  }
0xa6: {  	[tilespmem:s19], [sflag:$0x1] =	stream.indirect.gather [hbm4b:s5+s0], $0x80, s2, s0, $0xb8;
	[tilespmem:$0x1E800] =	vst v63  }
0xa7: {  	s25 =	sadd.s32 $0x1, s25;
	s29 =	sadd.s32 $0x1, s26;
	s28 =	sor.u32 $0x2800, s28  }
0xa8: {  	[tilespmem:s28], [sflag:s25] =	stream.indirect.gather [hbm4b:s5+s20], $0x80, s0, s20, $0xb8;
	[tilespmem:$0x1E800] =	vst v63  }
0xa9: {  	s31 =	sshll.u32 s26, $0xE;
	_ =	swait.ge [sflag:s29], $0x4000  }
0xaa: {  	s26 =	simm.s32 $0x100;
	s0 =	sor.u32 $0x2800, s31;
	[sflag:s29] =	ssyncset.done $0x0  }
0xab: {  	s28 =	simm.s32 $0x2;
	s25 =	simm.s32 $0x1480;
	[sflag:s29] =	ssyncadd.s32 $0xFFFFC000  }
0xac: {  	[spmem:s1] =	stream.indirect.scatter.add.f32 [tilespmem:s0], [sflag:$0x3], $0x80, s3, s20, $0xb8;
	[tilespmem:$0x1E800] =	vst v63  }
0xad: {  	s30 =	sand.u32 $0x1, s28;
	s29 =	simm.s32 $0x3;
	_ =	swait.ge [sflag:s17], $0x4000  }
.LBB2_5:
0xae: {  	s0 =	sadd.s32 $0xFFFFFFFF, s28;
	s3 =	sshll.u32 s30, $0xE  }
0xaf: {  	[sflag:s17] =	ssyncset.done $0x0;
	s28 =	smov.u32 s29;
	s30 =	sadd.s32 $0x1, s30  }
0xb0: {  	p1 =	sne.s32 s29, $0x27;
	s0 =	sand.u32 $0x1, s0;
	s3 =	sor.u32 $0x2800, s3  }
0xb1: {  	s31 =	sshll.u32 s0, $0xE;
	s0 =	sadd.s32 $0x1, s0;
	[sflag:s17] =	ssyncadd.s32 $0xFFFFC000  }
0xb2: {  	[tilespmem:s3], [sflag:s30] =	stream.indirect.gather [hbm4b:s5+s20], $0x80, s26, s20, $0xb8;
	[tilespmem:$0x1E800] =	vst v63  }
.Ltmp7:
0xb3: {  	s3 =	sadd.s32 $0x1, s29;
	_ =	swait.ge [sflag:s0], $0x4000;
	(pc) =	sbr.rel @p1 .LBB2_5-.Ltmp7, $4  }
0xb4: {  	s29 =	sor.u32 $0x2800, s31;
	[sflag:s0] =	ssyncset.done $0x0  }
0xb5: {  	s26 =	sadd.s32 $0x80, s26;
	s30 =	sand.u32 $0x1, s28;
	[sflag:s0] =	ssyncadd.s32 $0xFFFFC000  }
0xb6: {  	[spmem:s1] =	stream.indirect.scatter.add.f32 [tilespmem:s29], [sflag:$0x3], $0x80, s25, s20, $0xb8;
	[tilespmem:$0x1E800] =	vst v63  }
0xb7: {  	s25 =	sadd.s32 $0x80, s25;
	s29 =	smov.u32 s3;
	_ =	swait.ge [sflag:s17], $0x4000  }
0xb8: {  	s0 =	sadd.s32 $0xFFFFFFFF, s28;
	s3 =	sshll.u32 s30, $0xE  }
0xb9: {  	[sflag:s17] =	ssyncset.done $0x0;
	s31 =	sadd.s32 $0x1, s30;
	s0 =	sand.u32 $0x1, s0  }
0xba: {  	s3 =	sor.u32 $0x2800, s3;
	[sflag:s17] =	ssyncadd.s32 $0xFFFFC000;
	s29 =	sadd.s32 $0x1, s0  }
0xbb: {  	[tilespmem:s3], [sflag:s31] =	stream.indirect.gather [hbm4b:s5+s20], $0x80, s26, s20, $0xb8;
	[tilespmem:$0x1E800] =	vst v63  }
0xbc: {  	_ =	swait.ge [sflag:s29], $0x4000  }
0xbd: {  	s0 =	sshll.u32 s0, $0xE;
	[sflag:s29] =	ssyncset.done $0x0  }
0xbe: {  	s0 =	sor.u32 $0x2800, s0;
	[sflag:s29] =	ssyncadd.s32 $0xFFFFC000  }
0xbf: {  	[spmem:s1] =	stream.indirect.scatter.add.f32 [tilespmem:s0], [sflag:$0x3], $0x80, s25, s20, $0xb8;
	[tilespmem:$0x1E800] =	vst v63  }
0xc0: {  	_ =	swait.ge [sflag:s17], $0x4000  }
0xc1: {  	[sflag:s17] =	ssyncset.done $0x0  }
.Ltmp8:
0xc2: {  	[sflag:s17] =	ssyncadd.s32 $0xFFFFC000;
	(pc) =	sbr.rel .LBB2_12-.Ltmp8, $4  }
0xc3: {  	_ =	swait.ge [sflag:s21], $0x4000  }
0xc4: {  	[sflag:s21] =	ssyncset.done $0x0  }
0xc5: {  	s25 =	smov.u32 s7;
	[sflag:s21] =	ssyncadd.s32 $0xFFFFC000  }
0xc6: {  	[spmem:s1] =	stream.indirect.scatter.add.f32 [tilespmem:s23], [sflag:$0x3], $0x80, s22, s20, $0xb8;
	[tilespmem:$0x1E800] =	vst v63  }
.LBB2_13:
0xc7: {  	_ =	sfence.sel $0x180000  }
0xc8: {  	[bflag:$0x0] =	sbarrier.arrive $0xFFFF  }
0xc9: {  	_ =	strace $0x90000050  }
0xca: {  	s0 =	stileid.u32;
	[bflag:$0x2] =	sbarrier.arrive $0xFFFF  }
0xcb: {  	p0 =	sne.s32 s0, $0x0;
	s0 =	rddreg [dreg:$0x2]  }
0xcc: {  	s0 =	sadd.s32 @!p0 $0x100000, s0  }
0xcd: {  	[sflag:s0] =	ssyncadd.tile.s32 @!p0 $0x1;
	_ =	shalt  }
.Lfunc_end2:
_tile_overlayer_lowered:
.L_overlay_start_2:
0xce: {  	(tag) =	ssettag $0x2  }
0xcf: {  	s0 =	rddreg [dreg:$0x0];
	s2 =	stileid.u32  }
0xd0: {  	s1 =	rddreg [dreg:$0x1];
	p0 =	sne.s32 s2, $0x0  }
0xd1: {  	s3 =	rddreg [dreg:$0x2];
	[bflag:$0x3] =	sbarrier.arrive $0xFFFF;
	s2 =	simm.s32 @!p0 $0x1C03  }
0xd2: {  	[timem:s3], [sflag:s2] =	dma.local @!p0 [hbm:s0], s1  }
0xd3: {  	s0 =	simm.s32 @!p0 $0x3  }
0xd4: {  	_ =	swait.ge @!p0 [sflag:s0], s1  }
0xd5: {  	s1 =	ssub.s32 @!p0 $0x0, s1;
	[sflag:s0] =	ssyncset.done @!p0 $0x0  }
0xd6: {  	[sflag:s0] =	ssyncadd.s32 @!p0 s1  }
0xd7: {  	[bflag:$0x3] =	sbarrier.arrive $0xFFFF  }
0xd8: {  	_ =	shalt  }

</sc_bundles>
